<compile_context>
chip_gen: v7x
topology: tpu7x:2x2x1
jax: 0.10.2.dev20260603
libtpu: 0.0.44.dev20260713+nightly
codegen_flags: <defaults>
</compile_context>

<pallas_src>
import functools

import jax
import jax.numpy as jnp
from jax import lax
from jax.experimental import pallas as pl
from jax.experimental.pallas import tpu as pltpu
from jax.experimental.pallas import tpu_sc as plsc

N = 10000
E = 320000
D = 128
HOPS = 3
SIGMA = 0.1

NC = 2
NS = 16
L = 16
DH = D // NC

E_PER_T = E // NS
CHUNK = 400
N_CHUNKS = E_PER_T // CHUNK
N_PAIRS = N_CHUNKS // 2
GROUPS = CHUNK // L
ROWS_PER_TILE = 624
ROWS_LAST_EXTRA = N - NS * ROWS_PER_TILE

SELU_ALPHA = 1.6732632423543772
SELU_SCALE = 1.0507009873554805


def _tc_stage_body(p_ref, nz_ref, w_ref, bk_ref, h_ref, hs_ref, s1_ref,
                   s2_ref):
    agg = jnp.concatenate([p_ref[0], p_ref[1]], axis=1) + nz_ref[...]
    nrm = jnp.sqrt(jnp.sum(agg * agg, axis=1, keepdims=True))
    h = agg / jnp.maximum(nrm, 1e-12)
    h_ref[...] = h
    hs_ref[0] = h[:, :DH]
    hs_ref[1] = h[:, DH:]
    s1_ref[...] = jnp.sum(h * w_ref[0:1, :], axis=1)
    s2_ref[...] = jnp.sum(h * w_ref[1:2, :], axis=1) + bk_ref[0, 0]


def _tc_stage(p, nz, wk, bk):
    return pl.pallas_call(
        _tc_stage_body,
        out_shape=(
            jax.ShapeDtypeStruct((N, D), jnp.float32),
            jax.ShapeDtypeStruct((NC, N, DH), jnp.float32),
            jax.ShapeDtypeStruct((N,), jnp.float32),
            jax.ShapeDtypeStruct((N,), jnp.float32),
        ),
        in_specs=[
            pl.BlockSpec(memory_space=pltpu.VMEM),
            pl.BlockSpec(memory_space=pltpu.VMEM),
            pl.BlockSpec(memory_space=pltpu.VMEM),
            pl.BlockSpec(memory_space=pltpu.SMEM),
        ],
        out_specs=(
            pl.BlockSpec(memory_space=pltpu.VMEM),
            pl.BlockSpec(memory_space=pltpu.VMEM),
            pl.BlockSpec(memory_space=pltpu.VMEM),
            pl.BlockSpec(memory_space=pltpu.VMEM),
        ),
    )(p, nz, wk, bk)


def _sc_hop_body(hs_hbm, s1_hbm, s2_hbm, src_hbm, dst_hbm, part_hbm,
                 s1_v, s2_v, src0_v, dst0_v, src1_v, dst1_v,
                 rows0_v, rows1_v, alpha_v, aggr_sh,
                 gsem0, gsem1, ssem0, ssem1):
    cid = lax.axis_index("c")
    sid = lax.axis_index("s")
    bufs = ((src0_v, dst0_v, rows0_v, gsem0, ssem0),
            (src1_v, dst1_v, rows1_v, gsem1, ssem1))

    zero16 = jnp.zeros((L,), jnp.float32)

    def zbody(j, _):
        for cc in range(DH // L):
            rows0_v[j, pl.ds(cc * L, L)] = zero16
        return 0

    lax.fori_loop(0, CHUNK, zbody, 0)
    row0 = sid * ROWS_PER_TILE
    pltpu.sync_copy(rows0_v.at[pl.ds(0, CHUNK)],
                    aggr_sh.at[pl.ds(row0, CHUNK)])
    pltpu.sync_copy(rows0_v.at[pl.ds(0, ROWS_PER_TILE - CHUNK)],
                    aggr_sh.at[pl.ds(row0 + CHUNK, ROWS_PER_TILE - CHUNK)])

    @pl.when(sid == NS - 1)
    def _zero_tail():
        pltpu.sync_copy(rows0_v.at[pl.ds(0, ROWS_LAST_EXTRA)],
                        aggr_sh.at[pl.ds(NS * ROWS_PER_TILE, ROWS_LAST_EXTRA)])

    pltpu.sync_copy(s1_hbm, s1_v)
    pltpu.sync_copy(s2_hbm, s2_v)
    plsc.subcore_barrier()

    zeros_i = jnp.zeros((L,), jnp.int32)
    ebase = sid * E_PER_T

    def fetch(p, chunk_idx):
        src_v, dst_v, rows_v, gsem, _ = bufs[p]
        off = ebase + chunk_idx * CHUNK
        pltpu.sync_copy(src_hbm.at[pl.ds(off, CHUNK)], src_v)
        pltpu.sync_copy(dst_hbm.at[pl.ds(off, CHUNK)], dst_v)
        pltpu.async_copy(hs_hbm.at[cid].at[src_v], rows_v, gsem)

    def drain_scatter(p):
        _, _, rows_v, _, ssem = bufs[p]
        pltpu.make_async_copy(rows_v, aggr_sh.at[pl.ds(0, CHUNK)], ssem).wait()

    def process(p):
        src_v, dst_v, rows_v, gsem, ssem = bufs[p]
        pltpu.make_async_copy(
            hs_hbm.at[cid].at[src_v], rows_v, gsem).wait()

        def alpha_body(g):
            base = g * L
            srcg = src_v[pl.ds(base, L)]
            dstg = dst_v[pl.ds(base, L)]
            a = plsc.load_gather(s1_v, [srcg]) + plsc.load_gather(s2_v, [dstg])
            selu = SELU_SCALE * jnp.where(
                a > 0.0, a, SELU_ALPHA * (jnp.exp(a) - 1.0))
            alpha_v[pl.ds(base, L)] = 1.0 / (1.0 + jnp.exp(-selu))

        plsc.parallel_loop(0, 1, unroll=1)(alpha_body)

        def scale_body(j):
            av = plsc.load_gather(alpha_v, [zeros_i + j])
            for cc in range(DH // L):
                sl = pl.ds(cc * L, L)
                rows_v[j, sl] = rows_v[j, sl] * av

        plsc.parallel_loop(0, L, unroll=4)(scale_body)
        pltpu.async_copy(rows_v, aggr_sh.at[dst_v], ssem, add=True)

    fetch(0, 0)
    fetch(1, 1)

    def pair_body(i2, _):
        process(0)
        process(1)

        @pl.when(i2 < N_PAIRS - 1)
        def _prefetch():
            drain_scatter(0)
            fetch(0, 2 * i2 + 2)
            drain_scatter(1)
            fetch(1, 2 * i2 + 3)

        return 0

    lax.fori_loop(0, N_PAIRS, pair_body, 0)
    drain_scatter(0)
    drain_scatter(1)
    plsc.subcore_barrier()

    pltpu.sync_copy(aggr_sh.at[pl.ds(row0, ROWS_PER_TILE)],
                    part_hbm.at[cid, pl.ds(row0, ROWS_PER_TILE)])

    @pl.when(sid == NS - 1)
    def _write_tail():
        pltpu.sync_copy(aggr_sh.at[pl.ds(NS * ROWS_PER_TILE, ROWS_LAST_EXTRA)],
                        part_hbm.at[cid, pl.ds(NS * ROWS_PER_TILE,
                                               ROWS_LAST_EXTRA)])


_sc_hop = functools.partial(
    pl.kernel,
    out_type=jax.ShapeDtypeStruct((NC, N, DH), jnp.float32),
    mesh=plsc.VectorSubcoreMesh(core_axis_name="c", subcore_axis_name="s"),
    scratch_types=[
        pltpu.VMEM((N,), jnp.float32),
        pltpu.VMEM((N,), jnp.float32),
        pltpu.VMEM((CHUNK,), jnp.int32),
        pltpu.VMEM((CHUNK,), jnp.int32),
        pltpu.VMEM((CHUNK,), jnp.int32),
        pltpu.VMEM((CHUNK,), jnp.int32),
        pltpu.VMEM((CHUNK, DH), jnp.float32),
        pltpu.VMEM((CHUNK, DH), jnp.float32),
        pltpu.VMEM((CHUNK,), jnp.float32),
        pltpu.VMEM_SHARED((N, DH), jnp.float32),
        pltpu.SemaphoreType.DMA,
        pltpu.SemaphoreType.DMA,
        pltpu.SemaphoreType.DMA,
        pltpu.SemaphoreType.DMA,
    ],
    compiler_params=pltpu.CompilerParams(needs_layout_passes=False,
                                         use_tc_tiling_on_sc=False),
)(_sc_hop_body)


@jax.jit
def kernel(x, edge_index, W, b):
    src = edge_index[0]
    dst = edge_index[1]
    zeros_nd = jnp.zeros((N, D), jnp.float32)
    xsplit = jnp.stack([x[:, :DH], x[:, DH:]])

    noises = [
        SIGMA * jax.random.normal(
            jax.random.fold_in(jax.random.key(1), k), (N, D), dtype=jnp.float32)
        for k in range(HOPS)
    ]

    outs = []
    p, nz = xsplit, zeros_nd
    for k in range(HOPS + 1):
        wk = W[min(k, HOPS - 1)].reshape(2, D)
        bk = b[min(k, HOPS - 1)].reshape(1, 1)
        h, hs, s1, s2 = _tc_stage(p, nz, wk, bk)
        outs.append(h)
        if k == HOPS:
            break
        p = _sc_hop(hs, s1, s2, src, dst)
        nz = noises[k]

    return jnp.stack(outs)

# --- scband reference (transcript-rebuilt; emitter-appended) ---
"""Pipeline reference for scband-pmat-24842090840470 (READ-ONLY COPY).

The authoritative reference and input builder live on the scoring server;
editing this copy changes nothing except your own understanding.
"""

import jax, jax.numpy as jnp
import numpy as np

N = 10000
E = 320000
D = 128
HOPS = 3
SIGMA = 0.1


def _l2_normalize(x):
    n = jnp.linalg.norm(x, axis=1, keepdims=True)
    return x / jnp.maximum(n, 1e-12)


def setup_inputs(seed: int = 0) -> dict:
    key = jax.random.key(seed)
    k1, k2, k3 = jax.random.split(key, 3)
    x = jax.random.normal(k1, (N, D), dtype=jnp.float32)
    edge_index = jax.random.randint(k2, (2, E), 0, N, dtype=jnp.int32)
    # Per-hop attention MLP params: Linear(2*D -> 1) for each hop
    W = jax.random.normal(k3, (HOPS, 2 * D), dtype=jnp.float32) * (1.0 / np.sqrt(2 * D))
    b = jnp.zeros((HOPS,), dtype=jnp.float32)
    return {"x": x, "edge_index": edge_index, "W": W, "b": b}


def reference(x, edge_index, W, b):
    src = edge_index[0]
    dst = edge_index[1]
    out = [_l2_normalize(x)]
    for k in range(HOPS):
        h = out[-1]
        # h[edge_index.T].reshape(E, 2*D) == concat(h[src], h[dst]) along feature dim
        pair = jnp.concatenate([h[src], h[dst]], axis=1)  # [E, 2D]
        e_values = jax.nn.selu(pair @ W[k] + b[k])  # [E]
        alpha = jax.nn.sigmoid(e_values)  # [E]
        # sparse_coo(edge_index, alpha).T @ h => aggr[dst] += alpha * h[src]
        aggr = jax.ops.segment_sum(alpha[:, None] * h[src], dst, num_segments=N)
        noise = SIGMA * jax.random.normal(jax.random.fold_in(jax.random.key(1), k), (N, D), dtype=jnp.float32)
        out.append(_l2_normalize(aggr + noise))
    return jnp.stack(out)

if __name__ == "__main__":
    import jax
    _d = setup_inputs()
    print(jax.jit(kernel)(*tuple(_d.values())))

</pallas_src>

<mosaic_0001>
#map = affine_map<(d0, d1) -> (0, 0, 0)>
#map1 = affine_map<(d0, d1) -> (0)>
module attributes {stable_mosaic.version = 14 : i64} {
  func.func @_sc_hop_body(%arg0: i32, %arg1: i32, %arg2: memref<2x10000x64xf32, #tpu.memory_space<hbm>>, %arg3: memref<10000xf32, #tpu.memory_space<hbm>>, %arg4: memref<10000xf32, #tpu.memory_space<hbm>>, %arg5: memref<320000xi32, #tpu.memory_space<hbm>>, %arg6: memref<320000xi32, #tpu.memory_space<hbm>>, %arg7: memref<2x10000x64xf32, #tpu.memory_space<hbm>>, %arg8: memref<10000xf32, #tpu.memory_space<vmem>>, %arg9: memref<10000xf32, #tpu.memory_space<vmem>>, %arg10: memref<400xi32, #tpu.memory_space<vmem>>, %arg11: memref<400xi32, #tpu.memory_space<vmem>>, %arg12: memref<400xi32, #tpu.memory_space<vmem>>, %arg13: memref<400xi32, #tpu.memory_space<vmem>>, %arg14: memref<400x64xf32, #tpu.memory_space<vmem>>, %arg15: memref<400x64xf32, #tpu.memory_space<vmem>>, %arg16: memref<400xf32, #tpu.memory_space<vmem>>, %arg17: memref<10000x64xf32, #tpu.memory_space<vmem_shared>>, %arg18: memref<!tpu.dma_semaphore, #tpu.memory_space<semaphore_mem>>, %arg19: memref<!tpu.dma_semaphore, #tpu.memory_space<semaphore_mem>>, %arg20: memref<!tpu.dma_semaphore, #tpu.memory_space<semaphore_mem>>, %arg21: memref<!tpu.dma_semaphore, #tpu.memory_space<semaphore_mem>>) attributes {dimension_semantics = [#tpu.dimension_semantics<core_parallel>, #tpu.dimension_semantics<subcore_parallel>], iteration_bounds = array<i64: 2, 16>, scalar_prefetch = 0 : i64, scratch_operands = 14 : i64, tpu.core_type = #tpu.core_type<sc_vector_subcore>, window_params = [{transform_indices = #map}, {transform_indices = #map1}, {transform_indices = #map1}, {transform_indices = #map1}, {transform_indices = #map1}, {transform_indices = #map}]} {
    %broadcast_in_dim3A = arith.constant 0.000000e+00 : f32
    %broadcast_in_dim3A_0 = vector.broadcast %broadcast_in_dim3A : f32 to vector<16xf32>
    %scan3A = arith.constant 0 : i32
    %scan3A_1 = arith.constant 0 : i32
    %scan3A_2 = arith.constant 400 : i32
    %scan3A_3 = arith.addi %scan3A_1, %scan3A_2 : i32
    %scan3A_4 = arith.constant 1 : i32
    %scan3A_5 = scf.for %scan3A_56 = %scan3A_1 to %scan3A_3 step %scan3A_4 iter_args(%scan3A_57 = %scan3A) -> (i32)  : i32 {
      %swap3A = arith.index_cast %scan3A_56 : i32 to index
      %swap3A_58 = arith.constant 0 : index
      %swap3A_59 = tpu.vector_load %arg14[%swap3A, %swap3A_58] {strides = array<i32>} : memref<400x64xf32, #tpu.memory_space<vmem>>, vector<16xf32>,
      tpu.vector_store %arg14[%swap3A, %swap3A_58], %broadcast_in_dim3A_0 {strides = array<i32>} : memref<400x64xf32, #tpu.memory_space<vmem>>, vector<16xf32>,
      %swap3A_60 = arith.index_cast %scan3A_56 : i32 to index
      %swap3A_61 = arith.constant 16 : index
      %swap3A_62 = tpu.vector_load %arg14[%swap3A_60, %swap3A_61] {strides = array<i32>} : memref<400x64xf32, #tpu.memory_space<vmem>>, vector<16xf32>,
      tpu.vector_store %arg14[%swap3A_60, %swap3A_61], %broadcast_in_dim3A_0 {strides = array<i32>} : memref<400x64xf32, #tpu.memory_space<vmem>>, vector<16xf32>,
      %swap3A_63 = arith.index_cast %scan3A_56 : i32 to index
      %swap3A_64 = arith.constant 32 : index
      %swap3A_65 = tpu.vector_load %arg14[%swap3A_63, %swap3A_64] {strides = array<i32>} : memref<400x64xf32, #tpu.memory_space<vmem>>, vector<16xf32>,
      tpu.vector_store %arg14[%swap3A_63, %swap3A_64], %broadcast_in_dim3A_0 {strides = array<i32>} : memref<400x64xf32, #tpu.memory_space<vmem>>, vector<16xf32>,
      %swap3A_66 = arith.index_cast %scan3A_56 : i32 to index
      %swap3A_67 = arith.constant 48 : index
      %swap3A_68 = tpu.vector_load %arg14[%swap3A_66, %swap3A_67] {strides = array<i32>} : memref<400x64xf32, #tpu.memory_space<vmem>>, vector<16xf32>,
      tpu.vector_store %arg14[%swap3A_66, %swap3A_67], %broadcast_in_dim3A_0 {strides = array<i32>} : memref<400x64xf32, #tpu.memory_space<vmem>>, vector<16xf32>,
      %scan3A_69 = arith.constant 0 : i32
      scf.yield %scan3A_69 : i32
    }
    %scan3A_6 = arith.constant 400 : i32
    %mul3A = arith.constant 624 : i32
    %mul3A_7 = arith.muli %arg1, %mul3A : i32
    "tpu.region"() ({
      %run_scoped3A = tpu.sem_alloc : memref<!tpu.dma_semaphore, #tpu.memory_space<semaphore_mem>>
      %dma_start3A_56 = arith.constant 0 : i32
      %dma_start3A_57 = arith.constant 0 : i32
      %dma_start3A_58 = tpu.memref_slice %arg14[%dma_start3A_56, %dma_start3A_57] : memref<400x64xf32, #tpu.memory_space<vmem>> -> memref<400x64xf32, #tpu.memory_space<vmem>>
      %dma_start3A_59 = arith.constant 0 : i32
      %dma_start3A_60 = tpu.memref_slice %arg17[%mul3A_7, %dma_start3A_59] : memref<10000x64xf32, #tpu.memory_space<vmem_shared>> -> memref<400x64xf32, #tpu.memory_space<vmem_shared>>
      %dma_start3A_61 = arith.constant 0 : i32
      %dma_start3A_62 = tpu.memref_slice %arg17[%mul3A_7, %dma_start3A_61] : memref<10000x64xf32, #tpu.memory_space<vmem_shared>> -> memref<400x64xf32, #tpu.memory_space<vmem_shared>>
      %dma_start3A_63 = arith.constant 0 : i32
      %dma_start3A_64 = arith.constant 0 : i32
      %dma_start3A_65 = tpu.memref_slice %arg14[%dma_start3A_63, %dma_start3A_64] : memref<400x64xf32, #tpu.memory_space<vmem>> -> memref<400x64xf32, #tpu.memory_space<vmem>>
      tpu.enqueue_dma source(%dma_start3A_65 : memref<400x64xf32, #tpu.memory_space<vmem>>) target(%dma_start3A_62 : memref<400x64xf32, #tpu.memory_space<vmem_shared>>) target_semaphore(%run_scoped3A : memref<!tpu.dma_semaphore, #tpu.memory_space<semaphore_mem>>)
      %dma_wait3A_66 = arith.constant 0 : i32
      %dma_wait3A_67 = arith.constant 0 : i32
      %dma_wait3A_68 = tpu.memref_slice %arg14[%dma_wait3A_66, %dma_wait3A_67] : memref<400x64xf32, #tpu.memory_space<vmem>> -> memref<400x64xf32, #tpu.memory_space<vmem>>
      %dma_wait3A_69 = arith.constant 0 : i32
      %dma_wait3A_70 = tpu.memref_slice %arg17[%mul3A_7, %dma_wait3A_69] : memref<10000x64xf32, #tpu.memory_space<vmem_shared>> -> memref<400x64xf32, #tpu.memory_space<vmem_shared>>
      %dma_wait3A_71 = arith.constant 0 : i32
      %dma_wait3A_72 = tpu.memref_slice %arg17[%mul3A_7, %dma_wait3A_71] : memref<10000x64xf32, #tpu.memory_space<vmem_shared>> -> memref<400x64xf32, #tpu.memory_space<vmem_shared>>
      %dma_wait3A_73 = arith.constant 0 : i32
      %dma_wait3A_74 = arith.constant 0 : i32
      %dma_wait3A_75 = tpu.memref_slice %arg14[%dma_wait3A_73, %dma_wait3A_74] : memref<400x64xf32, #tpu.memory_space<vmem>> -> memref<400x64xf32, #tpu.memory_space<vmem>>
      tpu.wait_dma2 semaphore(%run_scoped3A : memref<!tpu.dma_semaphore, #tpu.memory_space<semaphore_mem>>) src(%dma_wait3A_75 : memref<400x64xf32, #tpu.memory_space<vmem>>) dst(%dma_wait3A_72 : memref<400x64xf32, #tpu.memory_space<vmem_shared>>)
      tpu.yield
    }) : () -> ()
    %add3A = arith.constant 400 : i32
    %add3A_8 = arith.addi %mul3A_7, %add3A : i32
    "tpu.region"() ({
      %run_scoped3A = tpu.sem_alloc : memref<!tpu.dma_semaphore, #tpu.memory_space<semaphore_mem>>
      %dma_start3A_56 = arith.constant 0 : i32
      %dma_start3A_57 = arith.constant 0 : i32
      %dma_start3A_58 = tpu.memref_slice %arg14[%dma_start3A_56, %dma_start3A_57] : memref<400x64xf32, #tpu.memory_space<vmem>> -> memref<224x64xf32, #tpu.memory_space<vmem>>
      %dma_start3A_59 = arith.constant 0 : i32
      %dma_start3A_60 = tpu.memref_slice %arg17[%add3A_8, %dma_start3A_59] : memref<10000x64xf32, #tpu.memory_space<vmem_shared>> -> memref<224x64xf32, #tpu.memory_space<vmem_shared>>
      %dma_start3A_61 = arith.constant 0 : i32
      %dma_start3A_62 = tpu.memref_slice %arg17[%add3A_8, %dma_start3A_61] : memref<10000x64xf32, #tpu.memory_space<vmem_shared>> -> memref<224x64xf32, #tpu.memory_space<vmem_shared>>
      %dma_start3A_63 = arith.constant 0 : i32
      %dma_start3A_64 = arith.constant 0 : i32
      %dma_start3A_65 = tpu.memref_slice %arg14[%dma_start3A_63, %dma_start3A_64] : memref<400x64xf32, #tpu.memory_space<vmem>> -> memref<224x64xf32, #tpu.memory_space<vmem>>
      tpu.enqueue_dma source(%dma_start3A_65 : memref<224x64xf32, #tpu.memory_space<vmem>>) target(%dma_start3A_62 : memref<224x64xf32, #tpu.memory_space<vmem_shared>>) target_semaphore(%run_scoped3A : memref<!tpu.dma_semaphore, #tpu.memory_space<semaphore_mem>>)
      %dma_wait3A_66 = arith.constant 0 : i32
      %dma_wait3A_67 = arith.constant 0 : i32
      %dma_wait3A_68 = tpu.memref_slice %arg14[%dma_wait3A_66, %dma_wait3A_67] : memref<400x64xf32, #tpu.memory_space<vmem>> -> memref<224x64xf32, #tpu.memory_space<vmem>>
      %dma_wait3A_69 = arith.constant 0 : i32
      %dma_wait3A_70 = tpu.memref_slice %arg17[%add3A_8, %dma_wait3A_69] : memref<10000x64xf32, #tpu.memory_space<vmem_shared>> -> memref<224x64xf32, #tpu.memory_space<vmem_shared>>
      %dma_wait3A_71 = arith.constant 0 : i32
      %dma_wait3A_72 = tpu.memref_slice %arg17[%add3A_8, %dma_wait3A_71] : memref<10000x64xf32, #tpu.memory_space<vmem_shared>> -> memref<224x64xf32, #tpu.memory_space<vmem_shared>>
      %dma_wait3A_73 = arith.constant 0 : i32
      %dma_wait3A_74 = arith.constant 0 : i32
      %dma_wait3A_75 = tpu.memref_slice %arg14[%dma_wait3A_73, %dma_wait3A_74] : memref<400x64xf32, #tpu.memory_space<vmem>> -> memref<224x64xf32, #tpu.memory_space<vmem>>
      tpu.wait_dma2 semaphore(%run_scoped3A : memref<!tpu.dma_semaphore, #tpu.memory_space<semaphore_mem>>) src(%dma_wait3A_75 : memref<224x64xf32, #tpu.memory_space<vmem>>) dst(%dma_wait3A_72 : memref<224x64xf32, #tpu.memory_space<vmem_shared>>)
      tpu.yield
    }) : () -> ()
    %eq3A = arith.constant 15 : i32
    %eq3A_9 = arith.cmpi eq, %arg1, %eq3A : i32
    %convert_element_type3A = arith.extui %eq3A_9 : i1 to i32
    %cond3A = arith.constant 0 : i32
    %cond3A_10 = arith.cmpi ne, %convert_element_type3A, %cond3A : i32
    scf.if %cond3A_10 {
      "tpu.region"() ({
        %run_scoped3A = tpu.sem_alloc : memref<!tpu.dma_semaphore, #tpu.memory_space<semaphore_mem>>
        %dma_start3A_56 = arith.constant 0 : i32
        %dma_start3A_57 = arith.constant 0 : i32
        %dma_start3A_58 = tpu.memref_slice %arg14[%dma_start3A_56, %dma_start3A_57] : memref<400x64xf32, #tpu.memory_space<vmem>> -> memref<16x64xf32, #tpu.memory_space<vmem>>
        %dma_start3A_59 = arith.constant 9984 : i32
        %dma_start3A_60 = arith.constant 0 : i32
        %dma_start3A_61 = tpu.memref_slice %arg17[%dma_start3A_59, %dma_start3A_60] : memref<10000x64xf32, #tpu.memory_space<vmem_shared>> -> memref<16x64xf32, #tpu.memory_space<vmem_shared>>
        %dma_start3A_62 = arith.constant 9984 : i32
        %dma_start3A_63 = arith.constant 0 : i32
        %dma_start3A_64 = tpu.memref_slice %arg17[%dma_start3A_62, %dma_start3A_63] : memref<10000x64xf32, #tpu.memory_space<vmem_shared>> -> memref<16x64xf32, #tpu.memory_space<vmem_shared>>
        %dma_start3A_65 = arith.constant 0 : i32
        %dma_start3A_66 = arith.constant 0 : i32
        %dma_start3A_67 = tpu.memref_slice %arg14[%dma_start3A_65, %dma_start3A_66] : memref<400x64xf32, #tpu.memory_space<vmem>> -> memref<16x64xf32, #tpu.memory_space<vmem>>
        tpu.enqueue_dma source(%dma_start3A_67 : memref<16x64xf32, #tpu.memory_space<vmem>>) target(%dma_start3A_64 : memref<16x64xf32, #tpu.memory_space<vmem_shared>>) target_semaphore(%run_scoped3A : memref<!tpu.dma_semaphore, #tpu.memory_space<semaphore_mem>>)
        %dma_wait3A_68 = arith.constant 0 : i32
        %dma_wait3A_69 = arith.constant 0 : i32
        %dma_wait3A_70 = tpu.memref_slice %arg14[%dma_wait3A_68, %dma_wait3A_69] : memref<400x64xf32, #tpu.memory_space<vmem>> -> memref<16x64xf32, #tpu.memory_space<vmem>>
        %dma_wait3A_71 = arith.constant 9984 : i32
        %dma_wait3A_72 = arith.constant 0 : i32
        %dma_wait3A_73 = tpu.memref_slice %arg17[%dma_wait3A_71, %dma_wait3A_72] : memref<10000x64xf32, #tpu.memory_space<vmem_shared>> -> memref<16x64xf32, #tpu.memory_space<vmem_shared>>
        %dma_wait3A_74 = arith.constant 9984 : i32
        %dma_wait3A_75 = arith.constant 0 : i32
        %dma_wait3A_76 = tpu.memref_slice %arg17[%dma_wait3A_74, %dma_wait3A_75] : memref<10000x64xf32, #tpu.memory_space<vmem_shared>> -> memref<16x64xf32, #tpu.memory_space<vmem_shared>>
        %dma_wait3A_77 = arith.constant 0 : i32
        %dma_wait3A_78 = arith.constant 0 : i32
        %dma_wait3A_79 = tpu.memref_slice %arg14[%dma_wait3A_77, %dma_wait3A_78] : memref<400x64xf32, #tpu.memory_space<vmem>> -> memref<16x64xf32, #tpu.memory_space<vmem>>
        tpu.wait_dma2 semaphore(%run_scoped3A : memref<!tpu.dma_semaphore, #tpu.memory_space<semaphore_mem>>) src(%dma_wait3A_79 : memref<16x64xf32, #tpu.memory_space<vmem>>) dst(%dma_wait3A_76 : memref<16x64xf32, #tpu.memory_space<vmem_shared>>)
        tpu.yield
      }) : () -> ()
    } else {
    }
    "tpu.region"() ({
      %run_scoped3A = tpu.sem_alloc : memref<!tpu.dma_semaphore, #tpu.memory_space<semaphore_mem>>
      tpu.enqueue_dma source(%arg3 : memref<10000xf32, #tpu.memory_space<hbm>>) target(%arg8 : memref<10000xf32, #tpu.memory_space<vmem>>) target_semaphore(%run_scoped3A : memref<!tpu.dma_semaphore, #tpu.memory_space<semaphore_mem>>)
      tpu.wait_dma2 semaphore(%run_scoped3A : memref<!tpu.dma_semaphore, #tpu.memory_space<semaphore_mem>>) src(%arg3 : memref<10000xf32, #tpu.memory_space<hbm>>) dst(%arg8 : memref<10000xf32, #tpu.memory_space<vmem>>)
      tpu.yield
    }) : () -> ()
    "tpu.region"() ({
      %run_scoped3A = tpu.sem_alloc : memref<!tpu.dma_semaphore, #tpu.memory_space<semaphore_mem>>
      tpu.enqueue_dma source(%arg4 : memref<10000xf32, #tpu.memory_space<hbm>>) target(%arg9 : memref<10000xf32, #tpu.memory_space<vmem>>) target_semaphore(%run_scoped3A : memref<!tpu.dma_semaphore, #tpu.memory_space<semaphore_mem>>)
      tpu.wait_dma2 semaphore(%run_scoped3A : memref<!tpu.dma_semaphore, #tpu.memory_space<semaphore_mem>>) src(%arg4 : memref<10000xf32, #tpu.memory_space<hbm>>) dst(%arg9 : memref<10000xf32, #tpu.memory_space<vmem>>)
      tpu.yield
    }) : () -> ()
    %barrier3A = arith.constant 0 : index
    tpu.barrier barrier_id(%barrier3A)
    %broadcast_in_dim3A_11 = arith.constant 0 : i32
    %broadcast_in_dim3A_12 = vector.broadcast %broadcast_in_dim3A_11 : i32 to vector<16xi32>
    %mul3A_13 = arith.constant 20000 : i32
    %mul3A_14 = arith.muli %arg1, %mul3A_13 : i32
    %add3A_15 = arith.constant 0 : i32
    %add3A_16 = arith.addi %mul3A_14, %add3A_15 : i32
    "tpu.region"() ({
      %run_scoped3A = tpu.sem_alloc : memref<!tpu.dma_semaphore, #tpu.memory_space<semaphore_mem>>
      %dma_start3A_56 = tpu.memref_slice %arg5[%add3A_16] : memref<320000xi32, #tpu.memory_space<hbm>> -> memref<400xi32, #tpu.memory_space<hbm>>
      %dma_start3A_57 = tpu.memref_slice %arg5[%add3A_16] : memref<320000xi32, #tpu.memory_space<hbm>> -> memref<400xi32, #tpu.memory_space<hbm>>
      tpu.enqueue_dma source(%dma_start3A_57 : memref<400xi32, #tpu.memory_space<hbm>>) target(%arg10 : memref<400xi32, #tpu.memory_space<vmem>>) target_semaphore(%run_scoped3A : memref<!tpu.dma_semaphore, #tpu.memory_space<semaphore_mem>>)
      %dma_wait3A_58 = tpu.memref_slice %arg5[%add3A_16] : memref<320000xi32, #tpu.memory_space<hbm>> -> memref<400xi32, #tpu.memory_space<hbm>>
      %dma_wait3A_59 = tpu.memref_slice %arg5[%add3A_16] : memref<320000xi32, #tpu.memory_space<hbm>> -> memref<400xi32, #tpu.memory_space<hbm>>
      tpu.wait_dma2 semaphore(%run_scoped3A : memref<!tpu.dma_semaphore, #tpu.memory_space<semaphore_mem>>) src(%dma_wait3A_59 : memref<400xi32, #tpu.memory_space<hbm>>) dst(%arg10 : memref<400xi32, #tpu.memory_space<vmem>>)
      tpu.yield
    }) : () -> ()
    "tpu.region"() ({
      %run_scoped3A = tpu.sem_alloc : memref<!tpu.dma_semaphore, #tpu.memory_space<semaphore_mem>>
      %dma_start3A_56 = tpu.memref_slice %arg6[%add3A_16] : memref<320000xi32, #tpu.memory_space<hbm>> -> memref<400xi32, #tpu.memory_space<hbm>>
      %dma_start3A_57 = tpu.memref_slice %arg6[%add3A_16] : memref<320000xi32, #tpu.memory_space<hbm>> -> memref<400xi32, #tpu.memory_space<hbm>>
      tpu.enqueue_dma source(%dma_start3A_57 : memref<400xi32, #tpu.memory_space<hbm>>) target(%arg11 : memref<400xi32, #tpu.memory_space<vmem>>) target_semaphore(%run_scoped3A : memref<!tpu.dma_semaphore, #tpu.memory_space<semaphore_mem>>)
      %dma_wait3A_58 = tpu.memref_slice %arg6[%add3A_16] : memref<320000xi32, #tpu.memory_space<hbm>> -> memref<400xi32, #tpu.memory_space<hbm>>
      %dma_wait3A_59 = tpu.memref_slice %arg6[%add3A_16] : memref<320000xi32, #tpu.memory_space<hbm>> -> memref<400xi32, #tpu.memory_space<hbm>>
      tpu.wait_dma2 semaphore(%run_scoped3A : memref<!tpu.dma_semaphore, #tpu.memory_space<semaphore_mem>>) src(%dma_wait3A_59 : memref<400xi32, #tpu.memory_space<hbm>>) dst(%arg11 : memref<400xi32, #tpu.memory_space<vmem>>)
      tpu.yield
    }) : () -> ()
    %dma_start3A = arith.constant 0 : i32
    %dma_start3A_17 = arith.constant 0 : i32
    %dma_start3A_18 = tpu.memref_slice %arg2[%arg0, %dma_start3A, %dma_start3A_17] : memref<2x10000x64xf32, #tpu.memory_space<hbm>> -> memref<1x10000x64xf32, #tpu.memory_space<hbm>>
    %dma_start3A_19 = tpu.memref_squeeze %dma_start3A_18 : memref<1x10000x64xf32, #tpu.memory_space<hbm>> -> memref<10000x64xf32, #tpu.memory_space<hbm>>
    %dma_start3A_20 = arith.constant 0 : i32
    %dma_start3A_21 = arith.constant 0 : i32
    %dma_start3A_22 = tpu.memref_slice %dma_start3A_19[%dma_start3A_20, %dma_start3A_21] : memref<10000x64xf32, #tpu.memory_space<hbm>> -> memref<10000x64xf32, #tpu.memory_space<hbm>>
    tpu.enqueue_indirect_dma source(%dma_start3A_22 : memref<10000x64xf32, #tpu.memory_space<hbm>>) target(%arg14 : memref<400x64xf32, #tpu.memory_space<vmem>>) offsets(%arg10 : memref<400xi32, #tpu.memory_space<vmem>>) semaphore(%arg18 : memref<!tpu.dma_semaphore, #tpu.memory_space<semaphore_mem>>)
    %add3A_23 = arith.constant 400 : i32
    %add3A_24 = arith.addi %mul3A_14, %add3A_23 : i32
    "tpu.region"() ({
      %run_scoped3A = tpu.sem_alloc : memref<!tpu.dma_semaphore, #tpu.memory_space<semaphore_mem>>
      %dma_start3A_56 = tpu.memref_slice %arg5[%add3A_24] : memref<320000xi32, #tpu.memory_space<hbm>> -> memref<400xi32, #tpu.memory_space<hbm>>
      %dma_start3A_57 = tpu.memref_slice %arg5[%add3A_24] : memref<320000xi32, #tpu.memory_space<hbm>> -> memref<400xi32, #tpu.memory_space<hbm>>
      tpu.enqueue_dma source(%dma_start3A_57 : memref<400xi32, #tpu.memory_space<hbm>>) target(%arg12 : memref<400xi32, #tpu.memory_space<vmem>>) target_semaphore(%run_scoped3A : memref<!tpu.dma_semaphore, #tpu.memory_space<semaphore_mem>>)
      %dma_wait3A_58 = tpu.memref_slice %arg5[%add3A_24] : memref<320000xi32, #tpu.memory_space<hbm>> -> memref<400xi32, #tpu.memory_space<hbm>>
      %dma_wait3A_59 = tpu.memref_slice %arg5[%add3A_24] : memref<320000xi32, #tpu.memory_space<hbm>> -> memref<400xi32, #tpu.memory_space<hbm>>
      tpu.wait_dma2 semaphore(%run_scoped3A : memref<!tpu.dma_semaphore, #tpu.memory_space<semaphore_mem>>) src(%dma_wait3A_59 : memref<400xi32, #tpu.memory_space<hbm>>) dst(%arg12 : memref<400xi32, #tpu.memory_space<vmem>>)
      tpu.yield
    }) : () -> ()
    "tpu.region"() ({
      %run_scoped3A = tpu.sem_alloc : memref<!tpu.dma_semaphore, #tpu.memory_space<semaphore_mem>>
      %dma_start3A_56 = tpu.memref_slice %arg6[%add3A_24] : memref<320000xi32, #tpu.memory_space<hbm>> -> memref<400xi32, #tpu.memory_space<hbm>>
      %dma_start3A_57 = tpu.memref_slice %arg6[%add3A_24] : memref<320000xi32, #tpu.memory_space<hbm>> -> memref<400xi32, #tpu.memory_space<hbm>>
      tpu.enqueue_dma source(%dma_start3A_57 : memref<400xi32, #tpu.memory_space<hbm>>) target(%arg13 : memref<400xi32, #tpu.memory_space<vmem>>) target_semaphore(%run_scoped3A : memref<!tpu.dma_semaphore, #tpu.memory_space<semaphore_mem>>)
      %dma_wait3A_58 = tpu.memref_slice %arg6[%add3A_24] : memref<320000xi32, #tpu.memory_space<hbm>> -> memref<400xi32, #tpu.memory_space<hbm>>
      %dma_wait3A_59 = tpu.memref_slice %arg6[%add3A_24] : memref<320000xi32, #tpu.memory_space<hbm>> -> memref<400xi32, #tpu.memory_space<hbm>>
      tpu.wait_dma2 semaphore(%run_scoped3A : memref<!tpu.dma_semaphore, #tpu.memory_space<semaphore_mem>>) src(%dma_wait3A_59 : memref<400xi32, #tpu.memory_space<hbm>>) dst(%arg13 : memref<400xi32, #tpu.memory_space<vmem>>)
      tpu.yield
    }) : () -> ()
    %dma_start3A_25 = arith.constant 0 : i32
    %dma_start3A_26 = arith.constant 0 : i32
    %dma_start3A_27 = tpu.memref_slice %arg2[%arg0, %dma_start3A_25, %dma_start3A_26] : memref<2x10000x64xf32, #tpu.memory_space<hbm>> -> memref<1x10000x64xf32, #tpu.memory_space<hbm>>
    %dma_start3A_28 = tpu.memref_squeeze %dma_start3A_27 : memref<1x10000x64xf32, #tpu.memory_space<hbm>> -> memref<10000x64xf32, #tpu.memory_space<hbm>>
    %dma_start3A_29 = arith.constant 0 : i32
    %dma_start3A_30 = arith.constant 0 : i32
    %dma_start3A_31 = tpu.memref_slice %dma_start3A_28[%dma_start3A_29, %dma_start3A_30] : memref<10000x64xf32, #tpu.memory_space<hbm>> -> memref<10000x64xf32, #tpu.memory_space<hbm>>
    tpu.enqueue_indirect_dma source(%dma_start3A_31 : memref<10000x64xf32, #tpu.memory_space<hbm>>) target(%arg15 : memref<400x64xf32, #tpu.memory_space<vmem>>) offsets(%arg12 : memref<400xi32, #tpu.memory_space<vmem>>) semaphore(%arg19 : memref<!tpu.dma_semaphore, #tpu.memory_space<semaphore_mem>>)
    %scan3A_32 = arith.constant 0 : i32
    %scan3A_33 = arith.constant 0 : i32
    %scan3A_34 = arith.constant 25 : i32
    %scan3A_35 = arith.addi %scan3A_33, %scan3A_34 : i32
    %scan3A_36 = arith.constant 1 : i32
    %scan3A_37 = scf.for %scan3A_56 = %scan3A_33 to %scan3A_35 step %scan3A_36 iter_args(%scan3A_57 = %scan3A_32) -> (i32)  : i32 {
      %dma_wait3A_58 = arith.constant 0 : i32
      %dma_wait3A_59 = arith.constant 0 : i32
      %dma_wait3A_60 = tpu.memref_slice %arg2[%arg0, %dma_wait3A_58, %dma_wait3A_59] : memref<2x10000x64xf32, #tpu.memory_space<hbm>> -> memref<1x10000x64xf32, #tpu.memory_space<hbm>>
      %dma_wait3A_61 = tpu.memref_squeeze %dma_wait3A_60 : memref<1x10000x64xf32, #tpu.memory_space<hbm>> -> memref<10000x64xf32, #tpu.memory_space<hbm>>
      %dma_wait3A_62 = arith.constant 0 : i32
      %dma_wait3A_63 = arith.constant 0 : i32
      %dma_wait3A_64 = tpu.memref_slice %dma_wait3A_61[%dma_wait3A_62, %dma_wait3A_63] : memref<10000x64xf32, #tpu.memory_space<hbm>> -> memref<10000x64xf32, #tpu.memory_space<hbm>>
      tpu.wait_indirect_dma semaphore(%arg18 : memref<!tpu.dma_semaphore, #tpu.memory_space<semaphore_mem>>) src(%dma_wait3A_64 : memref<10000x64xf32, #tpu.memory_space<hbm>>) dst(%arg14 : memref<400x64xf32, #tpu.memory_space<vmem>>)
      %parallel_loop3A = arith.constant 0 : i32
      %parallel_loop3A_65 = arith.constant 1 : i32
      %parallel_loop3A_66 = arith.constant 1 : i32
      scf.for %parallel_loop3A_94 = %parallel_loop3A to %parallel_loop3A_65 step %parallel_loop3A_66  : i32 {
        %parallel_loop3A_95 = arith.constant 16 : i32
        %parallel_loop3A_96 = arith.muli %parallel_loop3A_94, %parallel_loop3A_95 : i32
        %parallel_loop3A_97 = arith.index_cast %parallel_loop3A_96 : i32 to index
        %parallel_loop3A_98 = tpu.vector_load %arg10[%parallel_loop3A_97] {strides = array<i32>} : memref<400xi32, #tpu.memory_space<vmem>>, vector<16xi32>,
        %parallel_loop3A_99 = arith.index_cast %parallel_loop3A_96 : i32 to index
        %parallel_loop3A_100 = tpu.vector_load %arg11[%parallel_loop3A_99] {strides = array<i32>} : memref<400xi32, #tpu.memory_space<vmem>>, vector<16xi32>,
        %parallel_loop3A_101 = tpu.vector_load_idx %arg8[%parallel_loop3A_98] : memref<10000xf32, #tpu.memory_space<vmem>>[vector<16xi32>], vector<16xf32>,
        %parallel_loop3A_102 = tpu.vector_load_idx %arg9[%parallel_loop3A_100] : memref<10000xf32, #tpu.memory_space<vmem>>[vector<16xi32>], vector<16xf32>,
        %parallel_loop3A_103 = arith.addf %parallel_loop3A_101, %parallel_loop3A_102 : vector<16xf32>
        %parallel_loop3A_104 = arith.constant 0.000000e+00 : f32
        %parallel_loop3A_105 = vector.broadcast %parallel_loop3A_104 : f32 to vector<16xf32>
        %parallel_loop3A_106 = arith.cmpf ogt, %parallel_loop3A_103, %parallel_loop3A_105 : vector<16xf32>
        %parallel_loop3A_107 = math.exp %parallel_loop3A_103 : vector<16xf32>
        %parallel_loop3A_108 = arith.constant 1.000000e+00 : f32
        %parallel_loop3A_109 = vector.broadcast %parallel_loop3A_108 : f32 to vector<16xf32>
        %parallel_loop3A_110 = arith.subf %parallel_loop3A_107, %parallel_loop3A_109 : vector<16xf32>
        %parallel_loop3A_111 = arith.constant 1.67326319 : f32
        %parallel_loop3A_112 = vector.broadcast %parallel_loop3A_111 : f32 to vector<16xf32>
        %parallel_loop3A_113 = arith.mulf %parallel_loop3A_112, %parallel_loop3A_110 : vector<16xf32>
        %parallel_loop3A_114 = arith.select %parallel_loop3A_106, %parallel_loop3A_103, %parallel_loop3A_113 : vector<16xi1>, vector<16xf32>
        %parallel_loop3A_115 = arith.constant 1.05070102 : f32
        %parallel_loop3A_116 = vector.broadcast %parallel_loop3A_115 : f32 to vector<16xf32>
        %parallel_loop3A_117 = arith.mulf %parallel_loop3A_116, %parallel_loop3A_114 : vector<16xf32>
        %parallel_loop3A_118 = arith.constant 0.000000e+00 : f32
        %parallel_loop3A_119 = vector.broadcast %parallel_loop3A_118 : f32 to vector<16xf32>
        %parallel_loop3A_120 = arith.subf %parallel_loop3A_119, %parallel_loop3A_117 : vector<16xf32>
        %parallel_loop3A_121 = math.exp %parallel_loop3A_120 : vector<16xf32>
        %parallel_loop3A_122 = arith.constant 1.000000e+00 : f32
        %parallel_loop3A_123 = vector.broadcast %parallel_loop3A_122 : f32 to vector<16xf32>
        %parallel_loop3A_124 = arith.addf %parallel_loop3A_123, %parallel_loop3A_121 : vector<16xf32>
        %parallel_loop3A_125 = arith.constant 1.000000e+00 : f32
        %parallel_loop3A_126 = vector.broadcast %parallel_loop3A_125 : f32 to vector<16xf32>
        %parallel_loop3A_127 = arith.divf %parallel_loop3A_126, %parallel_loop3A_124 : vector<16xf32>
        %parallel_loop3A_128 = arith.index_cast %parallel_loop3A_96 : i32 to index
        %parallel_loop3A_129 = tpu.vector_load %arg16[%parallel_loop3A_128] {strides = array<i32>} : memref<400xf32, #tpu.memory_space<vmem>>, vector<16xf32>,
        tpu.vector_store %arg16[%parallel_loop3A_128], %parallel_loop3A_127 {strides = array<i32>} : memref<400xf32, #tpu.memory_space<vmem>>, vector<16xf32>,
      } {sc.loop_unroll_factor = 1 : i64, sc.parallel_access}
      %parallel_loop3A_67 = arith.constant 0 : i32
      %parallel_loop3A_68 = arith.constant 16 : i32
      %parallel_loop3A_69 = arith.constant 1 : i32
      scf.for %parallel_loop3A_94 = %parallel_loop3A_67 to %parallel_loop3A_68 step %parallel_loop3A_69  : i32 {
        %parallel_loop3A_95 = vector.broadcast %parallel_loop3A_94 : i32 to vector<16xi32>
        %parallel_loop3A_96 = arith.addi %broadcast_in_dim3A_12, %parallel_loop3A_95 : vector<16xi32>
        %parallel_loop3A_97 = tpu.vector_load_idx %arg16[%parallel_loop3A_96] : memref<400xf32, #tpu.memory_space<vmem>>[vector<16xi32>], vector<16xf32>,
        %parallel_loop3A_98 = arith.index_cast %parallel_loop3A_94 : i32 to index
        %parallel_loop3A_99 = arith.constant 0 : index
        %parallel_loop3A_100 = tpu.vector_load %arg14[%parallel_loop3A_98, %parallel_loop3A_99] {strides = array<i32>} : memref<400x64xf32, #tpu.memory_space<vmem>>, vector<16xf32>,
        %parallel_loop3A_101 = arith.mulf %parallel_loop3A_100, %parallel_loop3A_97 : vector<16xf32>
        %parallel_loop3A_102 = arith.index_cast %parallel_loop3A_94 : i32 to index
        %parallel_loop3A_103 = arith.constant 0 : index
        %parallel_loop3A_104 = tpu.vector_load %arg14[%parallel_loop3A_102, %parallel_loop3A_103] {strides = array<i32>} : memref<400x64xf32, #tpu.memory_space<vmem>>, vector<16xf32>,
        tpu.vector_store %arg14[%parallel_loop3A_102, %parallel_loop3A_103], %parallel_loop3A_101 {strides = array<i32>} : memref<400x64xf32, #tpu.memory_space<vmem>>, vector<16xf32>,
        %parallel_loop3A_105 = arith.index_cast %parallel_loop3A_94 : i32 to index
        %parallel_loop3A_106 = arith.constant 16 : index
        %parallel_loop3A_107 = tpu.vector_load %arg14[%parallel_loop3A_105, %parallel_loop3A_106] {strides = array<i32>} : memref<400x64xf32, #tpu.memory_space<vmem>>, vector<16xf32>,
        %parallel_loop3A_108 = arith.mulf %parallel_loop3A_107, %parallel_loop3A_97 : vector<16xf32>
        %parallel_loop3A_109 = arith.index_cast %parallel_loop3A_94 : i32 to index
        %parallel_loop3A_110 = arith.constant 16 : index
        %parallel_loop3A_111 = tpu.vector_load %arg14[%parallel_loop3A_109, %parallel_loop3A_110] {strides = array<i32>} : memref<400x64xf32, #tpu.memory_space<vmem>>, vector<16xf32>,
        tpu.vector_store %arg14[%parallel_loop3A_109, %parallel_loop3A_110], %parallel_loop3A_108 {strides = array<i32>} : memref<400x64xf32, #tpu.memory_space<vmem>>, vector<16xf32>,
        %parallel_loop3A_112 = arith.index_cast %parallel_loop3A_94 : i32 to index
        %parallel_loop3A_113 = arith.constant 32 : index
        %parallel_loop3A_114 = tpu.vector_load %arg14[%parallel_loop3A_112, %parallel_loop3A_113] {strides = array<i32>} : memref<400x64xf32, #tpu.memory_space<vmem>>, vector<16xf32>,
        %parallel_loop3A_115 = arith.mulf %parallel_loop3A_114, %parallel_loop3A_97 : vector<16xf32>
        %parallel_loop3A_116 = arith.index_cast %parallel_loop3A_94 : i32 to index
        %parallel_loop3A_117 = arith.constant 32 : index
        %parallel_loop3A_118 = tpu.vector_load %arg14[%parallel_loop3A_116, %parallel_loop3A_117] {strides = array<i32>} : memref<400x64xf32, #tpu.memory_space<vmem>>, vector<16xf32>,
        tpu.vector_store %arg14[%parallel_loop3A_116, %parallel_loop3A_117], %parallel_loop3A_115 {strides = array<i32>} : memref<400x64xf32, #tpu.memory_space<vmem>>, vector<16xf32>,
        %parallel_loop3A_119 = arith.index_cast %parallel_loop3A_94 : i32 to index
        %parallel_loop3A_120 = arith.constant 48 : index
        %parallel_loop3A_121 = tpu.vector_load %arg14[%parallel_loop3A_119, %parallel_loop3A_120] {strides = array<i32>} : memref<400x64xf32, #tpu.memory_space<vmem>>, vector<16xf32>,
        %parallel_loop3A_122 = arith.mulf %parallel_loop3A_121, %parallel_loop3A_97 : vector<16xf32>
        %parallel_loop3A_123 = arith.index_cast %parallel_loop3A_94 : i32 to index
        %parallel_loop3A_124 = arith.constant 48 : index
        %parallel_loop3A_125 = tpu.vector_load %arg14[%parallel_loop3A_123, %parallel_loop3A_124] {strides = array<i32>} : memref<400x64xf32, #tpu.memory_space<vmem>>, vector<16xf32>,
        tpu.vector_store %arg14[%parallel_loop3A_123, %parallel_loop3A_124], %parallel_loop3A_122 {strides = array<i32>} : memref<400x64xf32, #tpu.memory_space<vmem>>, vector<16xf32>,
      } {sc.loop_unroll_factor = 4 : i64, sc.parallel_access}
      %dma_start3A_70 = arith.constant 0 : i32
      %dma_start3A_71 = arith.constant 0 : i32
      %dma_start3A_72 = tpu.memref_slice %arg17[%dma_start3A_70, %dma_start3A_71] : memref<10000x64xf32, #tpu.memory_space<vmem_shared>> -> memref<10000x64xf32, #tpu.memory_space<vmem_shared>>
      tpu.enqueue_indirect_dma source(%arg14 : memref<400x64xf32, #tpu.memory_space<vmem>>) target(%dma_start3A_72 : memref<10000x64xf32, #tpu.memory_space<vmem_shared>>) offsets(%arg11 : memref<400xi32, #tpu.memory_space<vmem>>) semaphore(%arg20 : memref<!tpu.dma_semaphore, #tpu.memory_space<semaphore_mem>>) {add = true}
      %dma_wait3A_73 = arith.constant 0 : i32
      %dma_wait3A_74 = arith.constant 0 : i32
      %dma_wait3A_75 = tpu.memref_slice %arg2[%arg0, %dma_wait3A_73, %dma_wait3A_74] : memref<2x10000x64xf32, #tpu.memory_space<hbm>> -> memref<1x10000x64xf32, #tpu.memory_space<hbm>>
      %dma_wait3A_76 = tpu.memref_squeeze %dma_wait3A_75 : memref<1x10000x64xf32, #tpu.memory_space<hbm>> -> memref<10000x64xf32, #tpu.memory_space<hbm>>
      %dma_wait3A_77 = arith.constant 0 : i32
      %dma_wait3A_78 = arith.constant 0 : i32
      %dma_wait3A_79 = tpu.memref_slice %dma_wait3A_76[%dma_wait3A_77, %dma_wait3A_78] : memref<10000x64xf32, #tpu.memory_space<hbm>> -> memref<10000x64xf32, #tpu.memory_space<hbm>>
      tpu.wait_indirect_dma semaphore(%arg19 : memref<!tpu.dma_semaphore, #tpu.memory_space<semaphore_mem>>) src(%dma_wait3A_79 : memref<10000x64xf32, #tpu.memory_space<hbm>>) dst(%arg15 : memref<400x64xf32, #tpu.memory_space<vmem>>)
      %parallel_loop3A_80 = arith.constant 0 : i32
      %parallel_loop3A_81 = arith.constant 1 : i32
      %parallel_loop3A_82 = arith.constant 1 : i32
      scf.for %parallel_loop3A_94 = %parallel_loop3A_80 to %parallel_loop3A_81 step %parallel_loop3A_82  : i32 {
        %parallel_loop3A_95 = arith.constant 16 : i32
        %parallel_loop3A_96 = arith.muli %parallel_loop3A_94, %parallel_loop3A_95 : i32
        %parallel_loop3A_97 = arith.index_cast %parallel_loop3A_96 : i32 to index
        %parallel_loop3A_98 = tpu.vector_load %arg12[%parallel_loop3A_97] {strides = array<i32>} : memref<400xi32, #tpu.memory_space<vmem>>, vector<16xi32>,
        %parallel_loop3A_99 = arith.index_cast %parallel_loop3A_96 : i32 to index
        %parallel_loop3A_100 = tpu.vector_load %arg13[%parallel_loop3A_99] {strides = array<i32>} : memref<400xi32, #tpu.memory_space<vmem>>, vector<16xi32>,
        %parallel_loop3A_101 = tpu.vector_load_idx %arg8[%parallel_loop3A_98] : memref<10000xf32, #tpu.memory_space<vmem>>[vector<16xi32>], vector<16xf32>,
        %parallel_loop3A_102 = tpu.vector_load_idx %arg9[%parallel_loop3A_100] : memref<10000xf32, #tpu.memory_space<vmem>>[vector<16xi32>], vector<16xf32>,
        %parallel_loop3A_103 = arith.addf %parallel_loop3A_101, %parallel_loop3A_102 : vector<16xf32>
        %parallel_loop3A_104 = arith.constant 0.000000e+00 : f32
        %parallel_loop3A_105 = vector.broadcast %parallel_loop3A_104 : f32 to vector<16xf32>
        %parallel_loop3A_106 = arith.cmpf ogt, %parallel_loop3A_103, %parallel_loop3A_105 : vector<16xf32>
        %parallel_loop3A_107 = math.exp %parallel_loop3A_103 : vector<16xf32>
        %parallel_loop3A_108 = arith.constant 1.000000e+00 : f32
        %parallel_loop3A_109 = vector.broadcast %parallel_loop3A_108 : f32 to vector<16xf32>
        %parallel_loop3A_110 = arith.subf %parallel_loop3A_107, %parallel_loop3A_109 : vector<16xf32>
        %parallel_loop3A_111 = arith.constant 1.67326319 : f32
        %parallel_loop3A_112 = vector.broadcast %parallel_loop3A_111 : f32 to vector<16xf32>
        %parallel_loop3A_113 = arith.mulf %parallel_loop3A_112, %parallel_loop3A_110 : vector<16xf32>
        %parallel_loop3A_114 = arith.select %parallel_loop3A_106, %parallel_loop3A_103, %parallel_loop3A_113 : vector<16xi1>, vector<16xf32>
        %parallel_loop3A_115 = arith.constant 1.05070102 : f32
        %parallel_loop3A_116 = vector.broadcast %parallel_loop3A_115 : f32 to vector<16xf32>
        %parallel_loop3A_117 = arith.mulf %parallel_loop3A_116, %parallel_loop3A_114 : vector<16xf32>
        %parallel_loop3A_118 = arith.constant 0.000000e+00 : f32
        %parallel_loop3A_119 = vector.broadcast %parallel_loop3A_118 : f32 to vector<16xf32>
        %parallel_loop3A_120 = arith.subf %parallel_loop3A_119, %parallel_loop3A_117 : vector<16xf32>
        %parallel_loop3A_121 = math.exp %parallel_loop3A_120 : vector<16xf32>
        %parallel_loop3A_122 = arith.constant 1.000000e+00 : f32
        %parallel_loop3A_123 = vector.broadcast %parallel_loop3A_122 : f32 to vector<16xf32>
        %parallel_loop3A_124 = arith.addf %parallel_loop3A_123, %parallel_loop3A_121 : vector<16xf32>
        %parallel_loop3A_125 = arith.constant 1.000000e+00 : f32
        %parallel_loop3A_126 = vector.broadcast %parallel_loop3A_125 : f32 to vector<16xf32>
        %parallel_loop3A_127 = arith.divf %parallel_loop3A_126, %parallel_loop3A_124 : vector<16xf32>
        %parallel_loop3A_128 = arith.index_cast %parallel_loop3A_96 : i32 to index
        %parallel_loop3A_129 = tpu.vector_load %arg16[%parallel_loop3A_128] {strides = array<i32>} : memref<400xf32, #tpu.memory_space<vmem>>, vector<16xf32>,
        tpu.vector_store %arg16[%parallel_loop3A_128], %parallel_loop3A_127 {strides = array<i32>} : memref<400xf32, #tpu.memory_space<vmem>>, vector<16xf32>,
      } {sc.loop_unroll_factor = 1 : i64, sc.parallel_access}
      %parallel_loop3A_83 = arith.constant 0 : i32
      %parallel_loop3A_84 = arith.constant 16 : i32
      %parallel_loop3A_85 = arith.constant 1 : i32
      scf.for %parallel_loop3A_94 = %parallel_loop3A_83 to %parallel_loop3A_84 step %parallel_loop3A_85  : i32 {
        %parallel_loop3A_95 = vector.broadcast %parallel_loop3A_94 : i32 to vector<16xi32>
        %parallel_loop3A_96 = arith.addi %broadcast_in_dim3A_12, %parallel_loop3A_95 : vector<16xi32>
        %parallel_loop3A_97 = tpu.vector_load_idx %arg16[%parallel_loop3A_96] : memref<400xf32, #tpu.memory_space<vmem>>[vector<16xi32>], vector<16xf32>,
        %parallel_loop3A_98 = arith.index_cast %parallel_loop3A_94 : i32 to index
        %parallel_loop3A_99 = arith.constant 0 : index
        %parallel_loop3A_100 = tpu.vector_load %arg15[%parallel_loop3A_98, %parallel_loop3A_99] {strides = array<i32>} : memref<400x64xf32, #tpu.memory_space<vmem>>, vector<16xf32>,
        %parallel_loop3A_101 = arith.mulf %parallel_loop3A_100, %parallel_loop3A_97 : vector<16xf32>
        %parallel_loop3A_102 = arith.index_cast %parallel_loop3A_94 : i32 to index
        %parallel_loop3A_103 = arith.constant 0 : index
        %parallel_loop3A_104 = tpu.vector_load %arg15[%parallel_loop3A_102, %parallel_loop3A_103] {strides = array<i32>} : memref<400x64xf32, #tpu.memory_space<vmem>>, vector<16xf32>,
        tpu.vector_store %arg15[%parallel_loop3A_102, %parallel_loop3A_103], %parallel_loop3A_101 {strides = array<i32>} : memref<400x64xf32, #tpu.memory_space<vmem>>, vector<16xf32>,
        %parallel_loop3A_105 = arith.index_cast %parallel_loop3A_94 : i32 to index
        %parallel_loop3A_106 = arith.constant 16 : index
        %parallel_loop3A_107 = tpu.vector_load %arg15[%parallel_loop3A_105, %parallel_loop3A_106] {strides = array<i32>} : memref<400x64xf32, #tpu.memory_space<vmem>>, vector<16xf32>,
        %parallel_loop3A_108 = arith.mulf %parallel_loop3A_107, %parallel_loop3A_97 : vector<16xf32>
        %parallel_loop3A_109 = arith.index_cast %parallel_loop3A_94 : i32 to index
        %parallel_loop3A_110 = arith.constant 16 : index
        %parallel_loop3A_111 = tpu.vector_load %arg15[%parallel_loop3A_109, %parallel_loop3A_110] {strides = array<i32>} : memref<400x64xf32, #tpu.memory_space<vmem>>, vector<16xf32>,
        tpu.vector_store %arg15[%parallel_loop3A_109, %parallel_loop3A_110], %parallel_loop3A_108 {strides = array<i32>} : memref<400x64xf32, #tpu.memory_space<vmem>>, vector<16xf32>,
        %parallel_loop3A_112 = arith.index_cast %parallel_loop3A_94 : i32 to index
        %parallel_loop3A_113 = arith.constant 32 : index
        %parallel_loop3A_114 = tpu.vector_load %arg15[%parallel_loop3A_112, %parallel_loop3A_113] {strides = array<i32>} : memref<400x64xf32, #tpu.memory_space<vmem>>, vector<16xf32>,
        %parallel_loop3A_115 = arith.mulf %parallel_loop3A_114, %parallel_loop3A_97 : vector<16xf32>
        %parallel_loop3A_116 = arith.index_cast %parallel_loop3A_94 : i32 to index
        %parallel_loop3A_117 = arith.constant 32 : index
        %parallel_loop3A_118 = tpu.vector_load %arg15[%parallel_loop3A_116, %parallel_loop3A_117] {strides = array<i32>} : memref<400x64xf32, #tpu.memory_space<vmem>>, vector<16xf32>,
        tpu.vector_store %arg15[%parallel_loop3A_116, %parallel_loop3A_117], %parallel_loop3A_115 {strides = array<i32>} : memref<400x64xf32, #tpu.memory_space<vmem>>, vector<16xf32>,
        %parallel_loop3A_119 = arith.index_cast %parallel_loop3A_94 : i32 to index
        %parallel_loop3A_120 = arith.constant 48 : index
        %parallel_loop3A_121 = tpu.vector_load %arg15[%parallel_loop3A_119, %parallel_loop3A_120] {strides = array<i32>} : memref<400x64xf32, #tpu.memory_space<vmem>>, vector<16xf32>,
        %parallel_loop3A_122 = arith.mulf %parallel_loop3A_121, %parallel_loop3A_97 : vector<16xf32>
        %parallel_loop3A_123 = arith.index_cast %parallel_loop3A_94 : i32 to index
        %parallel_loop3A_124 = arith.constant 48 : index
        %parallel_loop3A_125 = tpu.vector_load %arg15[%parallel_loop3A_123, %parallel_loop3A_124] {strides = array<i32>} : memref<400x64xf32, #tpu.memory_space<vmem>>, vector<16xf32>,
        tpu.vector_store %arg15[%parallel_loop3A_123, %parallel_loop3A_124], %parallel_loop3A_122 {strides = array<i32>} : memref<400x64xf32, #tpu.memory_space<vmem>>, vector<16xf32>,
      } {sc.loop_unroll_factor = 4 : i64, sc.parallel_access}
      %dma_start3A_86 = arith.constant 0 : i32
      %dma_start3A_87 = arith.constant 0 : i32
      %dma_start3A_88 = tpu.memref_slice %arg17[%dma_start3A_86, %dma_start3A_87] : memref<10000x64xf32, #tpu.memory_space<vmem_shared>> -> memref<10000x64xf32, #tpu.memory_space<vmem_shared>>
      tpu.enqueue_indirect_dma source(%arg15 : memref<400x64xf32, #tpu.memory_space<vmem>>) target(%dma_start3A_88 : memref<10000x64xf32, #tpu.memory_space<vmem_shared>>) offsets(%arg13 : memref<400xi32, #tpu.memory_space<vmem>>) semaphore(%arg21 : memref<!tpu.dma_semaphore, #tpu.memory_space<semaphore_mem>>) {add = true}
      %lt3A = arith.constant 24 : i32
      %lt3A_89 = arith.cmpi slt, %scan3A_56, %lt3A : i32
      %convert_element_type3A_90 = arith.extui %lt3A_89 : i1 to i32
      %cond3A_91 = arith.constant 0 : i32
      %cond3A_92 = arith.cmpi ne, %convert_element_type3A_90, %cond3A_91 : i32
      scf.if %cond3A_92 {
        %dma_wait3A_94 = arith.constant 0 : i32
        %dma_wait3A_95 = arith.constant 0 : i32
        %dma_wait3A_96 = tpu.memref_slice %arg17[%dma_wait3A_94, %dma_wait3A_95] : memref<10000x64xf32, #tpu.memory_space<vmem_shared>> -> memref<400x64xf32, #tpu.memory_space<vmem_shared>>
        %dma_wait3A_97 = arith.constant 0 : i32
        %dma_wait3A_98 = arith.constant 0 : i32
        %dma_wait3A_99 = tpu.memref_slice %arg17[%dma_wait3A_97, %dma_wait3A_98] : memref<10000x64xf32, #tpu.memory_space<vmem_shared>> -> memref<400x64xf32, #tpu.memory_space<vmem_shared>>
        tpu.wait_dma2 semaphore(%arg20 : memref<!tpu.dma_semaphore, #tpu.memory_space<semaphore_mem>>) src(%arg14 : memref<400x64xf32, #tpu.memory_space<vmem>>) dst(%dma_wait3A_99 : memref<400x64xf32, #tpu.memory_space<vmem_shared>>)
        %mul3A_100 = arith.constant 2 : i32
        %mul3A_101 = arith.muli %mul3A_100, %scan3A_56 : i32
        %add3A_102 = arith.constant 2 : i32
        %add3A_103 = arith.addi %mul3A_101, %add3A_102 : i32
        %mul3A_104 = arith.constant 400 : i32
        %mul3A_105 = arith.muli %add3A_103, %mul3A_104 : i32
        %add3A_106 = arith.addi %mul3A_14, %mul3A_105 : i32
        "tpu.region"() ({
          %run_scoped3A = tpu.sem_alloc : memref<!tpu.dma_semaphore, #tpu.memory_space<semaphore_mem>>
          %dma_start3A_134 = tpu.memref_slice %arg5[%add3A_106] : memref<320000xi32, #tpu.memory_space<hbm>> -> memref<400xi32, #tpu.memory_space<hbm>>
          %dma_start3A_135 = tpu.memref_slice %arg5[%add3A_106] : memref<320000xi32, #tpu.memory_space<hbm>> -> memref<400xi32, #tpu.memory_space<hbm>>
          tpu.enqueue_dma source(%dma_start3A_135 : memref<400xi32, #tpu.memory_space<hbm>>) target(%arg10 : memref<400xi32, #tpu.memory_space<vmem>>) target_semaphore(%run_scoped3A : memref<!tpu.dma_semaphore, #tpu.memory_space<semaphore_mem>>)
          %dma_wait3A_136 = tpu.memref_slice %arg5[%add3A_106] : memref<320000xi32, #tpu.memory_space<hbm>> -> memref<400xi32, #tpu.memory_space<hbm>>
          %dma_wait3A_137 = tpu.memref_slice %arg5[%add3A_106] : memref<320000xi32, #tpu.memory_space<hbm>> -> memref<400xi32, #tpu.memory_space<hbm>>
          tpu.wait_dma2 semaphore(%run_scoped3A : memref<!tpu.dma_semaphore, #tpu.memory_space<semaphore_mem>>) src(%dma_wait3A_137 : memref<400xi32, #tpu.memory_space<hbm>>) dst(%arg10 : memref<400xi32, #tpu.memory_space<vmem>>)
          tpu.yield
        }) : () -> ()
        "tpu.region"() ({
          %run_scoped3A = tpu.sem_alloc : memref<!tpu.dma_semaphore, #tpu.memory_space<semaphore_mem>>
          %dma_start3A_134 = tpu.memref_slice %arg6[%add3A_106] : memref<320000xi32, #tpu.memory_space<hbm>> -> memref<400xi32, #tpu.memory_space<hbm>>
          %dma_start3A_135 = tpu.memref_slice %arg6[%add3A_106] : memref<320000xi32, #tpu.memory_space<hbm>> -> memref<400xi32, #tpu.memory_space<hbm>>
          tpu.enqueue_dma source(%dma_start3A_135 : memref<400xi32, #tpu.memory_space<hbm>>) target(%arg11 : memref<400xi32, #tpu.memory_space<vmem>>) target_semaphore(%run_scoped3A : memref<!tpu.dma_semaphore, #tpu.memory_space<semaphore_mem>>)
          %dma_wait3A_136 = tpu.memref_slice %arg6[%add3A_106] : memref<320000xi32, #tpu.memory_space<hbm>> -> memref<400xi32, #tpu.memory_space<hbm>>
          %dma_wait3A_137 = tpu.memref_slice %arg6[%add3A_106] : memref<320000xi32, #tpu.memory_space<hbm>> -> memref<400xi32, #tpu.memory_space<hbm>>
          tpu.wait_dma2 semaphore(%run_scoped3A : memref<!tpu.dma_semaphore, #tpu.memory_space<semaphore_mem>>) src(%dma_wait3A_137 : memref<400xi32, #tpu.memory_space<hbm>>) dst(%arg11 : memref<400xi32, #tpu.memory_space<vmem>>)
          tpu.yield
        }) : () -> ()
        %dma_start3A_107 = arith.constant 0 : i32
        %dma_start3A_108 = arith.constant 0 : i32
        %dma_start3A_109 = tpu.memref_slice %arg2[%arg0, %dma_start3A_107, %dma_start3A_108] : memref<2x10000x64xf32, #tpu.memory_space<hbm>> -> memref<1x10000x64xf32, #tpu.memory_space<hbm>>
        %dma_start3A_110 = tpu.memref_squeeze %dma_start3A_109 : memref<1x10000x64xf32, #tpu.memory_space<hbm>> -> memref<10000x64xf32, #tpu.memory_space<hbm>>
        %dma_start3A_111 = arith.constant 0 : i32
        %dma_start3A_112 = arith.constant 0 : i32
        %dma_start3A_113 = tpu.memref_slice %dma_start3A_110[%dma_start3A_111, %dma_start3A_112] : memref<10000x64xf32, #tpu.memory_space<hbm>> -> memref<10000x64xf32, #tpu.memory_space<hbm>>
        tpu.enqueue_indirect_dma source(%dma_start3A_113 : memref<10000x64xf32, #tpu.memory_space<hbm>>) target(%arg14 : memref<400x64xf32, #tpu.memory_space<vmem>>) offsets(%arg10 : memref<400xi32, #tpu.memory_space<vmem>>) semaphore(%arg18 : memref<!tpu.dma_semaphore, #tpu.memory_space<semaphore_mem>>)
        %dma_wait3A_114 = arith.constant 0 : i32
        %dma_wait3A_115 = arith.constant 0 : i32
        %dma_wait3A_116 = tpu.memref_slice %arg17[%dma_wait3A_114, %dma_wait3A_115] : memref<10000x64xf32, #tpu.memory_space<vmem_shared>> -> memref<400x64xf32, #tpu.memory_space<vmem_shared>>
        %dma_wait3A_117 = arith.constant 0 : i32
        %dma_wait3A_118 = arith.constant 0 : i32
        %dma_wait3A_119 = tpu.memref_slice %arg17[%dma_wait3A_117, %dma_wait3A_118] : memref<10000x64xf32, #tpu.memory_space<vmem_shared>> -> memref<400x64xf32, #tpu.memory_space<vmem_shared>>
        tpu.wait_dma2 semaphore(%arg21 : memref<!tpu.dma_semaphore, #tpu.memory_space<semaphore_mem>>) src(%arg15 : memref<400x64xf32, #tpu.memory_space<vmem>>) dst(%dma_wait3A_119 : memref<400x64xf32, #tpu.memory_space<vmem_shared>>)
        %mul3A_120 = arith.constant 2 : i32
        %mul3A_121 = arith.muli %mul3A_120, %scan3A_56 : i32
        %add3A_122 = arith.constant 3 : i32
        %add3A_123 = arith.addi %mul3A_121, %add3A_122 : i32
        %mul3A_124 = arith.constant 400 : i32
        %mul3A_125 = arith.muli %add3A_123, %mul3A_124 : i32
        %add3A_126 = arith.addi %mul3A_14, %mul3A_125 : i32
        "tpu.region"() ({
          %run_scoped3A = tpu.sem_alloc : memref<!tpu.dma_semaphore, #tpu.memory_space<semaphore_mem>>
          %dma_start3A_134 = tpu.memref_slice %arg5[%add3A_126] : memref<320000xi32, #tpu.memory_space<hbm>> -> memref<400xi32, #tpu.memory_space<hbm>>
          %dma_start3A_135 = tpu.memref_slice %arg5[%add3A_126] : memref<320000xi32, #tpu.memory_space<hbm>> -> memref<400xi32, #tpu.memory_space<hbm>>
          tpu.enqueue_dma source(%dma_start3A_135 : memref<400xi32, #tpu.memory_space<hbm>>) target(%arg12 : memref<400xi32, #tpu.memory_space<vmem>>) target_semaphore(%run_scoped3A : memref<!tpu.dma_semaphore, #tpu.memory_space<semaphore_mem>>)
          %dma_wait3A_136 = tpu.memref_slice %arg5[%add3A_126] : memref<320000xi32, #tpu.memory_space<hbm>> -> memref<400xi32, #tpu.memory_space<hbm>>
          %dma_wait3A_137 = tpu.memref_slice %arg5[%add3A_126] : memref<320000xi32, #tpu.memory_space<hbm>> -> memref<400xi32, #tpu.memory_space<hbm>>
          tpu.wait_dma2 semaphore(%run_scoped3A : memref<!tpu.dma_semaphore, #tpu.memory_space<semaphore_mem>>) src(%dma_wait3A_137 : memref<400xi32, #tpu.memory_space<hbm>>) dst(%arg12 : memref<400xi32, #tpu.memory_space<vmem>>)
          tpu.yield
        }) : () -> ()
        "tpu.region"() ({
          %run_scoped3A = tpu.sem_alloc : memref<!tpu.dma_semaphore, #tpu.memory_space<semaphore_mem>>
          %dma_start3A_134 = tpu.memref_slice %arg6[%add3A_126] : memref<320000xi32, #tpu.memory_space<hbm>> -> memref<400xi32, #tpu.memory_space<hbm>>
          %dma_start3A_135 = tpu.memref_slice %arg6[%add3A_126] : memref<320000xi32, #tpu.memory_space<hbm>> -> memref<400xi32, #tpu.memory_space<hbm>>
          tpu.enqueue_dma source(%dma_start3A_135 : memref<400xi32, #tpu.memory_space<hbm>>) target(%arg13 : memref<400xi32, #tpu.memory_space<vmem>>) target_semaphore(%run_scoped3A : memref<!tpu.dma_semaphore, #tpu.memory_space<semaphore_mem>>)
          %dma_wait3A_136 = tpu.memref_slice %arg6[%add3A_126] : memref<320000xi32, #tpu.memory_space<hbm>> -> memref<400xi32, #tpu.memory_space<hbm>>
          %dma_wait3A_137 = tpu.memref_slice %arg6[%add3A_126] : memref<320000xi32, #tpu.memory_space<hbm>> -> memref<400xi32, #tpu.memory_space<hbm>>
          tpu.wait_dma2 semaphore(%run_scoped3A : memref<!tpu.dma_semaphore, #tpu.memory_space<semaphore_mem>>) src(%dma_wait3A_137 : memref<400xi32, #tpu.memory_space<hbm>>) dst(%arg13 : memref<400xi32, #tpu.memory_space<vmem>>)
          tpu.yield
        }) : () -> ()
        %dma_start3A_127 = arith.constant 0 : i32
        %dma_start3A_128 = arith.constant 0 : i32
        %dma_start3A_129 = tpu.memref_slice %arg2[%arg0, %dma_start3A_127, %dma_start3A_128] : memref<2x10000x64xf32, #tpu.memory_space<hbm>> -> memref<1x10000x64xf32, #tpu.memory_space<hbm>>
        %dma_start3A_130 = tpu.memref_squeeze %dma_start3A_129 : memref<1x10000x64xf32, #tpu.memory_space<hbm>> -> memref<10000x64xf32, #tpu.memory_space<hbm>>
        %dma_start3A_131 = arith.constant 0 : i32
        %dma_start3A_132 = arith.constant 0 : i32
        %dma_start3A_133 = tpu.memref_slice %dma_start3A_130[%dma_start3A_131, %dma_start3A_132] : memref<10000x64xf32, #tpu.memory_space<hbm>> -> memref<10000x64xf32, #tpu.memory_space<hbm>>
        tpu.enqueue_indirect_dma source(%dma_start3A_133 : memref<10000x64xf32, #tpu.memory_space<hbm>>) target(%arg15 : memref<400x64xf32, #tpu.memory_space<vmem>>) offsets(%arg12 : memref<400xi32, #tpu.memory_space<vmem>>) semaphore(%arg19 : memref<!tpu.dma_semaphore, #tpu.memory_space<semaphore_mem>>)
      } else {
      }
      %scan3A_93 = arith.constant 0 : i32
      scf.yield %scan3A_93 : i32
    }
    %scan3A_38 = arith.constant 25 : i32
    %dma_wait3A = arith.constant 0 : i32
    %dma_wait3A_39 = arith.constant 0 : i32
    %dma_wait3A_40 = tpu.memref_slice %arg17[%dma_wait3A, %dma_wait3A_39] : memref<10000x64xf32, #tpu.memory_space<vmem_shared>> -> memref<400x64xf32, #tpu.memory_space<vmem_shared>>
    %dma_wait3A_41 = arith.constant 0 : i32
    %dma_wait3A_42 = arith.constant 0 : i32
    %dma_wait3A_43 = tpu.memref_slice %arg17[%dma_wait3A_41, %dma_wait3A_42] : memref<10000x64xf32, #tpu.memory_space<vmem_shared>> -> memref<400x64xf32, #tpu.memory_space<vmem_shared>>
    tpu.wait_dma2 semaphore(%arg20 : memref<!tpu.dma_semaphore, #tpu.memory_space<semaphore_mem>>) src(%arg14 : memref<400x64xf32, #tpu.memory_space<vmem>>) dst(%dma_wait3A_43 : memref<400x64xf32, #tpu.memory_space<vmem_shared>>)
    %dma_wait3A_44 = arith.constant 0 : i32
    %dma_wait3A_45 = arith.constant 0 : i32
    %dma_wait3A_46 = tpu.memref_slice %arg17[%dma_wait3A_44, %dma_wait3A_45] : memref<10000x64xf32, #tpu.memory_space<vmem_shared>> -> memref<400x64xf32, #tpu.memory_space<vmem_shared>>
    %dma_wait3A_47 = arith.constant 0 : i32
    %dma_wait3A_48 = arith.constant 0 : i32
    %dma_wait3A_49 = tpu.memref_slice %arg17[%dma_wait3A_47, %dma_wait3A_48] : memref<10000x64xf32, #tpu.memory_space<vmem_shared>> -> memref<400x64xf32, #tpu.memory_space<vmem_shared>>
    tpu.wait_dma2 semaphore(%arg21 : memref<!tpu.dma_semaphore, #tpu.memory_space<semaphore_mem>>) src(%arg15 : memref<400x64xf32, #tpu.memory_space<vmem>>) dst(%dma_wait3A_49 : memref<400x64xf32, #tpu.memory_space<vmem_shared>>)
    %barrier3A_50 = arith.constant 0 : index
    tpu.barrier barrier_id(%barrier3A_50)
    "tpu.region"() ({
      %run_scoped3A = tpu.sem_alloc : memref<!tpu.dma_semaphore, #tpu.memory_space<semaphore_mem>>
      %dma_start3A_56 = arith.constant 0 : i32
      %dma_start3A_57 = tpu.memref_slice %arg7[%arg0, %mul3A_7, %dma_start3A_56] : memref<2x10000x64xf32, #tpu.memory_space<hbm>> -> memref<1x624x64xf32, #tpu.memory_space<hbm>>
      %dma_start3A_58 = tpu.memref_squeeze %dma_start3A_57 : memref<1x624x64xf32, #tpu.memory_space<hbm>> -> memref<624x64xf32, #tpu.memory_space<hbm>>
      %dma_start3A_59 = arith.constant 0 : i32
      %dma_start3A_60 = tpu.memref_slice %arg17[%mul3A_7, %dma_start3A_59] : memref<10000x64xf32, #tpu.memory_space<vmem_shared>> -> memref<624x64xf32, #tpu.memory_space<vmem_shared>>
      tpu.enqueue_dma source(%dma_start3A_60 : memref<624x64xf32, #tpu.memory_space<vmem_shared>>) target(%dma_start3A_58 : memref<624x64xf32, #tpu.memory_space<hbm>>) target_semaphore(%run_scoped3A : memref<!tpu.dma_semaphore, #tpu.memory_space<semaphore_mem>>)
      %dma_wait3A_61 = arith.constant 0 : i32
      %dma_wait3A_62 = tpu.memref_slice %arg7[%arg0, %mul3A_7, %dma_wait3A_61] : memref<2x10000x64xf32, #tpu.memory_space<hbm>> -> memref<1x624x64xf32, #tpu.memory_space<hbm>>
      %dma_wait3A_63 = tpu.memref_squeeze %dma_wait3A_62 : memref<1x624x64xf32, #tpu.memory_space<hbm>> -> memref<624x64xf32, #tpu.memory_space<hbm>>
      %dma_wait3A_64 = arith.constant 0 : i32
      %dma_wait3A_65 = tpu.memref_slice %arg17[%mul3A_7, %dma_wait3A_64] : memref<10000x64xf32, #tpu.memory_space<vmem_shared>> -> memref<624x64xf32, #tpu.memory_space<vmem_shared>>
      tpu.wait_dma2 semaphore(%run_scoped3A : memref<!tpu.dma_semaphore, #tpu.memory_space<semaphore_mem>>) src(%dma_wait3A_65 : memref<624x64xf32, #tpu.memory_space<vmem_shared>>) dst(%dma_wait3A_63 : memref<624x64xf32, #tpu.memory_space<hbm>>)
      tpu.yield
    }) : () -> ()
    %eq3A_51 = arith.constant 15 : i32
    %eq3A_52 = arith.cmpi eq, %arg1, %eq3A_51 : i32
    %convert_element_type3A_53 = arith.extui %eq3A_52 : i1 to i32
    %cond3A_54 = arith.constant 0 : i32
    %cond3A_55 = arith.cmpi ne, %convert_element_type3A_53, %cond3A_54 : i32
    scf.if %cond3A_55 {
      "tpu.region"() ({
        %run_scoped3A = tpu.sem_alloc : memref<!tpu.dma_semaphore, #tpu.memory_space<semaphore_mem>>
        %dma_start3A_56 = arith.constant 9984 : i32
        %dma_start3A_57 = arith.constant 0 : i32
        %dma_start3A_58 = tpu.memref_slice %arg7[%arg0, %dma_start3A_56, %dma_start3A_57] : memref<2x10000x64xf32, #tpu.memory_space<hbm>> -> memref<1x16x64xf32, #tpu.memory_space<hbm>>
        %dma_start3A_59 = tpu.memref_squeeze %dma_start3A_58 : memref<1x16x64xf32, #tpu.memory_space<hbm>> -> memref<16x64xf32, #tpu.memory_space<hbm>>
        %dma_start3A_60 = arith.constant 9984 : i32
        %dma_start3A_61 = arith.constant 0 : i32
        %dma_start3A_62 = tpu.memref_slice %arg17[%dma_start3A_60, %dma_start3A_61] : memref<10000x64xf32, #tpu.memory_space<vmem_shared>> -> memref<16x64xf32, #tpu.memory_space<vmem_shared>>
        tpu.enqueue_dma source(%dma_start3A_62 : memref<16x64xf32, #tpu.memory_space<vmem_shared>>) target(%dma_start3A_59 : memref<16x64xf32, #tpu.memory_space<hbm>>) target_semaphore(%run_scoped3A : memref<!tpu.dma_semaphore, #tpu.memory_space<semaphore_mem>>)
        %dma_wait3A_63 = arith.constant 9984 : i32
        %dma_wait3A_64 = arith.constant 0 : i32
        %dma_wait3A_65 = tpu.memref_slice %arg7[%arg0, %dma_wait3A_63, %dma_wait3A_64] : memref<2x10000x64xf32, #tpu.memory_space<hbm>> -> memref<1x16x64xf32, #tpu.memory_space<hbm>>
        %dma_wait3A_66 = tpu.memref_squeeze %dma_wait3A_65 : memref<1x16x64xf32, #tpu.memory_space<hbm>> -> memref<16x64xf32, #tpu.memory_space<hbm>>
        %dma_wait3A_67 = arith.constant 9984 : i32
        %dma_wait3A_68 = arith.constant 0 : i32
        %dma_wait3A_69 = tpu.memref_slice %arg17[%dma_wait3A_67, %dma_wait3A_68] : memref<10000x64xf32, #tpu.memory_space<vmem_shared>> -> memref<16x64xf32, #tpu.memory_space<vmem_shared>>
        tpu.wait_dma2 semaphore(%run_scoped3A : memref<!tpu.dma_semaphore, #tpu.memory_space<semaphore_mem>>) src(%dma_wait3A_69 : memref<16x64xf32, #tpu.memory_space<vmem_shared>>) dst(%dma_wait3A_66 : memref<16x64xf32, #tpu.memory_space<hbm>>)
        tpu.yield
      }) : () -> ()
    } else {
    }
    return
  }
}

#map = affine_map<(d0, d1) -> (0, 0, 0)>
#map1 = affine_map<(d0, d1) -> (0)>
module attributes {stable_mosaic.version = 14 : i64} {
  func.func @_sc_hop_body(%arg0: i32, %arg1: i32, %arg2: memref<2x10000x64xf32, #tpu.memory_space<hbm>>, %arg3: memref<10000xf32, #tpu.memory_space<hbm>>, %arg4: memref<10000xf32, #tpu.memory_space<hbm>>, %arg5: memref<320000xi32, #tpu.memory_space<hbm>>, %arg6: memref<320000xi32, #tpu.memory_space<hbm>>, %arg7: memref<2x10000x64xf32, #tpu.memory_space<hbm>>, %arg8: memref<10000xf32, #tpu.memory_space<vmem>>, %arg9: memref<10000xf32, #tpu.memory_space<vmem>>, %arg10: memref<400xi32, #tpu.memory_space<vmem>>, %arg11: memref<400xi32, #tpu.memory_space<vmem>>, %arg12: memref<400xi32, #tpu.memory_space<vmem>>, %arg13: memref<400xi32, #tpu.memory_space<vmem>>, %arg14: memref<400x64xf32, #tpu.memory_space<vmem>>, %arg15: memref<400x64xf32, #tpu.memory_space<vmem>>, %arg16: memref<400xf32, #tpu.memory_space<vmem>>, %arg17: memref<10000x64xf32, #tpu.memory_space<vmem_shared>>, %arg18: memref<!tpu.dma_semaphore, #tpu.memory_space<semaphore_mem>>, %arg19: memref<!tpu.dma_semaphore, #tpu.memory_space<semaphore_mem>>, %arg20: memref<!tpu.dma_semaphore, #tpu.memory_space<semaphore_mem>>, %arg21: memref<!tpu.dma_semaphore, #tpu.memory_space<semaphore_mem>>) attributes {dimension_semantics = [#tpu.dimension_semantics<core_parallel>, #tpu.dimension_semantics<subcore_parallel>], iteration_bounds = array<i64: 2, 16>, scalar_prefetch = 0 : i64, scratch_operands = 14 : i64, tpu.core_type = #tpu.core_type<sc_vector_subcore>, window_params = [{transform_indices = #map}, {transform_indices = #map1}, {transform_indices = #map1}, {transform_indices = #map1}, {transform_indices = #map1}, {transform_indices = #map}]} {
    %broadcast_in_dim3A = arith.constant 0.000000e+00 : f32
    %broadcast_in_dim3A_0 = vector.broadcast %broadcast_in_dim3A : f32 to vector<16xf32>
    %scan3A = arith.constant 0 : i32
    %scan3A_1 = arith.constant 0 : i32
    %scan3A_2 = arith.constant 400 : i32
    %scan3A_3 = arith.addi %scan3A_1, %scan3A_2 : i32
    %scan3A_4 = arith.constant 1 : i32
    %scan3A_5 = scf.for %scan3A_56 = %scan3A_1 to %scan3A_3 step %scan3A_4 iter_args(%scan3A_57 = %scan3A) -> (i32)  : i32 {
      %swap3A = arith.index_cast %scan3A_56 : i32 to index
      %swap3A_58 = arith.constant 0 : index
      %swap3A_59 = tpu.vector_load %arg14[%swap3A, %swap3A_58] {strides = array<i32>} : memref<400x64xf32, #tpu.memory_space<vmem>>, vector<16xf32>,
      tpu.vector_store %arg14[%swap3A, %swap3A_58], %broadcast_in_dim3A_0 {strides = array<i32>} : memref<400x64xf32, #tpu.memory_space<vmem>>, vector<16xf32>,
      %swap3A_60 = arith.index_cast %scan3A_56 : i32 to index
      %swap3A_61 = arith.constant 16 : index
      %swap3A_62 = tpu.vector_load %arg14[%swap3A_60, %swap3A_61] {strides = array<i32>} : memref<400x64xf32, #tpu.memory_space<vmem>>, vector<16xf32>,
      tpu.vector_store %arg14[%swap3A_60, %swap3A_61], %broadcast_in_dim3A_0 {strides = array<i32>} : memref<400x64xf32, #tpu.memory_space<vmem>>, vector<16xf32>,
      %swap3A_63 = arith.index_cast %scan3A_56 : i32 to index
      %swap3A_64 = arith.constant 32 : index
      %swap3A_65 = tpu.vector_load %arg14[%swap3A_63, %swap3A_64] {strides = array<i32>} : memref<400x64xf32, #tpu.memory_space<vmem>>, vector<16xf32>,
      tpu.vector_store %arg14[%swap3A_63, %swap3A_64], %broadcast_in_dim3A_0 {strides = array<i32>} : memref<400x64xf32, #tpu.memory_space<vmem>>, vector<16xf32>,
      %swap3A_66 = arith.index_cast %scan3A_56 : i32 to index
      %swap3A_67 = arith.constant 48 : index
      %swap3A_68 = tpu.vector_load %arg14[%swap3A_66, %swap3A_67] {strides = array<i32>} : memref<400x64xf32, #tpu.memory_space<vmem>>, vector<16xf32>,
      tpu.vector_store %arg14[%swap3A_66, %swap3A_67], %broadcast_in_dim3A_0 {strides = array<i32>} : memref<400x64xf32, #tpu.memory_space<vmem>>, vector<16xf32>,
      %scan3A_69 = arith.constant 0 : i32
      scf.yield %scan3A_69 : i32
    }
    %scan3A_6 = arith.constant 400 : i32
    %mul3A = arith.constant 624 : i32
    %mul3A_7 = arith.muli %arg1, %mul3A : i32
    "tpu.region"() ({
      %run_scoped3A = tpu.sem_alloc : memref<!tpu.dma_semaphore, #tpu.memory_space<semaphore_mem>>
      %dma_start3A_56 = arith.constant 0 : i32
      %dma_start3A_57 = arith.constant 0 : i32
      %dma_start3A_58 = tpu.memref_slice %arg14[%dma_start3A_56, %dma_start3A_57] : memref<400x64xf32, #tpu.memory_space<vmem>> -> memref<400x64xf32, #tpu.memory_space<vmem>>
      %dma_start3A_59 = arith.constant 0 : i32
      %dma_start3A_60 = tpu.memref_slice %arg17[%mul3A_7, %dma_start3A_59] : memref<10000x64xf32, #tpu.memory_space<vmem_shared>> -> memref<400x64xf32, #tpu.memory_space<vmem_shared>>
      %dma_start3A_61 = arith.constant 0 : i32
      %dma_start3A_62 = tpu.memref_slice %arg17[%mul3A_7, %dma_start3A_61] : memref<10000x64xf32, #tpu.memory_space<vmem_shared>> -> memref<400x64xf32, #tpu.memory_space<vmem_shared>>
      %dma_start3A_63 = arith.constant 0 : i32
      %dma_start3A_64 = arith.constant 0 : i32
      %dma_start3A_65 = tpu.memref_slice %arg14[%dma_start3A_63, %dma_start3A_64] : memref<400x64xf32, #tpu.memory_space<vmem>> -> memref<400x64xf32, #tpu.memory_space<vmem>>
      tpu.enqueue_dma source(%dma_start3A_65 : memref<400x64xf32, #tpu.memory_space<vmem>>) target(%dma_start3A_62 : memref<400x64xf32, #tpu.memory_space<vmem_shared>>) target_semaphore(%run_scoped3A : memref<!tpu.dma_semaphore, #tpu.memory_space<semaphore_mem>>)
      %dma_wait3A_66 = arith.constant 0 : i32
      %dma_wait3A_67 = arith.constant 0 : i32
      %dma_wait3A_68 = tpu.memref_slice %arg14[%dma_wait3A_66, %dma_wait3A_67] : memref<400x64xf32, #tpu.memory_space<vmem>> -> memref<400x64xf32, #tpu.memory_space<vmem>>
      %dma_wait3A_69 = arith.constant 0 : i32
      %dma_wait3A_70 = tpu.memref_slice %arg17[%mul3A_7, %dma_wait3A_69] : memref<10000x64xf32, #tpu.memory_space<vmem_shared>> -> memref<400x64xf32, #tpu.memory_space<vmem_shared>>
      %dma_wait3A_71 = arith.constant 0 : i32
      %dma_wait3A_72 = tpu.memref_slice %arg17[%mul3A_7, %dma_wait3A_71] : memref<10000x64xf32, #tpu.memory_space<vmem_shared>> -> memref<400x64xf32, #tpu.memory_space<vmem_shared>>
      %dma_wait3A_73 = arith.constant 0 : i32
      %dma_wait3A_74 = arith.constant 0 : i32
      %dma_wait3A_75 = tpu.memref_slice %arg14[%dma_wait3A_73, %dma_wait3A_74] : memref<400x64xf32, #tpu.memory_space<vmem>> -> memref<400x64xf32, #tpu.memory_space<vmem>>
      tpu.wait_dma2 semaphore(%run_scoped3A : memref<!tpu.dma_semaphore, #tpu.memory_space<semaphore_mem>>) src(%dma_wait3A_75 : memref<400x64xf32, #tpu.memory_space<vmem>>) dst(%dma_wait3A_72 : memref<400x64xf32, #tpu.memory_space<vmem_shared>>)
      tpu.yield
    }) : () -> ()
    %add3A = arith.constant 400 : i32
    %add3A_8 = arith.addi %mul3A_7, %add3A : i32
    "tpu.region"() ({
      %run_scoped3A = tpu.sem_alloc : memref<!tpu.dma_semaphore, #tpu.memory_space<semaphore_mem>>
      %dma_start3A_56 = arith.constant 0 : i32
      %dma_start3A_57 = arith.constant 0 : i32
      %dma_start3A_58 = tpu.memref_slice %arg14[%dma_start3A_56, %dma_start3A_57] : memref<400x64xf32, #tpu.memory_space<vmem>> -> memref<224x64xf32, #tpu.memory_space<vmem>>
      %dma_start3A_59 = arith.constant 0 : i32
      %dma_start3A_60 = tpu.memref_slice %arg17[%add3A_8, %dma_start3A_59] : memref<10000x64xf32, #tpu.memory_space<vmem_shared>> -> memref<224x64xf32, #tpu.memory_space<vmem_shared>>
      %dma_start3A_61 = arith.constant 0 : i32
      %dma_start3A_62 = tpu.memref_slice %arg17[%add3A_8, %dma_start3A_61] : memref<10000x64xf32, #tpu.memory_space<vmem_shared>> -> memref<224x64xf32, #tpu.memory_space<vmem_shared>>
      %dma_start3A_63 = arith.constant 0 : i32
      %dma_start3A_64 = arith.constant 0 : i32
      %dma_start3A_65 = tpu.memref_slice %arg14[%dma_start3A_63, %dma_start3A_64] : memref<400x64xf32, #tpu.memory_space<vmem>> -> memref<224x64xf32, #tpu.memory_space<vmem>>
      tpu.enqueue_dma source(%dma_start3A_65 : memref<224x64xf32, #tpu.memory_space<vmem>>) target(%dma_start3A_62 : memref<224x64xf32, #tpu.memory_space<vmem_shared>>) target_semaphore(%run_scoped3A : memref<!tpu.dma_semaphore, #tpu.memory_space<semaphore_mem>>)
      %dma_wait3A_66 = arith.constant 0 : i32
      %dma_wait3A_67 = arith.constant 0 : i32
      %dma_wait3A_68 = tpu.memref_slice %arg14[%dma_wait3A_66, %dma_wait3A_67] : memref<400x64xf32, #tpu.memory_space<vmem>> -> memref<224x64xf32, #tpu.memory_space<vmem>>
      %dma_wait3A_69 = arith.constant 0 : i32
      %dma_wait3A_70 = tpu.memref_slice %arg17[%add3A_8, %dma_wait3A_69] : memref<10000x64xf32, #tpu.memory_space<vmem_shared>> -> memref<224x64xf32, #tpu.memory_space<vmem_shared>>
      %dma_wait3A_71 = arith.constant 0 : i32
      %dma_wait3A_72 = tpu.memref_slice %arg17[%add3A_8, %dma_wait3A_71] : memref<10000x64xf32, #tpu.memory_space<vmem_shared>> -> memref<224x64xf32, #tpu.memory_space<vmem_shared>>
      %dma_wait3A_73 = arith.constant 0 : i32
      %dma_wait3A_74 = arith.constant 0 : i32
      %dma_wait3A_75 = tpu.memref_slice %arg14[%dma_wait3A_73, %dma_wait3A_74] : memref<400x64xf32, #tpu.memory_space<vmem>> -> memref<224x64xf32, #tpu.memory_space<vmem>>
      tpu.wait_dma2 semaphore(%run_scoped3A : memref<!tpu.dma_semaphore, #tpu.memory_space<semaphore_mem>>) src(%dma_wait3A_75 : memref<224x64xf32, #tpu.memory_space<vmem>>) dst(%dma_wait3A_72 : memref<224x64xf32, #tpu.memory_space<vmem_shared>>)
      tpu.yield
    }) : () -> ()
    %eq3A = arith.constant 15 : i32
    %eq3A_9 = arith.cmpi eq, %arg1, %eq3A : i32
    %convert_element_type3A = arith.extui %eq3A_9 : i1 to i32
    %cond3A = arith.constant 0 : i32
    %cond3A_10 = arith.cmpi ne, %convert_element_type3A, %cond3A : i32
    scf.if %cond3A_10 {
      "tpu.region"() ({
        %run_scoped3A = tpu.sem_alloc : memref<!tpu.dma_semaphore, #tpu.memory_space<semaphore_mem>>
        %dma_start3A_56 = arith.constant 0 : i32
        %dma_start3A_57 = arith.constant 0 : i32
        %dma_start3A_58 = tpu.memref_slice %arg14[%dma_start3A_56, %dma_start3A_57] : memref<400x64xf32, #tpu.memory_space<vmem>> -> memref<16x64xf32, #tpu.memory_space<vmem>>
        %dma_start3A_59 = arith.constant 9984 : i32
        %dma_start3A_60 = arith.constant 0 : i32
        %dma_start3A_61 = tpu.memref_slice %arg17[%dma_start3A_59, %dma_start3A_60] : memref<10000x64xf32, #tpu.memory_space<vmem_shared>> -> memref<16x64xf32, #tpu.memory_space<vmem_shared>>
        %dma_start3A_62 = arith.constant 9984 : i32
        %dma_start3A_63 = arith.constant 0 : i32
        %dma_start3A_64 = tpu.memref_slice %arg17[%dma_start3A_62, %dma_start3A_63] : memref<10000x64xf32, #tpu.memory_space<vmem_shared>> -> memref<16x64xf32, #tpu.memory_space<vmem_shared>>
        %dma_start3A_65 = arith.constant 0 : i32
        %dma_start3A_66 = arith.constant 0 : i32
        %dma_start3A_67 = tpu.memref_slice %arg14[%dma_start3A_65, %dma_start3A_66] : memref<400x64xf32, #tpu.memory_space<vmem>> -> memref<16x64xf32, #tpu.memory_space<vmem>>
        tpu.enqueue_dma source(%dma_start3A_67 : memref<16x64xf32, #tpu.memory_space<vmem>>) target(%dma_start3A_64 : memref<16x64xf32, #tpu.memory_space<vmem_shared>>) target_semaphore(%run_scoped3A : memref<!tpu.dma_semaphore, #tpu.memory_space<semaphore_mem>>)
        %dma_wait3A_68 = arith.constant 0 : i32
        %dma_wait3A_69 = arith.constant 0 : i32
        %dma_wait3A_70 = tpu.memref_slice %arg14[%dma_wait3A_68, %dma_wait3A_69] : memref<400x64xf32, #tpu.memory_space<vmem>> -> memref<16x64xf32, #tpu.memory_space<vmem>>
        %dma_wait3A_71 = arith.constant 9984 : i32
        %dma_wait3A_72 = arith.constant 0 : i32
        %dma_wait3A_73 = tpu.memref_slice %arg17[%dma_wait3A_71, %dma_wait3A_72] : memref<10000x64xf32, #tpu.memory_space<vmem_shared>> -> memref<16x64xf32, #tpu.memory_space<vmem_shared>>
        %dma_wait3A_74 = arith.constant 9984 : i32
        %dma_wait3A_75 = arith.constant 0 : i32
        %dma_wait3A_76 = tpu.memref_slice %arg17[%dma_wait3A_74, %dma_wait3A_75] : memref<10000x64xf32, #tpu.memory_space<vmem_shared>> -> memref<16x64xf32, #tpu.memory_space<vmem_shared>>
        %dma_wait3A_77 = arith.constant 0 : i32
        %dma_wait3A_78 = arith.constant 0 : i32
        %dma_wait3A_79 = tpu.memref_slice %arg14[%dma_wait3A_77, %dma_wait3A_78] : memref<400x64xf32, #tpu.memory_space<vmem>> -> memref<16x64xf32, #tpu.memory_space<vmem>>
        tpu.wait_dma2 semaphore(%run_scoped3A : memref<!tpu.dma_semaphore, #tpu.memory_space<semaphore_mem>>) src(%dma_wait3A_79 : memref<16x64xf32, #tpu.memory_space<vmem>>) dst(%dma_wait3A_76 : memref<16x64xf32, #tpu.memory_space<vmem_shared>>)
        tpu.yield
      }) : () -> ()
    } else {
    }
    "tpu.region"() ({
      %run_scoped3A = tpu.sem_alloc : memref<!tpu.dma_semaphore, #tpu.memory_space<semaphore_mem>>
      tpu.enqueue_dma source(%arg3 : memref<10000xf32, #tpu.memory_space<hbm>>) target(%arg8 : memref<10000xf32, #tpu.memory_space<vmem>>) target_semaphore(%run_scoped3A : memref<!tpu.dma_semaphore, #tpu.memory_space<semaphore_mem>>)
      tpu.wait_dma2 semaphore(%run_scoped3A : memref<!tpu.dma_semaphore, #tpu.memory_space<semaphore_mem>>) src(%arg3 : memref<10000xf32, #tpu.memory_space<hbm>>) dst(%arg8 : memref<10000xf32, #tpu.memory_space<vmem>>)
      tpu.yield
    }) : () -> ()
    "tpu.region"() ({
      %run_scoped3A = tpu.sem_alloc : memref<!tpu.dma_semaphore, #tpu.memory_space<semaphore_mem>>
      tpu.enqueue_dma source(%arg4 : memref<10000xf32, #tpu.memory_space<hbm>>) target(%arg9 : memref<10000xf32, #tpu.memory_space<vmem>>) target_semaphore(%run_scoped3A : memref<!tpu.dma_semaphore, #tpu.memory_space<semaphore_mem>>)
      tpu.wait_dma2 semaphore(%run_scoped3A : memref<!tpu.dma_semaphore, #tpu.memory_space<semaphore_mem>>) src(%arg4 : memref<10000xf32, #tpu.memory_space<hbm>>) dst(%arg9 : memref<10000xf32, #tpu.memory_space<vmem>>)
      tpu.yield
    }) : () -> ()
    %barrier3A = arith.constant 0 : index
    tpu.barrier barrier_id(%barrier3A)
    %broadcast_in_dim3A_11 = arith.constant 0 : i32
    %broadcast_in_dim3A_12 = vector.broadcast %broadcast_in_dim3A_11 : i32 to vector<16xi32>
    %mul3A_13 = arith.constant 20000 : i32
    %mul3A_14 = arith.muli %arg1, %mul3A_13 : i32
    %add3A_15 = arith.constant 0 : i32
    %add3A_16 = arith.addi %mul3A_14, %add3A_15 : i32
    "tpu.region"() ({
      %run_scoped3A = tpu.sem_alloc : memref<!tpu.dma_semaphore, #tpu.memory_space<semaphore_mem>>
      %dma_start3A_56 = tpu.memref_slice %arg5[%add3A_16] : memref<320000xi32, #tpu.memory_space<hbm>> -> memref<400xi32, #tpu.memory_space<hbm>>
      %dma_start3A_57 = tpu.memref_slice %arg5[%add3A_16] : memref<320000xi32, #tpu.memory_space<hbm>> -> memref<400xi32, #tpu.memory_space<hbm>>
      tpu.enqueue_dma source(%dma_start3A_57 : memref<400xi32, #tpu.memory_space<hbm>>) target(%arg10 : memref<400xi32, #tpu.memory_space<vmem>>) target_semaphore(%run_scoped3A : memref<!tpu.dma_semaphore, #tpu.memory_space<semaphore_mem>>)
      %dma_wait3A_58 = tpu.memref_slice %arg5[%add3A_16] : memref<320000xi32, #tpu.memory_space<hbm>> -> memref<400xi32, #tpu.memory_space<hbm>>
      %dma_wait3A_59 = tpu.memref_slice %arg5[%add3A_16] : memref<320000xi32, #tpu.memory_space<hbm>> -> memref<400xi32, #tpu.memory_space<hbm>>
      tpu.wait_dma2 semaphore(%run_scoped3A : memref<!tpu.dma_semaphore, #tpu.memory_space<semaphore_mem>>) src(%dma_wait3A_59 : memref<400xi32, #tpu.memory_space<hbm>>) dst(%arg10 : memref<400xi32, #tpu.memory_space<vmem>>)
      tpu.yield
    }) : () -> ()
    "tpu.region"() ({
      %run_scoped3A = tpu.sem_alloc : memref<!tpu.dma_semaphore, #tpu.memory_space<semaphore_mem>>
      %dma_start3A_56 = tpu.memref_slice %arg6[%add3A_16] : memref<320000xi32, #tpu.memory_space<hbm>> -> memref<400xi32, #tpu.memory_space<hbm>>
      %dma_start3A_57 = tpu.memref_slice %arg6[%add3A_16] : memref<320000xi32, #tpu.memory_space<hbm>> -> memref<400xi32, #tpu.memory_space<hbm>>
      tpu.enqueue_dma source(%dma_start3A_57 : memref<400xi32, #tpu.memory_space<hbm>>) target(%arg11 : memref<400xi32, #tpu.memory_space<vmem>>) target_semaphore(%run_scoped3A : memref<!tpu.dma_semaphore, #tpu.memory_space<semaphore_mem>>)
      %dma_wait3A_58 = tpu.memref_slice %arg6[%add3A_16] : memref<320000xi32, #tpu.memory_space<hbm>> -> memref<400xi32, #tpu.memory_space<hbm>>
      %dma_wait3A_59 = tpu.memref_slice %arg6[%add3A_16] : memref<320000xi32, #tpu.memory_space<hbm>> -> memref<400xi32, #tpu.memory_space<hbm>>
      tpu.wait_dma2 semaphore(%run_scoped3A : memref<!tpu.dma_semaphore, #tpu.memory_space<semaphore_mem>>) src(%dma_wait3A_59 : memref<400xi32, #tpu.memory_space<hbm>>) dst(%arg11 : memref<400xi32, #tpu.memory_space<vmem>>)
      tpu.yield
    }) : () -> ()
    %dma_start3A = arith.constant 0 : i32
    %dma_start3A_17 = arith.constant 0 : i32
    %dma_start3A_18 = tpu.memref_slice %arg2[%arg0, %dma_start3A, %dma_start3A_17] : memref<2x10000x64xf32, #tpu.memory_space<hbm>> -> memref<1x10000x64xf32, #tpu.memory_space<hbm>>
    %dma_start3A_19 = tpu.memref_squeeze %dma_start3A_18 : memref<1x10000x64xf32, #tpu.memory_space<hbm>> -> memref<10000x64xf32, #tpu.memory_space<hbm>>
    %dma_start3A_20 = arith.constant 0 : i32
    %dma_start3A_21 = arith.constant 0 : i32
    %dma_start3A_22 = tpu.memref_slice %dma_start3A_19[%dma_start3A_20, %dma_start3A_21] : memref<10000x64xf32, #tpu.memory_space<hbm>> -> memref<10000x64xf32, #tpu.memory_space<hbm>>
    tpu.enqueue_indirect_dma source(%dma_start3A_22 : memref<10000x64xf32, #tpu.memory_space<hbm>>) target(%arg14 : memref<400x64xf32, #tpu.memory_space<vmem>>) offsets(%arg10 : memref<400xi32, #tpu.memory_space<vmem>>) semaphore(%arg18 : memref<!tpu.dma_semaphore, #tpu.memory_space<semaphore_mem>>)
    %add3A_23 = arith.constant 400 : i32
    %add3A_24 = arith.addi %mul3A_14, %add3A_23 : i32
    "tpu.region"() ({
      %run_scoped3A = tpu.sem_alloc : memref<!tpu.dma_semaphore, #tpu.memory_space<semaphore_mem>>
      %dma_start3A_56 = tpu.memref_slice %arg5[%add3A_24] : memref<320000xi32, #tpu.memory_space<hbm>> -> memref<400xi32, #tpu.memory_space<hbm>>
      %dma_start3A_57 = tpu.memref_slice %arg5[%add3A_24] : memref<320000xi32, #tpu.memory_space<hbm>> -> memref<400xi32, #tpu.memory_space<hbm>>
      tpu.enqueue_dma source(%dma_start3A_57 : memref<400xi32, #tpu.memory_space<hbm>>) target(%arg12 : memref<400xi32, #tpu.memory_space<vmem>>) target_semaphore(%run_scoped3A : memref<!tpu.dma_semaphore, #tpu.memory_space<semaphore_mem>>)
      %dma_wait3A_58 = tpu.memref_slice %arg5[%add3A_24] : memref<320000xi32, #tpu.memory_space<hbm>> -> memref<400xi32, #tpu.memory_space<hbm>>
      %dma_wait3A_59 = tpu.memref_slice %arg5[%add3A_24] : memref<320000xi32, #tpu.memory_space<hbm>> -> memref<400xi32, #tpu.memory_space<hbm>>
      tpu.wait_dma2 semaphore(%run_scoped3A : memref<!tpu.dma_semaphore, #tpu.memory_space<semaphore_mem>>) src(%dma_wait3A_59 : memref<400xi32, #tpu.memory_space<hbm>>) dst(%arg12 : memref<400xi32, #tpu.memory_space<vmem>>)
      tpu.yield
    }) : () -> ()
    "tpu.region"() ({
      %run_scoped3A = tpu.sem_alloc : memref<!tpu.dma_semaphore, #tpu.memory_space<semaphore_mem>>
      %dma_start3A_56 = tpu.memref_slice %arg6[%add3A_24] : memref<320000xi32, #tpu.memory_space<hbm>> -> memref<400xi32, #tpu.memory_space<hbm>>
      %dma_start3A_57 = tpu.memref_slice %arg6[%add3A_24] : memref<320000xi32, #tpu.memory_space<hbm>> -> memref<400xi32, #tpu.memory_space<hbm>>
      tpu.enqueue_dma source(%dma_start3A_57 : memref<400xi32, #tpu.memory_space<hbm>>) target(%arg13 : memref<400xi32, #tpu.memory_space<vmem>>) target_semaphore(%run_scoped3A : memref<!tpu.dma_semaphore, #tpu.memory_space<semaphore_mem>>)
      %dma_wait3A_58 = tpu.memref_slice %arg6[%add3A_24] : memref<320000xi32, #tpu.memory_space<hbm>> -> memref<400xi32, #tpu.memory_space<hbm>>
      %dma_wait3A_59 = tpu.memref_slice %arg6[%add3A_24] : memref<320000xi32, #tpu.memory_space<hbm>> -> memref<400xi32, #tpu.memory_space<hbm>>
      tpu.wait_dma2 semaphore(%run_scoped3A : memref<!tpu.dma_semaphore, #tpu.memory_space<semaphore_mem>>) src(%dma_wait3A_59 : memref<400xi32, #tpu.memory_space<hbm>>) dst(%arg13 : memref<400xi32, #tpu.memory_space<vmem>>)
      tpu.yield
    }) : () -> ()
    %dma_start3A_25 = arith.constant 0 : i32
    %dma_start3A_26 = arith.constant 0 : i32
    %dma_start3A_27 = tpu.memref_slice %arg2[%arg0, %dma_start3A_25, %dma_start3A_26] : memref<2x10000x64xf32, #tpu.memory_space<hbm>> -> memref<1x10000x64xf32, #tpu.memory_space<hbm>>
    %dma_start3A_28 = tpu.memref_squeeze %dma_start3A_27 : memref<1x10000x64xf32, #tpu.memory_space<hbm>> -> memref<10000x64xf32, #tpu.memory_space<hbm>>
    %dma_start3A_29 = arith.constant 0 : i32
    %dma_start3A_30 = arith.constant 0 : i32
    %dma_start3A_31 = tpu.memref_slice %dma_start3A_28[%dma_start3A_29, %dma_start3A_30] : memref<10000x64xf32, #tpu.memory_space<hbm>> -> memref<10000x64xf32, #tpu.memory_space<hbm>>
    tpu.enqueue_indirect_dma source(%dma_start3A_31 : memref<10000x64xf32, #tpu.memory_space<hbm>>) target(%arg15 : memref<400x64xf32, #tpu.memory_space<vmem>>) offsets(%arg12 : memref<400xi32, #tpu.memory_space<vmem>>) semaphore(%arg19 : memref<!tpu.dma_semaphore, #tpu.memory_space<semaphore_mem>>)
    %scan3A_32 = arith.constant 0 : i32
    %scan3A_33 = arith.constant 0 : i32
    %scan3A_34 = arith.constant 25 : i32
    %scan3A_35 = arith.addi %scan3A_33, %scan3A_34 : i32
    %scan3A_36 = arith.constant 1 : i32
    %scan3A_37 = scf.for %scan3A_56 = %scan3A_33 to %scan3A_35 step %scan3A_36 iter_args(%scan3A_57 = %scan3A_32) -> (i32)  : i32 {
      %dma_wait3A_58 = arith.constant 0 : i32
      %dma_wait3A_59 = arith.constant 0 : i32
      %dma_wait3A_60 = tpu.memref_slice %arg2[%arg0, %dma_wait3A_58, %dma_wait3A_59] : memref<2x10000x64xf32, #tpu.memory_space<hbm>> -> memref<1x10000x64xf32, #tpu.memory_space<hbm>>
      %dma_wait3A_61 = tpu.memref_squeeze %dma_wait3A_60 : memref<1x10000x64xf32, #tpu.memory_space<hbm>> -> memref<10000x64xf32, #tpu.memory_space<hbm>>
      %dma_wait3A_62 = arith.constant 0 : i32
      %dma_wait3A_63 = arith.constant 0 : i32
      %dma_wait3A_64 = tpu.memref_slice %dma_wait3A_61[%dma_wait3A_62, %dma_wait3A_63] : memref<10000x64xf32, #tpu.memory_space<hbm>> -> memref<10000x64xf32, #tpu.memory_space<hbm>>
      tpu.wait_indirect_dma semaphore(%arg18 : memref<!tpu.dma_semaphore, #tpu.memory_space<semaphore_mem>>) src(%dma_wait3A_64 : memref<10000x64xf32, #tpu.memory_space<hbm>>) dst(%arg14 : memref<400x64xf32, #tpu.memory_space<vmem>>)
      %parallel_loop3A = arith.constant 0 : i32
      %parallel_loop3A_65 = arith.constant 1 : i32
      %parallel_loop3A_66 = arith.constant 1 : i32
      scf.for %parallel_loop3A_94 = %parallel_loop3A to %parallel_loop3A_65 step %parallel_loop3A_66  : i32 {
        %parallel_loop3A_95 = arith.constant 16 : i32
        %parallel_loop3A_96 = arith.muli %parallel_loop3A_94, %parallel_loop3A_95 : i32
        %parallel_loop3A_97 = arith.index_cast %parallel_loop3A_96 : i32 to index
        %parallel_loop3A_98 = tpu.vector_load %arg10[%parallel_loop3A_97] {strides = array<i32>} : memref<400xi32, #tpu.memory_space<vmem>>, vector<16xi32>,
        %parallel_loop3A_99 = arith.index_cast %parallel_loop3A_96 : i32 to index
        %parallel_loop3A_100 = tpu.vector_load %arg11[%parallel_loop3A_99] {strides = array<i32>} : memref<400xi32, #tpu.memory_space<vmem>>, vector<16xi32>,
        %parallel_loop3A_101 = tpu.vector_load_idx %arg8[%parallel_loop3A_98] : memref<10000xf32, #tpu.memory_space<vmem>>[vector<16xi32>], vector<16xf32>,
        %parallel_loop3A_102 = tpu.vector_load_idx %arg9[%parallel_loop3A_100] : memref<10000xf32, #tpu.memory_space<vmem>>[vector<16xi32>], vector<16xf32>,
        %parallel_loop3A_103 = arith.addf %parallel_loop3A_101, %parallel_loop3A_102 : vector<16xf32>
        %parallel_loop3A_104 = arith.constant 0.000000e+00 : f32
        %parallel_loop3A_105 = vector.broadcast %parallel_loop3A_104 : f32 to vector<16xf32>
        %parallel_loop3A_106 = arith.cmpf ogt, %parallel_loop3A_103, %parallel_loop3A_105 : vector<16xf32>
        %parallel_loop3A_107 = math.exp %parallel_loop3A_103 : vector<16xf32>
        %parallel_loop3A_108 = arith.constant 1.000000e+00 : f32
        %parallel_loop3A_109 = vector.broadcast %parallel_loop3A_108 : f32 to vector<16xf32>
        %parallel_loop3A_110 = arith.subf %parallel_loop3A_107, %parallel_loop3A_109 : vector<16xf32>
        %parallel_loop3A_111 = arith.constant 1.67326319 : f32
        %parallel_loop3A_112 = vector.broadcast %parallel_loop3A_111 : f32 to vector<16xf32>
        %parallel_loop3A_113 = arith.mulf %parallel_loop3A_112, %parallel_loop3A_110 : vector<16xf32>
        %parallel_loop3A_114 = arith.select %parallel_loop3A_106, %parallel_loop3A_103, %parallel_loop3A_113 : vector<16xi1>, vector<16xf32>
        %parallel_loop3A_115 = arith.constant 1.05070102 : f32
        %parallel_loop3A_116 = vector.broadcast %parallel_loop3A_115 : f32 to vector<16xf32>
        %parallel_loop3A_117 = arith.mulf %parallel_loop3A_116, %parallel_loop3A_114 : vector<16xf32>
        %parallel_loop3A_118 = arith.constant 0.000000e+00 : f32
        %parallel_loop3A_119 = vector.broadcast %parallel_loop3A_118 : f32 to vector<16xf32>
        %parallel_loop3A_120 = arith.subf %parallel_loop3A_119, %parallel_loop3A_117 : vector<16xf32>
        %parallel_loop3A_121 = math.exp %parallel_loop3A_120 : vector<16xf32>
        %parallel_loop3A_122 = arith.constant 1.000000e+00 : f32
        %parallel_loop3A_123 = vector.broadcast %parallel_loop3A_122 : f32 to vector<16xf32>
        %parallel_loop3A_124 = arith.addf %parallel_loop3A_123, %parallel_loop3A_121 : vector<16xf32>
        %parallel_loop3A_125 = arith.constant 1.000000e+00 : f32
        %parallel_loop3A_126 = vector.broadcast %parallel_loop3A_125 : f32 to vector<16xf32>
        %parallel_loop3A_127 = arith.divf %parallel_loop3A_126, %parallel_loop3A_124 : vector<16xf32>
        %parallel_loop3A_128 = arith.index_cast %parallel_loop3A_96 : i32 to index
        %parallel_loop3A_129 = tpu.vector_load %arg16[%parallel_loop3A_128] {strides = array<i32>} : memref<400xf32, #tpu.memory_space<vmem>>, vector<16xf32>,
        tpu.vector_store %arg16[%parallel_loop3A_128], %parallel_loop3A_127 {strides = array<i32>} : memref<400xf32, #tpu.memory_space<vmem>>, vector<16xf32>,
      } {sc.loop_unroll_factor = 1 : i64, sc.parallel_access}
      %parallel_loop3A_67 = arith.constant 0 : i32
      %parallel_loop3A_68 = arith.constant 16 : i32
      %parallel_loop3A_69 = arith.constant 1 : i32
      scf.for %parallel_loop3A_94 = %parallel_loop3A_67 to %parallel_loop3A_68 step %parallel_loop3A_69  : i32 {
        %parallel_loop3A_95 = vector.broadcast %parallel_loop3A_94 : i32 to vector<16xi32>
        %parallel_loop3A_96 = arith.addi %broadcast_in_dim3A_12, %parallel_loop3A_95 : vector<16xi32>
        %parallel_loop3A_97 = tpu.vector_load_idx %arg16[%parallel_loop3A_96] : memref<400xf32, #tpu.memory_space<vmem>>[vector<16xi32>], vector<16xf32>,
        %parallel_loop3A_98 = arith.index_cast %parallel_loop3A_94 : i32 to index
        %parallel_loop3A_99 = arith.constant 0 : index
        %parallel_loop3A_100 = tpu.vector_load %arg14[%parallel_loop3A_98, %parallel_loop3A_99] {strides = array<i32>} : memref<400x64xf32, #tpu.memory_space<vmem>>, vector<16xf32>,
        %parallel_loop3A_101 = arith.mulf %parallel_loop3A_100, %parallel_loop3A_97 : vector<16xf32>
        %parallel_loop3A_102 = arith.index_cast %parallel_loop3A_94 : i32 to index
        %parallel_loop3A_103 = arith.constant 0 : index
        %parallel_loop3A_104 = tpu.vector_load %arg14[%parallel_loop3A_102, %parallel_loop3A_103] {strides = array<i32>} : memref<400x64xf32, #tpu.memory_space<vmem>>, vector<16xf32>,
        tpu.vector_store %arg14[%parallel_loop3A_102, %parallel_loop3A_103], %parallel_loop3A_101 {strides = array<i32>} : memref<400x64xf32, #tpu.memory_space<vmem>>, vector<16xf32>,
        %parallel_loop3A_105 = arith.index_cast %parallel_loop3A_94 : i32 to index
        %parallel_loop3A_106 = arith.constant 16 : index
        %parallel_loop3A_107 = tpu.vector_load %arg14[%parallel_loop3A_105, %parallel_loop3A_106] {strides = array<i32>} : memref<400x64xf32, #tpu.memory_space<vmem>>, vector<16xf32>,
        %parallel_loop3A_108 = arith.mulf %parallel_loop3A_107, %parallel_loop3A_97 : vector<16xf32>
        %parallel_loop3A_109 = arith.index_cast %parallel_loop3A_94 : i32 to index
        %parallel_loop3A_110 = arith.constant 16 : index
        %parallel_loop3A_111 = tpu.vector_load %arg14[%parallel_loop3A_109, %parallel_loop3A_110] {strides = array<i32>} : memref<400x64xf32, #tpu.memory_space<vmem>>, vector<16xf32>,
        tpu.vector_store %arg14[%parallel_loop3A_109, %parallel_loop3A_110], %parallel_loop3A_108 {strides = array<i32>} : memref<400x64xf32, #tpu.memory_space<vmem>>, vector<16xf32>,
        %parallel_loop3A_112 = arith.index_cast %parallel_loop3A_94 : i32 to index
        %parallel_loop3A_113 = arith.constant 32 : index
        %parallel_loop3A_114 = tpu.vector_load %arg14[%parallel_loop3A_112, %parallel_loop3A_113] {strides = array<i32>} : memref<400x64xf32, #tpu.memory_space<vmem>>, vector<16xf32>,
        %parallel_loop3A_115 = arith.mulf %parallel_loop3A_114, %parallel_loop3A_97 : vector<16xf32>
        %parallel_loop3A_116 = arith.index_cast %parallel_loop3A_94 : i32 to index
        %parallel_loop3A_117 = arith.constant 32 : index
        %parallel_loop3A_118 = tpu.vector_load %arg14[%parallel_loop3A_116, %parallel_loop3A_117] {strides = array<i32>} : memref<400x64xf32, #tpu.memory_space<vmem>>, vector<16xf32>,
        tpu.vector_store %arg14[%parallel_loop3A_116, %parallel_loop3A_117], %parallel_loop3A_115 {strides = array<i32>} : memref<400x64xf32, #tpu.memory_space<vmem>>, vector<16xf32>,
        %parallel_loop3A_119 = arith.index_cast %parallel_loop3A_94 : i32 to index
        %parallel_loop3A_120 = arith.constant 48 : index
        %parallel_loop3A_121 = tpu.vector_load %arg14[%parallel_loop3A_119, %parallel_loop3A_120] {strides = array<i32>} : memref<400x64xf32, #tpu.memory_space<vmem>>, vector<16xf32>,
        %parallel_loop3A_122 = arith.mulf %parallel_loop3A_121, %parallel_loop3A_97 : vector<16xf32>
        %parallel_loop3A_123 = arith.index_cast %parallel_loop3A_94 : i32 to index
        %parallel_loop3A_124 = arith.constant 48 : index
        %parallel_loop3A_125 = tpu.vector_load %arg14[%parallel_loop3A_123, %parallel_loop3A_124] {strides = array<i32>} : memref<400x64xf32, #tpu.memory_space<vmem>>, vector<16xf32>,
        tpu.vector_store %arg14[%parallel_loop3A_123, %parallel_loop3A_124], %parallel_loop3A_122 {strides = array<i32>} : memref<400x64xf32, #tpu.memory_space<vmem>>, vector<16xf32>,
      } {sc.loop_unroll_factor = 4 : i64, sc.parallel_access}
      %dma_start3A_70 = arith.constant 0 : i32
      %dma_start3A_71 = arith.constant 0 : i32
      %dma_start3A_72 = tpu.memref_slice %arg17[%dma_start3A_70, %dma_start3A_71] : memref<10000x64xf32, #tpu.memory_space<vmem_shared>> -> memref<10000x64xf32, #tpu.memory_space<vmem_shared>>
      tpu.enqueue_indirect_dma source(%arg14 : memref<400x64xf32, #tpu.memory_space<vmem>>) target(%dma_start3A_72 : memref<10000x64xf32, #tpu.memory_space<vmem_shared>>) offsets(%arg11 : memref<400xi32, #tpu.memory_space<vmem>>) semaphore(%arg20 : memref<!tpu.dma_semaphore, #tpu.memory_space<semaphore_mem>>) {add = true}
      %dma_wait3A_73 = arith.constant 0 : i32
      %dma_wait3A_74 = arith.constant 0 : i32
      %dma_wait3A_75 = tpu.memref_slice %arg2[%arg0, %dma_wait3A_73, %dma_wait3A_74] : memref<2x10000x64xf32, #tpu.memory_space<hbm>> -> memref<1x10000x64xf32, #tpu.memory_space<hbm>>
      %dma_wait3A_76 = tpu.memref_squeeze %dma_wait3A_75 : memref<1x10000x64xf32, #tpu.memory_space<hbm>> -> memref<10000x64xf32, #tpu.memory_space<hbm>>
      %dma_wait3A_77 = arith.constant 0 : i32
      %dma_wait3A_78 = arith.constant 0 : i32
      %dma_wait3A_79 = tpu.memref_slice %dma_wait3A_76[%dma_wait3A_77, %dma_wait3A_78] : memref<10000x64xf32, #tpu.memory_space<hbm>> -> memref<10000x64xf32, #tpu.memory_space<hbm>>
      tpu.wait_indirect_dma semaphore(%arg19 : memref<!tpu.dma_semaphore, #tpu.memory_space<semaphore_mem>>) src(%dma_wait3A_79 : memref<10000x64xf32, #tpu.memory_space<hbm>>) dst(%arg15 : memref<400x64xf32, #tpu.memory_space<vmem>>)
      %parallel_loop3A_80 = arith.constant 0 : i32
      %parallel_loop3A_81 = arith.constant 1 : i32
      %parallel_loop3A_82 = arith.constant 1 : i32
      scf.for %parallel_loop3A_94 = %parallel_loop3A_80 to %parallel_loop3A_81 step %parallel_loop3A_82  : i32 {
        %parallel_loop3A_95 = arith.constant 16 : i32
        %parallel_loop3A_96 = arith.muli %parallel_loop3A_94, %parallel_loop3A_95 : i32
        %parallel_loop3A_97 = arith.index_cast %parallel_loop3A_96 : i32 to index
        %parallel_loop3A_98 = tpu.vector_load %arg12[%parallel_loop3A_97] {strides = array<i32>} : memref<400xi32, #tpu.memory_space<vmem>>, vector<16xi32>,
        %parallel_loop3A_99 = arith.index_cast %parallel_loop3A_96 : i32 to index
        %parallel_loop3A_100 = tpu.vector_load %arg13[%parallel_loop3A_99] {strides = array<i32>} : memref<400xi32, #tpu.memory_space<vmem>>, vector<16xi32>,
        %parallel_loop3A_101 = tpu.vector_load_idx %arg8[%parallel_loop3A_98] : memref<10000xf32, #tpu.memory_space<vmem>>[vector<16xi32>], vector<16xf32>,
        %parallel_loop3A_102 = tpu.vector_load_idx %arg9[%parallel_loop3A_100] : memref<10000xf32, #tpu.memory_space<vmem>>[vector<16xi32>], vector<16xf32>,
        %parallel_loop3A_103 = arith.addf %parallel_loop3A_101, %parallel_loop3A_102 : vector<16xf32>
        %parallel_loop3A_104 = arith.constant 0.000000e+00 : f32
        %parallel_loop3A_105 = vector.broadcast %parallel_loop3A_104 : f32 to vector<16xf32>
        %parallel_loop3A_106 = arith.cmpf ogt, %parallel_loop3A_103, %parallel_loop3A_105 : vector<16xf32>
        %parallel_loop3A_107 = math.exp %parallel_loop3A_103 : vector<16xf32>
        %parallel_loop3A_108 = arith.constant 1.000000e+00 : f32
        %parallel_loop3A_109 = vector.broadcast %parallel_loop3A_108 : f32 to vector<16xf32>
        %parallel_loop3A_110 = arith.subf %parallel_loop3A_107, %parallel_loop3A_109 : vector<16xf32>
        %parallel_loop3A_111 = arith.constant 1.67326319 : f32
        %parallel_loop3A_112 = vector.broadcast %parallel_loop3A_111 : f32 to vector<16xf32>
        %parallel_loop3A_113 = arith.mulf %parallel_loop3A_112, %parallel_loop3A_110 : vector<16xf32>
        %parallel_loop3A_114 = arith.select %parallel_loop3A_106, %parallel_loop3A_103, %parallel_loop3A_113 : vector<16xi1>, vector<16xf32>
        %parallel_loop3A_115 = arith.constant 1.05070102 : f32
        %parallel_loop3A_116 = vector.broadcast %parallel_loop3A_115 : f32 to vector<16xf32>
        %parallel_loop3A_117 = arith.mulf %parallel_loop3A_116, %parallel_loop3A_114 : vector<16xf32>
        %parallel_loop3A_118 = arith.constant 0.000000e+00 : f32
        %parallel_loop3A_119 = vector.broadcast %parallel_loop3A_118 : f32 to vector<16xf32>
        %parallel_loop3A_120 = arith.subf %parallel_loop3A_119, %parallel_loop3A_117 : vector<16xf32>
        %parallel_loop3A_121 = math.exp %parallel_loop3A_120 : vector<16xf32>
        %parallel_loop3A_122 = arith.constant 1.000000e+00 : f32
        %parallel_loop3A_123 = vector.broadcast %parallel_loop3A_122 : f32 to vector<16xf32>
        %parallel_loop3A_124 = arith.addf %parallel_loop3A_123, %parallel_loop3A_121 : vector<16xf32>
        %parallel_loop3A_125 = arith.constant 1.000000e+00 : f32
        %parallel_loop3A_126 = vector.broadcast %parallel_loop3A_125 : f32 to vector<16xf32>
        %parallel_loop3A_127 = arith.divf %parallel_loop3A_126, %parallel_loop3A_124 : vector<16xf32>
        %parallel_loop3A_128 = arith.index_cast %parallel_loop3A_96 : i32 to index
        %parallel_loop3A_129 = tpu.vector_load %arg16[%parallel_loop3A_128] {strides = array<i32>} : memref<400xf32, #tpu.memory_space<vmem>>, vector<16xf32>,
        tpu.vector_store %arg16[%parallel_loop3A_128], %parallel_loop3A_127 {strides = array<i32>} : memref<400xf32, #tpu.memory_space<vmem>>, vector<16xf32>,
      } {sc.loop_unroll_factor = 1 : i64, sc.parallel_access}
      %parallel_loop3A_83 = arith.constant 0 : i32
      %parallel_loop3A_84 = arith.constant 16 : i32
      %parallel_loop3A_85 = arith.constant 1 : i32
      scf.for %parallel_loop3A_94 = %parallel_loop3A_83 to %parallel_loop3A_84 step %parallel_loop3A_85  : i32 {
        %parallel_loop3A_95 = vector.broadcast %parallel_loop3A_94 : i32 to vector<16xi32>
        %parallel_loop3A_96 = arith.addi %broadcast_in_dim3A_12, %parallel_loop3A_95 : vector<16xi32>
        %parallel_loop3A_97 = tpu.vector_load_idx %arg16[%parallel_loop3A_96] : memref<400xf32, #tpu.memory_space<vmem>>[vector<16xi32>], vector<16xf32>,
        %parallel_loop3A_98 = arith.index_cast %parallel_loop3A_94 : i32 to index
        %parallel_loop3A_99 = arith.constant 0 : index
        %parallel_loop3A_100 = tpu.vector_load %arg15[%parallel_loop3A_98, %parallel_loop3A_99] {strides = array<i32>} : memref<400x64xf32, #tpu.memory_space<vmem>>, vector<16xf32>,
        %parallel_loop3A_101 = arith.mulf %parallel_loop3A_100, %parallel_loop3A_97 : vector<16xf32>
        %parallel_loop3A_102 = arith.index_cast %parallel_loop3A_94 : i32 to index
        %parallel_loop3A_103 = arith.constant 0 : index
        %parallel_loop3A_104 = tpu.vector_load %arg15[%parallel_loop3A_102, %parallel_loop3A_103] {strides = array<i32>} : memref<400x64xf32, #tpu.memory_space<vmem>>, vector<16xf32>,
        tpu.vector_store %arg15[%parallel_loop3A_102, %parallel_loop3A_103], %parallel_loop3A_101 {strides = array<i32>} : memref<400x64xf32, #tpu.memory_space<vmem>>, vector<16xf32>,
        %parallel_loop3A_105 = arith.index_cast %parallel_loop3A_94 : i32 to index
        %parallel_loop3A_106 = arith.constant 16 : index
        %parallel_loop3A_107 = tpu.vector_load %arg15[%parallel_loop3A_105, %parallel_loop3A_106] {strides = array<i32>} : memref<400x64xf32, #tpu.memory_space<vmem>>, vector<16xf32>,
        %parallel_loop3A_108 = arith.mulf %parallel_loop3A_107, %parallel_loop3A_97 : vector<16xf32>
        %parallel_loop3A_109 = arith.index_cast %parallel_loop3A_94 : i32 to index
        %parallel_loop3A_110 = arith.constant 16 : index
        %parallel_loop3A_111 = tpu.vector_load %arg15[%parallel_loop3A_109, %parallel_loop3A_110] {strides = array<i32>} : memref<400x64xf32, #tpu.memory_space<vmem>>, vector<16xf32>,
        tpu.vector_store %arg15[%parallel_loop3A_109, %parallel_loop3A_110], %parallel_loop3A_108 {strides = array<i32>} : memref<400x64xf32, #tpu.memory_space<vmem>>, vector<16xf32>,
        %parallel_loop3A_112 = arith.index_cast %parallel_loop3A_94 : i32 to index
        %parallel_loop3A_113 = arith.constant 32 : index
        %parallel_loop3A_114 = tpu.vector_load %arg15[%parallel_loop3A_112, %parallel_loop3A_113] {strides = array<i32>} : memref<400x64xf32, #tpu.memory_space<vmem>>, vector<16xf32>,
        %parallel_loop3A_115 = arith.mulf %parallel_loop3A_114, %parallel_loop3A_97 : vector<16xf32>
        %parallel_loop3A_116 = arith.index_cast %parallel_loop3A_94 : i32 to index
        %parallel_loop3A_117 = arith.constant 32 : index
        %parallel_loop3A_118 = tpu.vector_load %arg15[%parallel_loop3A_116, %parallel_loop3A_117] {strides = array<i32>} : memref<400x64xf32, #tpu.memory_space<vmem>>, vector<16xf32>,
        tpu.vector_store %arg15[%parallel_loop3A_116, %parallel_loop3A_117], %parallel_loop3A_115 {strides = array<i32>} : memref<400x64xf32, #tpu.memory_space<vmem>>, vector<16xf32>,
        %parallel_loop3A_119 = arith.index_cast %parallel_loop3A_94 : i32 to index
        %parallel_loop3A_120 = arith.constant 48 : index
        %parallel_loop3A_121 = tpu.vector_load %arg15[%parallel_loop3A_119, %parallel_loop3A_120] {strides = array<i32>} : memref<400x64xf32, #tpu.memory_space<vmem>>, vector<16xf32>,
        %parallel_loop3A_122 = arith.mulf %parallel_loop3A_121, %parallel_loop3A_97 : vector<16xf32>
        %parallel_loop3A_123 = arith.index_cast %parallel_loop3A_94 : i32 to index
        %parallel_loop3A_124 = arith.constant 48 : index
        %parallel_loop3A_125 = tpu.vector_load %arg15[%parallel_loop3A_123, %parallel_loop3A_124] {strides = array<i32>} : memref<400x64xf32, #tpu.memory_space<vmem>>, vector<16xf32>,
        tpu.vector_store %arg15[%parallel_loop3A_123, %parallel_loop3A_124], %parallel_loop3A_122 {strides = array<i32>} : memref<400x64xf32, #tpu.memory_space<vmem>>, vector<16xf32>,
      } {sc.loop_unroll_factor = 4 : i64, sc.parallel_access}
      %dma_start3A_86 = arith.constant 0 : i32
      %dma_start3A_87 = arith.constant 0 : i32
      %dma_start3A_88 = tpu.memref_slice %arg17[%dma_start3A_86, %dma_start3A_87] : memref<10000x64xf32, #tpu.memory_space<vmem_shared>> -> memref<10000x64xf32, #tpu.memory_space<vmem_shared>>
      tpu.enqueue_indirect_dma source(%arg15 : memref<400x64xf32, #tpu.memory_space<vmem>>) target(%dma_start3A_88 : memref<10000x64xf32, #tpu.memory_space<vmem_shared>>) offsets(%arg13 : memref<400xi32, #tpu.memory_space<vmem>>) semaphore(%arg21 : memref<!tpu.dma_semaphore, #tpu.memory_space<semaphore_mem>>) {add = true}
      %lt3A = arith.constant 24 : i32
      %lt3A_89 = arith.cmpi slt, %scan3A_56, %lt3A : i32
      %convert_element_type3A_90 = arith.extui %lt3A_89 : i1 to i32
      %cond3A_91 = arith.constant 0 : i32
      %cond3A_92 = arith.cmpi ne, %convert_element_type3A_90, %cond3A_91 : i32
      scf.if %cond3A_92 {
        %dma_wait3A_94 = arith.constant 0 : i32
        %dma_wait3A_95 = arith.constant 0 : i32
        %dma_wait3A_96 = tpu.memref_slice %arg17[%dma_wait3A_94, %dma_wait3A_95] : memref<10000x64xf32, #tpu.memory_space<vmem_shared>> -> memref<400x64xf32, #tpu.memory_space<vmem_shared>>
        %dma_wait3A_97 = arith.constant 0 : i32
        %dma_wait3A_98 = arith.constant 0 : i32
        %dma_wait3A_99 = tpu.memref_slice %arg17[%dma_wait3A_97, %dma_wait3A_98] : memref<10000x64xf32, #tpu.memory_space<vmem_shared>> -> memref<400x64xf32, #tpu.memory_space<vmem_shared>>
        tpu.wait_dma2 semaphore(%arg20 : memref<!tpu.dma_semaphore, #tpu.memory_space<semaphore_mem>>) src(%arg14 : memref<400x64xf32, #tpu.memory_space<vmem>>) dst(%dma_wait3A_99 : memref<400x64xf32, #tpu.memory_space<vmem_shared>>)
        %mul3A_100 = arith.constant 2 : i32
        %mul3A_101 = arith.muli %mul3A_100, %scan3A_56 : i32
        %add3A_102 = arith.constant 2 : i32
        %add3A_103 = arith.addi %mul3A_101, %add3A_102 : i32
        %mul3A_104 = arith.constant 400 : i32
        %mul3A_105 = arith.muli %add3A_103, %mul3A_104 : i32
        %add3A_106 = arith.addi %mul3A_14, %mul3A_105 : i32
        "tpu.region"() ({
          %run_scoped3A = tpu.sem_alloc : memref<!tpu.dma_semaphore, #tpu.memory_space<semaphore_mem>>
          %dma_start3A_134 = tpu.memref_slice %arg5[%add3A_106] : memref<320000xi32, #tpu.memory_space<hbm>> -> memref<400xi32, #tpu.memory_space<hbm>>
          %dma_start3A_135 = tpu.memref_slice %arg5[%add3A_106] : memref<320000xi32, #tpu.memory_space<hbm>> -> memref<400xi32, #tpu.memory_space<hbm>>
          tpu.enqueue_dma source(%dma_start3A_135 : memref<400xi32, #tpu.memory_space<hbm>>) target(%arg10 : memref<400xi32, #tpu.memory_space<vmem>>) target_semaphore(%run_scoped3A : memref<!tpu.dma_semaphore, #tpu.memory_space<semaphore_mem>>)
          %dma_wait3A_136 = tpu.memref_slice %arg5[%add3A_106] : memref<320000xi32, #tpu.memory_space<hbm>> -> memref<400xi32, #tpu.memory_space<hbm>>
          %dma_wait3A_137 = tpu.memref_slice %arg5[%add3A_106] : memref<320000xi32, #tpu.memory_space<hbm>> -> memref<400xi32, #tpu.memory_space<hbm>>
          tpu.wait_dma2 semaphore(%run_scoped3A : memref<!tpu.dma_semaphore, #tpu.memory_space<semaphore_mem>>) src(%dma_wait3A_137 : memref<400xi32, #tpu.memory_space<hbm>>) dst(%arg10 : memref<400xi32, #tpu.memory_space<vmem>>)
          tpu.yield
        }) : () -> ()
        "tpu.region"() ({
          %run_scoped3A = tpu.sem_alloc : memref<!tpu.dma_semaphore, #tpu.memory_space<semaphore_mem>>
          %dma_start3A_134 = tpu.memref_slice %arg6[%add3A_106] : memref<320000xi32, #tpu.memory_space<hbm>> -> memref<400xi32, #tpu.memory_space<hbm>>
          %dma_start3A_135 = tpu.memref_slice %arg6[%add3A_106] : memref<320000xi32, #tpu.memory_space<hbm>> -> memref<400xi32, #tpu.memory_space<hbm>>
          tpu.enqueue_dma source(%dma_start3A_135 : memref<400xi32, #tpu.memory_space<hbm>>) target(%arg11 : memref<400xi32, #tpu.memory_space<vmem>>) target_semaphore(%run_scoped3A : memref<!tpu.dma_semaphore, #tpu.memory_space<semaphore_mem>>)
          %dma_wait3A_136 = tpu.memref_slice %arg6[%add3A_106] : memref<320000xi32, #tpu.memory_space<hbm>> -> memref<400xi32, #tpu.memory_space<hbm>>
          %dma_wait3A_137 = tpu.memref_slice %arg6[%add3A_106] : memref<320000xi32, #tpu.memory_space<hbm>> -> memref<400xi32, #tpu.memory_space<hbm>>
          tpu.wait_dma2 semaphore(%run_scoped3A : memref<!tpu.dma_semaphore, #tpu.memory_space<semaphore_mem>>) src(%dma_wait3A_137 : memref<400xi32, #tpu.memory_space<hbm>>) dst(%arg11 : memref<400xi32, #tpu.memory_space<vmem>>)
          tpu.yield
        }) : () -> ()
        %dma_start3A_107 = arith.constant 0 : i32
        %dma_start3A_108 = arith.constant 0 : i32
        %dma_start3A_109 = tpu.memref_slice %arg2[%arg0, %dma_start3A_107, %dma_start3A_108] : memref<2x10000x64xf32, #tpu.memory_space<hbm>> -> memref<1x10000x64xf32, #tpu.memory_space<hbm>>
        %dma_start3A_110 = tpu.memref_squeeze %dma_start3A_109 : memref<1x10000x64xf32, #tpu.memory_space<hbm>> -> memref<10000x64xf32, #tpu.memory_space<hbm>>
        %dma_start3A_111 = arith.constant 0 : i32
        %dma_start3A_112 = arith.constant 0 : i32
        %dma_start3A_113 = tpu.memref_slice %dma_start3A_110[%dma_start3A_111, %dma_start3A_112] : memref<10000x64xf32, #tpu.memory_space<hbm>> -> memref<10000x64xf32, #tpu.memory_space<hbm>>
        tpu.enqueue_indirect_dma source(%dma_start3A_113 : memref<10000x64xf32, #tpu.memory_space<hbm>>) target(%arg14 : memref<400x64xf32, #tpu.memory_space<vmem>>) offsets(%arg10 : memref<400xi32, #tpu.memory_space<vmem>>) semaphore(%arg18 : memref<!tpu.dma_semaphore, #tpu.memory_space<semaphore_mem>>)
        %dma_wait3A_114 = arith.constant 0 : i32
        %dma_wait3A_115 = arith.constant 0 : i32
        %dma_wait3A_116 = tpu.memref_slice %arg17[%dma_wait3A_114, %dma_wait3A_115] : memref<10000x64xf32, #tpu.memory_space<vmem_shared>> -> memref<400x64xf32, #tpu.memory_space<vmem_shared>>
        %dma_wait3A_117 = arith.constant 0 : i32
        %dma_wait3A_118 = arith.constant 0 : i32
        %dma_wait3A_119 = tpu.memref_slice %arg17[%dma_wait3A_117, %dma_wait3A_118] : memref<10000x64xf32, #tpu.memory_space<vmem_shared>> -> memref<400x64xf32, #tpu.memory_space<vmem_shared>>
        tpu.wait_dma2 semaphore(%arg21 : memref<!tpu.dma_semaphore, #tpu.memory_space<semaphore_mem>>) src(%arg15 : memref<400x64xf32, #tpu.memory_space<vmem>>) dst(%dma_wait3A_119 : memref<400x64xf32, #tpu.memory_space<vmem_shared>>)
        %mul3A_120 = arith.constant 2 : i32
        %mul3A_121 = arith.muli %mul3A_120, %scan3A_56 : i32
        %add3A_122 = arith.constant 3 : i32
        %add3A_123 = arith.addi %mul3A_121, %add3A_122 : i32
        %mul3A_124 = arith.constant 400 : i32
        %mul3A_125 = arith.muli %add3A_123, %mul3A_124 : i32
        %add3A_126 = arith.addi %mul3A_14, %mul3A_125 : i32
        "tpu.region"() ({
          %run_scoped3A = tpu.sem_alloc : memref<!tpu.dma_semaphore, #tpu.memory_space<semaphore_mem>>
          %dma_start3A_134 = tpu.memref_slice %arg5[%add3A_126] : memref<320000xi32, #tpu.memory_space<hbm>> -> memref<400xi32, #tpu.memory_space<hbm>>
          %dma_start3A_135 = tpu.memref_slice %arg5[%add3A_126] : memref<320000xi32, #tpu.memory_space<hbm>> -> memref<400xi32, #tpu.memory_space<hbm>>
          tpu.enqueue_dma source(%dma_start3A_135 : memref<400xi32, #tpu.memory_space<hbm>>) target(%arg12 : memref<400xi32, #tpu.memory_space<vmem>>) target_semaphore(%run_scoped3A : memref<!tpu.dma_semaphore, #tpu.memory_space<semaphore_mem>>)
          %dma_wait3A_136 = tpu.memref_slice %arg5[%add3A_126] : memref<320000xi32, #tpu.memory_space<hbm>> -> memref<400xi32, #tpu.memory_space<hbm>>
          %dma_wait3A_137 = tpu.memref_slice %arg5[%add3A_126] : memref<320000xi32, #tpu.memory_space<hbm>> -> memref<400xi32, #tpu.memory_space<hbm>>
          tpu.wait_dma2 semaphore(%run_scoped3A : memref<!tpu.dma_semaphore, #tpu.memory_space<semaphore_mem>>) src(%dma_wait3A_137 : memref<400xi32, #tpu.memory_space<hbm>>) dst(%arg12 : memref<400xi32, #tpu.memory_space<vmem>>)
          tpu.yield
        }) : () -> ()
        "tpu.region"() ({
          %run_scoped3A = tpu.sem_alloc : memref<!tpu.dma_semaphore, #tpu.memory_space<semaphore_mem>>
          %dma_start3A_134 = tpu.memref_slice %arg6[%add3A_126] : memref<320000xi32, #tpu.memory_space<hbm>> -> memref<400xi32, #tpu.memory_space<hbm>>
          %dma_start3A_135 = tpu.memref_slice %arg6[%add3A_126] : memref<320000xi32, #tpu.memory_space<hbm>> -> memref<400xi32, #tpu.memory_space<hbm>>
          tpu.enqueue_dma source(%dma_start3A_135 : memref<400xi32, #tpu.memory_space<hbm>>) target(%arg13 : memref<400xi32, #tpu.memory_space<vmem>>) target_semaphore(%run_scoped3A : memref<!tpu.dma_semaphore, #tpu.memory_space<semaphore_mem>>)
          %dma_wait3A_136 = tpu.memref_slice %arg6[%add3A_126] : memref<320000xi32, #tpu.memory_space<hbm>> -> memref<400xi32, #tpu.memory_space<hbm>>
          %dma_wait3A_137 = tpu.memref_slice %arg6[%add3A_126] : memref<320000xi32, #tpu.memory_space<hbm>> -> memref<400xi32, #tpu.memory_space<hbm>>
          tpu.wait_dma2 semaphore(%run_scoped3A : memref<!tpu.dma_semaphore, #tpu.memory_space<semaphore_mem>>) src(%dma_wait3A_137 : memref<400xi32, #tpu.memory_space<hbm>>) dst(%arg13 : memref<400xi32, #tpu.memory_space<vmem>>)
          tpu.yield
        }) : () -> ()
        %dma_start3A_127 = arith.constant 0 : i32
        %dma_start3A_128 = arith.constant 0 : i32
        %dma_start3A_129 = tpu.memref_slice %arg2[%arg0, %dma_start3A_127, %dma_start3A_128] : memref<2x10000x64xf32, #tpu.memory_space<hbm>> -> memref<1x10000x64xf32, #tpu.memory_space<hbm>>
        %dma_start3A_130 = tpu.memref_squeeze %dma_start3A_129 : memref<1x10000x64xf32, #tpu.memory_space<hbm>> -> memref<10000x64xf32, #tpu.memory_space<hbm>>
        %dma_start3A_131 = arith.constant 0 : i32
        %dma_start3A_132 = arith.constant 0 : i32
        %dma_start3A_133 = tpu.memref_slice %dma_start3A_130[%dma_start3A_131, %dma_start3A_132] : memref<10000x64xf32, #tpu.memory_space<hbm>> -> memref<10000x64xf32, #tpu.memory_space<hbm>>
        tpu.enqueue_indirect_dma source(%dma_start3A_133 : memref<10000x64xf32, #tpu.memory_space<hbm>>) target(%arg15 : memref<400x64xf32, #tpu.memory_space<vmem>>) offsets(%arg12 : memref<400xi32, #tpu.memory_space<vmem>>) semaphore(%arg19 : memref<!tpu.dma_semaphore, #tpu.memory_space<semaphore_mem>>)
      } else {
      }
      %scan3A_93 = arith.constant 0 : i32
      scf.yield %scan3A_93 : i32
    }
    %scan3A_38 = arith.constant 25 : i32
    %dma_wait3A = arith.constant 0 : i32
    %dma_wait3A_39 = arith.constant 0 : i32
    %dma_wait3A_40 = tpu.memref_slice %arg17[%dma_wait3A, %dma_wait3A_39] : memref<10000x64xf32, #tpu.memory_space<vmem_shared>> -> memref<400x64xf32, #tpu.memory_space<vmem_shared>>
    %dma_wait3A_41 = arith.constant 0 : i32
    %dma_wait3A_42 = arith.constant 0 : i32
    %dma_wait3A_43 = tpu.memref_slice %arg17[%dma_wait3A_41, %dma_wait3A_42] : memref<10000x64xf32, #tpu.memory_space<vmem_shared>> -> memref<400x64xf32, #tpu.memory_space<vmem_shared>>
    tpu.wait_dma2 semaphore(%arg20 : memref<!tpu.dma_semaphore, #tpu.memory_space<semaphore_mem>>) src(%arg14 : memref<400x64xf32, #tpu.memory_space<vmem>>) dst(%dma_wait3A_43 : memref<400x64xf32, #tpu.memory_space<vmem_shared>>)
    %dma_wait3A_44 = arith.constant 0 : i32
    %dma_wait3A_45 = arith.constant 0 : i32
    %dma_wait3A_46 = tpu.memref_slice %arg17[%dma_wait3A_44, %dma_wait3A_45] : memref<10000x64xf32, #tpu.memory_space<vmem_shared>> -> memref<400x64xf32, #tpu.memory_space<vmem_shared>>
    %dma_wait3A_47 = arith.constant 0 : i32
    %dma_wait3A_48 = arith.constant 0 : i32
    %dma_wait3A_49 = tpu.memref_slice %arg17[%dma_wait3A_47, %dma_wait3A_48] : memref<10000x64xf32, #tpu.memory_space<vmem_shared>> -> memref<400x64xf32, #tpu.memory_space<vmem_shared>>
    tpu.wait_dma2 semaphore(%arg21 : memref<!tpu.dma_semaphore, #tpu.memory_space<semaphore_mem>>) src(%arg15 : memref<400x64xf32, #tpu.memory_space<vmem>>) dst(%dma_wait3A_49 : memref<400x64xf32, #tpu.memory_space<vmem_shared>>)
    %barrier3A_50 = arith.constant 0 : index
    tpu.barrier barrier_id(%barrier3A_50)
    "tpu.region"() ({
      %run_scoped3A = tpu.sem_alloc : memref<!tpu.dma_semaphore, #tpu.memory_space<semaphore_mem>>
      %dma_start3A_56 = arith.constant 0 : i32
      %dma_start3A_57 = tpu.memref_slice %arg7[%arg0, %mul3A_7, %dma_start3A_56] : memref<2x10000x64xf32, #tpu.memory_space<hbm>> -> memref<1x624x64xf32, #tpu.memory_space<hbm>>
      %dma_start3A_58 = tpu.memref_squeeze %dma_start3A_57 : memref<1x624x64xf32, #tpu.memory_space<hbm>> -> memref<624x64xf32, #tpu.memory_space<hbm>>
      %dma_start3A_59 = arith.constant 0 : i32
      %dma_start3A_60 = tpu.memref_slice %arg17[%mul3A_7, %dma_start3A_59] : memref<10000x64xf32, #tpu.memory_space<vmem_shared>> -> memref<624x64xf32, #tpu.memory_space<vmem_shared>>
      tpu.enqueue_dma source(%dma_start3A_60 : memref<624x64xf32, #tpu.memory_space<vmem_shared>>) target(%dma_start3A_58 : memref<624x64xf32, #tpu.memory_space<hbm>>) target_semaphore(%run_scoped3A : memref<!tpu.dma_semaphore, #tpu.memory_space<semaphore_mem>>)
      %dma_wait3A_61 = arith.constant 0 : i32
      %dma_wait3A_62 = tpu.memref_slice %arg7[%arg0, %mul3A_7, %dma_wait3A_61] : memref<2x10000x64xf32, #tpu.memory_space<hbm>> -> memref<1x624x64xf32, #tpu.memory_space<hbm>>
      %dma_wait3A_63 = tpu.memref_squeeze %dma_wait3A_62 : memref<1x624x64xf32, #tpu.memory_space<hbm>> -> memref<624x64xf32, #tpu.memory_space<hbm>>
      %dma_wait3A_64 = arith.constant 0 : i32
      %dma_wait3A_65 = tpu.memref_slice %arg17[%mul3A_7, %dma_wait3A_64] : memref<10000x64xf32, #tpu.memory_space<vmem_shared>> -> memref<624x64xf32, #tpu.memory_space<vmem_shared>>
      tpu.wait_dma2 semaphore(%run_scoped3A : memref<!tpu.dma_semaphore, #tpu.memory_space<semaphore_mem>>) src(%dma_wait3A_65 : memref<624x64xf32, #tpu.memory_space<vmem_shared>>) dst(%dma_wait3A_63 : memref<624x64xf32, #tpu.memory_space<hbm>>)
      tpu.yield
    }) : () -> ()
    %eq3A_51 = arith.constant 15 : i32
    %eq3A_52 = arith.cmpi eq, %arg1, %eq3A_51 : i32
    %convert_element_type3A_53 = arith.extui %eq3A_52 : i1 to i32
    %cond3A_54 = arith.constant 0 : i32
    %cond3A_55 = arith.cmpi ne, %convert_element_type3A_53, %cond3A_54 : i32
    scf.if %cond3A_55 {
      "tpu.region"() ({
        %run_scoped3A = tpu.sem_alloc : memref<!tpu.dma_semaphore, #tpu.memory_space<semaphore_mem>>
        %dma_start3A_56 = arith.constant 9984 : i32
        %dma_start3A_57 = arith.constant 0 : i32
        %dma_start3A_58 = tpu.memref_slice %arg7[%arg0, %dma_start3A_56, %dma_start3A_57] : memref<2x10000x64xf32, #tpu.memory_space<hbm>> -> memref<1x16x64xf32, #tpu.memory_space<hbm>>
        %dma_start3A_59 = tpu.memref_squeeze %dma_start3A_58 : memref<1x16x64xf32, #tpu.memory_space<hbm>> -> memref<16x64xf32, #tpu.memory_space<hbm>>
        %dma_start3A_60 = arith.constant 9984 : i32
        %dma_start3A_61 = arith.constant 0 : i32
        %dma_start3A_62 = tpu.memref_slice %arg17[%dma_start3A_60, %dma_start3A_61] : memref<10000x64xf32, #tpu.memory_space<vmem_shared>> -> memref<16x64xf32, #tpu.memory_space<vmem_shared>>
        tpu.enqueue_dma source(%dma_start3A_62 : memref<16x64xf32, #tpu.memory_space<vmem_shared>>) target(%dma_start3A_59 : memref<16x64xf32, #tpu.memory_space<hbm>>) target_semaphore(%run_scoped3A : memref<!tpu.dma_semaphore, #tpu.memory_space<semaphore_mem>>)
        %dma_wait3A_63 = arith.constant 9984 : i32
        %dma_wait3A_64 = arith.constant 0 : i32
        %dma_wait3A_65 = tpu.memref_slice %arg7[%arg0, %dma_wait3A_63, %dma_wait3A_64] : memref<2x10000x64xf32, #tpu.memory_space<hbm>> -> memref<1x16x64xf32, #tpu.memory_space<hbm>>
        %dma_wait3A_66 = tpu.memref_squeeze %dma_wait3A_65 : memref<1x16x64xf32, #tpu.memory_space<hbm>> -> memref<16x64xf32, #tpu.memory_space<hbm>>
        %dma_wait3A_67 = arith.constant 9984 : i32
        %dma_wait3A_68 = arith.constant 0 : i32
        %dma_wait3A_69 = tpu.memref_slice %arg17[%dma_wait3A_67, %dma_wait3A_68] : memref<10000x64xf32, #tpu.memory_space<vmem_shared>> -> memref<16x64xf32, #tpu.memory_space<vmem_shared>>
        tpu.wait_dma2 semaphore(%run_scoped3A : memref<!tpu.dma_semaphore, #tpu.memory_space<semaphore_mem>>) src(%dma_wait3A_69 : memref<16x64xf32, #tpu.memory_space<vmem_shared>>) dst(%dma_wait3A_66 : memref<16x64xf32, #tpu.memory_space<hbm>>)
        tpu.yield
      }) : () -> ()
    } else {
    }
    return
  }
}

#map = affine_map<(d0, d1) -> (0, 0, 0)>
#map1 = affine_map<(d0, d1) -> (0)>
module attributes {stable_mosaic.version = 14 : i64} {
  func.func @_sc_hop_body(%arg0: i32, %arg1: i32, %arg2: memref<2x10000x64xf32, #tpu.memory_space<hbm>>, %arg3: memref<10000xf32, #tpu.memory_space<hbm>>, %arg4: memref<10000xf32, #tpu.memory_space<hbm>>, %arg5: memref<320000xi32, #tpu.memory_space<hbm>>, %arg6: memref<320000xi32, #tpu.memory_space<hbm>>, %arg7: memref<2x10000x64xf32, #tpu.memory_space<hbm>>, %arg8: memref<10000xf32, #tpu.memory_space<vmem>>, %arg9: memref<10000xf32, #tpu.memory_space<vmem>>, %arg10: memref<400xi32, #tpu.memory_space<vmem>>, %arg11: memref<400xi32, #tpu.memory_space<vmem>>, %arg12: memref<400xi32, #tpu.memory_space<vmem>>, %arg13: memref<400xi32, #tpu.memory_space<vmem>>, %arg14: memref<400x64xf32, #tpu.memory_space<vmem>>, %arg15: memref<400x64xf32, #tpu.memory_space<vmem>>, %arg16: memref<400xf32, #tpu.memory_space<vmem>>, %arg17: memref<10000x64xf32, #tpu.memory_space<vmem_shared>>, %arg18: memref<!tpu.dma_semaphore, #tpu.memory_space<semaphore_mem>>, %arg19: memref<!tpu.dma_semaphore, #tpu.memory_space<semaphore_mem>>, %arg20: memref<!tpu.dma_semaphore, #tpu.memory_space<semaphore_mem>>, %arg21: memref<!tpu.dma_semaphore, #tpu.memory_space<semaphore_mem>>) attributes {dimension_semantics = [#tpu.dimension_semantics<core_parallel>, #tpu.dimension_semantics<subcore_parallel>], iteration_bounds = array<i64: 2, 16>, scalar_prefetch = 0 : i64, scratch_operands = 14 : i64, tpu.core_type = #tpu.core_type<sc_vector_subcore>, window_params = [{transform_indices = #map}, {transform_indices = #map1}, {transform_indices = #map1}, {transform_indices = #map1}, {transform_indices = #map1}, {transform_indices = #map}]} {
    %broadcast_in_dim3A = arith.constant 0.000000e+00 : f32
    %broadcast_in_dim3A_0 = vector.broadcast %broadcast_in_dim3A : f32 to vector<16xf32>
    %scan3A = arith.constant 0 : i32
    %scan3A_1 = arith.constant 0 : i32
    %scan3A_2 = arith.constant 400 : i32
    %scan3A_3 = arith.addi %scan3A_1, %scan3A_2 : i32
    %scan3A_4 = arith.constant 1 : i32
    %scan3A_5 = scf.for %scan3A_56 = %scan3A_1 to %scan3A_3 step %scan3A_4 iter_args(%scan3A_57 = %scan3A) -> (i32)  : i32 {
      %swap3A = arith.index_cast %scan3A_56 : i32 to index
      %swap3A_58 = arith.constant 0 : index
      %swap3A_59 = tpu.vector_load %arg14[%swap3A, %swap3A_58] {strides = array<i32>} : memref<400x64xf32, #tpu.memory_space<vmem>>, vector<16xf32>,
      tpu.vector_store %arg14[%swap3A, %swap3A_58], %broadcast_in_dim3A_0 {strides = array<i32>} : memref<400x64xf32, #tpu.memory_space<vmem>>, vector<16xf32>,
      %swap3A_60 = arith.index_cast %scan3A_56 : i32 to index
      %swap3A_61 = arith.constant 16 : index
      %swap3A_62 = tpu.vector_load %arg14[%swap3A_60, %swap3A_61] {strides = array<i32>} : memref<400x64xf32, #tpu.memory_space<vmem>>, vector<16xf32>,
      tpu.vector_store %arg14[%swap3A_60, %swap3A_61], %broadcast_in_dim3A_0 {strides = array<i32>} : memref<400x64xf32, #tpu.memory_space<vmem>>, vector<16xf32>,
      %swap3A_63 = arith.index_cast %scan3A_56 : i32 to index
      %swap3A_64 = arith.constant 32 : index
      %swap3A_65 = tpu.vector_load %arg14[%swap3A_63, %swap3A_64] {strides = array<i32>} : memref<400x64xf32, #tpu.memory_space<vmem>>, vector<16xf32>,
      tpu.vector_store %arg14[%swap3A_63, %swap3A_64], %broadcast_in_dim3A_0 {strides = array<i32>} : memref<400x64xf32, #tpu.memory_space<vmem>>, vector<16xf32>,
      %swap3A_66 = arith.index_cast %scan3A_56 : i32 to index
      %swap3A_67 = arith.constant 48 : index
      %swap3A_68 = tpu.vector_load %arg14[%swap3A_66, %swap3A_67] {strides = array<i32>} : memref<400x64xf32, #tpu.memory_space<vmem>>, vector<16xf32>,
      tpu.vector_store %arg14[%swap3A_66, %swap3A_67], %broadcast_in_dim3A_0 {strides = array<i32>} : memref<400x64xf32, #tpu.memory_space<vmem>>, vector<16xf32>,
      %scan3A_69 = arith.constant 0 : i32
      scf.yield %scan3A_69 : i32
    }
    %scan3A_6 = arith.constant 400 : i32
    %mul3A = arith.constant 624 : i32
    %mul3A_7 = arith.muli %arg1, %mul3A : i32
    "tpu.region"() ({
      %run_scoped3A = tpu.sem_alloc : memref<!tpu.dma_semaphore, #tpu.memory_space<semaphore_mem>>
      %dma_start3A_56 = arith.constant 0 : i32
      %dma_start3A_57 = arith.constant 0 : i32
      %dma_start3A_58 = tpu.memref_slice %arg14[%dma_start3A_56, %dma_start3A_57] : memref<400x64xf32, #tpu.memory_space<vmem>> -> memref<400x64xf32, #tpu.memory_space<vmem>>
      %dma_start3A_59 = arith.constant 0 : i32
      %dma_start3A_60 = tpu.memref_slice %arg17[%mul3A_7, %dma_start3A_59] : memref<10000x64xf32, #tpu.memory_space<vmem_shared>> -> memref<400x64xf32, #tpu.memory_space<vmem_shared>>
      %dma_start3A_61 = arith.constant 0 : i32
      %dma_start3A_62 = tpu.memref_slice %arg17[%mul3A_7, %dma_start3A_61] : memref<10000x64xf32, #tpu.memory_space<vmem_shared>> -> memref<400x64xf32, #tpu.memory_space<vmem_shared>>
      %dma_start3A_63 = arith.constant 0 : i32
      %dma_start3A_64 = arith.constant 0 : i32
      %dma_start3A_65 = tpu.memref_slice %arg14[%dma_start3A_63, %dma_start3A_64] : memref<400x64xf32, #tpu.memory_space<vmem>> -> memref<400x64xf32, #tpu.memory_space<vmem>>
      tpu.enqueue_dma source(%dma_start3A_65 : memref<400x64xf32, #tpu.memory_space<vmem>>) target(%dma_start3A_62 : memref<400x64xf32, #tpu.memory_space<vmem_shared>>) target_semaphore(%run_scoped3A : memref<!tpu.dma_semaphore, #tpu.memory_space<semaphore_mem>>)
      %dma_wait3A_66 = arith.constant 0 : i32
      %dma_wait3A_67 = arith.constant 0 : i32
      %dma_wait3A_68 = tpu.memref_slice %arg14[%dma_wait3A_66, %dma_wait3A_67] : memref<400x64xf32, #tpu.memory_space<vmem>> -> memref<400x64xf32, #tpu.memory_space<vmem>>
      %dma_wait3A_69 = arith.constant 0 : i32
      %dma_wait3A_70 = tpu.memref_slice %arg17[%mul3A_7, %dma_wait3A_69] : memref<10000x64xf32, #tpu.memory_space<vmem_shared>> -> memref<400x64xf32, #tpu.memory_space<vmem_shared>>
      %dma_wait3A_71 = arith.constant 0 : i32
      %dma_wait3A_72 = tpu.memref_slice %arg17[%mul3A_7, %dma_wait3A_71] : memref<10000x64xf32, #tpu.memory_space<vmem_shared>> -> memref<400x64xf32, #tpu.memory_space<vmem_shared>>
      %dma_wait3A_73 = arith.constant 0 : i32
      %dma_wait3A_74 = arith.constant 0 : i32
      %dma_wait3A_75 = tpu.memref_slice %arg14[%dma_wait3A_73, %dma_wait3A_74] : memref<400x64xf32, #tpu.memory_space<vmem>> -> memref<400x64xf32, #tpu.memory_space<vmem>>
      tpu.wait_dma2 semaphore(%run_scoped3A : memref<!tpu.dma_semaphore, #tpu.memory_space<semaphore_mem>>) src(%dma_wait3A_75 : memref<400x64xf32, #tpu.memory_space<vmem>>) dst(%dma_wait3A_72 : memref<400x64xf32, #tpu.memory_space<vmem_shared>>)
      tpu.yield
    }) : () -> ()
    %add3A = arith.constant 400 : i32
    %add3A_8 = arith.addi %mul3A_7, %add3A : i32
    "tpu.region"() ({
      %run_scoped3A = tpu.sem_alloc : memref<!tpu.dma_semaphore, #tpu.memory_space<semaphore_mem>>
      %dma_start3A_56 = arith.constant 0 : i32
      %dma_start3A_57 = arith.constant 0 : i32
      %dma_start3A_58 = tpu.memref_slice %arg14[%dma_start3A_56, %dma_start3A_57] : memref<400x64xf32, #tpu.memory_space<vmem>> -> memref<224x64xf32, #tpu.memory_space<vmem>>
      %dma_start3A_59 = arith.constant 0 : i32
      %dma_start3A_60 = tpu.memref_slice %arg17[%add3A_8, %dma_start3A_59] : memref<10000x64xf32, #tpu.memory_space<vmem_shared>> -> memref<224x64xf32, #tpu.memory_space<vmem_shared>>
      %dma_start3A_61 = arith.constant 0 : i32
      %dma_start3A_62 = tpu.memref_slice %arg17[%add3A_8, %dma_start3A_61] : memref<10000x64xf32, #tpu.memory_space<vmem_shared>> -> memref<224x64xf32, #tpu.memory_space<vmem_shared>>
      %dma_start3A_63 = arith.constant 0 : i32
      %dma_start3A_64 = arith.constant 0 : i32
      %dma_start3A_65 = tpu.memref_slice %arg14[%dma_start3A_63, %dma_start3A_64] : memref<400x64xf32, #tpu.memory_space<vmem>> -> memref<224x64xf32, #tpu.memory_space<vmem>>
      tpu.enqueue_dma source(%dma_start3A_65 : memref<224x64xf32, #tpu.memory_space<vmem>>) target(%dma_start3A_62 : memref<224x64xf32, #tpu.memory_space<vmem_shared>>) target_semaphore(%run_scoped3A : memref<!tpu.dma_semaphore, #tpu.memory_space<semaphore_mem>>)
      %dma_wait3A_66 = arith.constant 0 : i32
      %dma_wait3A_67 = arith.constant 0 : i32
      %dma_wait3A_68 = tpu.memref_slice %arg14[%dma_wait3A_66, %dma_wait3A_67] : memref<400x64xf32, #tpu.memory_space<vmem>> -> memref<224x64xf32, #tpu.memory_space<vmem>>
      %dma_wait3A_69 = arith.constant 0 : i32
      %dma_wait3A_70 = tpu.memref_slice %arg17[%add3A_8, %dma_wait3A_69] : memref<10000x64xf32, #tpu.memory_space<vmem_shared>> -> memref<224x64xf32, #tpu.memory_space<vmem_shared>>
      %dma_wait3A_71 = arith.constant 0 : i32
      %dma_wait3A_72 = tpu.memref_slice %arg17[%add3A_8, %dma_wait3A_71] : memref<10000x64xf32, #tpu.memory_space<vmem_shared>> -> memref<224x64xf32, #tpu.memory_space<vmem_shared>>
      %dma_wait3A_73 = arith.constant 0 : i32
      %dma_wait3A_74 = arith.constant 0 : i32
      %dma_wait3A_75 = tpu.memref_slice %arg14[%dma_wait3A_73, %dma_wait3A_74] : memref<400x64xf32, #tpu.memory_space<vmem>> -> memref<224x64xf32, #tpu.memory_space<vmem>>
      tpu.wait_dma2 semaphore(%run_scoped3A : memref<!tpu.dma_semaphore, #tpu.memory_space<semaphore_mem>>) src(%dma_wait3A_75 : memref<224x64xf32, #tpu.memory_space<vmem>>) dst(%dma_wait3A_72 : memref<224x64xf32, #tpu.memory_space<vmem_shared>>)
      tpu.yield
    }) : () -> ()
    %eq3A = arith.constant 15 : i32
    %eq3A_9 = arith.cmpi eq, %arg1, %eq3A : i32
    %convert_element_type3A = arith.extui %eq3A_9 : i1 to i32
    %cond3A = arith.constant 0 : i32
    %cond3A_10 = arith.cmpi ne, %convert_element_type3A, %cond3A : i32
    scf.if %cond3A_10 {
      "tpu.region"() ({
        %run_scoped3A = tpu.sem_alloc : memref<!tpu.dma_semaphore, #tpu.memory_space<semaphore_mem>>
        %dma_start3A_56 = arith.constant 0 : i32
        %dma_start3A_57 = arith.constant 0 : i32
        %dma_start3A_58 = tpu.memref_slice %arg14[%dma_start3A_56, %dma_start3A_57] : memref<400x64xf32, #tpu.memory_space<vmem>> -> memref<16x64xf32, #tpu.memory_space<vmem>>
        %dma_start3A_59 = arith.constant 9984 : i32
        %dma_start3A_60 = arith.constant 0 : i32
        %dma_start3A_61 = tpu.memref_slice %arg17[%dma_start3A_59, %dma_start3A_60] : memref<10000x64xf32, #tpu.memory_space<vmem_shared>> -> memref<16x64xf32, #tpu.memory_space<vmem_shared>>
        %dma_start3A_62 = arith.constant 9984 : i32
        %dma_start3A_63 = arith.constant 0 : i32
        %dma_start3A_64 = tpu.memref_slice %arg17[%dma_start3A_62, %dma_start3A_63] : memref<10000x64xf32, #tpu.memory_space<vmem_shared>> -> memref<16x64xf32, #tpu.memory_space<vmem_shared>>
        %dma_start3A_65 = arith.constant 0 : i32
        %dma_start3A_66 = arith.constant 0 : i32
        %dma_start3A_67 = tpu.memref_slice %arg14[%dma_start3A_65, %dma_start3A_66] : memref<400x64xf32, #tpu.memory_space<vmem>> -> memref<16x64xf32, #tpu.memory_space<vmem>>
        tpu.enqueue_dma source(%dma_start3A_67 : memref<16x64xf32, #tpu.memory_space<vmem>>) target(%dma_start3A_64 : memref<16x64xf32, #tpu.memory_space<vmem_shared>>) target_semaphore(%run_scoped3A : memref<!tpu.dma_semaphore, #tpu.memory_space<semaphore_mem>>)
        %dma_wait3A_68 = arith.constant 0 : i32
        %dma_wait3A_69 = arith.constant 0 : i32
        %dma_wait3A_70 = tpu.memref_slice %arg14[%dma_wait3A_68, %dma_wait3A_69] : memref<400x64xf32, #tpu.memory_space<vmem>> -> memref<16x64xf32, #tpu.memory_space<vmem>>
        %dma_wait3A_71 = arith.constant 9984 : i32
        %dma_wait3A_72 = arith.constant 0 : i32
        %dma_wait3A_73 = tpu.memref_slice %arg17[%dma_wait3A_71, %dma_wait3A_72] : memref<10000x64xf32, #tpu.memory_space<vmem_shared>> -> memref<16x64xf32, #tpu.memory_space<vmem_shared>>
        %dma_wait3A_74 = arith.constant 9984 : i32
        %dma_wait3A_75 = arith.constant 0 : i32
        %dma_wait3A_76 = tpu.memref_slice %arg17[%dma_wait3A_74, %dma_wait3A_75] : memref<10000x64xf32, #tpu.memory_space<vmem_shared>> -> memref<16x64xf32, #tpu.memory_space<vmem_shared>>
        %dma_wait3A_77 = arith.constant 0 : i32
        %dma_wait3A_78 = arith.constant 0 : i32
        %dma_wait3A_79 = tpu.memref_slice %arg14[%dma_wait3A_77, %dma_wait3A_78] : memref<400x64xf32, #tpu.memory_space<vmem>> -> memref<16x64xf32, #tpu.memory_space<vmem>>
        tpu.wait_dma2 semaphore(%run_scoped3A : memref<!tpu.dma_semaphore, #tpu.memory_space<semaphore_mem>>) src(%dma_wait3A_79 : memref<16x64xf32, #tpu.memory_space<vmem>>) dst(%dma_wait3A_76 : memref<16x64xf32, #tpu.memory_space<vmem_shared>>)
        tpu.yield
      }) : () -> ()
    } else {
    }
    "tpu.region"() ({
      %run_scoped3A = tpu.sem_alloc : memref<!tpu.dma_semaphore, #tpu.memory_space<semaphore_mem>>
      tpu.enqueue_dma source(%arg3 : memref<10000xf32, #tpu.memory_space<hbm>>) target(%arg8 : memref<10000xf32, #tpu.memory_space<vmem>>) target_semaphore(%run_scoped3A : memref<!tpu.dma_semaphore, #tpu.memory_space<semaphore_mem>>)
      tpu.wait_dma2 semaphore(%run_scoped3A : memref<!tpu.dma_semaphore, #tpu.memory_space<semaphore_mem>>) src(%arg3 : memref<10000xf32, #tpu.memory_space<hbm>>) dst(%arg8 : memref<10000xf32, #tpu.memory_space<vmem>>)
      tpu.yield
    }) : () -> ()
    "tpu.region"() ({
      %run_scoped3A = tpu.sem_alloc : memref<!tpu.dma_semaphore, #tpu.memory_space<semaphore_mem>>
      tpu.enqueue_dma source(%arg4 : memref<10000xf32, #tpu.memory_space<hbm>>) target(%arg9 : memref<10000xf32, #tpu.memory_space<vmem>>) target_semaphore(%run_scoped3A : memref<!tpu.dma_semaphore, #tpu.memory_space<semaphore_mem>>)
      tpu.wait_dma2 semaphore(%run_scoped3A : memref<!tpu.dma_semaphore, #tpu.memory_space<semaphore_mem>>) src(%arg4 : memref<10000xf32, #tpu.memory_space<hbm>>) dst(%arg9 : memref<10000xf32, #tpu.memory_space<vmem>>)
      tpu.yield
    }) : () -> ()
    %barrier3A = arith.constant 0 : index
    tpu.barrier barrier_id(%barrier3A)
    %broadcast_in_dim3A_11 = arith.constant 0 : i32
    %broadcast_in_dim3A_12 = vector.broadcast %broadcast_in_dim3A_11 : i32 to vector<16xi32>
    %mul3A_13 = arith.constant 20000 : i32
    %mul3A_14 = arith.muli %arg1, %mul3A_13 : i32
    %add3A_15 = arith.constant 0 : i32
    %add3A_16 = arith.addi %mul3A_14, %add3A_15 : i32
    "tpu.region"() ({
      %run_scoped3A = tpu.sem_alloc : memref<!tpu.dma_semaphore, #tpu.memory_space<semaphore_mem>>
      %dma_start3A_56 = tpu.memref_slice %arg5[%add3A_16] : memref<320000xi32, #tpu.memory_space<hbm>> -> memref<400xi32, #tpu.memory_space<hbm>>
      %dma_start3A_57 = tpu.memref_slice %arg5[%add3A_16] : memref<320000xi32, #tpu.memory_space<hbm>> -> memref<400xi32, #tpu.memory_space<hbm>>
      tpu.enqueue_dma source(%dma_start3A_57 : memref<400xi32, #tpu.memory_space<hbm>>) target(%arg10 : memref<400xi32, #tpu.memory_space<vmem>>) target_semaphore(%run_scoped3A : memref<!tpu.dma_semaphore, #tpu.memory_space<semaphore_mem>>)
      %dma_wait3A_58 = tpu.memref_slice %arg5[%add3A_16] : memref<320000xi32, #tpu.memory_space<hbm>> -> memref<400xi32, #tpu.memory_space<hbm>>
      %dma_wait3A_59 = tpu.memref_slice %arg5[%add3A_16] : memref<320000xi32, #tpu.memory_space<hbm>> -> memref<400xi32, #tpu.memory_space<hbm>>
      tpu.wait_dma2 semaphore(%run_scoped3A : memref<!tpu.dma_semaphore, #tpu.memory_space<semaphore_mem>>) src(%dma_wait3A_59 : memref<400xi32, #tpu.memory_space<hbm>>) dst(%arg10 : memref<400xi32, #tpu.memory_space<vmem>>)
      tpu.yield
    }) : () -> ()
    "tpu.region"() ({
      %run_scoped3A = tpu.sem_alloc : memref<!tpu.dma_semaphore, #tpu.memory_space<semaphore_mem>>
      %dma_start3A_56 = tpu.memref_slice %arg6[%add3A_16] : memref<320000xi32, #tpu.memory_space<hbm>> -> memref<400xi32, #tpu.memory_space<hbm>>
      %dma_start3A_57 = tpu.memref_slice %arg6[%add3A_16] : memref<320000xi32, #tpu.memory_space<hbm>> -> memref<400xi32, #tpu.memory_space<hbm>>
      tpu.enqueue_dma source(%dma_start3A_57 : memref<400xi32, #tpu.memory_space<hbm>>) target(%arg11 : memref<400xi32, #tpu.memory_space<vmem>>) target_semaphore(%run_scoped3A : memref<!tpu.dma_semaphore, #tpu.memory_space<semaphore_mem>>)
      %dma_wait3A_58 = tpu.memref_slice %arg6[%add3A_16] : memref<320000xi32, #tpu.memory_space<hbm>> -> memref<400xi32, #tpu.memory_space<hbm>>
      %dma_wait3A_59 = tpu.memref_slice %arg6[%add3A_16] : memref<320000xi32, #tpu.memory_space<hbm>> -> memref<400xi32, #tpu.memory_space<hbm>>
      tpu.wait_dma2 semaphore(%run_scoped3A : memref<!tpu.dma_semaphore, #tpu.memory_space<semaphore_mem>>) src(%dma_wait3A_59 : memref<400xi32, #tpu.memory_space<hbm>>) dst(%arg11 : memref<400xi32, #tpu.memory_space<vmem>>)
      tpu.yield
    }) : () -> ()
    %dma_start3A = arith.constant 0 : i32
    %dma_start3A_17 = arith.constant 0 : i32
    %dma_start3A_18 = tpu.memref_slice %arg2[%arg0, %dma_start3A, %dma_start3A_17] : memref<2x10000x64xf32, #tpu.memory_space<hbm>> -> memref<1x10000x64xf32, #tpu.memory_space<hbm>>
    %dma_start3A_19 = tpu.memref_squeeze %dma_start3A_18 : memref<1x10000x64xf32, #tpu.memory_space<hbm>> -> memref<10000x64xf32, #tpu.memory_space<hbm>>
    %dma_start3A_20 = arith.constant 0 : i32
    %dma_start3A_21 = arith.constant 0 : i32
    %dma_start3A_22 = tpu.memref_slice %dma_start3A_19[%dma_start3A_20, %dma_start3A_21] : memref<10000x64xf32, #tpu.memory_space<hbm>> -> memref<10000x64xf32, #tpu.memory_space<hbm>>
    tpu.enqueue_indirect_dma source(%dma_start3A_22 : memref<10000x64xf32, #tpu.memory_space<hbm>>) target(%arg14 : memref<400x64xf32, #tpu.memory_space<vmem>>) offsets(%arg10 : memref<400xi32, #tpu.memory_space<vmem>>) semaphore(%arg18 : memref<!tpu.dma_semaphore, #tpu.memory_space<semaphore_mem>>)
    %add3A_23 = arith.constant 400 : i32
    %add3A_24 = arith.addi %mul3A_14, %add3A_23 : i32
    "tpu.region"() ({
      %run_scoped3A = tpu.sem_alloc : memref<!tpu.dma_semaphore, #tpu.memory_space<semaphore_mem>>
      %dma_start3A_56 = tpu.memref_slice %arg5[%add3A_24] : memref<320000xi32, #tpu.memory_space<hbm>> -> memref<400xi32, #tpu.memory_space<hbm>>
      %dma_start3A_57 = tpu.memref_slice %arg5[%add3A_24] : memref<320000xi32, #tpu.memory_space<hbm>> -> memref<400xi32, #tpu.memory_space<hbm>>
      tpu.enqueue_dma source(%dma_start3A_57 : memref<400xi32, #tpu.memory_space<hbm>>) target(%arg12 : memref<400xi32, #tpu.memory_space<vmem>>) target_semaphore(%run_scoped3A : memref<!tpu.dma_semaphore, #tpu.memory_space<semaphore_mem>>)
      %dma_wait3A_58 = tpu.memref_slice %arg5[%add3A_24] : memref<320000xi32, #tpu.memory_space<hbm>> -> memref<400xi32, #tpu.memory_space<hbm>>
      %dma_wait3A_59 = tpu.memref_slice %arg5[%add3A_24] : memref<320000xi32, #tpu.memory_space<hbm>> -> memref<400xi32, #tpu.memory_space<hbm>>
      tpu.wait_dma2 semaphore(%run_scoped3A : memref<!tpu.dma_semaphore, #tpu.memory_space<semaphore_mem>>) src(%dma_wait3A_59 : memref<400xi32, #tpu.memory_space<hbm>>) dst(%arg12 : memref<400xi32, #tpu.memory_space<vmem>>)
      tpu.yield
    }) : () -> ()
    "tpu.region"() ({
      %run_scoped3A = tpu.sem_alloc : memref<!tpu.dma_semaphore, #tpu.memory_space<semaphore_mem>>
      %dma_start3A_56 = tpu.memref_slice %arg6[%add3A_24] : memref<320000xi32, #tpu.memory_space<hbm>> -> memref<400xi32, #tpu.memory_space<hbm>>
      %dma_start3A_57 = tpu.memref_slice %arg6[%add3A_24] : memref<320000xi32, #tpu.memory_space<hbm>> -> memref<400xi32, #tpu.memory_space<hbm>>
      tpu.enqueue_dma source(%dma_start3A_57 : memref<400xi32, #tpu.memory_space<hbm>>) target(%arg13 : memref<400xi32, #tpu.memory_space<vmem>>) target_semaphore(%run_scoped3A : memref<!tpu.dma_semaphore, #tpu.memory_space<semaphore_mem>>)
      %dma_wait3A_58 = tpu.memref_slice %arg6[%add3A_24] : memref<320000xi32, #tpu.memory_space<hbm>> -> memref<400xi32, #tpu.memory_space<hbm>>
      %dma_wait3A_59 = tpu.memref_slice %arg6[%add3A_24] : memref<320000xi32, #tpu.memory_space<hbm>> -> memref<400xi32, #tpu.memory_space<hbm>>
      tpu.wait_dma2 semaphore(%run_scoped3A : memref<!tpu.dma_semaphore, #tpu.memory_space<semaphore_mem>>) src(%dma_wait3A_59 : memref<400xi32, #tpu.memory_space<hbm>>) dst(%arg13 : memref<400xi32, #tpu.memory_space<vmem>>)
      tpu.yield
    }) : () -> ()
    %dma_start3A_25 = arith.constant 0 : i32
    %dma_start3A_26 = arith.constant 0 : i32
    %dma_start3A_27 = tpu.memref_slice %arg2[%arg0, %dma_start3A_25, %dma_start3A_26] : memref<2x10000x64xf32, #tpu.memory_space<hbm>> -> memref<1x10000x64xf32, #tpu.memory_space<hbm>>
    %dma_start3A_28 = tpu.memref_squeeze %dma_start3A_27 : memref<1x10000x64xf32, #tpu.memory_space<hbm>> -> memref<10000x64xf32, #tpu.memory_space<hbm>>
    %dma_start3A_29 = arith.constant 0 : i32
    %dma_start3A_30 = arith.constant 0 : i32
    %dma_start3A_31 = tpu.memref_slice %dma_start3A_28[%dma_start3A_29, %dma_start3A_30] : memref<10000x64xf32, #tpu.memory_space<hbm>> -> memref<10000x64xf32, #tpu.memory_space<hbm>>
    tpu.enqueue_indirect_dma source(%dma_start3A_31 : memref<10000x64xf32, #tpu.memory_space<hbm>>) target(%arg15 : memref<400x64xf32, #tpu.memory_space<vmem>>) offsets(%arg12 : memref<400xi32, #tpu.memory_space<vmem>>) semaphore(%arg19 : memref<!tpu.dma_semaphore, #tpu.memory_space<semaphore_mem>>)
    %scan3A_32 = arith.constant 0 : i32
    %scan3A_33 = arith.constant 0 : i32
    %scan3A_34 = arith.constant 25 : i32
    %scan3A_35 = arith.addi %scan3A_33, %scan3A_34 : i32
    %scan3A_36 = arith.constant 1 : i32
    %scan3A_37 = scf.for %scan3A_56 = %scan3A_33 to %scan3A_35 step %scan3A_36 iter_args(%scan3A_57 = %scan3A_32) -> (i32)  : i32 {
      %dma_wait3A_58 = arith.constant 0 : i32
      %dma_wait3A_59 = arith.constant 0 : i32
      %dma_wait3A_60 = tpu.memref_slice %arg2[%arg0, %dma_wait3A_58, %dma_wait3A_59] : memref<2x10000x64xf32, #tpu.memory_space<hbm>> -> memref<1x10000x64xf32, #tpu.memory_space<hbm>>
      %dma_wait3A_61 = tpu.memref_squeeze %dma_wait3A_60 : memref<1x10000x64xf32, #tpu.memory_space<hbm>> -> memref<10000x64xf32, #tpu.memory_space<hbm>>
      %dma_wait3A_62 = arith.constant 0 : i32
      %dma_wait3A_63 = arith.constant 0 : i32
      %dma_wait3A_64 = tpu.memref_slice %dma_wait3A_61[%dma_wait3A_62, %dma_wait3A_63] : memref<10000x64xf32, #tpu.memory_space<hbm>> -> memref<10000x64xf32, #tpu.memory_space<hbm>>
      tpu.wait_indirect_dma semaphore(%arg18 : memref<!tpu.dma_semaphore, #tpu.memory_space<semaphore_mem>>) src(%dma_wait3A_64 : memref<10000x64xf32, #tpu.memory_space<hbm>>) dst(%arg14 : memref<400x64xf32, #tpu.memory_space<vmem>>)
      %parallel_loop3A = arith.constant 0 : i32
      %parallel_loop3A_65 = arith.constant 1 : i32
      %parallel_loop3A_66 = arith.constant 1 : i32
      scf.for %parallel_loop3A_94 = %parallel_loop3A to %parallel_loop3A_65 step %parallel_loop3A_66  : i32 {
        %parallel_loop3A_95 = arith.constant 16 : i32
        %parallel_loop3A_96 = arith.muli %parallel_loop3A_94, %parallel_loop3A_95 : i32
        %parallel_loop3A_97 = arith.index_cast %parallel_loop3A_96 : i32 to index
        %parallel_loop3A_98 = tpu.vector_load %arg10[%parallel_loop3A_97] {strides = array<i32>} : memref<400xi32, #tpu.memory_space<vmem>>, vector<16xi32>,
        %parallel_loop3A_99 = arith.index_cast %parallel_loop3A_96 : i32 to index
        %parallel_loop3A_100 = tpu.vector_load %arg11[%parallel_loop3A_99] {strides = array<i32>} : memref<400xi32, #tpu.memory_space<vmem>>, vector<16xi32>,
        %parallel_loop3A_101 = tpu.vector_load_idx %arg8[%parallel_loop3A_98] : memref<10000xf32, #tpu.memory_space<vmem>>[vector<16xi32>], vector<16xf32>,
        %parallel_loop3A_102 = tpu.vector_load_idx %arg9[%parallel_loop3A_100] : memref<10000xf32, #tpu.memory_space<vmem>>[vector<16xi32>], vector<16xf32>,
        %parallel_loop3A_103 = arith.addf %parallel_loop3A_101, %parallel_loop3A_102 : vector<16xf32>
        %parallel_loop3A_104 = arith.constant 0.000000e+00 : f32
        %parallel_loop3A_105 = vector.broadcast %parallel_loop3A_104 : f32 to vector<16xf32>
        %parallel_loop3A_106 = arith.cmpf ogt, %parallel_loop3A_103, %parallel_loop3A_105 : vector<16xf32>
        %parallel_loop3A_107 = math.exp %parallel_loop3A_103 : vector<16xf32>
        %parallel_loop3A_108 = arith.constant 1.000000e+00 : f32
        %parallel_loop3A_109 = vector.broadcast %parallel_loop3A_108 : f32 to vector<16xf32>
        %parallel_loop3A_110 = arith.subf %parallel_loop3A_107, %parallel_loop3A_109 : vector<16xf32>
        %parallel_loop3A_111 = arith.constant 1.67326319 : f32
        %parallel_loop3A_112 = vector.broadcast %parallel_loop3A_111 : f32 to vector<16xf32>
        %parallel_loop3A_113 = arith.mulf %parallel_loop3A_112, %parallel_loop3A_110 : vector<16xf32>
        %parallel_loop3A_114 = arith.select %parallel_loop3A_106, %parallel_loop3A_103, %parallel_loop3A_113 : vector<16xi1>, vector<16xf32>
        %parallel_loop3A_115 = arith.constant 1.05070102 : f32
        %parallel_loop3A_116 = vector.broadcast %parallel_loop3A_115 : f32 to vector<16xf32>
        %parallel_loop3A_117 = arith.mulf %parallel_loop3A_116, %parallel_loop3A_114 : vector<16xf32>
        %parallel_loop3A_118 = arith.constant 0.000000e+00 : f32
        %parallel_loop3A_119 = vector.broadcast %parallel_loop3A_118 : f32 to vector<16xf32>
        %parallel_loop3A_120 = arith.subf %parallel_loop3A_119, %parallel_loop3A_117 : vector<16xf32>
        %parallel_loop3A_121 = math.exp %parallel_loop3A_120 : vector<16xf32>
        %parallel_loop3A_122 = arith.constant 1.000000e+00 : f32
        %parallel_loop3A_123 = vector.broadcast %parallel_loop3A_122 : f32 to vector<16xf32>
        %parallel_loop3A_124 = arith.addf %parallel_loop3A_123, %parallel_loop3A_121 : vector<16xf32>
        %parallel_loop3A_125 = arith.constant 1.000000e+00 : f32
        %parallel_loop3A_126 = vector.broadcast %parallel_loop3A_125 : f32 to vector<16xf32>
        %parallel_loop3A_127 = arith.divf %parallel_loop3A_126, %parallel_loop3A_124 : vector<16xf32>
        %parallel_loop3A_128 = arith.index_cast %parallel_loop3A_96 : i32 to index
        %parallel_loop3A_129 = tpu.vector_load %arg16[%parallel_loop3A_128] {strides = array<i32>} : memref<400xf32, #tpu.memory_space<vmem>>, vector<16xf32>,
        tpu.vector_store %arg16[%parallel_loop3A_128], %parallel_loop3A_127 {strides = array<i32>} : memref<400xf32, #tpu.memory_space<vmem>>, vector<16xf32>,
      } {sc.loop_unroll_factor = 1 : i64, sc.parallel_access}
      %parallel_loop3A_67 = arith.constant 0 : i32
      %parallel_loop3A_68 = arith.constant 16 : i32
      %parallel_loop3A_69 = arith.constant 1 : i32
      scf.for %parallel_loop3A_94 = %parallel_loop3A_67 to %parallel_loop3A_68 step %parallel_loop3A_69  : i32 {
        %parallel_loop3A_95 = vector.broadcast %parallel_loop3A_94 : i32 to vector<16xi32>
        %parallel_loop3A_96 = arith.addi %broadcast_in_dim3A_12, %parallel_loop3A_95 : vector<16xi32>
        %parallel_loop3A_97 = tpu.vector_load_idx %arg16[%parallel_loop3A_96] : memref<400xf32, #tpu.memory_space<vmem>>[vector<16xi32>], vector<16xf32>,
        %parallel_loop3A_98 = arith.index_cast %parallel_loop3A_94 : i32 to index
        %parallel_loop3A_99 = arith.constant 0 : index
        %parallel_loop3A_100 = tpu.vector_load %arg14[%parallel_loop3A_98, %parallel_loop3A_99] {strides = array<i32>} : memref<400x64xf32, #tpu.memory_space<vmem>>, vector<16xf32>,
        %parallel_loop3A_101 = arith.mulf %parallel_loop3A_100, %parallel_loop3A_97 : vector<16xf32>
        %parallel_loop3A_102 = arith.index_cast %parallel_loop3A_94 : i32 to index
        %parallel_loop3A_103 = arith.constant 0 : index
        %parallel_loop3A_104 = tpu.vector_load %arg14[%parallel_loop3A_102, %parallel_loop3A_103] {strides = array<i32>} : memref<400x64xf32, #tpu.memory_space<vmem>>, vector<16xf32>,
        tpu.vector_store %arg14[%parallel_loop3A_102, %parallel_loop3A_103], %parallel_loop3A_101 {strides = array<i32>} : memref<400x64xf32, #tpu.memory_space<vmem>>, vector<16xf32>,
        %parallel_loop3A_105 = arith.index_cast %parallel_loop3A_94 : i32 to index
        %parallel_loop3A_106 = arith.constant 16 : index
        %parallel_loop3A_107 = tpu.vector_load %arg14[%parallel_loop3A_105, %parallel_loop3A_106] {strides = array<i32>} : memref<400x64xf32, #tpu.memory_space<vmem>>, vector<16xf32>,
        %parallel_loop3A_108 = arith.mulf %parallel_loop3A_107, %parallel_loop3A_97 : vector<16xf32>
        %parallel_loop3A_109 = arith.index_cast %parallel_loop3A_94 : i32 to index
        %parallel_loop3A_110 = arith.constant 16 : index
        %parallel_loop3A_111 = tpu.vector_load %arg14[%parallel_loop3A_109, %parallel_loop3A_110] {strides = array<i32>} : memref<400x64xf32, #tpu.memory_space<vmem>>, vector<16xf32>,
        tpu.vector_store %arg14[%parallel_loop3A_109, %parallel_loop3A_110], %parallel_loop3A_108 {strides = array<i32>} : memref<400x64xf32, #tpu.memory_space<vmem>>, vector<16xf32>,
        %parallel_loop3A_112 = arith.index_cast %parallel_loop3A_94 : i32 to index
        %parallel_loop3A_113 = arith.constant 32 : index
        %parallel_loop3A_114 = tpu.vector_load %arg14[%parallel_loop3A_112, %parallel_loop3A_113] {strides = array<i32>} : memref<400x64xf32, #tpu.memory_space<vmem>>, vector<16xf32>,
        %parallel_loop3A_115 = arith.mulf %parallel_loop3A_114, %parallel_loop3A_97 : vector<16xf32>
        %parallel_loop3A_116 = arith.index_cast %parallel_loop3A_94 : i32 to index
        %parallel_loop3A_117 = arith.constant 32 : index
        %parallel_loop3A_118 = tpu.vector_load %arg14[%parallel_loop3A_116, %parallel_loop3A_117] {strides = array<i32>} : memref<400x64xf32, #tpu.memory_space<vmem>>, vector<16xf32>,
        tpu.vector_store %arg14[%parallel_loop3A_116, %parallel_loop3A_117], %parallel_loop3A_115 {strides = array<i32>} : memref<400x64xf32, #tpu.memory_space<vmem>>, vector<16xf32>,
        %parallel_loop3A_119 = arith.index_cast %parallel_loop3A_94 : i32 to index
        %parallel_loop3A_120 = arith.constant 48 : index
        %parallel_loop3A_121 = tpu.vector_load %arg14[%parallel_loop3A_119, %parallel_loop3A_120] {strides = array<i32>} : memref<400x64xf32, #tpu.memory_space<vmem>>, vector<16xf32>,
        %parallel_loop3A_122 = arith.mulf %parallel_loop3A_121, %parallel_loop3A_97 : vector<16xf32>
        %parallel_loop3A_123 = arith.index_cast %parallel_loop3A_94 : i32 to index
        %parallel_loop3A_124 = arith.constant 48 : index
        %parallel_loop3A_125 = tpu.vector_load %arg14[%parallel_loop3A_123, %parallel_loop3A_124] {strides = array<i32>} : memref<400x64xf32, #tpu.memory_space<vmem>>, vector<16xf32>,
        tpu.vector_store %arg14[%parallel_loop3A_123, %parallel_loop3A_124], %parallel_loop3A_122 {strides = array<i32>} : memref<400x64xf32, #tpu.memory_space<vmem>>, vector<16xf32>,
      } {sc.loop_unroll_factor = 4 : i64, sc.parallel_access}
      %dma_start3A_70 = arith.constant 0 : i32
      %dma_start3A_71 = arith.constant 0 : i32
      %dma_start3A_72 = tpu.memref_slice %arg17[%dma_start3A_70, %dma_start3A_71] : memref<10000x64xf32, #tpu.memory_space<vmem_shared>> -> memref<10000x64xf32, #tpu.memory_space<vmem_shared>>
      tpu.enqueue_indirect_dma source(%arg14 : memref<400x64xf32, #tpu.memory_space<vmem>>) target(%dma_start3A_72 : memref<10000x64xf32, #tpu.memory_space<vmem_shared>>) offsets(%arg11 : memref<400xi32, #tpu.memory_space<vmem>>) semaphore(%arg20 : memref<!tpu.dma_semaphore, #tpu.memory_space<semaphore_mem>>) {add = true}
      %dma_wait3A_73 = arith.constant 0 : i32
      %dma_wait3A_74 = arith.constant 0 : i32
      %dma_wait3A_75 = tpu.memref_slice %arg2[%arg0, %dma_wait3A_73, %dma_wait3A_74] : memref<2x10000x64xf32, #tpu.memory_space<hbm>> -> memref<1x10000x64xf32, #tpu.memory_space<hbm>>
      %dma_wait3A_76 = tpu.memref_squeeze %dma_wait3A_75 : memref<1x10000x64xf32, #tpu.memory_space<hbm>> -> memref<10000x64xf32, #tpu.memory_space<hbm>>
      %dma_wait3A_77 = arith.constant 0 : i32
      %dma_wait3A_78 = arith.constant 0 : i32
      %dma_wait3A_79 = tpu.memref_slice %dma_wait3A_76[%dma_wait3A_77, %dma_wait3A_78] : memref<10000x64xf32, #tpu.memory_space<hbm>> -> memref<10000x64xf32, #tpu.memory_space<hbm>>
      tpu.wait_indirect_dma semaphore(%arg19 : memref<!tpu.dma_semaphore, #tpu.memory_space<semaphore_mem>>) src(%dma_wait3A_79 : memref<10000x64xf32, #tpu.memory_space<hbm>>) dst(%arg15 : memref<400x64xf32, #tpu.memory_space<vmem>>)
      %parallel_loop3A_80 = arith.constant 0 : i32
      %parallel_loop3A_81 = arith.constant 1 : i32
      %parallel_loop3A_82 = arith.constant 1 : i32
      scf.for %parallel_loop3A_94 = %parallel_loop3A_80 to %parallel_loop3A_81 step %parallel_loop3A_82  : i32 {
        %parallel_loop3A_95 = arith.constant 16 : i32
        %parallel_loop3A_96 = arith.muli %parallel_loop3A_94, %parallel_loop3A_95 : i32
        %parallel_loop3A_97 = arith.index_cast %parallel_loop3A_96 : i32 to index
        %parallel_loop3A_98 = tpu.vector_load %arg12[%parallel_loop3A_97] {strides = array<i32>} : memref<400xi32, #tpu.memory_space<vmem>>, vector<16xi32>,
        %parallel_loop3A_99 = arith.index_cast %parallel_loop3A_96 : i32 to index
        %parallel_loop3A_100 = tpu.vector_load %arg13[%parallel_loop3A_99] {strides = array<i32>} : memref<400xi32, #tpu.memory_space<vmem>>, vector<16xi32>,
        %parallel_loop3A_101 = tpu.vector_load_idx %arg8[%parallel_loop3A_98] : memref<10000xf32, #tpu.memory_space<vmem>>[vector<16xi32>], vector<16xf32>,
        %parallel_loop3A_102 = tpu.vector_load_idx %arg9[%parallel_loop3A_100] : memref<10000xf32, #tpu.memory_space<vmem>>[vector<16xi32>], vector<16xf32>,
        %parallel_loop3A_103 = arith.addf %parallel_loop3A_101, %parallel_loop3A_102 : vector<16xf32>
        %parallel_loop3A_104 = arith.constant 0.000000e+00 : f32
        %parallel_loop3A_105 = vector.broadcast %parallel_loop3A_104 : f32 to vector<16xf32>
        %parallel_loop3A_106 = arith.cmpf ogt, %parallel_loop3A_103, %parallel_loop3A_105 : vector<16xf32>
        %parallel_loop3A_107 = math.exp %parallel_loop3A_103 : vector<16xf32>
        %parallel_loop3A_108 = arith.constant 1.000000e+00 : f32
        %parallel_loop3A_109 = vector.broadcast %parallel_loop3A_108 : f32 to vector<16xf32>
        %parallel_loop3A_110 = arith.subf %parallel_loop3A_107, %parallel_loop3A_109 : vector<16xf32>
        %parallel_loop3A_111 = arith.constant 1.67326319 : f32
        %parallel_loop3A_112 = vector.broadcast %parallel_loop3A_111 : f32 to vector<16xf32>
        %parallel_loop3A_113 = arith.mulf %parallel_loop3A_112, %parallel_loop3A_110 : vector<16xf32>
        %parallel_loop3A_114 = arith.select %parallel_loop3A_106, %parallel_loop3A_103, %parallel_loop3A_113 : vector<16xi1>, vector<16xf32>
        %parallel_loop3A_115 = arith.constant 1.05070102 : f32
        %parallel_loop3A_116 = vector.broadcast %parallel_loop3A_115 : f32 to vector<16xf32>
        %parallel_loop3A_117 = arith.mulf %parallel_loop3A_116, %parallel_loop3A_114 : vector<16xf32>
        %parallel_loop3A_118 = arith.constant 0.000000e+00 : f32
        %parallel_loop3A_119 = vector.broadcast %parallel_loop3A_118 : f32 to vector<16xf32>
        %parallel_loop3A_120 = arith.subf %parallel_loop3A_119, %parallel_loop3A_117 : vector<16xf32>
        %parallel_loop3A_121 = math.exp %parallel_loop3A_120 : vector<16xf32>
        %parallel_loop3A_122 = arith.constant 1.000000e+00 : f32
        %parallel_loop3A_123 = vector.broadcast %parallel_loop3A_122 : f32 to vector<16xf32>
        %parallel_loop3A_124 = arith.addf %parallel_loop3A_123, %parallel_loop3A_121 : vector<16xf32>
        %parallel_loop3A_125 = arith.constant 1.000000e+00 : f32
        %parallel_loop3A_126 = vector.broadcast %parallel_loop3A_125 : f32 to vector<16xf32>
        %parallel_loop3A_127 = arith.divf %parallel_loop3A_126, %parallel_loop3A_124 : vector<16xf32>
        %parallel_loop3A_128 = arith.index_cast %parallel_loop3A_96 : i32 to index
        %parallel_loop3A_129 = tpu.vector_load %arg16[%parallel_loop3A_128] {strides = array<i32>} : memref<400xf32, #tpu.memory_space<vmem>>, vector<16xf32>,
        tpu.vector_store %arg16[%parallel_loop3A_128], %parallel_loop3A_127 {strides = array<i32>} : memref<400xf32, #tpu.memory_space<vmem>>, vector<16xf32>,
      } {sc.loop_unroll_factor = 1 : i64, sc.parallel_access}
      %parallel_loop3A_83 = arith.constant 0 : i32
      %parallel_loop3A_84 = arith.constant 16 : i32
      %parallel_loop3A_85 = arith.constant 1 : i32
      scf.for %parallel_loop3A_94 = %parallel_loop3A_83 to %parallel_loop3A_84 step %parallel_loop3A_85  : i32 {
        %parallel_loop3A_95 = vector.broadcast %parallel_loop3A_94 : i32 to vector<16xi32>
        %parallel_loop3A_96 = arith.addi %broadcast_in_dim3A_12, %parallel_loop3A_95 : vector<16xi32>
        %parallel_loop3A_97 = tpu.vector_load_idx %arg16[%parallel_loop3A_96] : memref<400xf32, #tpu.memory_space<vmem>>[vector<16xi32>], vector<16xf32>,
        %parallel_loop3A_98 = arith.index_cast %parallel_loop3A_94 : i32 to index
        %parallel_loop3A_99 = arith.constant 0 : index
        %parallel_loop3A_100 = tpu.vector_load %arg15[%parallel_loop3A_98, %parallel_loop3A_99] {strides = array<i32>} : memref<400x64xf32, #tpu.memory_space<vmem>>, vector<16xf32>,
        %parallel_loop3A_101 = arith.mulf %parallel_loop3A_100, %parallel_loop3A_97 : vector<16xf32>
        %parallel_loop3A_102 = arith.index_cast %parallel_loop3A_94 : i32 to index
        %parallel_loop3A_103 = arith.constant 0 : index
        %parallel_loop3A_104 = tpu.vector_load %arg15[%parallel_loop3A_102, %parallel_loop3A_103] {strides = array<i32>} : memref<400x64xf32, #tpu.memory_space<vmem>>, vector<16xf32>,
        tpu.vector_store %arg15[%parallel_loop3A_102, %parallel_loop3A_103], %parallel_loop3A_101 {strides = array<i32>} : memref<400x64xf32, #tpu.memory_space<vmem>>, vector<16xf32>,
        %parallel_loop3A_105 = arith.index_cast %parallel_loop3A_94 : i32 to index
        %parallel_loop3A_106 = arith.constant 16 : index
        %parallel_loop3A_107 = tpu.vector_load %arg15[%parallel_loop3A_105, %parallel_loop3A_106] {strides = array<i32>} : memref<400x64xf32, #tpu.memory_space<vmem>>, vector<16xf32>,
        %parallel_loop3A_108 = arith.mulf %parallel_loop3A_107, %parallel_loop3A_97 : vector<16xf32>
        %parallel_loop3A_109 = arith.index_cast %parallel_loop3A_94 : i32 to index
        %parallel_loop3A_110 = arith.constant 16 : index
        %parallel_loop3A_111 = tpu.vector_load %arg15[%parallel_loop3A_109, %parallel_loop3A_110] {strides = array<i32>} : memref<400x64xf32, #tpu.memory_space<vmem>>, vector<16xf32>,
        tpu.vector_store %arg15[%parallel_loop3A_109, %parallel_loop3A_110], %parallel_loop3A_108 {strides = array<i32>} : memref<400x64xf32, #tpu.memory_space<vmem>>, vector<16xf32>,
        %parallel_loop3A_112 = arith.index_cast %parallel_loop3A_94 : i32 to index
        %parallel_loop3A_113 = arith.constant 32 : index
        %parallel_loop3A_114 = tpu.vector_load %arg15[%parallel_loop3A_112, %parallel_loop3A_113] {strides = array<i32>} : memref<400x64xf32, #tpu.memory_space<vmem>>, vector<16xf32>,
        %parallel_loop3A_115 = arith.mulf %parallel_loop3A_114, %parallel_loop3A_97 : vector<16xf32>
        %parallel_loop3A_116 = arith.index_cast %parallel_loop3A_94 : i32 to index
        %parallel_loop3A_117 = arith.constant 32 : index
        %parallel_loop3A_118 = tpu.vector_load %arg15[%parallel_loop3A_116, %parallel_loop3A_117] {strides = array<i32>} : memref<400x64xf32, #tpu.memory_space<vmem>>, vector<16xf32>,
        tpu.vector_store %arg15[%parallel_loop3A_116, %parallel_loop3A_117], %parallel_loop3A_115 {strides = array<i32>} : memref<400x64xf32, #tpu.memory_space<vmem>>, vector<16xf32>,
        %parallel_loop3A_119 = arith.index_cast %parallel_loop3A_94 : i32 to index
        %parallel_loop3A_120 = arith.constant 48 : index
        %parallel_loop3A_121 = tpu.vector_load %arg15[%parallel_loop3A_119, %parallel_loop3A_120] {strides = array<i32>} : memref<400x64xf32, #tpu.memory_space<vmem>>, vector<16xf32>,
        %parallel_loop3A_122 = arith.mulf %parallel_loop3A_121, %parallel_loop3A_97 : vector<16xf32>
        %parallel_loop3A_123 = arith.index_cast %parallel_loop3A_94 : i32 to index
        %parallel_loop3A_124 = arith.constant 48 : index
        %parallel_loop3A_125 = tpu.vector_load %arg15[%parallel_loop3A_123, %parallel_loop3A_124] {strides = array<i32>} : memref<400x64xf32, #tpu.memory_space<vmem>>, vector<16xf32>,
        tpu.vector_store %arg15[%parallel_loop3A_123, %parallel_loop3A_124], %parallel_loop3A_122 {strides = array<i32>} : memref<400x64xf32, #tpu.memory_space<vmem>>, vector<16xf32>,
      } {sc.loop_unroll_factor = 4 : i64, sc.parallel_access}
      %dma_start3A_86 = arith.constant 0 : i32
      %dma_start3A_87 = arith.constant 0 : i32
      %dma_start3A_88 = tpu.memref_slice %arg17[%dma_start3A_86, %dma_start3A_87] : memref<10000x64xf32, #tpu.memory_space<vmem_shared>> -> memref<10000x64xf32, #tpu.memory_space<vmem_shared>>
      tpu.enqueue_indirect_dma source(%arg15 : memref<400x64xf32, #tpu.memory_space<vmem>>) target(%dma_start3A_88 : memref<10000x64xf32, #tpu.memory_space<vmem_shared>>) offsets(%arg13 : memref<400xi32, #tpu.memory_space<vmem>>) semaphore(%arg21 : memref<!tpu.dma_semaphore, #tpu.memory_space<semaphore_mem>>) {add = true}
      %lt3A = arith.constant 24 : i32
      %lt3A_89 = arith.cmpi slt, %scan3A_56, %lt3A : i32
      %convert_element_type3A_90 = arith.extui %lt3A_89 : i1 to i32
      %cond3A_91 = arith.constant 0 : i32
      %cond3A_92 = arith.cmpi ne, %convert_element_type3A_90, %cond3A_91 : i32
      scf.if %cond3A_92 {
        %dma_wait3A_94 = arith.constant 0 : i32
        %dma_wait3A_95 = arith.constant 0 : i32
        %dma_wait3A_96 = tpu.memref_slice %arg17[%dma_wait3A_94, %dma_wait3A_95] : memref<10000x64xf32, #tpu.memory_space<vmem_shared>> -> memref<400x64xf32, #tpu.memory_space<vmem_shared>>
        %dma_wait3A_97 = arith.constant 0 : i32
        %dma_wait3A_98 = arith.constant 0 : i32
        %dma_wait3A_99 = tpu.memref_slice %arg17[%dma_wait3A_97, %dma_wait3A_98] : memref<10000x64xf32, #tpu.memory_space<vmem_shared>> -> memref<400x64xf32, #tpu.memory_space<vmem_shared>>
        tpu.wait_dma2 semaphore(%arg20 : memref<!tpu.dma_semaphore, #tpu.memory_space<semaphore_mem>>) src(%arg14 : memref<400x64xf32, #tpu.memory_space<vmem>>) dst(%dma_wait3A_99 : memref<400x64xf32, #tpu.memory_space<vmem_shared>>)
        %mul3A_100 = arith.constant 2 : i32
        %mul3A_101 = arith.muli %mul3A_100, %scan3A_56 : i32
        %add3A_102 = arith.constant 2 : i32
        %add3A_103 = arith.addi %mul3A_101, %add3A_102 : i32
        %mul3A_104 = arith.constant 400 : i32
        %mul3A_105 = arith.muli %add3A_103, %mul3A_104 : i32
        %add3A_106 = arith.addi %mul3A_14, %mul3A_105 : i32
        "tpu.region"() ({
          %run_scoped3A = tpu.sem_alloc : memref<!tpu.dma_semaphore, #tpu.memory_space<semaphore_mem>>
          %dma_start3A_134 = tpu.memref_slice %arg5[%add3A_106] : memref<320000xi32, #tpu.memory_space<hbm>> -> memref<400xi32, #tpu.memory_space<hbm>>
          %dma_start3A_135 = tpu.memref_slice %arg5[%add3A_106] : memref<320000xi32, #tpu.memory_space<hbm>> -> memref<400xi32, #tpu.memory_space<hbm>>
          tpu.enqueue_dma source(%dma_start3A_135 : memref<400xi32, #tpu.memory_space<hbm>>) target(%arg10 : memref<400xi32, #tpu.memory_space<vmem>>) target_semaphore(%run_scoped3A : memref<!tpu.dma_semaphore, #tpu.memory_space<semaphore_mem>>)
          %dma_wait3A_136 = tpu.memref_slice %arg5[%add3A_106] : memref<320000xi32, #tpu.memory_space<hbm>> -> memref<400xi32, #tpu.memory_space<hbm>>
          %dma_wait3A_137 = tpu.memref_slice %arg5[%add3A_106] : memref<320000xi32, #tpu.memory_space<hbm>> -> memref<400xi32, #tpu.memory_space<hbm>>
          tpu.wait_dma2 semaphore(%run_scoped3A : memref<!tpu.dma_semaphore, #tpu.memory_space<semaphore_mem>>) src(%dma_wait3A_137 : memref<400xi32, #tpu.memory_space<hbm>>) dst(%arg10 : memref<400xi32, #tpu.memory_space<vmem>>)
          tpu.yield
        }) : () -> ()
        "tpu.region"() ({
          %run_scoped3A = tpu.sem_alloc : memref<!tpu.dma_semaphore, #tpu.memory_space<semaphore_mem>>
          %dma_start3A_134 = tpu.memref_slice %arg6[%add3A_106] : memref<320000xi32, #tpu.memory_space<hbm>> -> memref<400xi32, #tpu.memory_space<hbm>>
          %dma_start3A_135 = tpu.memref_slice %arg6[%add3A_106] : memref<320000xi32, #tpu.memory_space<hbm>> -> memref<400xi32, #tpu.memory_space<hbm>>
          tpu.enqueue_dma source(%dma_start3A_135 : memref<400xi32, #tpu.memory_space<hbm>>) target(%arg11 : memref<400xi32, #tpu.memory_space<vmem>>) target_semaphore(%run_scoped3A : memref<!tpu.dma_semaphore, #tpu.memory_space<semaphore_mem>>)
          %dma_wait3A_136 = tpu.memref_slice %arg6[%add3A_106] : memref<320000xi32, #tpu.memory_space<hbm>> -> memref<400xi32, #tpu.memory_space<hbm>>
          %dma_wait3A_137 = tpu.memref_slice %arg6[%add3A_106] : memref<320000xi32, #tpu.memory_space<hbm>> -> memref<400xi32, #tpu.memory_space<hbm>>
          tpu.wait_dma2 semaphore(%run_scoped3A : memref<!tpu.dma_semaphore, #tpu.memory_space<semaphore_mem>>) src(%dma_wait3A_137 : memref<400xi32, #tpu.memory_space<hbm>>) dst(%arg11 : memref<400xi32, #tpu.memory_space<vmem>>)
          tpu.yield
        }) : () -> ()
        %dma_start3A_107 = arith.constant 0 : i32
        %dma_start3A_108 = arith.constant 0 : i32
        %dma_start3A_109 = tpu.memref_slice %arg2[%arg0, %dma_start3A_107, %dma_start3A_108] : memref<2x10000x64xf32, #tpu.memory_space<hbm>> -> memref<1x10000x64xf32, #tpu.memory_space<hbm>>
        %dma_start3A_110 = tpu.memref_squeeze %dma_start3A_109 : memref<1x10000x64xf32, #tpu.memory_space<hbm>> -> memref<10000x64xf32, #tpu.memory_space<hbm>>
        %dma_start3A_111 = arith.constant 0 : i32
        %dma_start3A_112 = arith.constant 0 : i32
        %dma_start3A_113 = tpu.memref_slice %dma_start3A_110[%dma_start3A_111, %dma_start3A_112] : memref<10000x64xf32, #tpu.memory_space<hbm>> -> memref<10000x64xf32, #tpu.memory_space<hbm>>
        tpu.enqueue_indirect_dma source(%dma_start3A_113 : memref<10000x64xf32, #tpu.memory_space<hbm>>) target(%arg14 : memref<400x64xf32, #tpu.memory_space<vmem>>) offsets(%arg10 : memref<400xi32, #tpu.memory_space<vmem>>) semaphore(%arg18 : memref<!tpu.dma_semaphore, #tpu.memory_space<semaphore_mem>>)
        %dma_wait3A_114 = arith.constant 0 : i32
        %dma_wait3A_115 = arith.constant 0 : i32
        %dma_wait3A_116 = tpu.memref_slice %arg17[%dma_wait3A_114, %dma_wait3A_115] : memref<10000x64xf32, #tpu.memory_space<vmem_shared>> -> memref<400x64xf32, #tpu.memory_space<vmem_shared>>
        %dma_wait3A_117 = arith.constant 0 : i32
        %dma_wait3A_118 = arith.constant 0 : i32
        %dma_wait3A_119 = tpu.memref_slice %arg17[%dma_wait3A_117, %dma_wait3A_118] : memref<10000x64xf32, #tpu.memory_space<vmem_shared>> -> memref<400x64xf32, #tpu.memory_space<vmem_shared>>
        tpu.wait_dma2 semaphore(%arg21 : memref<!tpu.dma_semaphore, #tpu.memory_space<semaphore_mem>>) src(%arg15 : memref<400x64xf32, #tpu.memory_space<vmem>>) dst(%dma_wait3A_119 : memref<400x64xf32, #tpu.memory_space<vmem_shared>>)
        %mul3A_120 = arith.constant 2 : i32
        %mul3A_121 = arith.muli %mul3A_120, %scan3A_56 : i32
        %add3A_122 = arith.constant 3 : i32
        %add3A_123 = arith.addi %mul3A_121, %add3A_122 : i32
        %mul3A_124 = arith.constant 400 : i32
        %mul3A_125 = arith.muli %add3A_123, %mul3A_124 : i32
        %add3A_126 = arith.addi %mul3A_14, %mul3A_125 : i32
        "tpu.region"() ({
          %run_scoped3A = tpu.sem_alloc : memref<!tpu.dma_semaphore, #tpu.memory_space<semaphore_mem>>
          %dma_start3A_134 = tpu.memref_slice %arg5[%add3A_126] : memref<320000xi32, #tpu.memory_space<hbm>> -> memref<400xi32, #tpu.memory_space<hbm>>
          %dma_start3A_135 = tpu.memref_slice %arg5[%add3A_126] : memref<320000xi32, #tpu.memory_space<hbm>> -> memref<400xi32, #tpu.memory_space<hbm>>
          tpu.enqueue_dma source(%dma_start3A_135 : memref<400xi32, #tpu.memory_space<hbm>>) target(%arg12 : memref<400xi32, #tpu.memory_space<vmem>>) target_semaphore(%run_scoped3A : memref<!tpu.dma_semaphore, #tpu.memory_space<semaphore_mem>>)
          %dma_wait3A_136 = tpu.memref_slice %arg5[%add3A_126] : memref<320000xi32, #tpu.memory_space<hbm>> -> memref<400xi32, #tpu.memory_space<hbm>>
          %dma_wait3A_137 = tpu.memref_slice %arg5[%add3A_126] : memref<320000xi32, #tpu.memory_space<hbm>> -> memref<400xi32, #tpu.memory_space<hbm>>
          tpu.wait_dma2 semaphore(%run_scoped3A : memref<!tpu.dma_semaphore, #tpu.memory_space<semaphore_mem>>) src(%dma_wait3A_137 : memref<400xi32, #tpu.memory_space<hbm>>) dst(%arg12 : memref<400xi32, #tpu.memory_space<vmem>>)
          tpu.yield
        }) : () -> ()
        "tpu.region"() ({
          %run_scoped3A = tpu.sem_alloc : memref<!tpu.dma_semaphore, #tpu.memory_space<semaphore_mem>>
          %dma_start3A_134 = tpu.memref_slice %arg6[%add3A_126] : memref<320000xi32, #tpu.memory_space<hbm>> -> memref<400xi32, #tpu.memory_space<hbm>>
          %dma_start3A_135 = tpu.memref_slice %arg6[%add3A_126] : memref<320000xi32, #tpu.memory_space<hbm>> -> memref<400xi32, #tpu.memory_space<hbm>>
          tpu.enqueue_dma source(%dma_start3A_135 : memref<400xi32, #tpu.memory_space<hbm>>) target(%arg13 : memref<400xi32, #tpu.memory_space<vmem>>) target_semaphore(%run_scoped3A : memref<!tpu.dma_semaphore, #tpu.memory_space<semaphore_mem>>)
          %dma_wait3A_136 = tpu.memref_slice %arg6[%add3A_126] : memref<320000xi32, #tpu.memory_space<hbm>> -> memref<400xi32, #tpu.memory_space<hbm>>
          %dma_wait3A_137 = tpu.memref_slice %arg6[%add3A_126] : memref<320000xi32, #tpu.memory_space<hbm>> -> memref<400xi32, #tpu.memory_space<hbm>>
          tpu.wait_dma2 semaphore(%run_scoped3A : memref<!tpu.dma_semaphore, #tpu.memory_space<semaphore_mem>>) src(%dma_wait3A_137 : memref<400xi32, #tpu.memory_space<hbm>>) dst(%arg13 : memref<400xi32, #tpu.memory_space<vmem>>)
          tpu.yield
        }) : () -> ()
        %dma_start3A_127 = arith.constant 0 : i32
        %dma_start3A_128 = arith.constant 0 : i32
        %dma_start3A_129 = tpu.memref_slice %arg2[%arg0, %dma_start3A_127, %dma_start3A_128] : memref<2x10000x64xf32, #tpu.memory_space<hbm>> -> memref<1x10000x64xf32, #tpu.memory_space<hbm>>
        %dma_start3A_130 = tpu.memref_squeeze %dma_start3A_129 : memref<1x10000x64xf32, #tpu.memory_space<hbm>> -> memref<10000x64xf32, #tpu.memory_space<hbm>>
        %dma_start3A_131 = arith.constant 0 : i32
        %dma_start3A_132 = arith.constant 0 : i32
        %dma_start3A_133 = tpu.memref_slice %dma_start3A_130[%dma_start3A_131, %dma_start3A_132] : memref<10000x64xf32, #tpu.memory_space<hbm>> -> memref<10000x64xf32, #tpu.memory_space<hbm>>
        tpu.enqueue_indirect_dma source(%dma_start3A_133 : memref<10000x64xf32, #tpu.memory_space<hbm>>) target(%arg15 : memref<400x64xf32, #tpu.memory_space<vmem>>) offsets(%arg12 : memref<400xi32, #tpu.memory_space<vmem>>) semaphore(%arg19 : memref<!tpu.dma_semaphore, #tpu.memory_space<semaphore_mem>>)
      } else {
      }
      %scan3A_93 = arith.constant 0 : i32
      scf.yield %scan3A_93 : i32
    }
    %scan3A_38 = arith.constant 25 : i32
    %dma_wait3A = arith.constant 0 : i32
    %dma_wait3A_39 = arith.constant 0 : i32
    %dma_wait3A_40 = tpu.memref_slice %arg17[%dma_wait3A, %dma_wait3A_39] : memref<10000x64xf32, #tpu.memory_space<vmem_shared>> -> memref<400x64xf32, #tpu.memory_space<vmem_shared>>
    %dma_wait3A_41 = arith.constant 0 : i32
    %dma_wait3A_42 = arith.constant 0 : i32
    %dma_wait3A_43 = tpu.memref_slice %arg17[%dma_wait3A_41, %dma_wait3A_42] : memref<10000x64xf32, #tpu.memory_space<vmem_shared>> -> memref<400x64xf32, #tpu.memory_space<vmem_shared>>
    tpu.wait_dma2 semaphore(%arg20 : memref<!tpu.dma_semaphore, #tpu.memory_space<semaphore_mem>>) src(%arg14 : memref<400x64xf32, #tpu.memory_space<vmem>>) dst(%dma_wait3A_43 : memref<400x64xf32, #tpu.memory_space<vmem_shared>>)
    %dma_wait3A_44 = arith.constant 0 : i32
    %dma_wait3A_45 = arith.constant 0 : i32
    %dma_wait3A_46 = tpu.memref_slice %arg17[%dma_wait3A_44, %dma_wait3A_45] : memref<10000x64xf32, #tpu.memory_space<vmem_shared>> -> memref<400x64xf32, #tpu.memory_space<vmem_shared>>
    %dma_wait3A_47 = arith.constant 0 : i32
    %dma_wait3A_48 = arith.constant 0 : i32
    %dma_wait3A_49 = tpu.memref_slice %arg17[%dma_wait3A_47, %dma_wait3A_48] : memref<10000x64xf32, #tpu.memory_space<vmem_shared>> -> memref<400x64xf32, #tpu.memory_space<vmem_shared>>
    tpu.wait_dma2 semaphore(%arg21 : memref<!tpu.dma_semaphore, #tpu.memory_space<semaphore_mem>>) src(%arg15 : memref<400x64xf32, #tpu.memory_space<vmem>>) dst(%dma_wait3A_49 : memref<400x64xf32, #tpu.memory_space<vmem_shared>>)
    %barrier3A_50 = arith.constant 0 : index
    tpu.barrier barrier_id(%barrier3A_50)
    "tpu.region"() ({
      %run_scoped3A = tpu.sem_alloc : memref<!tpu.dma_semaphore, #tpu.memory_space<semaphore_mem>>
      %dma_start3A_56 = arith.constant 0 : i32
      %dma_start3A_57 = tpu.memref_slice %arg7[%arg0, %mul3A_7, %dma_start3A_56] : memref<2x10000x64xf32, #tpu.memory_space<hbm>> -> memref<1x624x64xf32, #tpu.memory_space<hbm>>
      %dma_start3A_58 = tpu.memref_squeeze %dma_start3A_57 : memref<1x624x64xf32, #tpu.memory_space<hbm>> -> memref<624x64xf32, #tpu.memory_space<hbm>>
      %dma_start3A_59 = arith.constant 0 : i32
      %dma_start3A_60 = tpu.memref_slice %arg17[%mul3A_7, %dma_start3A_59] : memref<10000x64xf32, #tpu.memory_space<vmem_shared>> -> memref<624x64xf32, #tpu.memory_space<vmem_shared>>
      tpu.enqueue_dma source(%dma_start3A_60 : memref<624x64xf32, #tpu.memory_space<vmem_shared>>) target(%dma_start3A_58 : memref<624x64xf32, #tpu.memory_space<hbm>>) target_semaphore(%run_scoped3A : memref<!tpu.dma_semaphore, #tpu.memory_space<semaphore_mem>>)
      %dma_wait3A_61 = arith.constant 0 : i32
      %dma_wait3A_62 = tpu.memref_slice %arg7[%arg0, %mul3A_7, %dma_wait3A_61] : memref<2x10000x64xf32, #tpu.memory_space<hbm>> -> memref<1x624x64xf32, #tpu.memory_space<hbm>>
      %dma_wait3A_63 = tpu.memref_squeeze %dma_wait3A_62 : memref<1x624x64xf32, #tpu.memory_space<hbm>> -> memref<624x64xf32, #tpu.memory_space<hbm>>
      %dma_wait3A_64 = arith.constant 0 : i32
      %dma_wait3A_65 = tpu.memref_slice %arg17[%mul3A_7, %dma_wait3A_64] : memref<10000x64xf32, #tpu.memory_space<vmem_shared>> -> memref<624x64xf32, #tpu.memory_space<vmem_shared>>
      tpu.wait_dma2 semaphore(%run_scoped3A : memref<!tpu.dma_semaphore, #tpu.memory_space<semaphore_mem>>) src(%dma_wait3A_65 : memref<624x64xf32, #tpu.memory_space<vmem_shared>>) dst(%dma_wait3A_63 : memref<624x64xf32, #tpu.memory_space<hbm>>)
      tpu.yield
    }) : () -> ()
    %eq3A_51 = arith.constant 15 : i32
    %eq3A_52 = arith.cmpi eq, %arg1, %eq3A_51 : i32
    %convert_element_type3A_53 = arith.extui %eq3A_52 : i1 to i32
    %cond3A_54 = arith.constant 0 : i32
    %cond3A_55 = arith.cmpi ne, %convert_element_type3A_53, %cond3A_54 : i32
    scf.if %cond3A_55 {
      "tpu.region"() ({
        %run_scoped3A = tpu.sem_alloc : memref<!tpu.dma_semaphore, #tpu.memory_space<semaphore_mem>>
        %dma_start3A_56 = arith.constant 9984 : i32
        %dma_start3A_57 = arith.constant 0 : i32
        %dma_start3A_58 = tpu.memref_slice %arg7[%arg0, %dma_start3A_56, %dma_start3A_57] : memref<2x10000x64xf32, #tpu.memory_space<hbm>> -> memref<1x16x64xf32, #tpu.memory_space<hbm>>
        %dma_start3A_59 = tpu.memref_squeeze %dma_start3A_58 : memref<1x16x64xf32, #tpu.memory_space<hbm>> -> memref<16x64xf32, #tpu.memory_space<hbm>>
        %dma_start3A_60 = arith.constant 9984 : i32
        %dma_start3A_61 = arith.constant 0 : i32
        %dma_start3A_62 = tpu.memref_slice %arg17[%dma_start3A_60, %dma_start3A_61] : memref<10000x64xf32, #tpu.memory_space<vmem_shared>> -> memref<16x64xf32, #tpu.memory_space<vmem_shared>>
        tpu.enqueue_dma source(%dma_start3A_62 : memref<16x64xf32, #tpu.memory_space<vmem_shared>>) target(%dma_start3A_59 : memref<16x64xf32, #tpu.memory_space<hbm>>) target_semaphore(%run_scoped3A : memref<!tpu.dma_semaphore, #tpu.memory_space<semaphore_mem>>)
        %dma_wait3A_63 = arith.constant 9984 : i32
        %dma_wait3A_64 = arith.constant 0 : i32
        %dma_wait3A_65 = tpu.memref_slice %arg7[%arg0, %dma_wait3A_63, %dma_wait3A_64] : memref<2x10000x64xf32, #tpu.memory_space<hbm>> -> memref<1x16x64xf32, #tpu.memory_space<hbm>>
        %dma_wait3A_66 = tpu.memref_squeeze %dma_wait3A_65 : memref<1x16x64xf32, #tpu.memory_space<hbm>> -> memref<16x64xf32, #tpu.memory_space<hbm>>
        %dma_wait3A_67 = arith.constant 9984 : i32
        %dma_wait3A_68 = arith.constant 0 : i32
        %dma_wait3A_69 = tpu.memref_slice %arg17[%dma_wait3A_67, %dma_wait3A_68] : memref<10000x64xf32, #tpu.memory_space<vmem_shared>> -> memref<16x64xf32, #tpu.memory_space<vmem_shared>>
        tpu.wait_dma2 semaphore(%run_scoped3A : memref<!tpu.dma_semaphore, #tpu.memory_space<semaphore_mem>>) src(%dma_wait3A_69 : memref<16x64xf32, #tpu.memory_space<vmem_shared>>) dst(%dma_wait3A_66 : memref<16x64xf32, #tpu.memory_space<hbm>>)
        tpu.yield
      }) : () -> ()
    } else {
    }
    return
  }
}

module attributes {stable_mosaic.version = 14 : i64} {
  func.func @_tc_stage_body(%arg0: memref<2x10000x64xf32, #tpu.memory_space<vmem>>, %arg1: memref<10000x128xf32, #tpu.memory_space<vmem>>, %arg2: memref<2x128xf32, #tpu.memory_space<vmem>>, %arg3: memref<1x1xf32, #tpu.memory_space<smem>>, %arg4: memref<10000x128xf32, #tpu.memory_space<vmem>>, %arg5: memref<2x10000x64xf32, #tpu.memory_space<vmem>>, %arg6: memref<10000xf32, #tpu.memory_space<vmem>>, %arg7: memref<10000xf32, #tpu.memory_space<vmem>>) attributes {dimension_semantics = [], scalar_prefetch = 0 : i64, scratch_operands = 0 : i64, tpu.core_type = #tpu.core_type<tc>} {
    %get3A = arith.constant 0 : index
    %get3A_0 = arith.constant 0 : index
    %get3A_1 = arith.constant 0 : index
    %get3A_2 = vector.load %arg0[%get3A, %get3A_0, %get3A_1] : memref<2x10000x64xf32, #tpu.memory_space<vmem>>, vector<1x10000x64xf32>
    %get3A_3 = vector.shape_cast %get3A_2 : vector<1x10000x64xf32> to vector<10000x64xf32>
    %get3A_4 = arith.constant 1 : index
    %get3A_5 = arith.constant 0 : index
    %get3A_6 = arith.constant 0 : index
    %get3A_7 = vector.load %arg0[%get3A_4, %get3A_5, %get3A_6] : memref<2x10000x64xf32, #tpu.memory_space<vmem>>, vector<1x10000x64xf32>
    %get3A_8 = vector.shape_cast %get3A_7 : vector<1x10000x64xf32> to vector<10000x64xf32>
    %concatenate3A = tpu.concatenate %get3A_3, %get3A_8 in 1 : vector<10000x64xf32>, vector<10000x64xf32> -> vector<10000x128xf32>
    %get3A_9 = arith.constant 0 : index
    %get3A_10 = arith.constant 0 : index
    %get3A_11 = vector.load %arg1[%get3A_9, %get3A_10] : memref<10000x128xf32, #tpu.memory_space<vmem>>, vector<10000x128xf32>
    %add3A = arith.addf %concatenate3A, %get3A_11 : vector<10000x128xf32>
    %mul3A = arith.mulf %add3A, %add3A : vector<10000x128xf32>
    %reduce_sum3A = arith.constant dense<0.000000e+00> : vector<10000xf32>
    %reduce_sum3A_12 = vector.multi_reduction <add>, %mul3A, %reduce_sum3A [1] : vector<10000x128xf32> to vector<10000xf32>
    %broadcast_in_dim3A = vector.shape_cast %reduce_sum3A_12 : vector<10000xf32> to vector<10000x1xf32>
    %sqrt3A = math.sqrt %broadcast_in_dim3A : vector<10000x1xf32>
    %max3A = arith.constant 9.99999996E-13 : f32
    %max3A_13 = vector.broadcast %max3A : f32 to vector<10000x1xf32>
    %max3A_14 = arith.maximumf %sqrt3A, %max3A_13 : vector<10000x1xf32>
    %div3A = vector.broadcast %max3A_14 : vector<10000x1xf32> to vector<10000x128xf32>
    %div3A_15 = arith.divf %add3A, %div3A : vector<10000x128xf32>
    %swap3A = arith.constant 0 : index
    %swap3A_16 = arith.constant 0 : index
    %swap3A_17 = vector.load %arg4[%swap3A, %swap3A_16] : memref<10000x128xf32, #tpu.memory_space<vmem>>, vector<10000x128xf32>
    tpu.vector_store %arg4[%swap3A, %swap3A_16], %div3A_15 {strides = array<i32>} : memref<10000x128xf32, #tpu.memory_space<vmem>>, vector<10000x128xf32>,
    %slice3A = vector.extract_strided_slice %div3A_15 {offsets = [0, 0], sizes = [10000, 64], strides = [1, 1]} : vector<10000x128xf32> to vector<10000x64xf32>
    %swap3A_18 = arith.constant 0 : index
    %swap3A_19 = arith.constant 0 : index
    %swap3A_20 = arith.constant 0 : index
    %swap3A_21 = vector.load %arg5[%swap3A_18, %swap3A_19, %swap3A_20] : memref<2x10000x64xf32, #tpu.memory_space<vmem>>, vector<1x10000x64xf32>
    %swap3A_22 = vector.shape_cast %swap3A_21 : vector<1x10000x64xf32> to vector<10000x64xf32>
    %swap3A_23 = vector.shape_cast %slice3A : vector<10000x64xf32> to vector<1x10000x64xf32>
    tpu.vector_store %arg5[%swap3A_18, %swap3A_19, %swap3A_20], %swap3A_23 {strides = array<i32>} : memref<2x10000x64xf32, #tpu.memory_space<vmem>>, vector<1x10000x64xf32>,
    %slice3A_24 = vector.extract_strided_slice %div3A_15 {offsets = [0, 64], sizes = [10000, 64], strides = [1, 1]} : vector<10000x128xf32> to vector<10000x64xf32>
    %swap3A_25 = arith.constant 1 : index
    %swap3A_26 = arith.constant 0 : index
    %swap3A_27 = arith.constant 0 : index
    %swap3A_28 = vector.load %arg5[%swap3A_25, %swap3A_26, %swap3A_27] : memref<2x10000x64xf32, #tpu.memory_space<vmem>>, vector<1x10000x64xf32>
    %swap3A_29 = vector.shape_cast %swap3A_28 : vector<1x10000x64xf32> to vector<10000x64xf32>
    %swap3A_30 = vector.shape_cast %slice3A_24 : vector<10000x64xf32> to vector<1x10000x64xf32>
    tpu.vector_store %arg5[%swap3A_25, %swap3A_26, %swap3A_27], %swap3A_30 {strides = array<i32>} : memref<2x10000x64xf32, #tpu.memory_space<vmem>>, vector<1x10000x64xf32>,
    %get3A_31 = arith.constant 0 : index
    %get3A_32 = arith.constant 0 : index
    %get3A_33 = vector.load %arg2[%get3A_31, %get3A_32] : memref<2x128xf32, #tpu.memory_space<vmem>>, vector<1x128xf32>
    %mul3A_34 = vector.broadcast %get3A_33 : vector<1x128xf32> to vector<10000x128xf32>
    %mul3A_35 = arith.mulf %div3A_15, %mul3A_34 : vector<10000x128xf32>
    %reduce_sum3A_36 = arith.constant dense<0.000000e+00> : vector<10000xf32>
    %reduce_sum3A_37 = vector.multi_reduction <add>, %mul3A_35, %reduce_sum3A_36 [1] : vector<10000x128xf32> to vector<10000xf32>
    %swap3A_38 = arith.constant 0 : index
    %swap3A_39 = vector.load %arg6[%swap3A_38] : memref<10000xf32, #tpu.memory_space<vmem>>, vector<10000xf32>
    tpu.vector_store %arg6[%swap3A_38], %reduce_sum3A_37 {strides = array<i32>} : memref<10000xf32, #tpu.memory_space<vmem>>, vector<10000xf32>,
    %get3A_40 = arith.constant 1 : index
    %get3A_41 = arith.constant 0 : index
    %get3A_42 = vector.load %arg2[%get3A_40, %get3A_41] : memref<2x128xf32, #tpu.memory_space<vmem>>, vector<1x128xf32>
    %mul3A_43 = vector.broadcast %get3A_42 : vector<1x128xf32> to vector<10000x128xf32>
    %mul3A_44 = arith.mulf %div3A_15, %mul3A_43 : vector<10000x128xf32>
    %reduce_sum3A_45 = arith.constant dense<0.000000e+00> : vector<10000xf32>
    %reduce_sum3A_46 = vector.multi_reduction <add>, %mul3A_44, %reduce_sum3A_45 [1] : vector<10000x128xf32> to vector<10000xf32>
    %get3A_47 = arith.constant 0 : index
    %get3A_48 = arith.constant 0 : index
    %get3A_49 = memref.load %arg3[%get3A_47, %get3A_48] : memref<1x1xf32, #tpu.memory_space<smem>>
    %add3A_50 = vector.broadcast %get3A_49 : f32 to vector<10000xf32>
    %add3A_51 = arith.addf %reduce_sum3A_46, %add3A_50 : vector<10000xf32>
    %swap3A_52 = arith.constant 0 : index
    %swap3A_53 = vector.load %arg7[%swap3A_52] : memref<10000xf32, #tpu.memory_space<vmem>>, vector<10000xf32>
    tpu.vector_store %arg7[%swap3A_52], %add3A_51 {strides = array<i32>} : memref<10000xf32, #tpu.memory_space<vmem>>, vector<10000xf32>,
    return
  }
}

module attributes {stable_mosaic.version = 14 : i64} {
  func.func @_tc_stage_body(%arg0: memref<2x10000x64xf32, #tpu.memory_space<vmem>>, %arg1: memref<10000x128xf32, #tpu.memory_space<vmem>>, %arg2: memref<2x128xf32, #tpu.memory_space<vmem>>, %arg3: memref<1x1xf32, #tpu.memory_space<smem>>, %arg4: memref<10000x128xf32, #tpu.memory_space<vmem>>, %arg5: memref<2x10000x64xf32, #tpu.memory_space<vmem>>, %arg6: memref<10000xf32, #tpu.memory_space<vmem>>, %arg7: memref<10000xf32, #tpu.memory_space<vmem>>) attributes {dimension_semantics = [], scalar_prefetch = 0 : i64, scratch_operands = 0 : i64, tpu.core_type = #tpu.core_type<tc>} {
    %get3A = arith.constant 0 : index
    %get3A_0 = arith.constant 0 : index
    %get3A_1 = arith.constant 0 : index
    %get3A_2 = vector.load %arg0[%get3A, %get3A_0, %get3A_1] : memref<2x10000x64xf32, #tpu.memory_space<vmem>>, vector<1x10000x64xf32>
    %get3A_3 = vector.shape_cast %get3A_2 : vector<1x10000x64xf32> to vector<10000x64xf32>
    %get3A_4 = arith.constant 1 : index
    %get3A_5 = arith.constant 0 : index
    %get3A_6 = arith.constant 0 : index
    %get3A_7 = vector.load %arg0[%get3A_4, %get3A_5, %get3A_6] : memref<2x10000x64xf32, #tpu.memory_space<vmem>>, vector<1x10000x64xf32>
    %get3A_8 = vector.shape_cast %get3A_7 : vector<1x10000x64xf32> to vector<10000x64xf32>
    %concatenate3A = tpu.concatenate %get3A_3, %get3A_8 in 1 : vector<10000x64xf32>, vector<10000x64xf32> -> vector<10000x128xf32>
    %get3A_9 = arith.constant 0 : index
    %get3A_10 = arith.constant 0 : index
    %get3A_11 = vector.load %arg1[%get3A_9, %get3A_10] : memref<10000x128xf32, #tpu.memory_space<vmem>>, vector<10000x128xf32>
    %add3A = arith.addf %concatenate3A, %get3A_11 : vector<10000x128xf32>
    %mul3A = arith.mulf %add3A, %add3A : vector<10000x128xf32>
    %reduce_sum3A = arith.constant dense<0.000000e+00> : vector<10000xf32>
    %reduce_sum3A_12 = vector.multi_reduction <add>, %mul3A, %reduce_sum3A [1] : vector<10000x128xf32> to vector<10000xf32>
    %broadcast_in_dim3A = vector.shape_cast %reduce_sum3A_12 : vector<10000xf32> to vector<10000x1xf32>
    %sqrt3A = math.sqrt %broadcast_in_dim3A : vector<10000x1xf32>
    %max3A = arith.constant 9.99999996E-13 : f32
    %max3A_13 = vector.broadcast %max3A : f32 to vector<10000x1xf32>
    %max3A_14 = arith.maximumf %sqrt3A, %max3A_13 : vector<10000x1xf32>
    %div3A = vector.broadcast %max3A_14 : vector<10000x1xf32> to vector<10000x128xf32>
    %div3A_15 = arith.divf %add3A, %div3A : vector<10000x128xf32>
    %swap3A = arith.constant 0 : index
    %swap3A_16 = arith.constant 0 : index
    %swap3A_17 = vector.load %arg4[%swap3A, %swap3A_16] : memref<10000x128xf32, #tpu.memory_space<vmem>>, vector<10000x128xf32>
    tpu.vector_store %arg4[%swap3A, %swap3A_16], %div3A_15 {strides = array<i32>} : memref<10000x128xf32, #tpu.memory_space<vmem>>, vector<10000x128xf32>,
    %slice3A = vector.extract_strided_slice %div3A_15 {offsets = [0, 0], sizes = [10000, 64], strides = [1, 1]} : vector<10000x128xf32> to vector<10000x64xf32>
    %swap3A_18 = arith.constant 0 : index
    %swap3A_19 = arith.constant 0 : index
    %swap3A_20 = arith.constant 0 : index
    %swap3A_21 = vector.load %arg5[%swap3A_18, %swap3A_19, %swap3A_20] : memref<2x10000x64xf32, #tpu.memory_space<vmem>>, vector<1x10000x64xf32>
    %swap3A_22 = vector.shape_cast %swap3A_21 : vector<1x10000x64xf32> to vector<10000x64xf32>
    %swap3A_23 = vector.shape_cast %slice3A : vector<10000x64xf32> to vector<1x10000x64xf32>
    tpu.vector_store %arg5[%swap3A_18, %swap3A_19, %swap3A_20], %swap3A_23 {strides = array<i32>} : memref<2x10000x64xf32, #tpu.memory_space<vmem>>, vector<1x10000x64xf32>,
    %slice3A_24 = vector.extract_strided_slice %div3A_15 {offsets = [0, 64], sizes = [10000, 64], strides = [1, 1]} : vector<10000x128xf32> to vector<10000x64xf32>
    %swap3A_25 = arith.constant 1 : index
    %swap3A_26 = arith.constant 0 : index
    %swap3A_27 = arith.constant 0 : index
    %swap3A_28 = vector.load %arg5[%swap3A_25, %swap3A_26, %swap3A_27] : memref<2x10000x64xf32, #tpu.memory_space<vmem>>, vector<1x10000x64xf32>
    %swap3A_29 = vector.shape_cast %swap3A_28 : vector<1x10000x64xf32> to vector<10000x64xf32>
    %swap3A_30 = vector.shape_cast %slice3A_24 : vector<10000x64xf32> to vector<1x10000x64xf32>
    tpu.vector_store %arg5[%swap3A_25, %swap3A_26, %swap3A_27], %swap3A_30 {strides = array<i32>} : memref<2x10000x64xf32, #tpu.memory_space<vmem>>, vector<1x10000x64xf32>,
    %get3A_31 = arith.constant 0 : index
    %get3A_32 = arith.constant 0 : index
    %get3A_33 = vector.load %arg2[%get3A_31, %get3A_32] : memref<2x128xf32, #tpu.memory_space<vmem>>, vector<1x128xf32>
    %mul3A_34 = vector.broadcast %get3A_33 : vector<1x128xf32> to vector<10000x128xf32>
    %mul3A_35 = arith.mulf %div3A_15, %mul3A_34 : vector<10000x128xf32>
    %reduce_sum3A_36 = arith.constant dense<0.000000e+00> : vector<10000xf32>
    %reduce_sum3A_37 = vector.multi_reduction <add>, %mul3A_35, %reduce_sum3A_36 [1] : vector<10000x128xf32> to vector<10000xf32>
    %swap3A_38 = arith.constant 0 : index
    %swap3A_39 = vector.load %arg6[%swap3A_38] : memref<10000xf32, #tpu.memory_space<vmem>>, vector<10000xf32>
    tpu.vector_store %arg6[%swap3A_38], %reduce_sum3A_37 {strides = array<i32>} : memref<10000xf32, #tpu.memory_space<vmem>>, vector<10000xf32>,
    %get3A_40 = arith.constant 1 : index
    %get3A_41 = arith.constant 0 : index
    %get3A_42 = vector.load %arg2[%get3A_40, %get3A_41] : memref<2x128xf32, #tpu.memory_space<vmem>>, vector<1x128xf32>
    %mul3A_43 = vector.broadcast %get3A_42 : vector<1x128xf32> to vector<10000x128xf32>
    %mul3A_44 = arith.mulf %div3A_15, %mul3A_43 : vector<10000x128xf32>
    %reduce_sum3A_45 = arith.constant dense<0.000000e+00> : vector<10000xf32>
    %reduce_sum3A_46 = vector.multi_reduction <add>, %mul3A_44, %reduce_sum3A_45 [1] : vector<10000x128xf32> to vector<10000xf32>
    %get3A_47 = arith.constant 0 : index
    %get3A_48 = arith.constant 0 : index
    %get3A_49 = memref.load %arg3[%get3A_47, %get3A_48] : memref<1x1xf32, #tpu.memory_space<smem>>
    %add3A_50 = vector.broadcast %get3A_49 : f32 to vector<10000xf32>
    %add3A_51 = arith.addf %reduce_sum3A_46, %add3A_50 : vector<10000xf32>
    %swap3A_52 = arith.constant 0 : index
    %swap3A_53 = vector.load %arg7[%swap3A_52] : memref<10000xf32, #tpu.memory_space<vmem>>, vector<10000xf32>
    tpu.vector_store %arg7[%swap3A_52], %add3A_51 {strides = array<i32>} : memref<10000xf32, #tpu.memory_space<vmem>>, vector<10000xf32>,
    return
  }
}

</mosaic_0001>

<sc_bundles>
// kernel: kernel.14.cloned.1.call-start
scs
__scs_entry_jumppad:
0x0: {  	(pc) =	sbr.rel $0x88, $3  }
0x1: {  	(tag) =	ssettag $0x0;
	lr =	simm.s32 $0x1  }
0x2: {  	[smem:$0x3F9D] =	sst lr;
	_ =	strace $0xD0000000  }
0x3: {  	_ = 	snop  }
0x4: {  	_ = 	snop  }
0x5: {  	_ = 	snop  }
0x6: {  	_ = 	snop  }
0x7: {  	_ = 	snop  }
__scs_overlays_trampoline_lowered:
0x8: {  	[smem:$0x3FAC] =	sst s0  }
0x9: {  	[smem:$0x3FAD] =	sst s1  }
0xa: {  	[smem:$0x3FAE] =	sst s2  }
0xb: {  	[smem:$0x3FAF] =	sst s3  }
0xc: {  	[smem:$0x3FB0] =	sst s4  }
0xd: {  	[smem:$0x3FB1] =	sst s5  }
0xe: {  	[smem:$0x3FB2] =	sst s6  }
0xf: {  	[smem:$0x3FB3] =	sst s7  }
0x10: {  	[smem:$0x3FB4] =	sst s8  }
0x11: {  	[smem:$0x3FB5] =	sst s9;
	s0 =	simm.s32 @!p0 $0x0  }
0x12: {  	s1 =	sld [smem:$0x3F9B];
	s0 =	simm.s32 @p0 $0x1  }
0x13: {  	[smem:$0x3FB6] =	sst s0;
	s0 =	simm.s32 @!p1 $0x0  }
0x14: {  	s2 =	sld [smem:$0x3F9A];
	s0 =	simm.s32 @p1 $0x1  }
0x15: {  	[smem:$0x3FB7] =	sst s0;
	s0 =	simm.s32 @!p2 $0x0  }
0x16: {  	s3 =	sld [smem:$0x3FDB];
	s0 =	simm.s32 @p2 $0x1  }
0x17: {  	s4 =	simm.s32 $0x1BF5;
	[smem:$0x3FB9] =	sst s0  }
0x18: {  	s0 =	sld [smem:$0x3F9C];
	_ =	swait.ge [sflag:s4], $0x0  }
0x19: {  	s7 =	sld [smem:$0x3F9D]  }
0x1a: {  	s8 =	sadd.s32 $0xFFFFE003, lr  }
0x1b: {  	s9 =	sadd.s32 $0xFFFFFEF7, lr;
	s5 =	simm.s32 $0xFFFFFFFF;
	p2 =	slt.u32 s8, $0xFFFFF086  }
0x1c: {  	p1 =	slt.u32 s9, $0xF7A;
	s5 =	simm.s32 @!p2 $0x0  }
0x1d: {  	s5 =	simm.s32 @p1 $0x1;
	p0 =	seq.s32 s7, s2  }
0x1e: {  	s7 =	smul.u32 @!p0 $0xF7A, s2;
	p2 =	seq.s32 @!p0 s5, $0x0  }
0x1f: {  	s9 =	smul.u32 $0xF7A, s1;
	s8 =	simm.s32 @!p0 $0x1BF5;
	p2 =	por !p2, p0  }
0x20: {  	[sflag:s8] =	ssyncset.s32 @!p0 $0xFFFFF086;
	s6 =	sadd.s32 @!p0 s3, s7;
	s7 =	simm.s32 @!p0 $0x108  }
0x21: {  	s3 =	sadd.s32 s3, s9;
	s6 =	sadd.s32 @!p0 $0x88, s6;
	s7 =	simm.s32 @p2 $0x1082  }
0x22: {  	[simem:s7], [sflag:s8] =	dma.local @!p0 [hbm:s6], $0xF7A  }
0x23: {  	s9 =	sor.u32 $0xD0000000, s2;
	s6 =	simm.s32 $0x108;
	_ =	swait.ge @!p0 [sflag:s8], $0x0  }
0x24: {  	s3 =	sadd.s32 $0x88, s3;
	s6 =	simm.s32 @!p1 $0x1082;
	[sflag:s4] =	ssyncset.s32 $0xFFFFF086  }
0x25: {  	[simem:s6], [sflag:s4] =	dma.local [hbm:s3], $0xF7A  }
0x26: {  	[smem:$0x3F9D] =	sst s1;
	(tag) =	ssettag s2;
	_ =	strace s9  }
0x27: {  	s1 =	sld [smem:$0x3FAD]  }
0x28: {  	s2 =	sld [smem:$0x3FAE]  }
0x29: {  	s4 =	sld [smem:$0x3FB0]  }
0x2a: {  	p0 =	seq.s32 s5, $0x0;
	s5 =	sld [smem:$0x3FB1]  }
0x2b: {  	s6 =	sld [smem:$0x3FB2]  }
0x2c: {  	s7 =	sld [smem:$0x3FB3]  }
0x2d: {  	s3 =	simm.s32 $0x108;
	s8 =	sld [smem:$0x3FB4]  }
0x2e: {  	s3 =	simm.s32 @!p0 $0x1082;
	s9 =	sld [smem:$0x3FB5]  }
0x2f: {  	lr =	sadd.s32 s0, s3;
	s0 =	sld [smem:$0x3FAC]  }
0x30: {  	s3 =	sld [smem:$0x3FAF]  }
0x31: {  	[smem:$0x3FB8] =	sst s10  }
0x32: {  	s10 =	sld [smem:$0x3FB6];
	_ =	sdelay $0x3  }
0x33: {  	p0 =	seq.s32 s10, $0x1;
	s10 =	sld [smem:$0x3FB8];
	_ =	sdelay $0x3  }
0x34: {  	[smem:$0x3FB8] =	sst s10  }
0x35: {  	s10 =	sld [smem:$0x3FB7];
	_ =	sdelay $0x3  }
0x36: {  	p1 =	seq.s32 s10, $0x1;
	s10 =	sld [smem:$0x3FB8];
	_ =	sdelay $0x3  }
0x37: {  	[smem:$0x3FB8] =	sst s10  }
0x38: {  	s10 =	sld [smem:$0x3FB9]  }
0x39: {  	_ = 	snop;
	(pc) =	sbr.ind lr, $3  }
0x3a: {  	_ = 	snop  }
0x3b: {  	_ = 	snop  }
0x3c: {  	p2 =	seq.s32 s10, $0x1;
	s10 =	sld [smem:$0x3FB8]  }
0x3d: {  	_ =	shalt  }
0x3e: {  	_ =	shalt  }
0x3f: {  	_ =	shalt  }
0x40: {  	_ =	shalt  }
0x41: {  	_ =	shalt  }
0x42: {  	_ =	shalt  }
0x43: {  	_ =	shalt  }
0x44: {  	_ =	shalt  }
0x45: {  	_ =	shalt  }
0x46: {  	_ =	shalt  }
0x47: {  	_ =	shalt  }
0x48: {  	_ =	shalt  }
0x49: {  	_ =	shalt  }
0x4a: {  	_ =	shalt  }
0x4b: {  	_ =	shalt  }
0x4c: {  	_ =	shalt  }
0x4d: {  	_ =	shalt  }
0x4e: {  	_ =	shalt  }
0x4f: {  	_ =	shalt  }
0x50: {  	_ =	shalt  }
0x51: {  	_ =	shalt  }
0x52: {  	_ =	shalt  }
0x53: {  	_ =	shalt  }
0x54: {  	_ =	shalt  }
0x55: {  	_ =	shalt  }
0x56: {  	_ =	shalt  }
0x57: {  	_ =	shalt  }
0x58: {  	_ =	shalt  }
0x59: {  	_ =	shalt  }
0x5a: {  	_ =	shalt  }
0x5b: {  	_ =	shalt  }
0x5c: {  	_ =	shalt  }
0x5d: {  	_ =	shalt  }
0x5e: {  	_ =	shalt  }
0x5f: {  	_ =	shalt  }
0x60: {  	_ =	shalt  }
0x61: {  	_ =	shalt  }
0x62: {  	_ =	shalt  }
0x63: {  	_ =	shalt  }
0x64: {  	_ =	shalt  }
0x65: {  	_ =	shalt  }
0x66: {  	_ =	shalt  }
0x67: {  	_ =	shalt  }
0x68: {  	_ =	shalt  }
0x69: {  	_ =	shalt  }
0x6a: {  	_ =	shalt  }
0x6b: {  	_ =	shalt  }
0x6c: {  	_ =	shalt  }
0x6d: {  	_ =	shalt  }
0x6e: {  	_ =	shalt  }
0x6f: {  	_ =	shalt  }
0x70: {  	_ =	shalt  }
0x71: {  	_ =	shalt  }
0x72: {  	_ =	shalt  }
0x73: {  	_ =	shalt  }
0x74: {  	_ =	shalt  }
0x75: {  	_ =	shalt  }
0x76: {  	_ =	shalt  }
0x77: {  	_ =	shalt  }
0x78: {  	_ =	shalt  }
0x79: {  	_ =	shalt  }
0x7a: {  	_ =	shalt  }
0x7b: {  	_ =	shalt  }
0x7c: {  	_ =	shalt  }
0x7d: {  	_ =	shalt  }
0x7e: {  	_ =	shalt  }
0x7f: {  	_ =	shalt  }
0x80: {  	_ =	shalt  }
0x81: {  	_ =	shalt  }
0x82: {  	_ =	shalt  }
0x83: {  	_ =	shalt  }
0x84: {  	_ =	shalt  }
0x85: {  	_ =	shalt  }
0x86: {  	_ =	shalt  }
0x87: {  	_ =	shalt  }
.Lfunc_end0:
.L_simem_size_0:
called_computation.1_lowered:
.L_overlay_start_0:
0x88: {  	s2 =	sld [smem:$0x3FD9]  }
0x89: {  	s3 =	sld [smem:$0x3FFE];
	_ =	sdelay $0x1  }
0x8a: {  	s1 =	srdreg.scid  }
0x8b: {  	s0 =	sand.u32 $0x1, s1  }
0x8c: {  	s17 =	sshll.u32 s0, $0xA;
	s2 =	sadd.s32 s3, s2  }
0x8d: {  	s2 =	sadd.s32 s2, s17  }
0x8e: {  	[smem:$0x3FC4] =	sst s2  }
0x8f: {  	_ = 	snop  }
0x90: {  	s2 =	sld [smem:$0x3FD0];
	(tm) =	ssettm $0x1  }
0x91: {  	s18 =	sld [smem:$0x3FFB];
	_ =	sdelay $0x3  }
0x92: {  	_ =	strace s18  }
0x93: {  	s3 =	sld [smem:$0x3FFC];
	_ =	sdelay $0x3  }
0x94: {  	_ =	strace s3  }
0x95: {  	s3 =	sld [smem:$0x3FFD];
	_ =	sdelay $0x3  }
0x96: {  	_ =	strace s3  }
0x97: {  	_ =	strace $0x8FFFFFFF  }
0x98: {  	s19 =	sld [smem:$0x3FDB];
	_ =	sdelay $0x1  }
0x99: {  	s4 =	simm.s32 $_scs_section_size  }
0x9a: {  	s5 =	simm.s32 $_size__tile_overlayer_lowered;
	s6 =	simm.s32 $_tile_overlayer_lowered  }
0x9b: {  	s22 =	simm.s32 $0x1BFF;
	s21 =	sshll.u32 s6, $0x1;
	s3 =	sadd.s32 s4, s19  }
0x9c: {  	s7 =	simm.s32 $0x0;
	s20 =	sshll.u32 s5, $0x1;
	s5 =	sadd.s32 s21, s3  }
0x9d: {  	[timem:s7], [sflag:s22] =	dma.local [hbm:s5], s20  }
0x9e: {  	_ =	swait.ge [sflag:s22], s20  }
0x9f: {  	s4 =	ssub.s32 $0x0, s20;
	[sflag:s22] =	ssyncset.done $0x0  }
0xa0: {  	[sflag:s22] =	ssyncadd.s32 s4;
	_ =	sdelay $0x1  }
0xa1: {  	s23 =	simm.s32 $0x1B8B  }
0xa2: {  	_ =	swait.ge [sflag:s23], $0x1  }
0xa3: {  	[sflag:s23] =	ssyncset.done $0x0  }
0xa4: {  	s25 =	simm.s32 $0x1B8E;
	s24 =	sld [smem:$0x3FFE];
	[sflag:s23] =	ssyncadd.s32 $0xFFFFFFFF  }
0xa5: {  	s26 =	simm.s32 $execute0_lowered;
	[smem:$0x3FD2] =	sst s25  }
0xa6: {  	s5 =	sshll.u32 s26, $0x1;
	_ =	strace $0x80000049;
	[dreg:$0x1] =	wrdreg $0xFFFFFFFF  }
0xa7: {  	s28 =	simm.s32 $_size_execute0_lowered;
	s3 =	sadd.s32 s3, s5;
	[dreg:$0x0] =	wrdreg $0x0  }
0xa8: {  	s5 =	sshll.u32 s28, $0x1;
	[dreg:$0x2] =	wrdreg s3  }
0xa9: {  	[dreg:$0x3] =	wrdreg s5  }
0xaa: {  	[dreg:$0x4] =	wrdreg $0xC0  }
0xab: {  	_ =	task [dreg:s7], $0x5FFFF  }
0xac: {  	[dreg:$0x1] =	wrdreg $0xFFFFFFFF  }
0xad: {  	[dreg:$0x0] =	wrdreg $0x60  }
0xae: {  	[dreg:$0x2] =	wrdreg s2  }
0xaf: {  	[dreg:$0x3] =	wrdreg s24  }
0xb0: {  	[dreg:$0x4] =	wrdreg $0x11DF00  }
0xb1: {  	[dreg:$0x5] =	wrdreg $0x9  }
0xb2: {  	_ =	task.clear_ibuf [dreg:s7], $0x6FFFF;
	_ =	strace $0x90000049  }
0xb3: {  	s29 =	simm.s32 $0x9;
	_ =	strace $0x8000004B  }
0xb4: {  	_ =	swait.ge [sflag:s29], $0x1  }
0xb5: {  	[sflag:s29] =	ssyncadd.s32 $0xFFFFFFFF  }
0xb6: {  	_ =	strace $0x9000004B  }
0xb7: {  	_ =	sfence  }
0xb8: {  	s30 =	sld [smem:$0x0];
	_ =	sdelay $0x2  }
0xb9: {  	s31 =	sshll.u32 s1, $0xD;
	s1 =	sshrl.u32 s1, $0x2  }
0xba: {  	s3 =	sand.u32 $0x4000, s31;
	s1 =	sadd.s32 s1, s30  }
0xbb: {  	s0 =	sor.u32 s3, s0;
	s1 =	sshll.u32 s1, $0x11  }
0xbc: {  	s0 =	sor.u32 s1, s0  }
0xbd: {  	s0 =	sadd.s32 $0x8F2B, s0  }
0xbe: {  	[sflag:s0] =	ssyncadd.remote.s32 $0x1  }
0xbf: {  	_ =	sfence.sel $0xFFFF  }
0xc0: {  	[dreg:$0x0] =	wrdreg $0xFFFFFFFF;
	(pc) =	sbr.abs _section_cstart, $3  }
0xc1: {  	[dreg:$0x1] =	wrdreg $0xFFFFFFFF  }
0xc2: {  	_ =	task.clear_ibuf [dreg:s7], $0x2FFFF;
	_ =	strace $0x9FFFFFFF  }
0xc3: {  	(tm) =	ssettm $0x7FFFFFFF  }
tec
execute0_lowered:
.L_overlay_start_1:
0x0: {  	(tag) =	ssettag $0x1  }
0x1: {  	s0 =	rddreg [dreg:$0x0]  }
0x2: {  	s3 =	rddreg [dreg:$0x1]  }
0x3: {  	s1 =	rddreg [dreg:$0x2]  }
0x4: {  	s2 =	simm.s32 $0x0;
	s18 =	srdreg.scid;
	s15 =	stileid.u32  }
0x5: {  	s28 =	simm.s32 $0x5140;
	s29 =	simm.s32 $0x52D0;
	s30 =	simm.s32 $0xB860  }
0x6: {  	s31 =	simm.s32 $0x1;
	[smem:$0x7FF] =	sst s2;
	s4 =	sadd.s32 $0x66C00, s3  }
0x7: {  	s17 =	sadd.s32 $0x67200, s3;
	s6 =	sadd.s32 $0xEA00, s3;
	s5 =	smul.u32 $0x9C00, s15  }
0x8: {  	s7 =	sadd.s32 $0x4C00, s3;
	s9 =	smul.u32 $0x27000, s15;
	s3 =	sadd.s32 $0x67800, s3  }
0x9: {  	s11 =	smul.u32 $0x4E20, s15;
	_ =	strace $0x8000004A;
	[dreg:$0x4] =	wrdreg s4  }
0xa: {  	p0 =	sne.s32 s15, $0xF;
	[dreg:$0x5] =	wrdreg s17;
	s4 =	sand.u32 $0x1, s18  }
0xb: {  	s8 =	ssub.s32 $0x2, s4;
	s9 =	sshrl.u32 s9, $0x2;
	s13 =	sshrl.u32 s11, $0x3  }
0xc: {  	s4 =	smul.u32 $0x9C400, s4;
	s16 =	sadd.s32 $0x320, s11;
	s17 =	sadd.s32 $0x4B0, s11  }
0xd: {  	s10 =	sshrl.u32 s8, $0x1;
	s9 =	sadd.s32 s9, s1;
	s19 =	sadd.s32 s6, s13  }
0xe: {  	s20 =	sadd.s32 s7, s13;
	s14 =	sadd.s32 $0x32, s13;
	s12 =	ssub.s32 s8, s10  }
0xf: {  	s8 =	sadd.s32 s5, s1;
	s9 =	sadd.s32 $0x6400, s9;
	[dreg:$0x7] =	wrdreg s19  }
0x10: {  	s10 =	sadd.s32 $0x9C000, s1;
	[dreg:$0x8] =	wrdreg s20;
	s21 =	sshrl.u32 s4, $0x3  }
0x11: {  	s22 =	sadd.s32 s6, s14;
	s23 =	sadd.s32 s5, s4;
	[dreg:$0x6] =	wrdreg s9  }
0x12: {  	s24 =	sadd.s32 s7, s14;
	s4 =	simm.s32 $0x3;
	[dreg:$0x9] =	wrdreg s22  }
0x13: {  	s5 =	simm.s32 $0x4;
	s13 =	sadd.s32 s0, s21;
	[dreg:$0xa] =	wrdreg s24  }
0x14: {  	s0 =	sshrl.u32 s23, $0x3;
	s25 =	sadd.s32 s3, s21;
	s26 =	smax.u32 s12, $0x1  }
.Ltmp0:
0x15: {  	s21 =	simm.s32 $0x5460;
	s22 =	simm.s32 $0x5;
	(pc) =	sbr.rel .LBB2_1-.Ltmp0, $4  }
0x16: {  	s23 =	simm.s32 $0x2710;
	s24 =	simm.s32 $0x4E20;
	s9 =	simm.s32 $0x0  }
0x17: {  	s0 =	sadd.s32 s3, s0;
	[dreg:$0xd] =	wrdreg s26;
	s26 =	simm.s32 $0x190  }
0x18: {  	s3 =	simm.s32 $0x2;
	[dreg:$0xb] =	wrdreg s0;
	s0 =	sadd.s32 $0x13800, s25  }
0x19: {  	v0 =	vimm.f32 $0.0e+00;
	s25 =	simm.s32 $0x4FB0;
	[dreg:$0xc] =	wrdreg s0;
	s0 =	simm.s32 $0x11C60  }
.LBB2_10:
0x1a: {  	_ =	swait.ge [sflag:s5], $0x6400  }
0x1b: {  	[sflag:s5] =	ssyncset.done $0x0  }
0x1c: {  	s11 =	stileid.u32;
	[sflag:s5] =	ssyncadd.s32 $0xFFFF9C00  }
0x1d: {  	s11 =	sshll.u32 s11, $0x6;
	[bflag:$0x0] =	sbarrier.arrive $0xFFFF  }
0x1e: {  	s12 =	sshrl.u32 s8, $0x3;
	s11 =	sor.u32 $0x1C05, s11;
	s14 =	rddreg [dreg:$0xb]  }
0x1f: {  	[hbm:s14], [sflag:s11] =	dma.local [spmem:s12], $0x1380  }
0x20: {  	_ =	swait.ge [sflag:s22], $0x1380  }
0x21: {  	[sflag:s22] =	ssyncset.done $0x0  }
0x22: {  	s12 =	sshrl.u32 @!p0 s10, $0x3;
	s14 =	rddreg [dreg:$0xc];
	[sflag:s22] =	ssyncadd.s32 $0xFFFFEC80  }
0x23: {  	[hbm:s14], [sflag:s11] =	dma.local @!p0 [spmem:s12], $0x80  }
0x24: {  	s11 =	simm.s32 @!p0 $0x5  }
0x25: {  	_ =	swait.ge @!p0 [sflag:s11], $0x80  }
0x26: {  	s9 =	sadd.s32 $0x1, s9;
	s20 =	rddreg [dreg:$0xd]  }
0x27: {  	p1 =	sne.s32 s9, s20  }
.Ltmp1:
0x28: {  	_ = 	snop;
	(pc) =	sbr.rel @!p1 .LBB2_11-.Ltmp1, $3  }
0x29: {  	_ =	sdelay $0x1  }
0x2a: {  	[sflag:s11] =	ssyncset.done @!p0 $0x0  }
0x2b: {  	[sflag:s11] =	ssyncadd.s32 @!p0 $0xFFFFFF80  }
.LBB2_1:
0x2c: {  	s12 =	simm.s32 $0x100;
	s11 =	simm.s32 $0x0  }
.LBB2_2:
0x2d: {  	p1 =	sne.s32 s12, $0x18F00;
	[tilespmem:s11+$0x5490] =	vst v0;
	s14 =	smov.u32 s12;
	s12 =	sadd.s32 $0x100, s12  }
.Ltmp2:
0x2e: {  	[tilespmem:s11+$0x5480] =	vst v0;
	(pc) =	sbr.rel @p1 .LBB2_2-.Ltmp2, $3  }
0x2f: {  	[tilespmem:s11+$0x5460] =	vst v0  }
0x30: {  	[tilespmem:s11+$0x5470] =	vst v0;
	_ =	sdelay $0x1  }
0x31: {  	s11 =	sshra.s32 s14, $0x2  }
0x32: {  	[tilespmem:s11+$0x5490] =	vst v0  }
0x33: {  	[tilespmem:s11+$0x5480] =	vst v0  }
0x34: {  	[tilespmem:s11+$0x5460] =	vst v0  }
0x35: {  	[tilespmem:s11+$0x5470] =	vst v0  }
0x36: {  	[spmem:s8] =	stream.linear.scatter [tilespmem:s21], [sflag:$0x5], $0x6400, $0x38;
	[tilespmem:$0x1BA30] =	vst v63  }
0x37: {  	_ =	swait.ge [sflag:s22], $0x6400  }
0x38: {  	[sflag:s22] =	ssyncset.done $0x0  }
0x39: {  	s12 =	rddreg [dreg:$0x6];
	[sflag:s22] =	ssyncadd.s32 $0xFFFF9C00  }
0x3a: {  	[spmem:s12] =	stream.linear.scatter [tilespmem:s21], [sflag:$0x5], $0x3800, $0x38;
	[tilespmem:$0x1BA30] =	vst v63  }
0x3b: {  	_ =	swait.ge [sflag:s22], $0x3800  }
0x3c: {  	[sflag:s22] =	ssyncset.done $0x0  }
0x3d: {  	s11 =	simm.s32 @!p0 $0x5460;
	[sflag:s22] =	ssyncadd.s32 $0xFFFFC800  }
0x3e: {  	[spmem:s10] =	stream.linear.scatter @!p0 [tilespmem:s11], [sflag:$0x5], $0x400, $0x38;
	[tilespmem:$0x1BA30] =	vst v63  }
0x3f: {  	s11 =	simm.s32 @!p0 $0x5  }
0x40: {  	_ =	swait.ge @!p0 [sflag:s11], $0x400  }
0x41: {  	[sflag:s11] =	ssyncset.done @!p0 $0x0  }
0x42: {  	s12 =	rddreg [dreg:$0x4];
	[sflag:s11] =	ssyncadd.s32 @!p0 $0xFFFFFC00;
	s11 =	simm.s32 $0x0  }
0x43: {  	[tilespmem:s11], [sflag:$0x5] =	stream.linear.gather [hbm4b:s12+s11], $0x2710, $0x38;
	[tilespmem:$0x1BA30] =	vst v63  }
0x44: {  	_ =	swait.ge [sflag:s22], $0x2710  }
0x45: {  	[sflag:s22] =	ssyncset.done $0x0  }
0x46: {  	s14 =	rddreg [dreg:$0x5];
	[sflag:s22] =	ssyncadd.s32 $0xFFFFD8F0  }
0x47: {  	[tilespmem:s23], [sflag:$0x5] =	stream.linear.gather [hbm4b:s14+s11], $0x2710, $0x38;
	[tilespmem:$0x1BA30] =	vst v63  }
0x48: {  	_ =	swait.ge [sflag:s22], $0x2710  }
0x49: {  	[sflag:s22] =	ssyncset.done $0x0  }
0x4a: {  	[sflag:s22] =	ssyncadd.s32 $0xFFFFD8F0  }
0x4b: {  	[bflag:$0x0] =	sbarrier.arrive $0xFFFF  }
0x4c: {  	s15 =	rddreg [dreg:$0x7]  }
0x4d: {  	[tilespmem:s24], [sflag:$0x5] =	stream.linear.gather [hbm4b:s15+s11], $0x190, $0x38;
	[tilespmem:$0x1BA30] =	vst v63  }
0x4e: {  	_ =	swait.ge [sflag:s22], $0x190  }
0x4f: {  	[sflag:s22] =	ssyncset.done $0x0  }
0x50: {  	s18 =	rddreg [dreg:$0x8];
	[sflag:s22] =	ssyncadd.s32 $0xFFFFFE70  }
0x51: {  	[tilespmem:s25], [sflag:$0x5] =	stream.linear.gather [hbm4b:s18+s11], $0x190, $0x38;
	[tilespmem:$0x1BA30] =	vst v63  }
0x52: {  	_ =	swait.ge [sflag:s22], $0x190  }
0x53: {  	[sflag:s22] =	ssyncset.done $0x0  }
0x54: {  	[sflag:s22] =	ssyncadd.s32 $0xFFFFFE70  }
0x55: {  	[tilespmem:s21], [sflag:$0x1] =	stream.indirect.gather [hbm4b:s13+s26], $0x40, s24, s26, $0xb8;
	[tilespmem:$0x1BA30] =	vst v63  }
0x56: {  	s19 =	rddreg [dreg:$0x9]  }
0x57: {  	[tilespmem:s28], [sflag:$0x5] =	stream.linear.gather [hbm4b:s19+s11], $0x190, $0x38;
	[tilespmem:$0x1BA30] =	vst v63  }
0x58: {  	_ =	swait.ge [sflag:s22], $0x190  }
0x59: {  	[sflag:s22] =	ssyncset.done $0x0  }
0x5a: {  	s20 =	rddreg [dreg:$0xa];
	[sflag:s22] =	ssyncadd.s32 $0xFFFFFE70  }
0x5b: {  	[tilespmem:s29], [sflag:$0x5] =	stream.linear.gather [hbm4b:s20+s11], $0x190, $0x38;
	[tilespmem:$0x1BA30] =	vst v63  }
0x5c: {  	_ =	swait.ge [sflag:s22], $0x190  }
0x5d: {  	[sflag:s22] =	ssyncset.done $0x0  }
0x5e: {  	s12 =	simm.s32 $0x0;
	[sflag:s22] =	ssyncadd.s32 $0xFFFFFE70  }
0x5f: {  	[tilespmem:s30], [sflag:$0x2] =	stream.indirect.gather [hbm4b:s13+s26], $0x40, s28, s26, $0xb8;
	[tilespmem:$0x1BA30] =	vst v63  }
.LBB2_4:
0x60: {  	_ =	swait.ge [sflag:s31], $0x6400  }
0x61: {  	[sflag:s31] =	ssyncset.done $0x0  }
0x62: {  	[sflag:s31] =	ssyncadd.s32 $0xFFFF9C00  }
0x63: {  	v1 =	vld [tilespmem:$0x4E20]  }
0x64: {  	v2 =	vld [tilespmem:$0x4FB0];
	_ =	sdelay $0x6  }
0x65: {  	v1 =	vld.idx.msk [tilespmem:v1+s11+$0x0], $0xffff  }
0x66: {  	v2 =	vld.idx.msk [tilespmem:v2+s23+$0x0], $0xffff;
	_ =	sdelay $0x4  }
0x67: {  	v1 =	vadd.f32 v2, v1;
	_ =	sdelay $0x1  }
0x68: {  	v2 =	vmul.f32 $1.442695020e+00, v1;
	_ =	sdelay $0x1  }
0x69: {  	(erf) = vpow2.f32 v2;
	_ =	sdelay $0x8  }
0x6a: {  	v2 =	vpop (erf)  }
0x6b: {  	v2 =	vadd.f32 $-1.000000000e+00, v2;
	_ =	sdelay $0x1  }
0x6c: {  	v2 =	vmul.f32 $1.673263190e+00, v2  }
0x6d: {  	vm0 =	vgt.f32 v1, $0.0e+00  }
0x6e: {  	v1 =	vsel vm0, v1, v2  }
0x6f: {  	v1 =	vmul.f32 $-1.050701020e+00, v1;
	_ =	sdelay $0x1  }
0x70: {  	v1 =	vadd.f32 $0.0e+00, v1;
	_ =	sdelay $0x1  }
0x71: {  	v1 =	vmul.f32 $1.442695020e+00, v1;
	_ =	sdelay $0x1  }
0x72: {  	(erf) = vpow2.f32 v1;
	_ =	sdelay $0x8  }
0x73: {  	v1 =	vpop (erf)  }
0x74: {  	v1 =	vadd.f32 $1.000000000e+00, v1;
	_ =	sdelay $0x1  }
0x75: {  	(erf) = vrcp.f32 v1;
	_ =	sdelay $0x2  }
0x76: {  	s15 =	simm.s32 $0x1;
	v1 =	vmov s11  }
0x77: {  	s18 =	simm.s32 $0x2;
	v3 =	vmov s15;
	v1 =	vand.u32 $0xFFFFFFFC, v1  }
0x78: {  	s14 =	simm.s32 $0x3;
	v4 =	vbroadcast v1, $0x0;
	v1 =	vand.u32 $0xFFFFFFFD, v3;
	v3 =	vmov s18  }
0x79: {  	v2 =	vmov s14;
	v5 =	vbroadcast v1, $0x0;
	v1 =	vand.u32 $0xFFFFFFFE, v3;
	_ =	sdelay $0x1  }
0x7a: {  	v6 =	vbroadcast v1, $0x0  }
0x7b: {  	v1 =	vpop (erf)  }
0x7c: {  	[tilespmem:$0x11C60] =	vst v1  }
0x7d: {  	v1 =	vld.idx.msk [tilespmem:v2+s0+$0x0], $0xffff  }
0x7e: {  	v8 =	vld.idx.msk [tilespmem:v4+s0+$0x0], $0xffff  }
0x7f: {  	v3 =	vld.idx.msk [tilespmem:v5+s0+$0x0], $0xffff  }
0x80: {  	s14 =	simm.s32 $0x54E0;
	v2 =	vld.idx.msk [tilespmem:v6+s0+$0x0], $0xffff  }
0x81: {  	v4 =	vld [tilespmem:s14+$0x30]  }
0x82: {  	v5 =	vld [tilespmem:s14+$0xFFFFFF80]  }
0x83: {  	v6 =	vld [tilespmem:s14+$0xFFFFFF90]  }
0x84: {  	v7 =	vld [tilespmem:s14+$0xFFFFFFA0]  }
0x85: {  	v9 =	vld [tilespmem:s14+$0xFFFFFFB0]  }
0x86: {  	v10 =	vld [tilespmem:s14+$0xFFFFFFC0];
	v11 =	vmul.f32 v4, v2  }
0x87: {  	v12 =	vmul.f32 v5, v8;
	v5 =	vld [tilespmem:s14+$0xFFFFFFD0]  }
0x88: {  	s19 =	simm.s32 $0x4;
	v13 =	vmul.f32 v6, v8;
	v4 =	vld [tilespmem:s14+$0xFFFFFFE0];
	[tilespmem:s14+$0x30] =	vst v11  }
0x89: {  	s20 =	simm.s32 $0x7;
	v6 =	vmov s19;
	[tilespmem:s14+$0xFFFFFF80] =	vst v12;
	v12 =	vmul.f32 v7, v8;
	v7 =	vld [tilespmem:s14+$0xFFFFFFF0]  }
0x8a: {  	s18 =	simm.s32 $0x5;
	v14 =	vand.u32 $0xFFFFFFFC, v6;
	v6 =	vmov s20;
	[tilespmem:s14+$0xFFFFFF90] =	vst v13;
	v11 =	vmul.f32 v9, v8;
	v9 =	vld [tilespmem:s14+$0x0]  }
0x8b: {  	s15 =	simm.s32 $0x54E0;
	s19 =	simm.s32 $0x6;
	v8 =	vbroadcast v14, $0x0;
	v13 =	vmov s18;
	s18 =	simm.s32 $0x8;
	[tilespmem:s14+$0xFFFFFFA0] =	vst v12;
	v12 =	vmul.f32 v10, v3;
	v10 =	vld [tilespmem:s14+$0x10]  }
.LBB2_5:
0x8c: {  	p1 =	slt.u32 s18, $0xC;
	v13 =	vand.u32 $0xFFFFFFFD, v13;
	v14 =	vmov s19;
	[tilespmem:s14+$0xFFFFFFB0] =	vst v11;
	v5 =	vmul.f32 v5, v3;
	v11 =	vld [tilespmem:s14+$0x20]  }
0x8d: {  	v13 =	vbroadcast v13, $0x0;
	v14 =	vand.u32 $0xFFFFFFFE, v14;
	[tilespmem:s14+$0xFFFFFFC0] =	vst v12;
	v4 =	vmul.f32 v4, v3;
	v12 =	vld [tilespmem:s14+$0x40]  }
0x8e: {  	v14 =	vbroadcast v14, $0x0;
	[tilespmem:s14+$0xFFFFFFD0] =	vst v5;
	v3 =	vmul.f32 v7, v3;
	v5 =	vld [tilespmem:s14+$0x50]  }
0x8f: {  	[tilespmem:s14+$0xFFFFFFE0] =	vst v4;
	v4 =	vmul.f32 v9, v2;
	v7 =	vld [tilespmem:s14+$0x60]  }
0x90: {  	[tilespmem:s14+$0xFFFFFFF0] =	vst v3;
	v3 =	vmul.f32 v10, v2;
	v9 =	vld [tilespmem:s14+$0x70]  }
0x91: {  	v6 =	vld.idx.msk [tilespmem:v6+s0+$0x0], $0xffff;
	[tilespmem:s14+$0x0] =	vst v4;
	v2 =	vmul.f32 v11, v2  }
0x92: {  	v8 =	vld.idx.msk [tilespmem:v8+s0+$0x0], $0xffff;
	[tilespmem:s14+$0x10] =	vst v3;
	v4 =	vmul.f32 v12, v1  }
0x93: {  	v3 =	vld.idx.msk [tilespmem:v13+s0+$0x0], $0xffff;
	[tilespmem:s14+$0x20] =	vst v2;
	v5 =	vmul.f32 v5, v1  }
0x94: {  	s14 =	sadd.s32 $0x100, s14;
	v2 =	vld.idx.msk [tilespmem:v14+s0+$0x0], $0xffff;
	[tilespmem:s15+$0x40] =	vst v4;
	v4 =	vmul.f32 v7, v1  }
0x95: {  	v7 =	vld [tilespmem:s14+$0x30];
	[tilespmem:s15+$0x50] =	vst v5;
	v9 =	vmul.f32 v9, v1  }
0x96: {  	v5 =	vld [tilespmem:s14+$0xFFFFFF80];
	[tilespmem:s15+$0x60] =	vst v4  }
0x97: {  	v1 =	vmov v6;
	v4 =	vld [tilespmem:s14+$0xFFFFFF90];
	[tilespmem:s15+$0x70] =	vst v9;
	s15 =	smov.u32 s14  }
0x98: {  	v6 =	vld [tilespmem:s14+$0xFFFFFFA0]  }
0x99: {  	v9 =	vld [tilespmem:s14+$0xFFFFFFB0]  }
0x9a: {  	v10 =	vld [tilespmem:s14+$0xFFFFFFC0];
	v7 =	vmul.f32 v7, v2  }
.Ltmp3:
0x9b: {  	v11 =	vmul.f32 v5, v8;
	v5 =	vld [tilespmem:s14+$0xFFFFFFD0];
	(pc) =	sbr.rel @p1 .LBB2_5-.Ltmp3, $4  }
0x9c: {  	v12 =	vmul.f32 v4, v8;
	v4 =	vld [tilespmem:s14+$0xFFFFFFE0];
	[tilespmem:s14+$0x30] =	vst v7  }
0x9d: {  	s19 =	sadd.s32 $0x3, s18;
	v13 =	vmov s18;
	[tilespmem:s14+$0xFFFFFF80] =	vst v11;
	v14 =	vmul.f32 v6, v8;
	v7 =	vld [tilespmem:s14+$0xFFFFFFF0]  }
0x9e: {  	s20 =	sadd.s32 $0x1, s18;
	v13 =	vand.u32 $0xFFFFFFFC, v13;
	v6 =	vmov s19;
	[tilespmem:s14+$0xFFFFFF90] =	vst v12;
	v11 =	vmul.f32 v9, v8;
	v9 =	vld [tilespmem:s14+$0x0]  }
0x9f: {  	s19 =	sadd.s32 $0x2, s18;
	s18 =	sadd.s32 $0x4, s18;
	v8 =	vbroadcast v13, $0x0;
	v13 =	vmov s20;
	[tilespmem:s14+$0xFFFFFFA0] =	vst v14;
	v12 =	vmul.f32 v10, v3;
	v10 =	vld [tilespmem:s14+$0x10]  }
0xa0: {  	v15 =	vld [tilespmem:s14+$0x20]  }
0xa1: {  	v16 =	vld [tilespmem:s14+$0x40]  }
0xa2: {  	v14 =	vmov s19;
	v17 =	vld [tilespmem:s14+$0x50]  }
0xa3: {  	v18 =	vld [tilespmem:s14+$0x60];
	[tilespmem:s14+$0xFFFFFFB0] =	vst v11;
	v5 =	vmul.f32 v5, v3;
	v14 =	vand.u32 $0xFFFFFFFE, v14  }
0xa4: {  	v11 =	vld [tilespmem:s14+$0x70];
	[tilespmem:s14+$0xFFFFFFC0] =	vst v12;
	v4 =	vmul.f32 v4, v3;
	v14 =	vbroadcast v14, $0x0  }
0xa5: {  	v13 =	vand.u32 $0xFFFFFFFD, v13;
	v6 =	vld.idx.msk [tilespmem:v6+s0+$0x0], $0xffff;
	s18 =	sadd.s32 $0x100, s14;
	[tilespmem:s14+$0xFFFFFFD0] =	vst v5;
	v3 =	vmul.f32 v7, v3  }
0xa6: {  	v13 =	vbroadcast v13, $0x0;
	v12 =	vld [tilespmem:s18+$0xFFFFFFA0];
	[tilespmem:s14+$0xFFFFFFE0] =	vst v4;
	v4 =	vmul.f32 v9, v2  }
0xa7: {  	v5 =	vld.idx.msk [tilespmem:v8+s0+$0x0], $0xffff;
	[tilespmem:s14+$0xFFFFFFF0] =	vst v3;
	v3 =	vmul.f32 v10, v2  }
0xa8: {  	v9 =	vld [tilespmem:s18+$0xFFFFFF80];
	[tilespmem:s14+$0x0] =	vst v4;
	v2 =	vmul.f32 v15, v2  }
0xa9: {  	v4 =	vld [tilespmem:s18+$0x30];
	[tilespmem:s14+$0x10] =	vst v3;
	v3 =	vmul.f32 v16, v1  }
0xaa: {  	[tilespmem:s14+$0x20] =	vst v2;
	v2 =	vmul.f32 v17, v1;
	v8 =	vld.idx.msk [tilespmem:v14+s0+$0x0], $0xffff  }
0xab: {  	v10 =	vld [tilespmem:s18+$0xFFFFFF90];
	[tilespmem:s15+$0x40] =	vst v3;
	v3 =	vmul.f32 v18, v1  }
0xac: {  	v7 =	vld.idx.msk [tilespmem:v13+s0+$0x0], $0xffff;
	v1 =	vmul.f32 v11, v1;
	[tilespmem:s15+$0x50] =	vst v2  }
0xad: {  	v2 =	vld [tilespmem:s18+$0xFFFFFFB0];
	[tilespmem:s15+$0x60] =	vst v3  }
0xae: {  	v3 =	vld [tilespmem:s18+$0xFFFFFFC0];
	[tilespmem:s15+$0x70] =	vst v1;
	v1 =	vmul.f32 v9, v5  }
0xaf: {  	v9 =	vld [tilespmem:s18+$0xFFFFFFD0];
	v4 =	vmul.f32 v4, v8  }
0xb0: {  	v11 =	vld [tilespmem:s18+$0xFFFFFFE0];
	v10 =	vmul.f32 v10, v5;
	[tilespmem:s18+$0xFFFFFF80] =	vst v1  }
0xb1: {  	v1 =	vmul.f32 v12, v5;
	[tilespmem:s18+$0x30] =	vst v4;
	v4 =	vld [tilespmem:s18+$0xFFFFFFF0]  }
0xb2: {  	[tilespmem:s18+$0xFFFFFF90] =	vst v10;
	v2 =	vmul.f32 v2, v5;
	v5 =	vld [tilespmem:s18+$0x0]  }
0xb3: {  	[tilespmem:s18+$0xFFFFFFA0] =	vst v1;
	v1 =	vmul.f32 v3, v7;
	v3 =	vld [tilespmem:s18+$0x10]  }
0xb4: {  	[tilespmem:s18+$0xFFFFFFB0] =	vst v2;
	v2 =	vmul.f32 v9, v7;
	v9 =	vld [tilespmem:s18+$0x20]  }
0xb5: {  	v10 =	vld [tilespmem:s18+$0x40];
	[tilespmem:s18+$0xFFFFFFC0] =	vst v1;
	v1 =	vmul.f32 v11, v7  }
0xb6: {  	[tilespmem:s18+$0xFFFFFFD0] =	vst v2;
	v2 =	vmul.f32 v4, v7;
	v4 =	vld [tilespmem:s18+$0x50]  }
0xb7: {  	[tilespmem:s18+$0xFFFFFFE0] =	vst v1;
	v1 =	vmul.f32 v5, v8;
	v5 =	vld [tilespmem:s18+$0x60]  }
0xb8: {  	[tilespmem:s18+$0xFFFFFFF0] =	vst v2;
	v2 =	vmul.f32 v3, v8;
	v3 =	vld [tilespmem:s18+$0x70]  }
0xb9: {  	[tilespmem:s18+$0x0] =	vst v1;
	v1 =	vmul.f32 v9, v8  }
0xba: {  	[tilespmem:s18+$0x10] =	vst v2;
	v2 =	vmul.f32 v10, v6  }
0xbb: {  	[tilespmem:s18+$0x20] =	vst v1;
	v1 =	vmul.f32 v4, v6  }
0xbc: {  	[tilespmem:s18+$0x40] =	vst v2;
	v2 =	vmul.f32 v5, v6  }
0xbd: {  	[tilespmem:s18+$0x50] =	vst v1;
	v1 =	vmul.f32 v3, v6  }
0xbe: {  	[tilespmem:s18+$0x60] =	vst v2  }
0xbf: {  	[tilespmem:s18+$0x70] =	vst v1  }
0xc0: {  	[spmem:s1] =	stream.indirect.scatter.add.f32 [tilespmem:s21], [sflag:$0x3], $0x40, s25, s26, $0xb8;
	[tilespmem:$0x1BA30] =	vst v63  }
0xc1: {  	_ =	swait.ge [sflag:s3], $0x6400  }
0xc2: {  	[sflag:s3] =	ssyncset.done $0x0  }
0xc3: {  	[sflag:s3] =	ssyncadd.s32 $0xFFFF9C00  }
0xc4: {  	v1 =	vld [tilespmem:$0x5140]  }
0xc5: {  	v2 =	vld [tilespmem:$0x52D0];
	_ =	sdelay $0x5  }
0xc6: {  	s18 =	simm.s32 $0x0  }
0xc7: {  	v1 =	vld.idx.msk [tilespmem:v1+s18+$0x0], $0xffff  }
0xc8: {  	v2 =	vld.idx.msk [tilespmem:v2+s23+$0x0], $0xffff;
	_ =	sdelay $0x4  }
0xc9: {  	v1 =	vadd.f32 v2, v1;
	_ =	sdelay $0x1  }
0xca: {  	v2 =	vmul.f32 $1.442695020e+00, v1;
	_ =	sdelay $0x1  }
0xcb: {  	(erf) = vpow2.f32 v2;
	_ =	sdelay $0x8  }
0xcc: {  	v2 =	vpop (erf)  }
0xcd: {  	v2 =	vadd.f32 $-1.000000000e+00, v2;
	_ =	sdelay $0x1  }
0xce: {  	v2 =	vmul.f32 $1.673263190e+00, v2  }
0xcf: {  	vm0 =	vgt.f32 v1, $0.0e+00  }
0xd0: {  	v1 =	vsel vm0, v1, v2  }
0xd1: {  	v1 =	vmul.f32 $-1.050701020e+00, v1;
	_ =	sdelay $0x1  }
0xd2: {  	v1 =	vadd.f32 $0.0e+00, v1;
	_ =	sdelay $0x1  }
0xd3: {  	v1 =	vmul.f32 $1.442695020e+00, v1;
	_ =	sdelay $0x1  }
0xd4: {  	(erf) = vpow2.f32 v1;
	_ =	sdelay $0x8  }
0xd5: {  	v1 =	vpop (erf)  }
0xd6: {  	v1 =	vadd.f32 $1.000000000e+00, v1;
	_ =	sdelay $0x1  }
0xd7: {  	(erf) = vrcp.f32 v1;
	_ =	sdelay $0x2  }
0xd8: {  	s20 =	simm.s32 $0x1;
	v1 =	vmov s18  }
0xd9: {  	s15 =	simm.s32 $0x2;
	v3 =	vmov s20;
	v1 =	vand.u32 $0xFFFFFFFC, v1  }
0xda: {  	s19 =	simm.s32 $0x3;
	v4 =	vbroadcast v1, $0x0;
	v1 =	vand.u32 $0xFFFFFFFD, v3;
	v3 =	vmov s15  }
0xdb: {  	v2 =	vmov s19;
	v5 =	vbroadcast v1, $0x0;
	v1 =	vand.u32 $0xFFFFFFFE, v3;
	_ =	sdelay $0x1  }
0xdc: {  	v6 =	vbroadcast v1, $0x0  }
0xdd: {  	v1 =	vpop (erf)  }
0xde: {  	[tilespmem:$0x11C60] =	vst v1  }
0xdf: {  	v1 =	vld.idx.msk [tilespmem:v2+s0+$0x0], $0xffff  }
0xe0: {  	v8 =	vld.idx.msk [tilespmem:v4+s0+$0x0], $0xffff  }
0xe1: {  	v3 =	vld.idx.msk [tilespmem:v5+s0+$0x0], $0xffff  }
0xe2: {  	s14 =	simm.s32 $0xB8E0;
	v2 =	vld.idx.msk [tilespmem:v6+s0+$0x0], $0xffff  }
0xe3: {  	v4 =	vld [tilespmem:s14+$0x30]  }
0xe4: {  	v5 =	vld [tilespmem:s14+$0xFFFFFF80]  }
0xe5: {  	v6 =	vld [tilespmem:s14+$0xFFFFFF90]  }
0xe6: {  	v7 =	vld [tilespmem:s14+$0xFFFFFFA0]  }
0xe7: {  	v9 =	vld [tilespmem:s14+$0xFFFFFFB0]  }
0xe8: {  	v10 =	vld [tilespmem:s14+$0xFFFFFFC0];
	v11 =	vmul.f32 v4, v2  }
0xe9: {  	v12 =	vmul.f32 v5, v8;
	v5 =	vld [tilespmem:s14+$0xFFFFFFD0]  }
0xea: {  	s18 =	simm.s32 $0x4;
	v13 =	vmul.f32 v6, v8;
	v4 =	vld [tilespmem:s14+$0xFFFFFFE0];
	[tilespmem:s14+$0x30] =	vst v11  }
0xeb: {  	s19 =	simm.s32 $0x7;
	v6 =	vmov s18;
	[tilespmem:s14+$0xFFFFFF80] =	vst v12;
	v12 =	vmul.f32 v7, v8;
	v7 =	vld [tilespmem:s14+$0xFFFFFFF0]  }
0xec: {  	s20 =	simm.s32 $0x5;
	v14 =	vand.u32 $0xFFFFFFFC, v6;
	v6 =	vmov s19;
	[tilespmem:s14+$0xFFFFFF90] =	vst v13;
	v11 =	vmul.f32 v9, v8;
	v9 =	vld [tilespmem:s14+$0x0]  }
0xed: {  	s15 =	simm.s32 $0xB8E0;
	s18 =	simm.s32 $0x8;
	s19 =	simm.s32 $0x6;
	v8 =	vbroadcast v14, $0x0;
	v13 =	vmov s20;
	[tilespmem:s14+$0xFFFFFFA0] =	vst v12;
	v12 =	vmul.f32 v10, v3;
	v10 =	vld [tilespmem:s14+$0x10]  }
.LBB2_7:
0xee: {  	p1 =	slt.u32 s18, $0xC;
	v13 =	vand.u32 $0xFFFFFFFD, v13;
	v14 =	vmov s19;
	[tilespmem:s14+$0xFFFFFFB0] =	vst v11;
	v5 =	vmul.f32 v5, v3;
	v11 =	vld [tilespmem:s14+$0x20]  }
0xef: {  	v13 =	vbroadcast v13, $0x0;
	v14 =	vand.u32 $0xFFFFFFFE, v14;
	[tilespmem:s14+$0xFFFFFFC0] =	vst v12;
	v4 =	vmul.f32 v4, v3;
	v12 =	vld [tilespmem:s14+$0x40]  }
0xf0: {  	v14 =	vbroadcast v14, $0x0;
	[tilespmem:s14+$0xFFFFFFD0] =	vst v5;
	v3 =	vmul.f32 v7, v3;
	v5 =	vld [tilespmem:s14+$0x50]  }
0xf1: {  	[tilespmem:s14+$0xFFFFFFE0] =	vst v4;
	v4 =	vmul.f32 v9, v2;
	v7 =	vld [tilespmem:s14+$0x60]  }
0xf2: {  	[tilespmem:s14+$0xFFFFFFF0] =	vst v3;
	v3 =	vmul.f32 v10, v2;
	v9 =	vld [tilespmem:s14+$0x70]  }
0xf3: {  	v6 =	vld.idx.msk [tilespmem:v6+s0+$0x0], $0xffff;
	[tilespmem:s14+$0x0] =	vst v4;
	v2 =	vmul.f32 v11, v2  }
0xf4: {  	v8 =	vld.idx.msk [tilespmem:v8+s0+$0x0], $0xffff;
	[tilespmem:s14+$0x10] =	vst v3;
	v4 =	vmul.f32 v12, v1  }
0xf5: {  	v3 =	vld.idx.msk [tilespmem:v13+s0+$0x0], $0xffff;
	[tilespmem:s14+$0x20] =	vst v2;
	v5 =	vmul.f32 v5, v1  }
0xf6: {  	s14 =	sadd.s32 $0x100, s14;
	v2 =	vld.idx.msk [tilespmem:v14+s0+$0x0], $0xffff;
	[tilespmem:s15+$0x40] =	vst v4;
	v4 =	vmul.f32 v7, v1  }
0xf7: {  	v7 =	vld [tilespmem:s14+$0x30];
	[tilespmem:s15+$0x50] =	vst v5;
	v9 =	vmul.f32 v9, v1  }
0xf8: {  	v5 =	vld [tilespmem:s14+$0xFFFFFF80];
	[tilespmem:s15+$0x60] =	vst v4  }
0xf9: {  	v1 =	vmov v6;
	v4 =	vld [tilespmem:s14+$0xFFFFFF90];
	[tilespmem:s15+$0x70] =	vst v9;
	s15 =	smov.u32 s14  }
0xfa: {  	v6 =	vld [tilespmem:s14+$0xFFFFFFA0]  }
0xfb: {  	v9 =	vld [tilespmem:s14+$0xFFFFFFB0]  }
0xfc: {  	v10 =	vld [tilespmem:s14+$0xFFFFFFC0];
	v7 =	vmul.f32 v7, v2  }
.Ltmp4:
0xfd: {  	v11 =	vmul.f32 v5, v8;
	v5 =	vld [tilespmem:s14+$0xFFFFFFD0];
	(pc) =	sbr.rel @p1 .LBB2_7-.Ltmp4, $4  }
0xfe: {  	v12 =	vmul.f32 v4, v8;
	v4 =	vld [tilespmem:s14+$0xFFFFFFE0];
	[tilespmem:s14+$0x30] =	vst v7  }
0xff: {  	s19 =	sadd.s32 $0x3, s18;
	v13 =	vmov s18;
	[tilespmem:s14+$0xFFFFFF80] =	vst v11;
	v14 =	vmul.f32 v6, v8;
	v7 =	vld [tilespmem:s14+$0xFFFFFFF0]  }
0x100: {  	s20 =	sadd.s32 $0x1, s18;
	v13 =	vand.u32 $0xFFFFFFFC, v13;
	v6 =	vmov s19;
	[tilespmem:s14+$0xFFFFFF90] =	vst v12;
	v11 =	vmul.f32 v9, v8;
	v9 =	vld [tilespmem:s14+$0x0]  }
0x101: {  	s19 =	sadd.s32 $0x2, s18;
	s18 =	sadd.s32 $0x4, s18;
	v8 =	vbroadcast v13, $0x0;
	v13 =	vmov s20;
	[tilespmem:s14+$0xFFFFFFA0] =	vst v14;
	v12 =	vmul.f32 v10, v3;
	v10 =	vld [tilespmem:s14+$0x10]  }
0x102: {  	v15 =	vld [tilespmem:s14+$0x20]  }
0x103: {  	v16 =	vld [tilespmem:s14+$0x40]  }
0x104: {  	v17 =	vld [tilespmem:s14+$0x50]  }
0x105: {  	v13 =	vand.u32 $0xFFFFFFFD, v13;
	v18 =	vld [tilespmem:s14+$0x60]  }
0x106: {  	v14 =	vmov s19;
	[tilespmem:s14+$0xFFFFFFB0] =	vst v11;
	v5 =	vmul.f32 v5, v3;
	v47 =	vld [tilespmem:s14+$0x70];
	v13 =	vbroadcast v13, $0x0  }
0x107: {  	v6 =	vld.idx.msk [tilespmem:v6+s0+$0x0], $0xffff;
	v14 =	vand.u32 $0xFFFFFFFE, v14;
	[tilespmem:s14+$0xFFFFFFC0] =	vst v12;
	v4 =	vmul.f32 v4, v3;
	v3 =	vmul.f32 v7, v3  }
0x108: {  	s18 =	sadd.s32 $0x100, s14;
	v48 =	vld.idx.msk [tilespmem:v8+s0+$0x0], $0xffff;
	v14 =	vbroadcast v14, $0x0;
	[tilespmem:s14+$0xFFFFFFD0] =	vst v5  }
0x109: {  	v52 =	vld [tilespmem:s18+$0x30];
	[tilespmem:s14+$0xFFFFFFF0] =	vst v3;
	v3 =	vmul.f32 v10, v2  }
0x10a: {  	v53 =	vld [tilespmem:s18+$0xFFFFFF80];
	[tilespmem:s14+$0xFFFFFFE0] =	vst v4;
	v49 =	vmul.f32 v9, v2;
	v2 =	vmul.f32 v15, v2  }
0x10b: {  	v54 =	vld [tilespmem:s18+$0xFFFFFF90];
	[tilespmem:s14+$0x10] =	vst v3;
	v3 =	vmul.f32 v16, v1  }
0x10c: {  	v55 =	vld [tilespmem:s18+$0xFFFFFFA0];
	[tilespmem:s14+$0x20] =	vst v2;
	v2 =	vmul.f32 v17, v1  }
0x10d: {  	v50 =	vld.idx.msk [tilespmem:v13+s0+$0x0], $0xffff;
	[tilespmem:s15+$0x40] =	vst v3;
	v3 =	vmul.f32 v18, v1  }
0x10e: {  	v51 =	vld.idx.msk [tilespmem:v14+s0+$0x0], $0xffff;
	v1 =	vmul.f32 v47, v1;
	[tilespmem:s15+$0x50] =	vst v2  }
0x10f: {  	v2 =	vld [tilespmem:s18+$0xFFFFFFB0];
	[tilespmem:s15+$0x60] =	vst v3  }
0x110: {  	v3 =	vld [tilespmem:s18+$0xFFFFFFC0];
	[tilespmem:s15+$0x70] =	vst v1;
	v1 =	vmul.f32 v53, v48  }
0x111: {  	v56 =	vld [tilespmem:s18+$0xFFFFFFD0];
	[tilespmem:s14+$0x0] =	vst v49;
	v10 =	vmul.f32 v54, v48  }
0x112: {  	v57 =	vld [tilespmem:s18+$0xFFFFFFE0];
	[tilespmem:s18+$0xFFFFFF80] =	vst v1;
	v1 =	vmul.f32 v55, v48  }
0x113: {  	v58 =	vld [tilespmem:s18+$0xFFFFFFF0];
	[tilespmem:s18+$0xFFFFFF90] =	vst v10;
	v4 =	vmul.f32 v52, v51  }
0x114: {  	v59 =	vld [tilespmem:s18+$0x0];
	v2 =	vmul.f32 v2, v48;
	[tilespmem:s18+$0xFFFFFFA0] =	vst v1  }
0x115: {  	[tilespmem:s18+$0x30] =	vst v4;
	v1 =	vmul.f32 v3, v50;
	v3 =	vld [tilespmem:s18+$0x10]  }
0x116: {  	v60 =	vld [tilespmem:s18+$0x20];
	[tilespmem:s18+$0xFFFFFFB0] =	vst v2;
	v2 =	vmul.f32 v56, v50  }
0x117: {  	v61 =	vld [tilespmem:s18+$0x40];
	[tilespmem:s18+$0xFFFFFFC0] =	vst v1;
	v1 =	vmul.f32 v57, v50  }
0x118: {  	v62 =	vld [tilespmem:s18+$0x50];
	[tilespmem:s18+$0xFFFFFFD0] =	vst v2;
	v2 =	vmul.f32 v58, v50  }
0x119: {  	v63 =	vld [tilespmem:s18+$0x60];
	[tilespmem:s18+$0xFFFFFFE0] =	vst v1;
	v1 =	vmul.f32 v59, v51  }
0x11a: {  	[tilespmem:s18+$0xFFFFFFF0] =	vst v2;
	v2 =	vmul.f32 v3, v51;
	v3 =	vld [tilespmem:s18+$0x70]  }
0x11b: {  	[tilespmem:s18+$0x0] =	vst v1;
	v1 =	vmul.f32 v60, v51  }
0x11c: {  	[tilespmem:s18+$0x10] =	vst v2;
	v2 =	vmul.f32 v61, v6  }
0x11d: {  	[tilespmem:s18+$0x20] =	vst v1;
	v1 =	vmul.f32 v62, v6  }
0x11e: {  	[tilespmem:s18+$0x40] =	vst v2;
	v2 =	vmul.f32 v63, v6  }
0x11f: {  	[tilespmem:s18+$0x50] =	vst v1;
	v1 =	vmul.f32 v3, v6  }
0x120: {  	p1 =	seq.s32 s12, $0x18;
	[tilespmem:s18+$0x60] =	vst v2  }
.Ltmp5:
0x121: {  	[tilespmem:s18+$0x70] =	vst v1;
	(pc) =	sbr.rel @p1 .LBB2_10-.Ltmp5, $4  }
0x122: {  	[spmem:s1] =	stream.indirect.scatter.add.f32 [tilespmem:s30], [sflag:$0x4], $0x40, s29, s26, $0xb8;
	[tilespmem:$0x1BA30] =	vst v63  }
0x123: {  	_ =	swait.ge [sflag:s4], $0x6400  }
0x124: {  	[sflag:s4] =	ssyncset.done $0x0  }
0x125: {  	[sflag:s4] =	ssyncadd.s32 $0xFFFF9C00  }
0x126: {  	s14 =	smul.u32 $0x320, s12;
	_ =	sdelay $0x1  }
0x127: {  	s15 =	sadd.s32 s14, s16  }
0x128: {  	s15 =	sshrl.u32 s15, $0x3  }
0x129: {  	s18 =	sadd.s32 s6, s15  }
0x12a: {  	[tilespmem:s24], [sflag:$0x5] =	stream.linear.gather [hbm4b:s18+s2], $0x190, $0x38;
	[tilespmem:$0x1BA30] =	vst v63  }
0x12b: {  	_ =	swait.ge [sflag:s22], $0x190  }
0x12c: {  	[sflag:s22] =	ssyncset.done $0x0  }
0x12d: {  	s15 =	sadd.s32 s7, s15;
	[sflag:s22] =	ssyncadd.s32 $0xFFFFFE70  }
0x12e: {  	[tilespmem:s25], [sflag:$0x5] =	stream.linear.gather [hbm4b:s15+s2], $0x190, $0x38;
	[tilespmem:$0x1BA30] =	vst v63  }
0x12f: {  	_ =	swait.ge [sflag:s22], $0x190  }
0x130: {  	[sflag:s22] =	ssyncset.done $0x0  }
0x131: {  	[sflag:s22] =	ssyncadd.s32 $0xFFFFFE70  }
0x132: {  	[tilespmem:s21], [sflag:$0x1] =	stream.indirect.gather [hbm4b:s13+s26], $0x40, s24, s26, $0xb8;
	[tilespmem:$0x1BA30] =	vst v63  }
0x133: {  	s14 =	sadd.s32 s14, s17;
	_ =	swait.ge [sflag:s5], $0x6400  }
0x134: {  	s14 =	sshrl.u32 s14, $0x3;
	[sflag:s5] =	ssyncset.done $0x0  }
0x135: {  	s20 =	sadd.s32 s6, s14;
	[sflag:s5] =	ssyncadd.s32 $0xFFFF9C00  }
0x136: {  	[tilespmem:s28], [sflag:$0x5] =	stream.linear.gather [hbm4b:s20+s2], $0x190, $0x38;
	[tilespmem:$0x1BA30] =	vst v63  }
0x137: {  	_ =	swait.ge [sflag:s22], $0x190  }
0x138: {  	[sflag:s22] =	ssyncset.done $0x0  }
0x139: {  	s14 =	sadd.s32 s7, s14;
	[sflag:s22] =	ssyncadd.s32 $0xFFFFFE70  }
0x13a: {  	[tilespmem:s29], [sflag:$0x5] =	stream.linear.gather [hbm4b:s14+s2], $0x190, $0x38;
	[tilespmem:$0x1BA30] =	vst v63  }
.Ltmp6:
0x13b: {  	_ = 	snop;
	(pc) =	sbr.rel .LBB2_4-.Ltmp6, $4  }
0x13c: {  	_ =	swait.ge [sflag:s22], $0x190  }
0x13d: {  	[sflag:s22] =	ssyncset.done $0x0  }
0x13e: {  	s12 =	sadd.s32 $0x1, s12;
	[sflag:s22] =	ssyncadd.s32 $0xFFFFFE70  }
0x13f: {  	[tilespmem:s30], [sflag:$0x2] =	stream.indirect.gather [hbm4b:s13+s26], $0x40, s28, s26, $0xb8;
	[tilespmem:$0x1BA30] =	vst v63  }
.LBB2_11:
0x140: {  	_ =	sfence.sel $0x180000  }
0x141: {  	[bflag:$0x0] =	sbarrier.arrive $0xFFFF  }
0x142: {  	_ =	strace $0x9000004A  }
0x143: {  	s0 =	stileid.u32;
	[bflag:$0x2] =	sbarrier.arrive $0xFFFF  }
0x144: {  	p0 =	sne.s32 s0, $0x0;
	s0 =	rddreg [dreg:$0x3]  }
0x145: {  	s0 =	sadd.s32 @!p0 $0x100000, s0  }
0x146: {  	[sflag:s0] =	ssyncadd.tile.s32 @!p0 $0x1;
	_ =	shalt  }
.Lfunc_end2:
_tile_overlayer_lowered:
.L_overlay_start_2:
0x147: {  	(tag) =	ssettag $0x2  }
0x148: {  	s0 =	rddreg [dreg:$0x0];
	s2 =	stileid.u32  }
0x149: {  	s1 =	rddreg [dreg:$0x1];
	p0 =	sne.s32 s2, $0x0  }
0x14a: {  	s3 =	rddreg [dreg:$0x2];
	[bflag:$0x3] =	sbarrier.arrive $0xFFFF;
	s2 =	simm.s32 @!p0 $0x1C05  }
0x14b: {  	[timem:s3], [sflag:s2] =	dma.local @!p0 [hbm:s0], s1  }
0x14c: {  	s0 =	simm.s32 @!p0 $0x5  }
0x14d: {  	_ =	swait.ge @!p0 [sflag:s0], s1  }
0x14e: {  	s1 =	ssub.s32 @!p0 $0x0, s1;
	[sflag:s0] =	ssyncset.done @!p0 $0x0  }
0x14f: {  	[sflag:s0] =	ssyncadd.s32 @!p0 s1  }
0x150: {  	[bflag:$0x3] =	sbarrier.arrive $0xFFFF  }
0x151: {  	_ =	shalt  }

// kernel: kernel.17.cloned.1.call-start
scs
__scs_entry_jumppad:
0x0: {  	(pc) =	sbr.rel $0x88, $3  }
0x1: {  	(tag) =	ssettag $0x0;
	lr =	simm.s32 $0x1  }
0x2: {  	[smem:$0x3F9D] =	sst lr;
	_ =	strace $0xD0000000  }
0x3: {  	_ = 	snop  }
0x4: {  	_ = 	snop  }
0x5: {  	_ = 	snop  }
0x6: {  	_ = 	snop  }
0x7: {  	_ = 	snop  }
__scs_overlays_trampoline_lowered:
0x8: {  	[smem:$0x3FAC] =	sst s0  }
0x9: {  	[smem:$0x3FAD] =	sst s1  }
0xa: {  	[smem:$0x3FAE] =	sst s2  }
0xb: {  	[smem:$0x3FAF] =	sst s3  }
0xc: {  	[smem:$0x3FB0] =	sst s4  }
0xd: {  	[smem:$0x3FB1] =	sst s5  }
0xe: {  	[smem:$0x3FB2] =	sst s6  }
0xf: {  	[smem:$0x3FB3] =	sst s7  }
0x10: {  	[smem:$0x3FB4] =	sst s8  }
0x11: {  	[smem:$0x3FB5] =	sst s9;
	s0 =	simm.s32 @!p0 $0x0  }
0x12: {  	s1 =	sld [smem:$0x3F9B];
	s0 =	simm.s32 @p0 $0x1  }
0x13: {  	[smem:$0x3FB6] =	sst s0;
	s0 =	simm.s32 @!p1 $0x0  }
0x14: {  	s2 =	sld [smem:$0x3F9A];
	s0 =	simm.s32 @p1 $0x1  }
0x15: {  	[smem:$0x3FB7] =	sst s0;
	s0 =	simm.s32 @!p2 $0x0  }
0x16: {  	s3 =	sld [smem:$0x3FDB];
	s0 =	simm.s32 @p2 $0x1  }
0x17: {  	s4 =	simm.s32 $0x1BF5;
	[smem:$0x3FB9] =	sst s0  }
0x18: {  	s0 =	sld [smem:$0x3F9C];
	_ =	swait.ge [sflag:s4], $0x0  }
0x19: {  	s7 =	sld [smem:$0x3F9D]  }
0x1a: {  	s8 =	sadd.s32 $0xFFFFE003, lr  }
0x1b: {  	s9 =	sadd.s32 $0xFFFFFEF7, lr;
	s5 =	simm.s32 $0xFFFFFFFF;
	p2 =	slt.u32 s8, $0xFFFFF086  }
0x1c: {  	p1 =	slt.u32 s9, $0xF7A;
	s5 =	simm.s32 @!p2 $0x0  }
0x1d: {  	s5 =	simm.s32 @p1 $0x1;
	p0 =	seq.s32 s7, s2  }
0x1e: {  	s7 =	smul.u32 @!p0 $0xF7A, s2;
	p2 =	seq.s32 @!p0 s5, $0x0  }
0x1f: {  	s9 =	smul.u32 $0xF7A, s1;
	s8 =	simm.s32 @!p0 $0x1BF5;
	p2 =	por !p2, p0  }
0x20: {  	[sflag:s8] =	ssyncset.s32 @!p0 $0xFFFFF086;
	s6 =	sadd.s32 @!p0 s3, s7;
	s7 =	simm.s32 @!p0 $0x108  }
0x21: {  	s3 =	sadd.s32 s3, s9;
	s6 =	sadd.s32 @!p0 $0x88, s6;
	s7 =	simm.s32 @p2 $0x1082  }
0x22: {  	[simem:s7], [sflag:s8] =	dma.local @!p0 [hbm:s6], $0xF7A  }
0x23: {  	s9 =	sor.u32 $0xD0000000, s2;
	s6 =	simm.s32 $0x108;
	_ =	swait.ge @!p0 [sflag:s8], $0x0  }
0x24: {  	s3 =	sadd.s32 $0x88, s3;
	s6 =	simm.s32 @!p1 $0x1082;
	[sflag:s4] =	ssyncset.s32 $0xFFFFF086  }
0x25: {  	[simem:s6], [sflag:s4] =	dma.local [hbm:s3], $0xF7A  }
0x26: {  	[smem:$0x3F9D] =	sst s1;
	(tag) =	ssettag s2;
	_ =	strace s9  }
0x27: {  	s1 =	sld [smem:$0x3FAD]  }
0x28: {  	s2 =	sld [smem:$0x3FAE]  }
0x29: {  	s4 =	sld [smem:$0x3FB0]  }
0x2a: {  	p0 =	seq.s32 s5, $0x0;
	s5 =	sld [smem:$0x3FB1]  }
0x2b: {  	s6 =	sld [smem:$0x3FB2]  }
0x2c: {  	s7 =	sld [smem:$0x3FB3]  }
0x2d: {  	s3 =	simm.s32 $0x108;
	s8 =	sld [smem:$0x3FB4]  }
0x2e: {  	s3 =	simm.s32 @!p0 $0x1082;
	s9 =	sld [smem:$0x3FB5]  }
0x2f: {  	lr =	sadd.s32 s0, s3;
	s0 =	sld [smem:$0x3FAC]  }
0x30: {  	s3 =	sld [smem:$0x3FAF]  }
0x31: {  	[smem:$0x3FB8] =	sst s10  }
0x32: {  	s10 =	sld [smem:$0x3FB6];
	_ =	sdelay $0x3  }
0x33: {  	p0 =	seq.s32 s10, $0x1;
	s10 =	sld [smem:$0x3FB8];
	_ =	sdelay $0x3  }
0x34: {  	[smem:$0x3FB8] =	sst s10  }
0x35: {  	s10 =	sld [smem:$0x3FB7];
	_ =	sdelay $0x3  }
0x36: {  	p1 =	seq.s32 s10, $0x1;
	s10 =	sld [smem:$0x3FB8];
	_ =	sdelay $0x3  }
0x37: {  	[smem:$0x3FB8] =	sst s10  }
0x38: {  	s10 =	sld [smem:$0x3FB9]  }
0x39: {  	_ = 	snop;
	(pc) =	sbr.ind lr, $3  }
0x3a: {  	_ = 	snop  }
0x3b: {  	_ = 	snop  }
0x3c: {  	p2 =	seq.s32 s10, $0x1;
	s10 =	sld [smem:$0x3FB8]  }
0x3d: {  	_ =	shalt  }
0x3e: {  	_ =	shalt  }
0x3f: {  	_ =	shalt  }
0x40: {  	_ =	shalt  }
0x41: {  	_ =	shalt  }
0x42: {  	_ =	shalt  }
0x43: {  	_ =	shalt  }
0x44: {  	_ =	shalt  }
0x45: {  	_ =	shalt  }
0x46: {  	_ =	shalt  }
0x47: {  	_ =	shalt  }
0x48: {  	_ =	shalt  }
0x49: {  	_ =	shalt  }
0x4a: {  	_ =	shalt  }
0x4b: {  	_ =	shalt  }
0x4c: {  	_ =	shalt  }
0x4d: {  	_ =	shalt  }
0x4e: {  	_ =	shalt  }
0x4f: {  	_ =	shalt  }
0x50: {  	_ =	shalt  }
0x51: {  	_ =	shalt  }
0x52: {  	_ =	shalt  }
0x53: {  	_ =	shalt  }
0x54: {  	_ =	shalt  }
0x55: {  	_ =	shalt  }
0x56: {  	_ =	shalt  }
0x57: {  	_ =	shalt  }
0x58: {  	_ =	shalt  }
0x59: {  	_ =	shalt  }
0x5a: {  	_ =	shalt  }
0x5b: {  	_ =	shalt  }
0x5c: {  	_ =	shalt  }
0x5d: {  	_ =	shalt  }
0x5e: {  	_ =	shalt  }
0x5f: {  	_ =	shalt  }
0x60: {  	_ =	shalt  }
0x61: {  	_ =	shalt  }
0x62: {  	_ =	shalt  }
0x63: {  	_ =	shalt  }
0x64: {  	_ =	shalt  }
0x65: {  	_ =	shalt  }
0x66: {  	_ =	shalt  }
0x67: {  	_ =	shalt  }
0x68: {  	_ =	shalt  }
0x69: {  	_ =	shalt  }
0x6a: {  	_ =	shalt  }
0x6b: {  	_ =	shalt  }
0x6c: {  	_ =	shalt  }
0x6d: {  	_ =	shalt  }
0x6e: {  	_ =	shalt  }
0x6f: {  	_ =	shalt  }
0x70: {  	_ =	shalt  }
0x71: {  	_ =	shalt  }
0x72: {  	_ =	shalt  }
0x73: {  	_ =	shalt  }
0x74: {  	_ =	shalt  }
0x75: {  	_ =	shalt  }
0x76: {  	_ =	shalt  }
0x77: {  	_ =	shalt  }
0x78: {  	_ =	shalt  }
0x79: {  	_ =	shalt  }
0x7a: {  	_ =	shalt  }
0x7b: {  	_ =	shalt  }
0x7c: {  	_ =	shalt  }
0x7d: {  	_ =	shalt  }
0x7e: {  	_ =	shalt  }
0x7f: {  	_ =	shalt  }
0x80: {  	_ =	shalt  }
0x81: {  	_ =	shalt  }
0x82: {  	_ =	shalt  }
0x83: {  	_ =	shalt  }
0x84: {  	_ =	shalt  }
0x85: {  	_ =	shalt  }
0x86: {  	_ =	shalt  }
0x87: {  	_ =	shalt  }
.Lfunc_end0:
.L_simem_size_0:
called_computation.2_lowered:
.L_overlay_start_0:
0x88: {  	s2 =	sld [smem:$0x3FD9]  }
0x89: {  	s3 =	sld [smem:$0x3FFE];
	_ =	sdelay $0x1  }
0x8a: {  	s1 =	srdreg.scid  }
0x8b: {  	s0 =	sand.u32 $0x1, s1  }
0x8c: {  	s17 =	sshll.u32 s0, $0xA;
	s2 =	sadd.s32 s3, s2  }
0x8d: {  	s2 =	sadd.s32 s2, s17  }
0x8e: {  	[smem:$0x3FC4] =	sst s2  }
0x8f: {  	_ = 	snop  }
0x90: {  	s2 =	sld [smem:$0x3FD0];
	(tm) =	ssettm $0x1  }
0x91: {  	s18 =	sld [smem:$0x3FFB];
	_ =	sdelay $0x3  }
0x92: {  	_ =	strace s18  }
0x93: {  	s3 =	sld [smem:$0x3FFC];
	_ =	sdelay $0x3  }
0x94: {  	_ =	strace s3  }
0x95: {  	s3 =	sld [smem:$0x3FFD];
	_ =	sdelay $0x3  }
0x96: {  	_ =	strace s3  }
0x97: {  	_ =	strace $0x8FFFFFFF  }
0x98: {  	s19 =	sld [smem:$0x3FDB];
	_ =	sdelay $0x1  }
0x99: {  	s4 =	simm.s32 $_scs_section_size  }
0x9a: {  	s5 =	simm.s32 $_size__tile_overlayer_lowered;
	s6 =	simm.s32 $_tile_overlayer_lowered  }
0x9b: {  	s22 =	simm.s32 $0x1BFF;
	s21 =	sshll.u32 s6, $0x1;
	s3 =	sadd.s32 s4, s19  }
0x9c: {  	s7 =	simm.s32 $0x0;
	s20 =	sshll.u32 s5, $0x1;
	s5 =	sadd.s32 s21, s3  }
0x9d: {  	[timem:s7], [sflag:s22] =	dma.local [hbm:s5], s20  }
0x9e: {  	_ =	swait.ge [sflag:s22], s20  }
0x9f: {  	s4 =	ssub.s32 $0x0, s20;
	[sflag:s22] =	ssyncset.done $0x0  }
0xa0: {  	[sflag:s22] =	ssyncadd.s32 s4;
	_ =	sdelay $0x1  }
0xa1: {  	s23 =	simm.s32 $0x1B8B  }
0xa2: {  	_ =	swait.ge [sflag:s23], $0x1  }
0xa3: {  	[sflag:s23] =	ssyncset.done $0x0  }
0xa4: {  	s25 =	simm.s32 $0x1B8E;
	s24 =	sld [smem:$0x3FFE];
	[sflag:s23] =	ssyncadd.s32 $0xFFFFFFFF  }
0xa5: {  	s26 =	simm.s32 $execute0_lowered;
	[smem:$0x3FD2] =	sst s25  }
0xa6: {  	s5 =	sshll.u32 s26, $0x1;
	_ =	strace $0x8000004C;
	[dreg:$0x1] =	wrdreg $0xFFFFFFFF  }
0xa7: {  	s28 =	simm.s32 $_size_execute0_lowered;
	s3 =	sadd.s32 s3, s5;
	[dreg:$0x0] =	wrdreg $0x0  }
0xa8: {  	s5 =	sshll.u32 s28, $0x1;
	[dreg:$0x2] =	wrdreg s3  }
0xa9: {  	[dreg:$0x3] =	wrdreg s5  }
0xaa: {  	[dreg:$0x4] =	wrdreg $0xC0  }
0xab: {  	_ =	task [dreg:s7], $0x5FFFF  }
0xac: {  	[dreg:$0x1] =	wrdreg $0xFFFFFFFF  }
0xad: {  	[dreg:$0x0] =	wrdreg $0x60  }
0xae: {  	[dreg:$0x2] =	wrdreg s2  }
0xaf: {  	[dreg:$0x3] =	wrdreg s24  }
0xb0: {  	[dreg:$0x4] =	wrdreg $0x11DF00  }
0xb1: {  	[dreg:$0x5] =	wrdreg $0x9  }
0xb2: {  	_ =	task.clear_ibuf [dreg:s7], $0x6FFFF;
	_ =	strace $0x9000004C  }
0xb3: {  	s29 =	simm.s32 $0x9;
	_ =	strace $0x8000004E  }
0xb4: {  	_ =	swait.ge [sflag:s29], $0x1  }
0xb5: {  	[sflag:s29] =	ssyncadd.s32 $0xFFFFFFFF  }
0xb6: {  	_ =	strace $0x9000004E  }
0xb7: {  	_ =	sfence  }
0xb8: {  	s30 =	sld [smem:$0x0];
	_ =	sdelay $0x2  }
0xb9: {  	s31 =	sshll.u32 s1, $0xD;
	s1 =	sshrl.u32 s1, $0x2  }
0xba: {  	s3 =	sand.u32 $0x4000, s31;
	s1 =	sadd.s32 s1, s30  }
0xbb: {  	s0 =	sor.u32 s3, s0;
	s1 =	sshll.u32 s1, $0x11  }
0xbc: {  	s0 =	sor.u32 s1, s0  }
0xbd: {  	s0 =	sadd.s32 $0x8F2B, s0  }
0xbe: {  	[sflag:s0] =	ssyncadd.remote.s32 $0x1  }
0xbf: {  	_ =	sfence.sel $0xFFFF  }
0xc0: {  	[dreg:$0x0] =	wrdreg $0xFFFFFFFF;
	(pc) =	sbr.abs _section_cstart, $3  }
0xc1: {  	[dreg:$0x1] =	wrdreg $0xFFFFFFFF  }
0xc2: {  	_ =	task.clear_ibuf [dreg:s7], $0x2FFFF;
	_ =	strace $0x9FFFFFFF  }
0xc3: {  	(tm) =	ssettm $0x7FFFFFFF  }
tec
execute0_lowered:
.L_overlay_start_1:
0x0: {  	(tag) =	ssettag $0x1  }
0x1: {  	s0 =	rddreg [dreg:$0x0]  }
0x2: {  	s3 =	rddreg [dreg:$0x1]  }
0x3: {  	s1 =	rddreg [dreg:$0x2]  }
0x4: {  	s2 =	simm.s32 $0x0;
	s18 =	srdreg.scid;
	s15 =	stileid.u32  }
0x5: {  	s28 =	simm.s32 $0x5140;
	s29 =	simm.s32 $0x52D0;
	s30 =	simm.s32 $0xB860  }
0x6: {  	s31 =	simm.s32 $0x1;
	[smem:$0x7FF] =	sst s2;
	s4 =	sadd.s32 $0x8DE00, s3  }
0x7: {  	s17 =	sadd.s32 $0x8E400, s3;
	s6 =	sadd.s32 $0xEA00, s3;
	s5 =	smul.u32 $0x9C00, s15  }
0x8: {  	s7 =	sadd.s32 $0x4C00, s3;
	s9 =	smul.u32 $0x27000, s15;
	s3 =	sadd.s32 $0x8EA00, s3  }
0x9: {  	s11 =	smul.u32 $0x4E20, s15;
	_ =	strace $0x8000004D;
	[dreg:$0x4] =	wrdreg s4  }
0xa: {  	p0 =	sne.s32 s15, $0xF;
	[dreg:$0x5] =	wrdreg s17;
	s4 =	sand.u32 $0x1, s18  }
0xb: {  	s8 =	ssub.s32 $0x2, s4;
	s9 =	sshrl.u32 s9, $0x2;
	s13 =	sshrl.u32 s11, $0x3  }
0xc: {  	s4 =	smul.u32 $0x9C400, s4;
	s16 =	sadd.s32 $0x320, s11;
	s17 =	sadd.s32 $0x4B0, s11  }
0xd: {  	s10 =	sshrl.u32 s8, $0x1;
	s9 =	sadd.s32 s9, s1;
	s19 =	sadd.s32 s6, s13  }
0xe: {  	s20 =	sadd.s32 s7, s13;
	s14 =	sadd.s32 $0x32, s13;
	s12 =	ssub.s32 s8, s10  }
0xf: {  	s8 =	sadd.s32 s5, s1;
	s9 =	sadd.s32 $0x6400, s9;
	[dreg:$0x7] =	wrdreg s19  }
0x10: {  	s10 =	sadd.s32 $0x9C000, s1;
	[dreg:$0x8] =	wrdreg s20;
	s21 =	sshrl.u32 s4, $0x3  }
0x11: {  	s22 =	sadd.s32 s6, s14;
	s23 =	sadd.s32 s5, s4;
	[dreg:$0x6] =	wrdreg s9  }
0x12: {  	s24 =	sadd.s32 s7, s14;
	s4 =	simm.s32 $0x3;
	[dreg:$0x9] =	wrdreg s22  }
0x13: {  	s5 =	simm.s32 $0x4;
	s13 =	sadd.s32 s0, s21;
	[dreg:$0xa] =	wrdreg s24  }
0x14: {  	s0 =	sshrl.u32 s23, $0x3;
	s25 =	sadd.s32 s3, s21;
	s26 =	smax.u32 s12, $0x1  }
.Ltmp0:
0x15: {  	s21 =	simm.s32 $0x5460;
	s22 =	simm.s32 $0x5;
	(pc) =	sbr.rel .LBB2_1-.Ltmp0, $4  }
0x16: {  	s23 =	simm.s32 $0x2710;
	s24 =	simm.s32 $0x4E20;
	s9 =	simm.s32 $0x0  }
0x17: {  	s0 =	sadd.s32 s3, s0;
	[dreg:$0xd] =	wrdreg s26;
	s26 =	simm.s32 $0x190  }
0x18: {  	s3 =	simm.s32 $0x2;
	[dreg:$0xb] =	wrdreg s0;
	s0 =	sadd.s32 $0x13800, s25  }
0x19: {  	v0 =	vimm.f32 $0.0e+00;
	s25 =	simm.s32 $0x4FB0;
	[dreg:$0xc] =	wrdreg s0;
	s0 =	simm.s32 $0x11C60  }
.LBB2_10:
0x1a: {  	_ =	swait.ge [sflag:s5], $0x6400  }
0x1b: {  	[sflag:s5] =	ssyncset.done $0x0  }
0x1c: {  	s11 =	stileid.u32;
	[sflag:s5] =	ssyncadd.s32 $0xFFFF9C00  }
0x1d: {  	s11 =	sshll.u32 s11, $0x6;
	[bflag:$0x0] =	sbarrier.arrive $0xFFFF  }
0x1e: {  	s12 =	sshrl.u32 s8, $0x3;
	s11 =	sor.u32 $0x1C05, s11;
	s14 =	rddreg [dreg:$0xb]  }
0x1f: {  	[hbm:s14], [sflag:s11] =	dma.local [spmem:s12], $0x1380  }
0x20: {  	_ =	swait.ge [sflag:s22], $0x1380  }
0x21: {  	[sflag:s22] =	ssyncset.done $0x0  }
0x22: {  	s12 =	sshrl.u32 @!p0 s10, $0x3;
	s14 =	rddreg [dreg:$0xc];
	[sflag:s22] =	ssyncadd.s32 $0xFFFFEC80  }
0x23: {  	[hbm:s14], [sflag:s11] =	dma.local @!p0 [spmem:s12], $0x80  }
0x24: {  	s11 =	simm.s32 @!p0 $0x5  }
0x25: {  	_ =	swait.ge @!p0 [sflag:s11], $0x80  }
0x26: {  	s9 =	sadd.s32 $0x1, s9;
	s20 =	rddreg [dreg:$0xd]  }
0x27: {  	p1 =	sne.s32 s9, s20  }
.Ltmp1:
0x28: {  	_ = 	snop;
	(pc) =	sbr.rel @!p1 .LBB2_11-.Ltmp1, $3  }
0x29: {  	_ =	sdelay $0x1  }
0x2a: {  	[sflag:s11] =	ssyncset.done @!p0 $0x0  }
0x2b: {  	[sflag:s11] =	ssyncadd.s32 @!p0 $0xFFFFFF80  }
.LBB2_1:
0x2c: {  	s12 =	simm.s32 $0x100;
	s11 =	simm.s32 $0x0  }
.LBB2_2:
0x2d: {  	p1 =	sne.s32 s12, $0x18F00;
	[tilespmem:s11+$0x5490] =	vst v0;
	s14 =	smov.u32 s12;
	s12 =	sadd.s32 $0x100, s12  }
.Ltmp2:
0x2e: {  	[tilespmem:s11+$0x5480] =	vst v0;
	(pc) =	sbr.rel @p1 .LBB2_2-.Ltmp2, $3  }
0x2f: {  	[tilespmem:s11+$0x5460] =	vst v0  }
0x30: {  	[tilespmem:s11+$0x5470] =	vst v0;
	_ =	sdelay $0x1  }
0x31: {  	s11 =	sshra.s32 s14, $0x2  }
0x32: {  	[tilespmem:s11+$0x5490] =	vst v0  }
0x33: {  	[tilespmem:s11+$0x5480] =	vst v0  }
0x34: {  	[tilespmem:s11+$0x5460] =	vst v0  }
0x35: {  	[tilespmem:s11+$0x5470] =	vst v0  }
0x36: {  	[spmem:s8] =	stream.linear.scatter [tilespmem:s21], [sflag:$0x5], $0x6400, $0x38;
	[tilespmem:$0x1BA30] =	vst v63  }
0x37: {  	_ =	swait.ge [sflag:s22], $0x6400  }
0x38: {  	[sflag:s22] =	ssyncset.done $0x0  }
0x39: {  	s12 =	rddreg [dreg:$0x6];
	[sflag:s22] =	ssyncadd.s32 $0xFFFF9C00  }
0x3a: {  	[spmem:s12] =	stream.linear.scatter [tilespmem:s21], [sflag:$0x5], $0x3800, $0x38;
	[tilespmem:$0x1BA30] =	vst v63  }
0x3b: {  	_ =	swait.ge [sflag:s22], $0x3800  }
0x3c: {  	[sflag:s22] =	ssyncset.done $0x0  }
0x3d: {  	s11 =	simm.s32 @!p0 $0x5460;
	[sflag:s22] =	ssyncadd.s32 $0xFFFFC800  }
0x3e: {  	[spmem:s10] =	stream.linear.scatter @!p0 [tilespmem:s11], [sflag:$0x5], $0x400, $0x38;
	[tilespmem:$0x1BA30] =	vst v63  }
0x3f: {  	s11 =	simm.s32 @!p0 $0x5  }
0x40: {  	_ =	swait.ge @!p0 [sflag:s11], $0x400  }
0x41: {  	[sflag:s11] =	ssyncset.done @!p0 $0x0  }
0x42: {  	s12 =	rddreg [dreg:$0x4];
	[sflag:s11] =	ssyncadd.s32 @!p0 $0xFFFFFC00;
	s11 =	simm.s32 $0x0  }
0x43: {  	[tilespmem:s11], [sflag:$0x5] =	stream.linear.gather [hbm4b:s12+s11], $0x2710, $0x38;
	[tilespmem:$0x1BA30] =	vst v63  }
0x44: {  	_ =	swait.ge [sflag:s22], $0x2710  }
0x45: {  	[sflag:s22] =	ssyncset.done $0x0  }
0x46: {  	s14 =	rddreg [dreg:$0x5];
	[sflag:s22] =	ssyncadd.s32 $0xFFFFD8F0  }
0x47: {  	[tilespmem:s23], [sflag:$0x5] =	stream.linear.gather [hbm4b:s14+s11], $0x2710, $0x38;
	[tilespmem:$0x1BA30] =	vst v63  }
0x48: {  	_ =	swait.ge [sflag:s22], $0x2710  }
0x49: {  	[sflag:s22] =	ssyncset.done $0x0  }
0x4a: {  	[sflag:s22] =	ssyncadd.s32 $0xFFFFD8F0  }
0x4b: {  	[bflag:$0x0] =	sbarrier.arrive $0xFFFF  }
0x4c: {  	s15 =	rddreg [dreg:$0x7]  }
0x4d: {  	[tilespmem:s24], [sflag:$0x5] =	stream.linear.gather [hbm4b:s15+s11], $0x190, $0x38;
	[tilespmem:$0x1BA30] =	vst v63  }
0x4e: {  	_ =	swait.ge [sflag:s22], $0x190  }
0x4f: {  	[sflag:s22] =	ssyncset.done $0x0  }
0x50: {  	s18 =	rddreg [dreg:$0x8];
	[sflag:s22] =	ssyncadd.s32 $0xFFFFFE70  }
0x51: {  	[tilespmem:s25], [sflag:$0x5] =	stream.linear.gather [hbm4b:s18+s11], $0x190, $0x38;
	[tilespmem:$0x1BA30] =	vst v63  }
0x52: {  	_ =	swait.ge [sflag:s22], $0x190  }
0x53: {  	[sflag:s22] =	ssyncset.done $0x0  }
0x54: {  	[sflag:s22] =	ssyncadd.s32 $0xFFFFFE70  }
0x55: {  	[tilespmem:s21], [sflag:$0x1] =	stream.indirect.gather [hbm4b:s13+s26], $0x40, s24, s26, $0xb8;
	[tilespmem:$0x1BA30] =	vst v63  }
0x56: {  	s19 =	rddreg [dreg:$0x9]  }
0x57: {  	[tilespmem:s28], [sflag:$0x5] =	stream.linear.gather [hbm4b:s19+s11], $0x190, $0x38;
	[tilespmem:$0x1BA30] =	vst v63  }
0x58: {  	_ =	swait.ge [sflag:s22], $0x190  }
0x59: {  	[sflag:s22] =	ssyncset.done $0x0  }
0x5a: {  	s20 =	rddreg [dreg:$0xa];
	[sflag:s22] =	ssyncadd.s32 $0xFFFFFE70  }
0x5b: {  	[tilespmem:s29], [sflag:$0x5] =	stream.linear.gather [hbm4b:s20+s11], $0x190, $0x38;
	[tilespmem:$0x1BA30] =	vst v63  }
0x5c: {  	_ =	swait.ge [sflag:s22], $0x190  }
0x5d: {  	[sflag:s22] =	ssyncset.done $0x0  }
0x5e: {  	s12 =	simm.s32 $0x0;
	[sflag:s22] =	ssyncadd.s32 $0xFFFFFE70  }
0x5f: {  	[tilespmem:s30], [sflag:$0x2] =	stream.indirect.gather [hbm4b:s13+s26], $0x40, s28, s26, $0xb8;
	[tilespmem:$0x1BA30] =	vst v63  }
.LBB2_4:
0x60: {  	_ =	swait.ge [sflag:s31], $0x6400  }
0x61: {  	[sflag:s31] =	ssyncset.done $0x0  }
0x62: {  	[sflag:s31] =	ssyncadd.s32 $0xFFFF9C00  }
0x63: {  	v1 =	vld [tilespmem:$0x4E20]  }
0x64: {  	v2 =	vld [tilespmem:$0x4FB0];
	_ =	sdelay $0x6  }
0x65: {  	v1 =	vld.idx.msk [tilespmem:v1+s11+$0x0], $0xffff  }
0x66: {  	v2 =	vld.idx.msk [tilespmem:v2+s23+$0x0], $0xffff;
	_ =	sdelay $0x4  }
0x67: {  	v1 =	vadd.f32 v2, v1;
	_ =	sdelay $0x1  }
0x68: {  	v2 =	vmul.f32 $1.442695020e+00, v1;
	_ =	sdelay $0x1  }
0x69: {  	(erf) = vpow2.f32 v2;
	_ =	sdelay $0x8  }
0x6a: {  	v2 =	vpop (erf)  }
0x6b: {  	v2 =	vadd.f32 $-1.000000000e+00, v2;
	_ =	sdelay $0x1  }
0x6c: {  	v2 =	vmul.f32 $1.673263190e+00, v2  }
0x6d: {  	vm0 =	vgt.f32 v1, $0.0e+00  }
0x6e: {  	v1 =	vsel vm0, v1, v2  }
0x6f: {  	v1 =	vmul.f32 $-1.050701020e+00, v1;
	_ =	sdelay $0x1  }
0x70: {  	v1 =	vadd.f32 $0.0e+00, v1;
	_ =	sdelay $0x1  }
0x71: {  	v1 =	vmul.f32 $1.442695020e+00, v1;
	_ =	sdelay $0x1  }
0x72: {  	(erf) = vpow2.f32 v1;
	_ =	sdelay $0x8  }
0x73: {  	v1 =	vpop (erf)  }
0x74: {  	v1 =	vadd.f32 $1.000000000e+00, v1;
	_ =	sdelay $0x1  }
0x75: {  	(erf) = vrcp.f32 v1;
	_ =	sdelay $0x2  }
0x76: {  	s15 =	simm.s32 $0x1;
	v1 =	vmov s11  }
0x77: {  	s18 =	simm.s32 $0x2;
	v3 =	vmov s15;
	v1 =	vand.u32 $0xFFFFFFFC, v1  }
0x78: {  	s14 =	simm.s32 $0x3;
	v4 =	vbroadcast v1, $0x0;
	v1 =	vand.u32 $0xFFFFFFFD, v3;
	v3 =	vmov s18  }
0x79: {  	v2 =	vmov s14;
	v5 =	vbroadcast v1, $0x0;
	v1 =	vand.u32 $0xFFFFFFFE, v3;
	_ =	sdelay $0x1  }
0x7a: {  	v6 =	vbroadcast v1, $0x0  }
0x7b: {  	v1 =	vpop (erf)  }
0x7c: {  	[tilespmem:$0x11C60] =	vst v1  }
0x7d: {  	v1 =	vld.idx.msk [tilespmem:v2+s0+$0x0], $0xffff  }
0x7e: {  	v8 =	vld.idx.msk [tilespmem:v4+s0+$0x0], $0xffff  }
0x7f: {  	v3 =	vld.idx.msk [tilespmem:v5+s0+$0x0], $0xffff  }
0x80: {  	s14 =	simm.s32 $0x54E0;
	v2 =	vld.idx.msk [tilespmem:v6+s0+$0x0], $0xffff  }
0x81: {  	v4 =	vld [tilespmem:s14+$0x30]  }
0x82: {  	v5 =	vld [tilespmem:s14+$0xFFFFFF80]  }
0x83: {  	v6 =	vld [tilespmem:s14+$0xFFFFFF90]  }
0x84: {  	v7 =	vld [tilespmem:s14+$0xFFFFFFA0]  }
0x85: {  	v9 =	vld [tilespmem:s14+$0xFFFFFFB0]  }
0x86: {  	v10 =	vld [tilespmem:s14+$0xFFFFFFC0];
	v11 =	vmul.f32 v4, v2  }
0x87: {  	v12 =	vmul.f32 v5, v8;
	v5 =	vld [tilespmem:s14+$0xFFFFFFD0]  }
0x88: {  	s19 =	simm.s32 $0x4;
	v13 =	vmul.f32 v6, v8;
	v4 =	vld [tilespmem:s14+$0xFFFFFFE0];
	[tilespmem:s14+$0x30] =	vst v11  }
0x89: {  	s20 =	simm.s32 $0x7;
	v6 =	vmov s19;
	[tilespmem:s14+$0xFFFFFF80] =	vst v12;
	v12 =	vmul.f32 v7, v8;
	v7 =	vld [tilespmem:s14+$0xFFFFFFF0]  }
0x8a: {  	s18 =	simm.s32 $0x5;
	v14 =	vand.u32 $0xFFFFFFFC, v6;
	v6 =	vmov s20;
	[tilespmem:s14+$0xFFFFFF90] =	vst v13;
	v11 =	vmul.f32 v9, v8;
	v9 =	vld [tilespmem:s14+$0x0]  }
0x8b: {  	s15 =	simm.s32 $0x54E0;
	s19 =	simm.s32 $0x6;
	v8 =	vbroadcast v14, $0x0;
	v13 =	vmov s18;
	s18 =	simm.s32 $0x8;
	[tilespmem:s14+$0xFFFFFFA0] =	vst v12;
	v12 =	vmul.f32 v10, v3;
	v10 =	vld [tilespmem:s14+$0x10]  }
.LBB2_5:
0x8c: {  	p1 =	slt.u32 s18, $0xC;
	v13 =	vand.u32 $0xFFFFFFFD, v13;
	v14 =	vmov s19;
	[tilespmem:s14+$0xFFFFFFB0] =	vst v11;
	v5 =	vmul.f32 v5, v3;
	v11 =	vld [tilespmem:s14+$0x20]  }
0x8d: {  	v13 =	vbroadcast v13, $0x0;
	v14 =	vand.u32 $0xFFFFFFFE, v14;
	[tilespmem:s14+$0xFFFFFFC0] =	vst v12;
	v4 =	vmul.f32 v4, v3;
	v12 =	vld [tilespmem:s14+$0x40]  }
0x8e: {  	v14 =	vbroadcast v14, $0x0;
	[tilespmem:s14+$0xFFFFFFD0] =	vst v5;
	v3 =	vmul.f32 v7, v3;
	v5 =	vld [tilespmem:s14+$0x50]  }
0x8f: {  	[tilespmem:s14+$0xFFFFFFE0] =	vst v4;
	v4 =	vmul.f32 v9, v2;
	v7 =	vld [tilespmem:s14+$0x60]  }
0x90: {  	[tilespmem:s14+$0xFFFFFFF0] =	vst v3;
	v3 =	vmul.f32 v10, v2;
	v9 =	vld [tilespmem:s14+$0x70]  }
0x91: {  	v6 =	vld.idx.msk [tilespmem:v6+s0+$0x0], $0xffff;
	[tilespmem:s14+$0x0] =	vst v4;
	v2 =	vmul.f32 v11, v2  }
0x92: {  	v8 =	vld.idx.msk [tilespmem:v8+s0+$0x0], $0xffff;
	[tilespmem:s14+$0x10] =	vst v3;
	v4 =	vmul.f32 v12, v1  }
0x93: {  	v3 =	vld.idx.msk [tilespmem:v13+s0+$0x0], $0xffff;
	[tilespmem:s14+$0x20] =	vst v2;
	v5 =	vmul.f32 v5, v1  }
0x94: {  	s14 =	sadd.s32 $0x100, s14;
	v2 =	vld.idx.msk [tilespmem:v14+s0+$0x0], $0xffff;
	[tilespmem:s15+$0x40] =	vst v4;
	v4 =	vmul.f32 v7, v1  }
0x95: {  	v7 =	vld [tilespmem:s14+$0x30];
	[tilespmem:s15+$0x50] =	vst v5;
	v9 =	vmul.f32 v9, v1  }
0x96: {  	v5 =	vld [tilespmem:s14+$0xFFFFFF80];
	[tilespmem:s15+$0x60] =	vst v4  }
0x97: {  	v1 =	vmov v6;
	v4 =	vld [tilespmem:s14+$0xFFFFFF90];
	[tilespmem:s15+$0x70] =	vst v9;
	s15 =	smov.u32 s14  }
0x98: {  	v6 =	vld [tilespmem:s14+$0xFFFFFFA0]  }
0x99: {  	v9 =	vld [tilespmem:s14+$0xFFFFFFB0]  }
0x9a: {  	v10 =	vld [tilespmem:s14+$0xFFFFFFC0];
	v7 =	vmul.f32 v7, v2  }
.Ltmp3:
0x9b: {  	v11 =	vmul.f32 v5, v8;
	v5 =	vld [tilespmem:s14+$0xFFFFFFD0];
	(pc) =	sbr.rel @p1 .LBB2_5-.Ltmp3, $4  }
0x9c: {  	v12 =	vmul.f32 v4, v8;
	v4 =	vld [tilespmem:s14+$0xFFFFFFE0];
	[tilespmem:s14+$0x30] =	vst v7  }
0x9d: {  	s19 =	sadd.s32 $0x3, s18;
	v13 =	vmov s18;
	[tilespmem:s14+$0xFFFFFF80] =	vst v11;
	v14 =	vmul.f32 v6, v8;
	v7 =	vld [tilespmem:s14+$0xFFFFFFF0]  }
0x9e: {  	s20 =	sadd.s32 $0x1, s18;
	v13 =	vand.u32 $0xFFFFFFFC, v13;
	v6 =	vmov s19;
	[tilespmem:s14+$0xFFFFFF90] =	vst v12;
	v11 =	vmul.f32 v9, v8;
	v9 =	vld [tilespmem:s14+$0x0]  }
0x9f: {  	s19 =	sadd.s32 $0x2, s18;
	s18 =	sadd.s32 $0x4, s18;
	v8 =	vbroadcast v13, $0x0;
	v13 =	vmov s20;
	[tilespmem:s14+$0xFFFFFFA0] =	vst v14;
	v12 =	vmul.f32 v10, v3;
	v10 =	vld [tilespmem:s14+$0x10]  }
0xa0: {  	v15 =	vld [tilespmem:s14+$0x20]  }
0xa1: {  	v16 =	vld [tilespmem:s14+$0x40]  }
0xa2: {  	v14 =	vmov s19;
	v17 =	vld [tilespmem:s14+$0x50]  }
0xa3: {  	v18 =	vld [tilespmem:s14+$0x60];
	[tilespmem:s14+$0xFFFFFFB0] =	vst v11;
	v5 =	vmul.f32 v5, v3;
	v14 =	vand.u32 $0xFFFFFFFE, v14  }
0xa4: {  	v11 =	vld [tilespmem:s14+$0x70];
	[tilespmem:s14+$0xFFFFFFC0] =	vst v12;
	v4 =	vmul.f32 v4, v3;
	v14 =	vbroadcast v14, $0x0  }
0xa5: {  	v13 =	vand.u32 $0xFFFFFFFD, v13;
	v6 =	vld.idx.msk [tilespmem:v6+s0+$0x0], $0xffff;
	s18 =	sadd.s32 $0x100, s14;
	[tilespmem:s14+$0xFFFFFFD0] =	vst v5;
	v3 =	vmul.f32 v7, v3  }
0xa6: {  	v13 =	vbroadcast v13, $0x0;
	v12 =	vld [tilespmem:s18+$0xFFFFFFA0];
	[tilespmem:s14+$0xFFFFFFE0] =	vst v4;
	v4 =	vmul.f32 v9, v2  }
0xa7: {  	v5 =	vld.idx.msk [tilespmem:v8+s0+$0x0], $0xffff;
	[tilespmem:s14+$0xFFFFFFF0] =	vst v3;
	v3 =	vmul.f32 v10, v2  }
0xa8: {  	v9 =	vld [tilespmem:s18+$0xFFFFFF80];
	[tilespmem:s14+$0x0] =	vst v4;
	v2 =	vmul.f32 v15, v2  }
0xa9: {  	v4 =	vld [tilespmem:s18+$0x30];
	[tilespmem:s14+$0x10] =	vst v3;
	v3 =	vmul.f32 v16, v1  }
0xaa: {  	[tilespmem:s14+$0x20] =	vst v2;
	v2 =	vmul.f32 v17, v1;
	v8 =	vld.idx.msk [tilespmem:v14+s0+$0x0], $0xffff  }
0xab: {  	v10 =	vld [tilespmem:s18+$0xFFFFFF90];
	[tilespmem:s15+$0x40] =	vst v3;
	v3 =	vmul.f32 v18, v1  }
0xac: {  	v7 =	vld.idx.msk [tilespmem:v13+s0+$0x0], $0xffff;
	v1 =	vmul.f32 v11, v1;
	[tilespmem:s15+$0x50] =	vst v2  }
0xad: {  	v2 =	vld [tilespmem:s18+$0xFFFFFFB0];
	[tilespmem:s15+$0x60] =	vst v3  }
0xae: {  	v3 =	vld [tilespmem:s18+$0xFFFFFFC0];
	[tilespmem:s15+$0x70] =	vst v1;
	v1 =	vmul.f32 v9, v5  }
0xaf: {  	v9 =	vld [tilespmem:s18+$0xFFFFFFD0];
	v4 =	vmul.f32 v4, v8  }
0xb0: {  	v11 =	vld [tilespmem:s18+$0xFFFFFFE0];
	v10 =	vmul.f32 v10, v5;
	[tilespmem:s18+$0xFFFFFF80] =	vst v1  }
0xb1: {  	v1 =	vmul.f32 v12, v5;
	[tilespmem:s18+$0x30] =	vst v4;
	v4 =	vld [tilespmem:s18+$0xFFFFFFF0]  }
0xb2: {  	[tilespmem:s18+$0xFFFFFF90] =	vst v10;
	v2 =	vmul.f32 v2, v5;
	v5 =	vld [tilespmem:s18+$0x0]  }
0xb3: {  	[tilespmem:s18+$0xFFFFFFA0] =	vst v1;
	v1 =	vmul.f32 v3, v7;
	v3 =	vld [tilespmem:s18+$0x10]  }
0xb4: {  	[tilespmem:s18+$0xFFFFFFB0] =	vst v2;
	v2 =	vmul.f32 v9, v7;
	v9 =	vld [tilespmem:s18+$0x20]  }
0xb5: {  	v10 =	vld [tilespmem:s18+$0x40];
	[tilespmem:s18+$0xFFFFFFC0] =	vst v1;
	v1 =	vmul.f32 v11, v7  }
0xb6: {  	[tilespmem:s18+$0xFFFFFFD0] =	vst v2;
	v2 =	vmul.f32 v4, v7;
	v4 =	vld [tilespmem:s18+$0x50]  }
0xb7: {  	[tilespmem:s18+$0xFFFFFFE0] =	vst v1;
	v1 =	vmul.f32 v5, v8;
	v5 =	vld [tilespmem:s18+$0x60]  }
0xb8: {  	[tilespmem:s18+$0xFFFFFFF0] =	vst v2;
	v2 =	vmul.f32 v3, v8;
	v3 =	vld [tilespmem:s18+$0x70]  }
0xb9: {  	[tilespmem:s18+$0x0] =	vst v1;
	v1 =	vmul.f32 v9, v8  }
0xba: {  	[tilespmem:s18+$0x10] =	vst v2;
	v2 =	vmul.f32 v10, v6  }
0xbb: {  	[tilespmem:s18+$0x20] =	vst v1;
	v1 =	vmul.f32 v4, v6  }
0xbc: {  	[tilespmem:s18+$0x40] =	vst v2;
	v2 =	vmul.f32 v5, v6  }
0xbd: {  	[tilespmem:s18+$0x50] =	vst v1;
	v1 =	vmul.f32 v3, v6  }
0xbe: {  	[tilespmem:s18+$0x60] =	vst v2  }
0xbf: {  	[tilespmem:s18+$0x70] =	vst v1  }
0xc0: {  	[spmem:s1] =	stream.indirect.scatter.add.f32 [tilespmem:s21], [sflag:$0x3], $0x40, s25, s26, $0xb8;
	[tilespmem:$0x1BA30] =	vst v63  }
0xc1: {  	_ =	swait.ge [sflag:s3], $0x6400  }
0xc2: {  	[sflag:s3] =	ssyncset.done $0x0  }
0xc3: {  	[sflag:s3] =	ssyncadd.s32 $0xFFFF9C00  }
0xc4: {  	v1 =	vld [tilespmem:$0x5140]  }
0xc5: {  	v2 =	vld [tilespmem:$0x52D0];
	_ =	sdelay $0x5  }
0xc6: {  	s18 =	simm.s32 $0x0  }
0xc7: {  	v1 =	vld.idx.msk [tilespmem:v1+s18+$0x0], $0xffff  }
0xc8: {  	v2 =	vld.idx.msk [tilespmem:v2+s23+$0x0], $0xffff;
	_ =	sdelay $0x4  }
0xc9: {  	v1 =	vadd.f32 v2, v1;
	_ =	sdelay $0x1  }
0xca: {  	v2 =	vmul.f32 $1.442695020e+00, v1;
	_ =	sdelay $0x1  }
0xcb: {  	(erf) = vpow2.f32 v2;
	_ =	sdelay $0x8  }
0xcc: {  	v2 =	vpop (erf)  }
0xcd: {  	v2 =	vadd.f32 $-1.000000000e+00, v2;
	_ =	sdelay $0x1  }
0xce: {  	v2 =	vmul.f32 $1.673263190e+00, v2  }
0xcf: {  	vm0 =	vgt.f32 v1, $0.0e+00  }
0xd0: {  	v1 =	vsel vm0, v1, v2  }
0xd1: {  	v1 =	vmul.f32 $-1.050701020e+00, v1;
	_ =	sdelay $0x1  }
0xd2: {  	v1 =	vadd.f32 $0.0e+00, v1;
	_ =	sdelay $0x1  }
0xd3: {  	v1 =	vmul.f32 $1.442695020e+00, v1;
	_ =	sdelay $0x1  }
0xd4: {  	(erf) = vpow2.f32 v1;
	_ =	sdelay $0x8  }
0xd5: {  	v1 =	vpop (erf)  }
0xd6: {  	v1 =	vadd.f32 $1.000000000e+00, v1;
	_ =	sdelay $0x1  }
0xd7: {  	(erf) = vrcp.f32 v1;
	_ =	sdelay $0x2  }
0xd8: {  	s20 =	simm.s32 $0x1;
	v1 =	vmov s18  }
0xd9: {  	s15 =	simm.s32 $0x2;
	v3 =	vmov s20;
	v1 =	vand.u32 $0xFFFFFFFC, v1  }
0xda: {  	s19 =	simm.s32 $0x3;
	v4 =	vbroadcast v1, $0x0;
	v1 =	vand.u32 $0xFFFFFFFD, v3;
	v3 =	vmov s15  }
0xdb: {  	v2 =	vmov s19;
	v5 =	vbroadcast v1, $0x0;
	v1 =	vand.u32 $0xFFFFFFFE, v3;
	_ =	sdelay $0x1  }
0xdc: {  	v6 =	vbroadcast v1, $0x0  }
0xdd: {  	v1 =	vpop (erf)  }
0xde: {  	[tilespmem:$0x11C60] =	vst v1  }
0xdf: {  	v1 =	vld.idx.msk [tilespmem:v2+s0+$0x0], $0xffff  }
0xe0: {  	v8 =	vld.idx.msk [tilespmem:v4+s0+$0x0], $0xffff  }
0xe1: {  	v3 =	vld.idx.msk [tilespmem:v5+s0+$0x0], $0xffff  }
0xe2: {  	s14 =	simm.s32 $0xB8E0;
	v2 =	vld.idx.msk [tilespmem:v6+s0+$0x0], $0xffff  }
0xe3: {  	v4 =	vld [tilespmem:s14+$0x30]  }
0xe4: {  	v5 =	vld [tilespmem:s14+$0xFFFFFF80]  }
0xe5: {  	v6 =	vld [tilespmem:s14+$0xFFFFFF90]  }
0xe6: {  	v7 =	vld [tilespmem:s14+$0xFFFFFFA0]  }
0xe7: {  	v9 =	vld [tilespmem:s14+$0xFFFFFFB0]  }
0xe8: {  	v10 =	vld [tilespmem:s14+$0xFFFFFFC0];
	v11 =	vmul.f32 v4, v2  }
0xe9: {  	v12 =	vmul.f32 v5, v8;
	v5 =	vld [tilespmem:s14+$0xFFFFFFD0]  }
0xea: {  	s18 =	simm.s32 $0x4;
	v13 =	vmul.f32 v6, v8;
	v4 =	vld [tilespmem:s14+$0xFFFFFFE0];
	[tilespmem:s14+$0x30] =	vst v11  }
0xeb: {  	s19 =	simm.s32 $0x7;
	v6 =	vmov s18;
	[tilespmem:s14+$0xFFFFFF80] =	vst v12;
	v12 =	vmul.f32 v7, v8;
	v7 =	vld [tilespmem:s14+$0xFFFFFFF0]  }
0xec: {  	s20 =	simm.s32 $0x5;
	v14 =	vand.u32 $0xFFFFFFFC, v6;
	v6 =	vmov s19;
	[tilespmem:s14+$0xFFFFFF90] =	vst v13;
	v11 =	vmul.f32 v9, v8;
	v9 =	vld [tilespmem:s14+$0x0]  }
0xed: {  	s15 =	simm.s32 $0xB8E0;
	s18 =	simm.s32 $0x8;
	s19 =	simm.s32 $0x6;
	v8 =	vbroadcast v14, $0x0;
	v13 =	vmov s20;
	[tilespmem:s14+$0xFFFFFFA0] =	vst v12;
	v12 =	vmul.f32 v10, v3;
	v10 =	vld [tilespmem:s14+$0x10]  }
.LBB2_7:
0xee: {  	p1 =	slt.u32 s18, $0xC;
	v13 =	vand.u32 $0xFFFFFFFD, v13;
	v14 =	vmov s19;
	[tilespmem:s14+$0xFFFFFFB0] =	vst v11;
	v5 =	vmul.f32 v5, v3;
	v11 =	vld [tilespmem:s14+$0x20]  }
0xef: {  	v13 =	vbroadcast v13, $0x0;
	v14 =	vand.u32 $0xFFFFFFFE, v14;
	[tilespmem:s14+$0xFFFFFFC0] =	vst v12;
	v4 =	vmul.f32 v4, v3;
	v12 =	vld [tilespmem:s14+$0x40]  }
0xf0: {  	v14 =	vbroadcast v14, $0x0;
	[tilespmem:s14+$0xFFFFFFD0] =	vst v5;
	v3 =	vmul.f32 v7, v3;
	v5 =	vld [tilespmem:s14+$0x50]  }
0xf1: {  	[tilespmem:s14+$0xFFFFFFE0] =	vst v4;
	v4 =	vmul.f32 v9, v2;
	v7 =	vld [tilespmem:s14+$0x60]  }
0xf2: {  	[tilespmem:s14+$0xFFFFFFF0] =	vst v3;
	v3 =	vmul.f32 v10, v2;
	v9 =	vld [tilespmem:s14+$0x70]  }
0xf3: {  	v6 =	vld.idx.msk [tilespmem:v6+s0+$0x0], $0xffff;
	[tilespmem:s14+$0x0] =	vst v4;
	v2 =	vmul.f32 v11, v2  }
0xf4: {  	v8 =	vld.idx.msk [tilespmem:v8+s0+$0x0], $0xffff;
	[tilespmem:s14+$0x10] =	vst v3;
	v4 =	vmul.f32 v12, v1  }
0xf5: {  	v3 =	vld.idx.msk [tilespmem:v13+s0+$0x0], $0xffff;
	[tilespmem:s14+$0x20] =	vst v2;
	v5 =	vmul.f32 v5, v1  }
0xf6: {  	s14 =	sadd.s32 $0x100, s14;
	v2 =	vld.idx.msk [tilespmem:v14+s0+$0x0], $0xffff;
	[tilespmem:s15+$0x40] =	vst v4;
	v4 =	vmul.f32 v7, v1  }
0xf7: {  	v7 =	vld [tilespmem:s14+$0x30];
	[tilespmem:s15+$0x50] =	vst v5;
	v9 =	vmul.f32 v9, v1  }
0xf8: {  	v5 =	vld [tilespmem:s14+$0xFFFFFF80];
	[tilespmem:s15+$0x60] =	vst v4  }
0xf9: {  	v1 =	vmov v6;
	v4 =	vld [tilespmem:s14+$0xFFFFFF90];
	[tilespmem:s15+$0x70] =	vst v9;
	s15 =	smov.u32 s14  }
0xfa: {  	v6 =	vld [tilespmem:s14+$0xFFFFFFA0]  }
0xfb: {  	v9 =	vld [tilespmem:s14+$0xFFFFFFB0]  }
0xfc: {  	v10 =	vld [tilespmem:s14+$0xFFFFFFC0];
	v7 =	vmul.f32 v7, v2  }
.Ltmp4:
0xfd: {  	v11 =	vmul.f32 v5, v8;
	v5 =	vld [tilespmem:s14+$0xFFFFFFD0];
	(pc) =	sbr.rel @p1 .LBB2_7-.Ltmp4, $4  }
0xfe: {  	v12 =	vmul.f32 v4, v8;
	v4 =	vld [tilespmem:s14+$0xFFFFFFE0];
	[tilespmem:s14+$0x30] =	vst v7  }
0xff: {  	s19 =	sadd.s32 $0x3, s18;
	v13 =	vmov s18;
	[tilespmem:s14+$0xFFFFFF80] =	vst v11;
	v14 =	vmul.f32 v6, v8;
	v7 =	vld [tilespmem:s14+$0xFFFFFFF0]  }
0x100: {  	s20 =	sadd.s32 $0x1, s18;
	v13 =	vand.u32 $0xFFFFFFFC, v13;
	v6 =	vmov s19;
	[tilespmem:s14+$0xFFFFFF90] =	vst v12;
	v11 =	vmul.f32 v9, v8;
	v9 =	vld [tilespmem:s14+$0x0]  }
0x101: {  	s19 =	sadd.s32 $0x2, s18;
	s18 =	sadd.s32 $0x4, s18;
	v8 =	vbroadcast v13, $0x0;
	v13 =	vmov s20;
	[tilespmem:s14+$0xFFFFFFA0] =	vst v14;
	v12 =	vmul.f32 v10, v3;
	v10 =	vld [tilespmem:s14+$0x10]  }
0x102: {  	v15 =	vld [tilespmem:s14+$0x20]  }
0x103: {  	v16 =	vld [tilespmem:s14+$0x40]  }
0x104: {  	v17 =	vld [tilespmem:s14+$0x50]  }
0x105: {  	v13 =	vand.u32 $0xFFFFFFFD, v13;
	v18 =	vld [tilespmem:s14+$0x60]  }
0x106: {  	v14 =	vmov s19;
	[tilespmem:s14+$0xFFFFFFB0] =	vst v11;
	v5 =	vmul.f32 v5, v3;
	v47 =	vld [tilespmem:s14+$0x70];
	v13 =	vbroadcast v13, $0x0  }
0x107: {  	v6 =	vld.idx.msk [tilespmem:v6+s0+$0x0], $0xffff;
	v14 =	vand.u32 $0xFFFFFFFE, v14;
	[tilespmem:s14+$0xFFFFFFC0] =	vst v12;
	v4 =	vmul.f32 v4, v3;
	v3 =	vmul.f32 v7, v3  }
0x108: {  	s18 =	sadd.s32 $0x100, s14;
	v48 =	vld.idx.msk [tilespmem:v8+s0+$0x0], $0xffff;
	v14 =	vbroadcast v14, $0x0;
	[tilespmem:s14+$0xFFFFFFD0] =	vst v5  }
0x109: {  	v52 =	vld [tilespmem:s18+$0x30];
	[tilespmem:s14+$0xFFFFFFF0] =	vst v3;
	v3 =	vmul.f32 v10, v2  }
0x10a: {  	v53 =	vld [tilespmem:s18+$0xFFFFFF80];
	[tilespmem:s14+$0xFFFFFFE0] =	vst v4;
	v49 =	vmul.f32 v9, v2;
	v2 =	vmul.f32 v15, v2  }
0x10b: {  	v54 =	vld [tilespmem:s18+$0xFFFFFF90];
	[tilespmem:s14+$0x10] =	vst v3;
	v3 =	vmul.f32 v16, v1  }
0x10c: {  	v55 =	vld [tilespmem:s18+$0xFFFFFFA0];
	[tilespmem:s14+$0x20] =	vst v2;
	v2 =	vmul.f32 v17, v1  }
0x10d: {  	v50 =	vld.idx.msk [tilespmem:v13+s0+$0x0], $0xffff;
	[tilespmem:s15+$0x40] =	vst v3;
	v3 =	vmul.f32 v18, v1  }
0x10e: {  	v51 =	vld.idx.msk [tilespmem:v14+s0+$0x0], $0xffff;
	v1 =	vmul.f32 v47, v1;
	[tilespmem:s15+$0x50] =	vst v2  }
0x10f: {  	v2 =	vld [tilespmem:s18+$0xFFFFFFB0];
	[tilespmem:s15+$0x60] =	vst v3  }
0x110: {  	v3 =	vld [tilespmem:s18+$0xFFFFFFC0];
	[tilespmem:s15+$0x70] =	vst v1;
	v1 =	vmul.f32 v53, v48  }
0x111: {  	v56 =	vld [tilespmem:s18+$0xFFFFFFD0];
	[tilespmem:s14+$0x0] =	vst v49;
	v10 =	vmul.f32 v54, v48  }
0x112: {  	v57 =	vld [tilespmem:s18+$0xFFFFFFE0];
	[tilespmem:s18+$0xFFFFFF80] =	vst v1;
	v1 =	vmul.f32 v55, v48  }
0x113: {  	v58 =	vld [tilespmem:s18+$0xFFFFFFF0];
	[tilespmem:s18+$0xFFFFFF90] =	vst v10;
	v4 =	vmul.f32 v52, v51  }
0x114: {  	v59 =	vld [tilespmem:s18+$0x0];
	v2 =	vmul.f32 v2, v48;
	[tilespmem:s18+$0xFFFFFFA0] =	vst v1  }
0x115: {  	[tilespmem:s18+$0x30] =	vst v4;
	v1 =	vmul.f32 v3, v50;
	v3 =	vld [tilespmem:s18+$0x10]  }
0x116: {  	v60 =	vld [tilespmem:s18+$0x20];
	[tilespmem:s18+$0xFFFFFFB0] =	vst v2;
	v2 =	vmul.f32 v56, v50  }
0x117: {  	v61 =	vld [tilespmem:s18+$0x40];
	[tilespmem:s18+$0xFFFFFFC0] =	vst v1;
	v1 =	vmul.f32 v57, v50  }
0x118: {  	v62 =	vld [tilespmem:s18+$0x50];
	[tilespmem:s18+$0xFFFFFFD0] =	vst v2;
	v2 =	vmul.f32 v58, v50  }
0x119: {  	v63 =	vld [tilespmem:s18+$0x60];
	[tilespmem:s18+$0xFFFFFFE0] =	vst v1;
	v1 =	vmul.f32 v59, v51  }
0x11a: {  	[tilespmem:s18+$0xFFFFFFF0] =	vst v2;
	v2 =	vmul.f32 v3, v51;
	v3 =	vld [tilespmem:s18+$0x70]  }
0x11b: {  	[tilespmem:s18+$0x0] =	vst v1;
	v1 =	vmul.f32 v60, v51  }
0x11c: {  	[tilespmem:s18+$0x10] =	vst v2;
	v2 =	vmul.f32 v61, v6  }
0x11d: {  	[tilespmem:s18+$0x20] =	vst v1;
	v1 =	vmul.f32 v62, v6  }
0x11e: {  	[tilespmem:s18+$0x40] =	vst v2;
	v2 =	vmul.f32 v63, v6  }
0x11f: {  	[tilespmem:s18+$0x50] =	vst v1;
	v1 =	vmul.f32 v3, v6  }
0x120: {  	p1 =	seq.s32 s12, $0x18;
	[tilespmem:s18+$0x60] =	vst v2  }
.Ltmp5:
0x121: {  	[tilespmem:s18+$0x70] =	vst v1;
	(pc) =	sbr.rel @p1 .LBB2_10-.Ltmp5, $4  }
0x122: {  	[spmem:s1] =	stream.indirect.scatter.add.f32 [tilespmem:s30], [sflag:$0x4], $0x40, s29, s26, $0xb8;
	[tilespmem:$0x1BA30] =	vst v63  }
0x123: {  	_ =	swait.ge [sflag:s4], $0x6400  }
0x124: {  	[sflag:s4] =	ssyncset.done $0x0  }
0x125: {  	[sflag:s4] =	ssyncadd.s32 $0xFFFF9C00  }
0x126: {  	s14 =	smul.u32 $0x320, s12;
	_ =	sdelay $0x1  }
0x127: {  	s15 =	sadd.s32 s14, s16  }
0x128: {  	s15 =	sshrl.u32 s15, $0x3  }
0x129: {  	s18 =	sadd.s32 s6, s15  }
0x12a: {  	[tilespmem:s24], [sflag:$0x5] =	stream.linear.gather [hbm4b:s18+s2], $0x190, $0x38;
	[tilespmem:$0x1BA30] =	vst v63  }
0x12b: {  	_ =	swait.ge [sflag:s22], $0x190  }
0x12c: {  	[sflag:s22] =	ssyncset.done $0x0  }
0x12d: {  	s15 =	sadd.s32 s7, s15;
	[sflag:s22] =	ssyncadd.s32 $0xFFFFFE70  }
0x12e: {  	[tilespmem:s25], [sflag:$0x5] =	stream.linear.gather [hbm4b:s15+s2], $0x190, $0x38;
	[tilespmem:$0x1BA30] =	vst v63  }
0x12f: {  	_ =	swait.ge [sflag:s22], $0x190  }
0x130: {  	[sflag:s22] =	ssyncset.done $0x0  }
0x131: {  	[sflag:s22] =	ssyncadd.s32 $0xFFFFFE70  }
0x132: {  	[tilespmem:s21], [sflag:$0x1] =	stream.indirect.gather [hbm4b:s13+s26], $0x40, s24, s26, $0xb8;
	[tilespmem:$0x1BA30] =	vst v63  }
0x133: {  	s14 =	sadd.s32 s14, s17;
	_ =	swait.ge [sflag:s5], $0x6400  }
0x134: {  	s14 =	sshrl.u32 s14, $0x3;
	[sflag:s5] =	ssyncset.done $0x0  }
0x135: {  	s20 =	sadd.s32 s6, s14;
	[sflag:s5] =	ssyncadd.s32 $0xFFFF9C00  }
0x136: {  	[tilespmem:s28], [sflag:$0x5] =	stream.linear.gather [hbm4b:s20+s2], $0x190, $0x38;
	[tilespmem:$0x1BA30] =	vst v63  }
0x137: {  	_ =	swait.ge [sflag:s22], $0x190  }
0x138: {  	[sflag:s22] =	ssyncset.done $0x0  }
0x139: {  	s14 =	sadd.s32 s7, s14;
	[sflag:s22] =	ssyncadd.s32 $0xFFFFFE70  }
0x13a: {  	[tilespmem:s29], [sflag:$0x5] =	stream.linear.gather [hbm4b:s14+s2], $0x190, $0x38;
	[tilespmem:$0x1BA30] =	vst v63  }
.Ltmp6:
0x13b: {  	_ = 	snop;
	(pc) =	sbr.rel .LBB2_4-.Ltmp6, $4  }
0x13c: {  	_ =	swait.ge [sflag:s22], $0x190  }
0x13d: {  	[sflag:s22] =	ssyncset.done $0x0  }
0x13e: {  	s12 =	sadd.s32 $0x1, s12;
	[sflag:s22] =	ssyncadd.s32 $0xFFFFFE70  }
0x13f: {  	[tilespmem:s30], [sflag:$0x2] =	stream.indirect.gather [hbm4b:s13+s26], $0x40, s28, s26, $0xb8;
	[tilespmem:$0x1BA30] =	vst v63  }
.LBB2_11:
0x140: {  	_ =	sfence.sel $0x180000  }
0x141: {  	[bflag:$0x0] =	sbarrier.arrive $0xFFFF  }
0x142: {  	_ =	strace $0x9000004D  }
0x143: {  	s0 =	stileid.u32;
	[bflag:$0x2] =	sbarrier.arrive $0xFFFF  }
0x144: {  	p0 =	sne.s32 s0, $0x0;
	s0 =	rddreg [dreg:$0x3]  }
0x145: {  	s0 =	sadd.s32 @!p0 $0x100000, s0  }
0x146: {  	[sflag:s0] =	ssyncadd.tile.s32 @!p0 $0x1;
	_ =	shalt  }
.Lfunc_end2:
_tile_overlayer_lowered:
.L_overlay_start_2:
0x147: {  	(tag) =	ssettag $0x2  }
0x148: {  	s0 =	rddreg [dreg:$0x0];
	s2 =	stileid.u32  }
0x149: {  	s1 =	rddreg [dreg:$0x1];
	p0 =	sne.s32 s2, $0x0  }
0x14a: {  	s3 =	rddreg [dreg:$0x2];
	[bflag:$0x3] =	sbarrier.arrive $0xFFFF;
	s2 =	simm.s32 @!p0 $0x1C05  }
0x14b: {  	[timem:s3], [sflag:s2] =	dma.local @!p0 [hbm:s0], s1  }
0x14c: {  	s0 =	simm.s32 @!p0 $0x5  }
0x14d: {  	_ =	swait.ge @!p0 [sflag:s0], s1  }
0x14e: {  	s1 =	ssub.s32 @!p0 $0x0, s1;
	[sflag:s0] =	ssyncset.done @!p0 $0x0  }
0x14f: {  	[sflag:s0] =	ssyncadd.s32 @!p0 s1  }
0x150: {  	[bflag:$0x3] =	sbarrier.arrive $0xFFFF  }
0x151: {  	_ =	shalt  }

// kernel: kernel.9.cloned.1.call-start
scs
__scs_entry_jumppad:
0x0: {  	(pc) =	sbr.rel $0x88, $3  }
0x1: {  	(tag) =	ssettag $0x0;
	lr =	simm.s32 $0x1  }
0x2: {  	[smem:$0x3F9D] =	sst lr;
	_ =	strace $0xD0000000  }
0x3: {  	_ = 	snop  }
0x4: {  	_ = 	snop  }
0x5: {  	_ = 	snop  }
0x6: {  	_ = 	snop  }
0x7: {  	_ = 	snop  }
__scs_overlays_trampoline_lowered:
0x8: {  	[smem:$0x3FAC] =	sst s0  }
0x9: {  	[smem:$0x3FAD] =	sst s1  }
0xa: {  	[smem:$0x3FAE] =	sst s2  }
0xb: {  	[smem:$0x3FAF] =	sst s3  }
0xc: {  	[smem:$0x3FB0] =	sst s4  }
0xd: {  	[smem:$0x3FB1] =	sst s5  }
0xe: {  	[smem:$0x3FB2] =	sst s6  }
0xf: {  	[smem:$0x3FB3] =	sst s7  }
0x10: {  	[smem:$0x3FB4] =	sst s8  }
0x11: {  	[smem:$0x3FB5] =	sst s9;
	s0 =	simm.s32 @!p0 $0x0  }
0x12: {  	s1 =	sld [smem:$0x3F9B];
	s0 =	simm.s32 @p0 $0x1  }
0x13: {  	[smem:$0x3FB6] =	sst s0;
	s0 =	simm.s32 @!p1 $0x0  }
0x14: {  	s2 =	sld [smem:$0x3F9A];
	s0 =	simm.s32 @p1 $0x1  }
0x15: {  	[smem:$0x3FB7] =	sst s0;
	s0 =	simm.s32 @!p2 $0x0  }
0x16: {  	s3 =	sld [smem:$0x3FDB];
	s0 =	simm.s32 @p2 $0x1  }
0x17: {  	s4 =	simm.s32 $0x1BF5;
	[smem:$0x3FB9] =	sst s0  }
0x18: {  	s0 =	sld [smem:$0x3F9C];
	_ =	swait.ge [sflag:s4], $0x0  }
0x19: {  	s7 =	sld [smem:$0x3F9D]  }
0x1a: {  	s8 =	sadd.s32 $0xFFFFE003, lr  }
0x1b: {  	s9 =	sadd.s32 $0xFFFFFEF7, lr;
	s5 =	simm.s32 $0xFFFFFFFF;
	p2 =	slt.u32 s8, $0xFFFFF086  }
0x1c: {  	p1 =	slt.u32 s9, $0xF7A;
	s5 =	simm.s32 @!p2 $0x0  }
0x1d: {  	s5 =	simm.s32 @p1 $0x1;
	p0 =	seq.s32 s7, s2  }
0x1e: {  	s7 =	smul.u32 @!p0 $0xF7A, s2;
	p2 =	seq.s32 @!p0 s5, $0x0  }
0x1f: {  	s9 =	smul.u32 $0xF7A, s1;
	s8 =	simm.s32 @!p0 $0x1BF5;
	p2 =	por !p2, p0  }
0x20: {  	[sflag:s8] =	ssyncset.s32 @!p0 $0xFFFFF086;
	s6 =	sadd.s32 @!p0 s3, s7;
	s7 =	simm.s32 @!p0 $0x108  }
0x21: {  	s3 =	sadd.s32 s3, s9;
	s6 =	sadd.s32 @!p0 $0x88, s6;
	s7 =	simm.s32 @p2 $0x1082  }
0x22: {  	[simem:s7], [sflag:s8] =	dma.local @!p0 [hbm:s6], $0xF7A  }
0x23: {  	s9 =	sor.u32 $0xD0000000, s2;
	s6 =	simm.s32 $0x108;
	_ =	swait.ge @!p0 [sflag:s8], $0x0  }
0x24: {  	s3 =	sadd.s32 $0x88, s3;
	s6 =	simm.s32 @!p1 $0x1082;
	[sflag:s4] =	ssyncset.s32 $0xFFFFF086  }
0x25: {  	[simem:s6], [sflag:s4] =	dma.local [hbm:s3], $0xF7A  }
0x26: {  	[smem:$0x3F9D] =	sst s1;
	(tag) =	ssettag s2;
	_ =	strace s9  }
0x27: {  	s1 =	sld [smem:$0x3FAD]  }
0x28: {  	s2 =	sld [smem:$0x3FAE]  }
0x29: {  	s4 =	sld [smem:$0x3FB0]  }
0x2a: {  	p0 =	seq.s32 s5, $0x0;
	s5 =	sld [smem:$0x3FB1]  }
0x2b: {  	s6 =	sld [smem:$0x3FB2]  }
0x2c: {  	s7 =	sld [smem:$0x3FB3]  }
0x2d: {  	s3 =	simm.s32 $0x108;
	s8 =	sld [smem:$0x3FB4]  }
0x2e: {  	s3 =	simm.s32 @!p0 $0x1082;
	s9 =	sld [smem:$0x3FB5]  }
0x2f: {  	lr =	sadd.s32 s0, s3;
	s0 =	sld [smem:$0x3FAC]  }
0x30: {  	s3 =	sld [smem:$0x3FAF]  }
0x31: {  	[smem:$0x3FB8] =	sst s10  }
0x32: {  	s10 =	sld [smem:$0x3FB6];
	_ =	sdelay $0x3  }
0x33: {  	p0 =	seq.s32 s10, $0x1;
	s10 =	sld [smem:$0x3FB8];
	_ =	sdelay $0x3  }
0x34: {  	[smem:$0x3FB8] =	sst s10  }
0x35: {  	s10 =	sld [smem:$0x3FB7];
	_ =	sdelay $0x3  }
0x36: {  	p1 =	seq.s32 s10, $0x1;
	s10 =	sld [smem:$0x3FB8];
	_ =	sdelay $0x3  }
0x37: {  	[smem:$0x3FB8] =	sst s10  }
0x38: {  	s10 =	sld [smem:$0x3FB9]  }
0x39: {  	_ = 	snop;
	(pc) =	sbr.ind lr, $3  }
0x3a: {  	_ = 	snop  }
0x3b: {  	_ = 	snop  }
0x3c: {  	p2 =	seq.s32 s10, $0x1;
	s10 =	sld [smem:$0x3FB8]  }
0x3d: {  	_ =	shalt  }
0x3e: {  	_ =	shalt  }
0x3f: {  	_ =	shalt  }
0x40: {  	_ =	shalt  }
0x41: {  	_ =	shalt  }
0x42: {  	_ =	shalt  }
0x43: {  	_ =	shalt  }
0x44: {  	_ =	shalt  }
0x45: {  	_ =	shalt  }
0x46: {  	_ =	shalt  }
0x47: {  	_ =	shalt  }
0x48: {  	_ =	shalt  }
0x49: {  	_ =	shalt  }
0x4a: {  	_ =	shalt  }
0x4b: {  	_ =	shalt  }
0x4c: {  	_ =	shalt  }
0x4d: {  	_ =	shalt  }
0x4e: {  	_ =	shalt  }
0x4f: {  	_ =	shalt  }
0x50: {  	_ =	shalt  }
0x51: {  	_ =	shalt  }
0x52: {  	_ =	shalt  }
0x53: {  	_ =	shalt  }
0x54: {  	_ =	shalt  }
0x55: {  	_ =	shalt  }
0x56: {  	_ =	shalt  }
0x57: {  	_ =	shalt  }
0x58: {  	_ =	shalt  }
0x59: {  	_ =	shalt  }
0x5a: {  	_ =	shalt  }
0x5b: {  	_ =	shalt  }
0x5c: {  	_ =	shalt  }
0x5d: {  	_ =	shalt  }
0x5e: {  	_ =	shalt  }
0x5f: {  	_ =	shalt  }
0x60: {  	_ =	shalt  }
0x61: {  	_ =	shalt  }
0x62: {  	_ =	shalt  }
0x63: {  	_ =	shalt  }
0x64: {  	_ =	shalt  }
0x65: {  	_ =	shalt  }
0x66: {  	_ =	shalt  }
0x67: {  	_ =	shalt  }
0x68: {  	_ =	shalt  }
0x69: {  	_ =	shalt  }
0x6a: {  	_ =	shalt  }
0x6b: {  	_ =	shalt  }
0x6c: {  	_ =	shalt  }
0x6d: {  	_ =	shalt  }
0x6e: {  	_ =	shalt  }
0x6f: {  	_ =	shalt  }
0x70: {  	_ =	shalt  }
0x71: {  	_ =	shalt  }
0x72: {  	_ =	shalt  }
0x73: {  	_ =	shalt  }
0x74: {  	_ =	shalt  }
0x75: {  	_ =	shalt  }
0x76: {  	_ =	shalt  }
0x77: {  	_ =	shalt  }
0x78: {  	_ =	shalt  }
0x79: {  	_ =	shalt  }
0x7a: {  	_ =	shalt  }
0x7b: {  	_ =	shalt  }
0x7c: {  	_ =	shalt  }
0x7d: {  	_ =	shalt  }
0x7e: {  	_ =	shalt  }
0x7f: {  	_ =	shalt  }
0x80: {  	_ =	shalt  }
0x81: {  	_ =	shalt  }
0x82: {  	_ =	shalt  }
0x83: {  	_ =	shalt  }
0x84: {  	_ =	shalt  }
0x85: {  	_ =	shalt  }
0x86: {  	_ =	shalt  }
0x87: {  	_ =	shalt  }
.Lfunc_end0:
.L_simem_size_0:
called_computation_lowered:
.L_overlay_start_0:
0x88: {  	s2 =	sld [smem:$0x3FD9]  }
0x89: {  	s3 =	sld [smem:$0x3FFE];
	_ =	sdelay $0x1  }
0x8a: {  	s1 =	srdreg.scid  }
0x8b: {  	s0 =	sand.u32 $0x1, s1  }
0x8c: {  	s17 =	sshll.u32 s0, $0xA;
	s2 =	sadd.s32 s3, s2  }
0x8d: {  	s2 =	sadd.s32 s2, s17  }
0x8e: {  	[smem:$0x3FC4] =	sst s2  }
0x8f: {  	_ = 	snop  }
0x90: {  	s2 =	sld [smem:$0x3FD0];
	(tm) =	ssettm $0x1  }
0x91: {  	s18 =	sld [smem:$0x3FFB];
	_ =	sdelay $0x3  }
0x92: {  	_ =	strace s18  }
0x93: {  	s3 =	sld [smem:$0x3FFC];
	_ =	sdelay $0x3  }
0x94: {  	_ =	strace s3  }
0x95: {  	s3 =	sld [smem:$0x3FFD];
	_ =	sdelay $0x3  }
0x96: {  	_ =	strace s3  }
0x97: {  	_ =	strace $0x8FFFFFFF  }
0x98: {  	s19 =	sld [smem:$0x3FDB];
	_ =	sdelay $0x1  }
0x99: {  	s4 =	simm.s32 $_scs_section_size  }
0x9a: {  	s5 =	simm.s32 $_size__tile_overlayer_lowered;
	s6 =	simm.s32 $_tile_overlayer_lowered  }
0x9b: {  	s22 =	simm.s32 $0x1BFF;
	s21 =	sshll.u32 s6, $0x1;
	s3 =	sadd.s32 s4, s19  }
0x9c: {  	s7 =	simm.s32 $0x0;
	s20 =	sshll.u32 s5, $0x1;
	s5 =	sadd.s32 s21, s3  }
0x9d: {  	[timem:s7], [sflag:s22] =	dma.local [hbm:s5], s20  }
0x9e: {  	_ =	swait.ge [sflag:s22], s20  }
0x9f: {  	s4 =	ssub.s32 $0x0, s20;
	[sflag:s22] =	ssyncset.done $0x0  }
0xa0: {  	[sflag:s22] =	ssyncadd.s32 s4;
	_ =	sdelay $0x1  }
0xa1: {  	s23 =	simm.s32 $0x1B8B  }
0xa2: {  	_ =	swait.ge [sflag:s23], $0x1  }
0xa3: {  	[sflag:s23] =	ssyncset.done $0x0  }
0xa4: {  	s25 =	simm.s32 $0x1B8E;
	s24 =	sld [smem:$0x3FFE];
	[sflag:s23] =	ssyncadd.s32 $0xFFFFFFFF  }
0xa5: {  	s26 =	simm.s32 $execute0_lowered;
	[smem:$0x3FD2] =	sst s25  }
0xa6: {  	s5 =	sshll.u32 s26, $0x1;
	_ =	strace $0x80000046;
	[dreg:$0x1] =	wrdreg $0xFFFFFFFF  }
0xa7: {  	s28 =	simm.s32 $_size_execute0_lowered;
	s3 =	sadd.s32 s3, s5;
	[dreg:$0x0] =	wrdreg $0x0  }
0xa8: {  	s5 =	sshll.u32 s28, $0x1;
	[dreg:$0x2] =	wrdreg s3  }
0xa9: {  	[dreg:$0x3] =	wrdreg s5  }
0xaa: {  	[dreg:$0x4] =	wrdreg $0xC0  }
0xab: {  	_ =	task [dreg:s7], $0x5FFFF  }
0xac: {  	[dreg:$0x1] =	wrdreg $0xFFFFFFFF  }
0xad: {  	[dreg:$0x0] =	wrdreg $0x60  }
0xae: {  	[dreg:$0x2] =	wrdreg s2  }
0xaf: {  	[dreg:$0x3] =	wrdreg s24  }
0xb0: {  	[dreg:$0x4] =	wrdreg $0x11DF00  }
0xb1: {  	[dreg:$0x5] =	wrdreg $0x9  }
0xb2: {  	_ =	task.clear_ibuf [dreg:s7], $0x6FFFF;
	_ =	strace $0x90000046  }
0xb3: {  	s29 =	simm.s32 $0x9;
	_ =	strace $0x80000048  }
0xb4: {  	_ =	swait.ge [sflag:s29], $0x1  }
0xb5: {  	[sflag:s29] =	ssyncadd.s32 $0xFFFFFFFF  }
0xb6: {  	_ =	strace $0x90000048  }
0xb7: {  	_ =	sfence  }
0xb8: {  	s30 =	sld [smem:$0x0];
	_ =	sdelay $0x2  }
0xb9: {  	s31 =	sshll.u32 s1, $0xD;
	s1 =	sshrl.u32 s1, $0x2  }
0xba: {  	s3 =	sand.u32 $0x4000, s31;
	s1 =	sadd.s32 s1, s30  }
0xbb: {  	s0 =	sor.u32 s3, s0;
	s1 =	sshll.u32 s1, $0x11  }
0xbc: {  	s0 =	sor.u32 s1, s0  }
0xbd: {  	s0 =	sadd.s32 $0x8F2B, s0  }
0xbe: {  	[sflag:s0] =	ssyncadd.remote.s32 $0x1  }
0xbf: {  	_ =	sfence.sel $0xFFFF  }
0xc0: {  	[dreg:$0x0] =	wrdreg $0xFFFFFFFF;
	(pc) =	sbr.abs _section_cstart, $3  }
0xc1: {  	[dreg:$0x1] =	wrdreg $0xFFFFFFFF  }
0xc2: {  	_ =	task.clear_ibuf [dreg:s7], $0x2FFFF;
	_ =	strace $0x9FFFFFFF  }
0xc3: {  	(tm) =	ssettm $0x7FFFFFFF  }
tec
execute0_lowered:
.L_overlay_start_1:
0x0: {  	(tag) =	ssettag $0x1  }
0x1: {  	s0 =	rddreg [dreg:$0x0]  }
0x2: {  	s3 =	rddreg [dreg:$0x1]  }
0x3: {  	s1 =	rddreg [dreg:$0x2]  }
0x4: {  	s2 =	simm.s32 $0x0;
	s18 =	srdreg.scid;
	s15 =	stileid.u32  }
0x5: {  	s28 =	simm.s32 $0x5140;
	s29 =	simm.s32 $0x52D0;
	s30 =	simm.s32 $0xB860  }
0x6: {  	s31 =	simm.s32 $0x1;
	[smem:$0x7FF] =	sst s2;
	s4 =	sadd.s32 $0x3FA00, s3  }
0x7: {  	s17 =	sadd.s32 $0x40000, s3;
	s6 =	sadd.s32 $0xEA00, s3;
	s5 =	smul.u32 $0x9C00, s15  }
0x8: {  	s7 =	sadd.s32 $0x4C00, s3;
	s9 =	smul.u32 $0x27000, s15;
	s3 =	sadd.s32 $0x40600, s3  }
0x9: {  	s11 =	smul.u32 $0x4E20, s15;
	_ =	strace $0x80000047;
	[dreg:$0x4] =	wrdreg s4  }
0xa: {  	p0 =	sne.s32 s15, $0xF;
	[dreg:$0x5] =	wrdreg s17;
	s4 =	sand.u32 $0x1, s18  }
0xb: {  	s8 =	ssub.s32 $0x2, s4;
	s9 =	sshrl.u32 s9, $0x2;
	s13 =	sshrl.u32 s11, $0x3  }
0xc: {  	s4 =	smul.u32 $0x9C400, s4;
	s16 =	sadd.s32 $0x320, s11;
	s17 =	sadd.s32 $0x4B0, s11  }
0xd: {  	s10 =	sshrl.u32 s8, $0x1;
	s9 =	sadd.s32 s9, s1;
	s19 =	sadd.s32 s6, s13  }
0xe: {  	s20 =	sadd.s32 s7, s13;
	s14 =	sadd.s32 $0x32, s13;
	s12 =	ssub.s32 s8, s10  }
0xf: {  	s8 =	sadd.s32 s5, s1;
	s9 =	sadd.s32 $0x6400, s9;
	[dreg:$0x7] =	wrdreg s19  }
0x10: {  	s10 =	sadd.s32 $0x9C000, s1;
	[dreg:$0x8] =	wrdreg s20;
	s21 =	sshrl.u32 s4, $0x3  }
0x11: {  	s22 =	sadd.s32 s6, s14;
	s23 =	sadd.s32 s5, s4;
	[dreg:$0x6] =	wrdreg s9  }
0x12: {  	s24 =	sadd.s32 s7, s14;
	s4 =	simm.s32 $0x3;
	[dreg:$0x9] =	wrdreg s22  }
0x13: {  	s5 =	simm.s32 $0x4;
	s13 =	sadd.s32 s0, s21;
	[dreg:$0xa] =	wrdreg s24  }
0x14: {  	s0 =	sshrl.u32 s23, $0x3;
	s25 =	sadd.s32 s3, s21;
	s26 =	smax.u32 s12, $0x1  }
.Ltmp0:
0x15: {  	s21 =	simm.s32 $0x5460;
	s22 =	simm.s32 $0x5;
	(pc) =	sbr.rel .LBB2_1-.Ltmp0, $4  }
0x16: {  	s23 =	simm.s32 $0x2710;
	s24 =	simm.s32 $0x4E20;
	s9 =	simm.s32 $0x0  }
0x17: {  	s0 =	sadd.s32 s3, s0;
	[dreg:$0xd] =	wrdreg s26;
	s26 =	simm.s32 $0x190  }
0x18: {  	s3 =	simm.s32 $0x2;
	[dreg:$0xb] =	wrdreg s0;
	s0 =	sadd.s32 $0x13800, s25  }
0x19: {  	v0 =	vimm.f32 $0.0e+00;
	s25 =	simm.s32 $0x4FB0;
	[dreg:$0xc] =	wrdreg s0;
	s0 =	simm.s32 $0x11C60  }
.LBB2_10:
0x1a: {  	_ =	swait.ge [sflag:s5], $0x6400  }
0x1b: {  	[sflag:s5] =	ssyncset.done $0x0  }
0x1c: {  	s11 =	stileid.u32;
	[sflag:s5] =	ssyncadd.s32 $0xFFFF9C00  }
0x1d: {  	s11 =	sshll.u32 s11, $0x6;
	[bflag:$0x0] =	sbarrier.arrive $0xFFFF  }
0x1e: {  	s12 =	sshrl.u32 s8, $0x3;
	s11 =	sor.u32 $0x1C05, s11;
	s14 =	rddreg [dreg:$0xb]  }
0x1f: {  	[hbm:s14], [sflag:s11] =	dma.local [spmem:s12], $0x1380  }
0x20: {  	_ =	swait.ge [sflag:s22], $0x1380  }
0x21: {  	[sflag:s22] =	ssyncset.done $0x0  }
0x22: {  	s12 =	sshrl.u32 @!p0 s10, $0x3;
	s14 =	rddreg [dreg:$0xc];
	[sflag:s22] =	ssyncadd.s32 $0xFFFFEC80  }
0x23: {  	[hbm:s14], [sflag:s11] =	dma.local @!p0 [spmem:s12], $0x80  }
0x24: {  	s11 =	simm.s32 @!p0 $0x5  }
0x25: {  	_ =	swait.ge @!p0 [sflag:s11], $0x80  }
0x26: {  	s9 =	sadd.s32 $0x1, s9;
	s20 =	rddreg [dreg:$0xd]  }
0x27: {  	p1 =	sne.s32 s9, s20  }
.Ltmp1:
0x28: {  	_ = 	snop;
	(pc) =	sbr.rel @!p1 .LBB2_11-.Ltmp1, $3  }
0x29: {  	_ =	sdelay $0x1  }
0x2a: {  	[sflag:s11] =	ssyncset.done @!p0 $0x0  }
0x2b: {  	[sflag:s11] =	ssyncadd.s32 @!p0 $0xFFFFFF80  }
.LBB2_1:
0x2c: {  	s12 =	simm.s32 $0x100;
	s11 =	simm.s32 $0x0  }
.LBB2_2:
0x2d: {  	p1 =	sne.s32 s12, $0x18F00;
	[tilespmem:s11+$0x5490] =	vst v0;
	s14 =	smov.u32 s12;
	s12 =	sadd.s32 $0x100, s12  }
.Ltmp2:
0x2e: {  	[tilespmem:s11+$0x5480] =	vst v0;
	(pc) =	sbr.rel @p1 .LBB2_2-.Ltmp2, $3  }
0x2f: {  	[tilespmem:s11+$0x5460] =	vst v0  }
0x30: {  	[tilespmem:s11+$0x5470] =	vst v0;
	_ =	sdelay $0x1  }
0x31: {  	s11 =	sshra.s32 s14, $0x2  }
0x32: {  	[tilespmem:s11+$0x5490] =	vst v0  }
0x33: {  	[tilespmem:s11+$0x5480] =	vst v0  }
0x34: {  	[tilespmem:s11+$0x5460] =	vst v0  }
0x35: {  	[tilespmem:s11+$0x5470] =	vst v0  }
0x36: {  	[spmem:s8] =	stream.linear.scatter [tilespmem:s21], [sflag:$0x5], $0x6400, $0x38;
	[tilespmem:$0x1BA30] =	vst v63  }
0x37: {  	_ =	swait.ge [sflag:s22], $0x6400  }
0x38: {  	[sflag:s22] =	ssyncset.done $0x0  }
0x39: {  	s12 =	rddreg [dreg:$0x6];
	[sflag:s22] =	ssyncadd.s32 $0xFFFF9C00  }
0x3a: {  	[spmem:s12] =	stream.linear.scatter [tilespmem:s21], [sflag:$0x5], $0x3800, $0x38;
	[tilespmem:$0x1BA30] =	vst v63  }
0x3b: {  	_ =	swait.ge [sflag:s22], $0x3800  }
0x3c: {  	[sflag:s22] =	ssyncset.done $0x0  }
0x3d: {  	s11 =	simm.s32 @!p0 $0x5460;
	[sflag:s22] =	ssyncadd.s32 $0xFFFFC800  }
0x3e: {  	[spmem:s10] =	stream.linear.scatter @!p0 [tilespmem:s11], [sflag:$0x5], $0x400, $0x38;
	[tilespmem:$0x1BA30] =	vst v63  }
0x3f: {  	s11 =	simm.s32 @!p0 $0x5  }
0x40: {  	_ =	swait.ge @!p0 [sflag:s11], $0x400  }
0x41: {  	[sflag:s11] =	ssyncset.done @!p0 $0x0  }
0x42: {  	s12 =	rddreg [dreg:$0x4];
	[sflag:s11] =	ssyncadd.s32 @!p0 $0xFFFFFC00;
	s11 =	simm.s32 $0x0  }
0x43: {  	[tilespmem:s11], [sflag:$0x5] =	stream.linear.gather [hbm4b:s12+s11], $0x2710, $0x38;
	[tilespmem:$0x1BA30] =	vst v63  }
0x44: {  	_ =	swait.ge [sflag:s22], $0x2710  }
0x45: {  	[sflag:s22] =	ssyncset.done $0x0  }
0x46: {  	s14 =	rddreg [dreg:$0x5];
	[sflag:s22] =	ssyncadd.s32 $0xFFFFD8F0  }
0x47: {  	[tilespmem:s23], [sflag:$0x5] =	stream.linear.gather [hbm4b:s14+s11], $0x2710, $0x38;
	[tilespmem:$0x1BA30] =	vst v63  }
0x48: {  	_ =	swait.ge [sflag:s22], $0x2710  }
0x49: {  	[sflag:s22] =	ssyncset.done $0x0  }
0x4a: {  	[sflag:s22] =	ssyncadd.s32 $0xFFFFD8F0  }
0x4b: {  	[bflag:$0x0] =	sbarrier.arrive $0xFFFF  }
0x4c: {  	s15 =	rddreg [dreg:$0x7]  }
0x4d: {  	[tilespmem:s24], [sflag:$0x5] =	stream.linear.gather [hbm4b:s15+s11], $0x190, $0x38;
	[tilespmem:$0x1BA30] =	vst v63  }
0x4e: {  	_ =	swait.ge [sflag:s22], $0x190  }
0x4f: {  	[sflag:s22] =	ssyncset.done $0x0  }
0x50: {  	s18 =	rddreg [dreg:$0x8];
	[sflag:s22] =	ssyncadd.s32 $0xFFFFFE70  }
0x51: {  	[tilespmem:s25], [sflag:$0x5] =	stream.linear.gather [hbm4b:s18+s11], $0x190, $0x38;
	[tilespmem:$0x1BA30] =	vst v63  }
0x52: {  	_ =	swait.ge [sflag:s22], $0x190  }
0x53: {  	[sflag:s22] =	ssyncset.done $0x0  }
0x54: {  	[sflag:s22] =	ssyncadd.s32 $0xFFFFFE70  }
0x55: {  	[tilespmem:s21], [sflag:$0x1] =	stream.indirect.gather [hbm4b:s13+s26], $0x40, s24, s26, $0xb8;
	[tilespmem:$0x1BA30] =	vst v63  }
0x56: {  	s19 =	rddreg [dreg:$0x9]  }
0x57: {  	[tilespmem:s28], [sflag:$0x5] =	stream.linear.gather [hbm4b:s19+s11], $0x190, $0x38;
	[tilespmem:$0x1BA30] =	vst v63  }
0x58: {  	_ =	swait.ge [sflag:s22], $0x190  }
0x59: {  	[sflag:s22] =	ssyncset.done $0x0  }
0x5a: {  	s20 =	rddreg [dreg:$0xa];
	[sflag:s22] =	ssyncadd.s32 $0xFFFFFE70  }
0x5b: {  	[tilespmem:s29], [sflag:$0x5] =	stream.linear.gather [hbm4b:s20+s11], $0x190, $0x38;
	[tilespmem:$0x1BA30] =	vst v63  }
0x5c: {  	_ =	swait.ge [sflag:s22], $0x190  }
0x5d: {  	[sflag:s22] =	ssyncset.done $0x0  }
0x5e: {  	s12 =	simm.s32 $0x0;
	[sflag:s22] =	ssyncadd.s32 $0xFFFFFE70  }
0x5f: {  	[tilespmem:s30], [sflag:$0x2] =	stream.indirect.gather [hbm4b:s13+s26], $0x40, s28, s26, $0xb8;
	[tilespmem:$0x1BA30] =	vst v63  }
.LBB2_4:
0x60: {  	_ =	swait.ge [sflag:s31], $0x6400  }
0x61: {  	[sflag:s31] =	ssyncset.done $0x0  }
0x62: {  	[sflag:s31] =	ssyncadd.s32 $0xFFFF9C00  }
0x63: {  	v1 =	vld [tilespmem:$0x4E20]  }
0x64: {  	v2 =	vld [tilespmem:$0x4FB0];
	_ =	sdelay $0x6  }
0x65: {  	v1 =	vld.idx.msk [tilespmem:v1+s11+$0x0], $0xffff  }
0x66: {  	v2 =	vld.idx.msk [tilespmem:v2+s23+$0x0], $0xffff;
	_ =	sdelay $0x4  }
0x67: {  	v1 =	vadd.f32 v2, v1;
	_ =	sdelay $0x1  }
0x68: {  	v2 =	vmul.f32 $1.442695020e+00, v1;
	_ =	sdelay $0x1  }
0x69: {  	(erf) = vpow2.f32 v2;
	_ =	sdelay $0x8  }
0x6a: {  	v2 =	vpop (erf)  }
0x6b: {  	v2 =	vadd.f32 $-1.000000000e+00, v2;
	_ =	sdelay $0x1  }
0x6c: {  	v2 =	vmul.f32 $1.673263190e+00, v2  }
0x6d: {  	vm0 =	vgt.f32 v1, $0.0e+00  }
0x6e: {  	v1 =	vsel vm0, v1, v2  }
0x6f: {  	v1 =	vmul.f32 $-1.050701020e+00, v1;
	_ =	sdelay $0x1  }
0x70: {  	v1 =	vadd.f32 $0.0e+00, v1;
	_ =	sdelay $0x1  }
0x71: {  	v1 =	vmul.f32 $1.442695020e+00, v1;
	_ =	sdelay $0x1  }
0x72: {  	(erf) = vpow2.f32 v1;
	_ =	sdelay $0x8  }
0x73: {  	v1 =	vpop (erf)  }
0x74: {  	v1 =	vadd.f32 $1.000000000e+00, v1;
	_ =	sdelay $0x1  }
0x75: {  	(erf) = vrcp.f32 v1;
	_ =	sdelay $0x2  }
0x76: {  	s15 =	simm.s32 $0x1;
	v1 =	vmov s11  }
0x77: {  	s18 =	simm.s32 $0x2;
	v3 =	vmov s15;
	v1 =	vand.u32 $0xFFFFFFFC, v1  }
0x78: {  	s14 =	simm.s32 $0x3;
	v4 =	vbroadcast v1, $0x0;
	v1 =	vand.u32 $0xFFFFFFFD, v3;
	v3 =	vmov s18  }
0x79: {  	v2 =	vmov s14;
	v5 =	vbroadcast v1, $0x0;
	v1 =	vand.u32 $0xFFFFFFFE, v3;
	_ =	sdelay $0x1  }
0x7a: {  	v6 =	vbroadcast v1, $0x0  }
0x7b: {  	v1 =	vpop (erf)  }
0x7c: {  	[tilespmem:$0x11C60] =	vst v1  }
0x7d: {  	v1 =	vld.idx.msk [tilespmem:v2+s0+$0x0], $0xffff  }
0x7e: {  	v8 =	vld.idx.msk [tilespmem:v4+s0+$0x0], $0xffff  }
0x7f: {  	v3 =	vld.idx.msk [tilespmem:v5+s0+$0x0], $0xffff  }
0x80: {  	s14 =	simm.s32 $0x54E0;
	v2 =	vld.idx.msk [tilespmem:v6+s0+$0x0], $0xffff  }
0x81: {  	v4 =	vld [tilespmem:s14+$0x30]  }
0x82: {  	v5 =	vld [tilespmem:s14+$0xFFFFFF80]  }
0x83: {  	v6 =	vld [tilespmem:s14+$0xFFFFFF90]  }
0x84: {  	v7 =	vld [tilespmem:s14+$0xFFFFFFA0]  }
0x85: {  	v9 =	vld [tilespmem:s14+$0xFFFFFFB0]  }
0x86: {  	v10 =	vld [tilespmem:s14+$0xFFFFFFC0];
	v11 =	vmul.f32 v4, v2  }
0x87: {  	v12 =	vmul.f32 v5, v8;
	v5 =	vld [tilespmem:s14+$0xFFFFFFD0]  }
0x88: {  	s19 =	simm.s32 $0x4;
	v13 =	vmul.f32 v6, v8;
	v4 =	vld [tilespmem:s14+$0xFFFFFFE0];
	[tilespmem:s14+$0x30] =	vst v11  }
0x89: {  	s20 =	simm.s32 $0x7;
	v6 =	vmov s19;
	[tilespmem:s14+$0xFFFFFF80] =	vst v12;
	v12 =	vmul.f32 v7, v8;
	v7 =	vld [tilespmem:s14+$0xFFFFFFF0]  }
0x8a: {  	s18 =	simm.s32 $0x5;
	v14 =	vand.u32 $0xFFFFFFFC, v6;
	v6 =	vmov s20;
	[tilespmem:s14+$0xFFFFFF90] =	vst v13;
	v11 =	vmul.f32 v9, v8;
	v9 =	vld [tilespmem:s14+$0x0]  }
0x8b: {  	s15 =	simm.s32 $0x54E0;
	s19 =	simm.s32 $0x6;
	v8 =	vbroadcast v14, $0x0;
	v13 =	vmov s18;
	s18 =	simm.s32 $0x8;
	[tilespmem:s14+$0xFFFFFFA0] =	vst v12;
	v12 =	vmul.f32 v10, v3;
	v10 =	vld [tilespmem:s14+$0x10]  }
.LBB2_5:
0x8c: {  	p1 =	slt.u32 s18, $0xC;
	v13 =	vand.u32 $0xFFFFFFFD, v13;
	v14 =	vmov s19;
	[tilespmem:s14+$0xFFFFFFB0] =	vst v11;
	v5 =	vmul.f32 v5, v3;
	v11 =	vld [tilespmem:s14+$0x20]  }
0x8d: {  	v13 =	vbroadcast v13, $0x0;
	v14 =	vand.u32 $0xFFFFFFFE, v14;
	[tilespmem:s14+$0xFFFFFFC0] =	vst v12;
	v4 =	vmul.f32 v4, v3;
	v12 =	vld [tilespmem:s14+$0x40]  }
0x8e: {  	v14 =	vbroadcast v14, $0x0;
	[tilespmem:s14+$0xFFFFFFD0] =	vst v5;
	v3 =	vmul.f32 v7, v3;
	v5 =	vld [tilespmem:s14+$0x50]  }
0x8f: {  	[tilespmem:s14+$0xFFFFFFE0] =	vst v4;
	v4 =	vmul.f32 v9, v2;
	v7 =	vld [tilespmem:s14+$0x60]  }
0x90: {  	[tilespmem:s14+$0xFFFFFFF0] =	vst v3;
	v3 =	vmul.f32 v10, v2;
	v9 =	vld [tilespmem:s14+$0x70]  }
0x91: {  	v6 =	vld.idx.msk [tilespmem:v6+s0+$0x0], $0xffff;
	[tilespmem:s14+$0x0] =	vst v4;
	v2 =	vmul.f32 v11, v2  }
0x92: {  	v8 =	vld.idx.msk [tilespmem:v8+s0+$0x0], $0xffff;
	[tilespmem:s14+$0x10] =	vst v3;
	v4 =	vmul.f32 v12, v1  }
0x93: {  	v3 =	vld.idx.msk [tilespmem:v13+s0+$0x0], $0xffff;
	[tilespmem:s14+$0x20] =	vst v2;
	v5 =	vmul.f32 v5, v1  }
0x94: {  	s14 =	sadd.s32 $0x100, s14;
	v2 =	vld.idx.msk [tilespmem:v14+s0+$0x0], $0xffff;
	[tilespmem:s15+$0x40] =	vst v4;
	v4 =	vmul.f32 v7, v1  }
0x95: {  	v7 =	vld [tilespmem:s14+$0x30];
	[tilespmem:s15+$0x50] =	vst v5;
	v9 =	vmul.f32 v9, v1  }
0x96: {  	v5 =	vld [tilespmem:s14+$0xFFFFFF80];
	[tilespmem:s15+$0x60] =	vst v4  }
0x97: {  	v1 =	vmov v6;
	v4 =	vld [tilespmem:s14+$0xFFFFFF90];
	[tilespmem:s15+$0x70] =	vst v9;
	s15 =	smov.u32 s14  }
0x98: {  	v6 =	vld [tilespmem:s14+$0xFFFFFFA0]  }
0x99: {  	v9 =	vld [tilespmem:s14+$0xFFFFFFB0]  }
0x9a: {  	v10 =	vld [tilespmem:s14+$0xFFFFFFC0];
	v7 =	vmul.f32 v7, v2  }
.Ltmp3:
0x9b: {  	v11 =	vmul.f32 v5, v8;
	v5 =	vld [tilespmem:s14+$0xFFFFFFD0];
	(pc) =	sbr.rel @p1 .LBB2_5-.Ltmp3, $4  }
0x9c: {  	v12 =	vmul.f32 v4, v8;
	v4 =	vld [tilespmem:s14+$0xFFFFFFE0];
	[tilespmem:s14+$0x30] =	vst v7  }
0x9d: {  	s19 =	sadd.s32 $0x3, s18;
	v13 =	vmov s18;
	[tilespmem:s14+$0xFFFFFF80] =	vst v11;
	v14 =	vmul.f32 v6, v8;
	v7 =	vld [tilespmem:s14+$0xFFFFFFF0]  }
0x9e: {  	s20 =	sadd.s32 $0x1, s18;
	v13 =	vand.u32 $0xFFFFFFFC, v13;
	v6 =	vmov s19;
	[tilespmem:s14+$0xFFFFFF90] =	vst v12;
	v11 =	vmul.f32 v9, v8;
	v9 =	vld [tilespmem:s14+$0x0]  }
0x9f: {  	s19 =	sadd.s32 $0x2, s18;
	s18 =	sadd.s32 $0x4, s18;
	v8 =	vbroadcast v13, $0x0;
	v13 =	vmov s20;
	[tilespmem:s14+$0xFFFFFFA0] =	vst v14;
	v12 =	vmul.f32 v10, v3;
	v10 =	vld [tilespmem:s14+$0x10]  }
0xa0: {  	v15 =	vld [tilespmem:s14+$0x20]  }
0xa1: {  	v16 =	vld [tilespmem:s14+$0x40]  }
0xa2: {  	v14 =	vmov s19;
	v17 =	vld [tilespmem:s14+$0x50]  }
0xa3: {  	v18 =	vld [tilespmem:s14+$0x60];
	[tilespmem:s14+$0xFFFFFFB0] =	vst v11;
	v5 =	vmul.f32 v5, v3;
	v14 =	vand.u32 $0xFFFFFFFE, v14  }
0xa4: {  	v11 =	vld [tilespmem:s14+$0x70];
	[tilespmem:s14+$0xFFFFFFC0] =	vst v12;
	v4 =	vmul.f32 v4, v3;
	v14 =	vbroadcast v14, $0x0  }
0xa5: {  	v13 =	vand.u32 $0xFFFFFFFD, v13;
	v6 =	vld.idx.msk [tilespmem:v6+s0+$0x0], $0xffff;
	s18 =	sadd.s32 $0x100, s14;
	[tilespmem:s14+$0xFFFFFFD0] =	vst v5;
	v3 =	vmul.f32 v7, v3  }
0xa6: {  	v13 =	vbroadcast v13, $0x0;
	v12 =	vld [tilespmem:s18+$0xFFFFFFA0];
	[tilespmem:s14+$0xFFFFFFE0] =	vst v4;
	v4 =	vmul.f32 v9, v2  }
0xa7: {  	v5 =	vld.idx.msk [tilespmem:v8+s0+$0x0], $0xffff;
	[tilespmem:s14+$0xFFFFFFF0] =	vst v3;
	v3 =	vmul.f32 v10, v2  }
0xa8: {  	v9 =	vld [tilespmem:s18+$0xFFFFFF80];
	[tilespmem:s14+$0x0] =	vst v4;
	v2 =	vmul.f32 v15, v2  }
0xa9: {  	v4 =	vld [tilespmem:s18+$0x30];
	[tilespmem:s14+$0x10] =	vst v3;
	v3 =	vmul.f32 v16, v1  }
0xaa: {  	[tilespmem:s14+$0x20] =	vst v2;
	v2 =	vmul.f32 v17, v1;
	v8 =	vld.idx.msk [tilespmem:v14+s0+$0x0], $0xffff  }
0xab: {  	v10 =	vld [tilespmem:s18+$0xFFFFFF90];
	[tilespmem:s15+$0x40] =	vst v3;
	v3 =	vmul.f32 v18, v1  }
0xac: {  	v7 =	vld.idx.msk [tilespmem:v13+s0+$0x0], $0xffff;
	v1 =	vmul.f32 v11, v1;
	[tilespmem:s15+$0x50] =	vst v2  }
0xad: {  	v2 =	vld [tilespmem:s18+$0xFFFFFFB0];
	[tilespmem:s15+$0x60] =	vst v3  }
0xae: {  	v3 =	vld [tilespmem:s18+$0xFFFFFFC0];
	[tilespmem:s15+$0x70] =	vst v1;
	v1 =	vmul.f32 v9, v5  }
0xaf: {  	v9 =	vld [tilespmem:s18+$0xFFFFFFD0];
	v4 =	vmul.f32 v4, v8  }
0xb0: {  	v11 =	vld [tilespmem:s18+$0xFFFFFFE0];
	v10 =	vmul.f32 v10, v5;
	[tilespmem:s18+$0xFFFFFF80] =	vst v1  }
0xb1: {  	v1 =	vmul.f32 v12, v5;
	[tilespmem:s18+$0x30] =	vst v4;
	v4 =	vld [tilespmem:s18+$0xFFFFFFF0]  }
0xb2: {  	[tilespmem:s18+$0xFFFFFF90] =	vst v10;
	v2 =	vmul.f32 v2, v5;
	v5 =	vld [tilespmem:s18+$0x0]  }
0xb3: {  	[tilespmem:s18+$0xFFFFFFA0] =	vst v1;
	v1 =	vmul.f32 v3, v7;
	v3 =	vld [tilespmem:s18+$0x10]  }
0xb4: {  	[tilespmem:s18+$0xFFFFFFB0] =	vst v2;
	v2 =	vmul.f32 v9, v7;
	v9 =	vld [tilespmem:s18+$0x20]  }
0xb5: {  	v10 =	vld [tilespmem:s18+$0x40];
	[tilespmem:s18+$0xFFFFFFC0] =	vst v1;
	v1 =	vmul.f32 v11, v7  }
0xb6: {  	[tilespmem:s18+$0xFFFFFFD0] =	vst v2;
	v2 =	vmul.f32 v4, v7;
	v4 =	vld [tilespmem:s18+$0x50]  }
0xb7: {  	[tilespmem:s18+$0xFFFFFFE0] =	vst v1;
	v1 =	vmul.f32 v5, v8;
	v5 =	vld [tilespmem:s18+$0x60]  }
0xb8: {  	[tilespmem:s18+$0xFFFFFFF0] =	vst v2;
	v2 =	vmul.f32 v3, v8;
	v3 =	vld [tilespmem:s18+$0x70]  }
0xb9: {  	[tilespmem:s18+$0x0] =	vst v1;
	v1 =	vmul.f32 v9, v8  }
0xba: {  	[tilespmem:s18+$0x10] =	vst v2;
	v2 =	vmul.f32 v10, v6  }
0xbb: {  	[tilespmem:s18+$0x20] =	vst v1;
	v1 =	vmul.f32 v4, v6  }
0xbc: {  	[tilespmem:s18+$0x40] =	vst v2;
	v2 =	vmul.f32 v5, v6  }
0xbd: {  	[tilespmem:s18+$0x50] =	vst v1;
	v1 =	vmul.f32 v3, v6  }
0xbe: {  	[tilespmem:s18+$0x60] =	vst v2  }
0xbf: {  	[tilespmem:s18+$0x70] =	vst v1  }
0xc0: {  	[spmem:s1] =	stream.indirect.scatter.add.f32 [tilespmem:s21], [sflag:$0x3], $0x40, s25, s26, $0xb8;
	[tilespmem:$0x1BA30] =	vst v63  }
0xc1: {  	_ =	swait.ge [sflag:s3], $0x6400  }
0xc2: {  	[sflag:s3] =	ssyncset.done $0x0  }
0xc3: {  	[sflag:s3] =	ssyncadd.s32 $0xFFFF9C00  }
0xc4: {  	v1 =	vld [tilespmem:$0x5140]  }
0xc5: {  	v2 =	vld [tilespmem:$0x52D0];
	_ =	sdelay $0x5  }
0xc6: {  	s18 =	simm.s32 $0x0  }
0xc7: {  	v1 =	vld.idx.msk [tilespmem:v1+s18+$0x0], $0xffff  }
0xc8: {  	v2 =	vld.idx.msk [tilespmem:v2+s23+$0x0], $0xffff;
	_ =	sdelay $0x4  }
0xc9: {  	v1 =	vadd.f32 v2, v1;
	_ =	sdelay $0x1  }
0xca: {  	v2 =	vmul.f32 $1.442695020e+00, v1;
	_ =	sdelay $0x1  }
0xcb: {  	(erf) = vpow2.f32 v2;
	_ =	sdelay $0x8  }
0xcc: {  	v2 =	vpop (erf)  }
0xcd: {  	v2 =	vadd.f32 $-1.000000000e+00, v2;
	_ =	sdelay $0x1  }
0xce: {  	v2 =	vmul.f32 $1.673263190e+00, v2  }
0xcf: {  	vm0 =	vgt.f32 v1, $0.0e+00  }
0xd0: {  	v1 =	vsel vm0, v1, v2  }
0xd1: {  	v1 =	vmul.f32 $-1.050701020e+00, v1;
	_ =	sdelay $0x1  }
0xd2: {  	v1 =	vadd.f32 $0.0e+00, v1;
	_ =	sdelay $0x1  }
0xd3: {  	v1 =	vmul.f32 $1.442695020e+00, v1;
	_ =	sdelay $0x1  }
0xd4: {  	(erf) = vpow2.f32 v1;
	_ =	sdelay $0x8  }
0xd5: {  	v1 =	vpop (erf)  }
0xd6: {  	v1 =	vadd.f32 $1.000000000e+00, v1;
	_ =	sdelay $0x1  }
0xd7: {  	(erf) = vrcp.f32 v1;
	_ =	sdelay $0x2  }
0xd8: {  	s20 =	simm.s32 $0x1;
	v1 =	vmov s18  }
0xd9: {  	s15 =	simm.s32 $0x2;
	v3 =	vmov s20;
	v1 =	vand.u32 $0xFFFFFFFC, v1  }
0xda: {  	s19 =	simm.s32 $0x3;
	v4 =	vbroadcast v1, $0x0;
	v1 =	vand.u32 $0xFFFFFFFD, v3;
	v3 =	vmov s15  }
0xdb: {  	v2 =	vmov s19;
	v5 =	vbroadcast v1, $0x0;
	v1 =	vand.u32 $0xFFFFFFFE, v3;
	_ =	sdelay $0x1  }
0xdc: {  	v6 =	vbroadcast v1, $0x0  }
0xdd: {  	v1 =	vpop (erf)  }
0xde: {  	[tilespmem:$0x11C60] =	vst v1  }
0xdf: {  	v1 =	vld.idx.msk [tilespmem:v2+s0+$0x0], $0xffff  }
0xe0: {  	v8 =	vld.idx.msk [tilespmem:v4+s0+$0x0], $0xffff  }
0xe1: {  	v3 =	vld.idx.msk [tilespmem:v5+s0+$0x0], $0xffff  }
0xe2: {  	s14 =	simm.s32 $0xB8E0;
	v2 =	vld.idx.msk [tilespmem:v6+s0+$0x0], $0xffff  }
0xe3: {  	v4 =	vld [tilespmem:s14+$0x30]  }
0xe4: {  	v5 =	vld [tilespmem:s14+$0xFFFFFF80]  }
0xe5: {  	v6 =	vld [tilespmem:s14+$0xFFFFFF90]  }
0xe6: {  	v7 =	vld [tilespmem:s14+$0xFFFFFFA0]  }
0xe7: {  	v9 =	vld [tilespmem:s14+$0xFFFFFFB0]  }
0xe8: {  	v10 =	vld [tilespmem:s14+$0xFFFFFFC0];
	v11 =	vmul.f32 v4, v2  }
0xe9: {  	v12 =	vmul.f32 v5, v8;
	v5 =	vld [tilespmem:s14+$0xFFFFFFD0]  }
0xea: {  	s18 =	simm.s32 $0x4;
	v13 =	vmul.f32 v6, v8;
	v4 =	vld [tilespmem:s14+$0xFFFFFFE0];
	[tilespmem:s14+$0x30] =	vst v11  }
0xeb: {  	s19 =	simm.s32 $0x7;
	v6 =	vmov s18;
	[tilespmem:s14+$0xFFFFFF80] =	vst v12;
	v12 =	vmul.f32 v7, v8;
	v7 =	vld [tilespmem:s14+$0xFFFFFFF0]  }
0xec: {  	s20 =	simm.s32 $0x5;
	v14 =	vand.u32 $0xFFFFFFFC, v6;
	v6 =	vmov s19;
	[tilespmem:s14+$0xFFFFFF90] =	vst v13;
	v11 =	vmul.f32 v9, v8;
	v9 =	vld [tilespmem:s14+$0x0]  }
0xed: {  	s15 =	simm.s32 $0xB8E0;
	s18 =	simm.s32 $0x8;
	s19 =	simm.s32 $0x6;
	v8 =	vbroadcast v14, $0x0;
	v13 =	vmov s20;
	[tilespmem:s14+$0xFFFFFFA0] =	vst v12;
	v12 =	vmul.f32 v10, v3;
	v10 =	vld [tilespmem:s14+$0x10]  }
.LBB2_7:
0xee: {  	p1 =	slt.u32 s18, $0xC;
	v13 =	vand.u32 $0xFFFFFFFD, v13;
	v14 =	vmov s19;
	[tilespmem:s14+$0xFFFFFFB0] =	vst v11;
	v5 =	vmul.f32 v5, v3;
	v11 =	vld [tilespmem:s14+$0x20]  }
0xef: {  	v13 =	vbroadcast v13, $0x0;
	v14 =	vand.u32 $0xFFFFFFFE, v14;
	[tilespmem:s14+$0xFFFFFFC0] =	vst v12;
	v4 =	vmul.f32 v4, v3;
	v12 =	vld [tilespmem:s14+$0x40]  }
0xf0: {  	v14 =	vbroadcast v14, $0x0;
	[tilespmem:s14+$0xFFFFFFD0] =	vst v5;
	v3 =	vmul.f32 v7, v3;
	v5 =	vld [tilespmem:s14+$0x50]  }
0xf1: {  	[tilespmem:s14+$0xFFFFFFE0] =	vst v4;
	v4 =	vmul.f32 v9, v2;
	v7 =	vld [tilespmem:s14+$0x60]  }
0xf2: {  	[tilespmem:s14+$0xFFFFFFF0] =	vst v3;
	v3 =	vmul.f32 v10, v2;
	v9 =	vld [tilespmem:s14+$0x70]  }
0xf3: {  	v6 =	vld.idx.msk [tilespmem:v6+s0+$0x0], $0xffff;
	[tilespmem:s14+$0x0] =	vst v4;
	v2 =	vmul.f32 v11, v2  }
0xf4: {  	v8 =	vld.idx.msk [tilespmem:v8+s0+$0x0], $0xffff;
	[tilespmem:s14+$0x10] =	vst v3;
	v4 =	vmul.f32 v12, v1  }
0xf5: {  	v3 =	vld.idx.msk [tilespmem:v13+s0+$0x0], $0xffff;
	[tilespmem:s14+$0x20] =	vst v2;
	v5 =	vmul.f32 v5, v1  }
0xf6: {  	s14 =	sadd.s32 $0x100, s14;
	v2 =	vld.idx.msk [tilespmem:v14+s0+$0x0], $0xffff;
	[tilespmem:s15+$0x40] =	vst v4;
	v4 =	vmul.f32 v7, v1  }
0xf7: {  	v7 =	vld [tilespmem:s14+$0x30];
	[tilespmem:s15+$0x50] =	vst v5;
	v9 =	vmul.f32 v9, v1  }
0xf8: {  	v5 =	vld [tilespmem:s14+$0xFFFFFF80];
	[tilespmem:s15+$0x60] =	vst v4  }
0xf9: {  	v1 =	vmov v6;
	v4 =	vld [tilespmem:s14+$0xFFFFFF90];
	[tilespmem:s15+$0x70] =	vst v9;
	s15 =	smov.u32 s14  }
0xfa: {  	v6 =	vld [tilespmem:s14+$0xFFFFFFA0]  }
0xfb: {  	v9 =	vld [tilespmem:s14+$0xFFFFFFB0]  }
0xfc: {  	v10 =	vld [tilespmem:s14+$0xFFFFFFC0];
	v7 =	vmul.f32 v7, v2  }
.Ltmp4:
0xfd: {  	v11 =	vmul.f32 v5, v8;
	v5 =	vld [tilespmem:s14+$0xFFFFFFD0];
	(pc) =	sbr.rel @p1 .LBB2_7-.Ltmp4, $4  }
0xfe: {  	v12 =	vmul.f32 v4, v8;
	v4 =	vld [tilespmem:s14+$0xFFFFFFE0];
	[tilespmem:s14+$0x30] =	vst v7  }
0xff: {  	s19 =	sadd.s32 $0x3, s18;
	v13 =	vmov s18;
	[tilespmem:s14+$0xFFFFFF80] =	vst v11;
	v14 =	vmul.f32 v6, v8;
	v7 =	vld [tilespmem:s14+$0xFFFFFFF0]  }
0x100: {  	s20 =	sadd.s32 $0x1, s18;
	v13 =	vand.u32 $0xFFFFFFFC, v13;
	v6 =	vmov s19;
	[tilespmem:s14+$0xFFFFFF90] =	vst v12;
	v11 =	vmul.f32 v9, v8;
	v9 =	vld [tilespmem:s14+$0x0]  }
0x101: {  	s19 =	sadd.s32 $0x2, s18;
	s18 =	sadd.s32 $0x4, s18;
	v8 =	vbroadcast v13, $0x0;
	v13 =	vmov s20;
	[tilespmem:s14+$0xFFFFFFA0] =	vst v14;
	v12 =	vmul.f32 v10, v3;
	v10 =	vld [tilespmem:s14+$0x10]  }
0x102: {  	v15 =	vld [tilespmem:s14+$0x20]  }
0x103: {  	v16 =	vld [tilespmem:s14+$0x40]  }
0x104: {  	v17 =	vld [tilespmem:s14+$0x50]  }
0x105: {  	v13 =	vand.u32 $0xFFFFFFFD, v13;
	v18 =	vld [tilespmem:s14+$0x60]  }
0x106: {  	v14 =	vmov s19;
	[tilespmem:s14+$0xFFFFFFB0] =	vst v11;
	v5 =	vmul.f32 v5, v3;
	v47 =	vld [tilespmem:s14+$0x70];
	v13 =	vbroadcast v13, $0x0  }
0x107: {  	v6 =	vld.idx.msk [tilespmem:v6+s0+$0x0], $0xffff;
	v14 =	vand.u32 $0xFFFFFFFE, v14;
	[tilespmem:s14+$0xFFFFFFC0] =	vst v12;
	v4 =	vmul.f32 v4, v3;
	v3 =	vmul.f32 v7, v3  }
0x108: {  	s18 =	sadd.s32 $0x100, s14;
	v48 =	vld.idx.msk [tilespmem:v8+s0+$0x0], $0xffff;
	v14 =	vbroadcast v14, $0x0;
	[tilespmem:s14+$0xFFFFFFD0] =	vst v5  }
0x109: {  	v52 =	vld [tilespmem:s18+$0x30];
	[tilespmem:s14+$0xFFFFFFF0] =	vst v3;
	v3 =	vmul.f32 v10, v2  }
0x10a: {  	v53 =	vld [tilespmem:s18+$0xFFFFFF80];
	[tilespmem:s14+$0xFFFFFFE0] =	vst v4;
	v49 =	vmul.f32 v9, v2;
	v2 =	vmul.f32 v15, v2  }
0x10b: {  	v54 =	vld [tilespmem:s18+$0xFFFFFF90];
	[tilespmem:s14+$0x10] =	vst v3;
	v3 =	vmul.f32 v16, v1  }
0x10c: {  	v55 =	vld [tilespmem:s18+$0xFFFFFFA0];
	[tilespmem:s14+$0x20] =	vst v2;
	v2 =	vmul.f32 v17, v1  }
0x10d: {  	v50 =	vld.idx.msk [tilespmem:v13+s0+$0x0], $0xffff;
	[tilespmem:s15+$0x40] =	vst v3;
	v3 =	vmul.f32 v18, v1  }
0x10e: {  	v51 =	vld.idx.msk [tilespmem:v14+s0+$0x0], $0xffff;
	v1 =	vmul.f32 v47, v1;
	[tilespmem:s15+$0x50] =	vst v2  }
0x10f: {  	v2 =	vld [tilespmem:s18+$0xFFFFFFB0];
	[tilespmem:s15+$0x60] =	vst v3  }
0x110: {  	v3 =	vld [tilespmem:s18+$0xFFFFFFC0];
	[tilespmem:s15+$0x70] =	vst v1;
	v1 =	vmul.f32 v53, v48  }
0x111: {  	v56 =	vld [tilespmem:s18+$0xFFFFFFD0];
	[tilespmem:s14+$0x0] =	vst v49;
	v10 =	vmul.f32 v54, v48  }
0x112: {  	v57 =	vld [tilespmem:s18+$0xFFFFFFE0];
	[tilespmem:s18+$0xFFFFFF80] =	vst v1;
	v1 =	vmul.f32 v55, v48  }
0x113: {  	v58 =	vld [tilespmem:s18+$0xFFFFFFF0];
	[tilespmem:s18+$0xFFFFFF90] =	vst v10;
	v4 =	vmul.f32 v52, v51  }
0x114: {  	v59 =	vld [tilespmem:s18+$0x0];
	v2 =	vmul.f32 v2, v48;
	[tilespmem:s18+$0xFFFFFFA0] =	vst v1  }
0x115: {  	[tilespmem:s18+$0x30] =	vst v4;
	v1 =	vmul.f32 v3, v50;
	v3 =	vld [tilespmem:s18+$0x10]  }
0x116: {  	v60 =	vld [tilespmem:s18+$0x20];
	[tilespmem:s18+$0xFFFFFFB0] =	vst v2;
	v2 =	vmul.f32 v56, v50  }
0x117: {  	v61 =	vld [tilespmem:s18+$0x40];
	[tilespmem:s18+$0xFFFFFFC0] =	vst v1;
	v1 =	vmul.f32 v57, v50  }
0x118: {  	v62 =	vld [tilespmem:s18+$0x50];
	[tilespmem:s18+$0xFFFFFFD0] =	vst v2;
	v2 =	vmul.f32 v58, v50  }
0x119: {  	v63 =	vld [tilespmem:s18+$0x60];
	[tilespmem:s18+$0xFFFFFFE0] =	vst v1;
	v1 =	vmul.f32 v59, v51  }
0x11a: {  	[tilespmem:s18+$0xFFFFFFF0] =	vst v2;
	v2 =	vmul.f32 v3, v51;
	v3 =	vld [tilespmem:s18+$0x70]  }
0x11b: {  	[tilespmem:s18+$0x0] =	vst v1;
	v1 =	vmul.f32 v60, v51  }
0x11c: {  	[tilespmem:s18+$0x10] =	vst v2;
	v2 =	vmul.f32 v61, v6  }
0x11d: {  	[tilespmem:s18+$0x20] =	vst v1;
	v1 =	vmul.f32 v62, v6  }
0x11e: {  	[tilespmem:s18+$0x40] =	vst v2;
	v2 =	vmul.f32 v63, v6  }
0x11f: {  	[tilespmem:s18+$0x50] =	vst v1;
	v1 =	vmul.f32 v3, v6  }
0x120: {  	p1 =	seq.s32 s12, $0x18;
	[tilespmem:s18+$0x60] =	vst v2  }
.Ltmp5:
0x121: {  	[tilespmem:s18+$0x70] =	vst v1;
	(pc) =	sbr.rel @p1 .LBB2_10-.Ltmp5, $4  }
0x122: {  	[spmem:s1] =	stream.indirect.scatter.add.f32 [tilespmem:s30], [sflag:$0x4], $0x40, s29, s26, $0xb8;
	[tilespmem:$0x1BA30] =	vst v63  }
0x123: {  	_ =	swait.ge [sflag:s4], $0x6400  }
0x124: {  	[sflag:s4] =	ssyncset.done $0x0  }
0x125: {  	[sflag:s4] =	ssyncadd.s32 $0xFFFF9C00  }
0x126: {  	s14 =	smul.u32 $0x320, s12;
	_ =	sdelay $0x1  }
0x127: {  	s15 =	sadd.s32 s14, s16  }
0x128: {  	s15 =	sshrl.u32 s15, $0x3  }
0x129: {  	s18 =	sadd.s32 s6, s15  }
0x12a: {  	[tilespmem:s24], [sflag:$0x5] =	stream.linear.gather [hbm4b:s18+s2], $0x190, $0x38;
	[tilespmem:$0x1BA30] =	vst v63  }
0x12b: {  	_ =	swait.ge [sflag:s22], $0x190  }
0x12c: {  	[sflag:s22] =	ssyncset.done $0x0  }
0x12d: {  	s15 =	sadd.s32 s7, s15;
	[sflag:s22] =	ssyncadd.s32 $0xFFFFFE70  }
0x12e: {  	[tilespmem:s25], [sflag:$0x5] =	stream.linear.gather [hbm4b:s15+s2], $0x190, $0x38;
	[tilespmem:$0x1BA30] =	vst v63  }
0x12f: {  	_ =	swait.ge [sflag:s22], $0x190  }
0x130: {  	[sflag:s22] =	ssyncset.done $0x0  }
0x131: {  	[sflag:s22] =	ssyncadd.s32 $0xFFFFFE70  }
0x132: {  	[tilespmem:s21], [sflag:$0x1] =	stream.indirect.gather [hbm4b:s13+s26], $0x40, s24, s26, $0xb8;
	[tilespmem:$0x1BA30] =	vst v63  }
0x133: {  	s14 =	sadd.s32 s14, s17;
	_ =	swait.ge [sflag:s5], $0x6400  }
0x134: {  	s14 =	sshrl.u32 s14, $0x3;
	[sflag:s5] =	ssyncset.done $0x0  }
0x135: {  	s20 =	sadd.s32 s6, s14;
	[sflag:s5] =	ssyncadd.s32 $0xFFFF9C00  }
0x136: {  	[tilespmem:s28], [sflag:$0x5] =	stream.linear.gather [hbm4b:s20+s2], $0x190, $0x38;
	[tilespmem:$0x1BA30] =	vst v63  }
0x137: {  	_ =	swait.ge [sflag:s22], $0x190  }
0x138: {  	[sflag:s22] =	ssyncset.done $0x0  }
0x139: {  	s14 =	sadd.s32 s7, s14;
	[sflag:s22] =	ssyncadd.s32 $0xFFFFFE70  }
0x13a: {  	[tilespmem:s29], [sflag:$0x5] =	stream.linear.gather [hbm4b:s14+s2], $0x190, $0x38;
	[tilespmem:$0x1BA30] =	vst v63  }
.Ltmp6:
0x13b: {  	_ = 	snop;
	(pc) =	sbr.rel .LBB2_4-.Ltmp6, $4  }
0x13c: {  	_ =	swait.ge [sflag:s22], $0x190  }
0x13d: {  	[sflag:s22] =	ssyncset.done $0x0  }
0x13e: {  	s12 =	sadd.s32 $0x1, s12;
	[sflag:s22] =	ssyncadd.s32 $0xFFFFFE70  }
0x13f: {  	[tilespmem:s30], [sflag:$0x2] =	stream.indirect.gather [hbm4b:s13+s26], $0x40, s28, s26, $0xb8;
	[tilespmem:$0x1BA30] =	vst v63  }
.LBB2_11:
0x140: {  	_ =	sfence.sel $0x180000  }
0x141: {  	[bflag:$0x0] =	sbarrier.arrive $0xFFFF  }
0x142: {  	_ =	strace $0x90000047  }
0x143: {  	s0 =	stileid.u32;
	[bflag:$0x2] =	sbarrier.arrive $0xFFFF  }
0x144: {  	p0 =	sne.s32 s0, $0x0;
	s0 =	rddreg [dreg:$0x3]  }
0x145: {  	s0 =	sadd.s32 @!p0 $0x100000, s0  }
0x146: {  	[sflag:s0] =	ssyncadd.tile.s32 @!p0 $0x1;
	_ =	shalt  }
.Lfunc_end2:
_tile_overlayer_lowered:
.L_overlay_start_2:
0x147: {  	(tag) =	ssettag $0x2  }
0x148: {  	s0 =	rddreg [dreg:$0x0];
	s2 =	stileid.u32  }
0x149: {  	s1 =	rddreg [dreg:$0x1];
	p0 =	sne.s32 s2, $0x0  }
0x14a: {  	s3 =	rddreg [dreg:$0x2];
	[bflag:$0x3] =	sbarrier.arrive $0xFFFF;
	s2 =	simm.s32 @!p0 $0x1C05  }
0x14b: {  	[timem:s3], [sflag:s2] =	dma.local @!p0 [hbm:s0], s1  }
0x14c: {  	s0 =	simm.s32 @!p0 $0x5  }
0x14d: {  	_ =	swait.ge @!p0 [sflag:s0], s1  }
0x14e: {  	s1 =	ssub.s32 @!p0 $0x0, s1;
	[sflag:s0] =	ssyncset.done @!p0 $0x0  }
0x14f: {  	[sflag:s0] =	ssyncadd.s32 @!p0 s1  }
0x150: {  	[bflag:$0x3] =	sbarrier.arrive $0xFFFF  }
0x151: {  	_ =	shalt  }

</sc_bundles>
